<compile_context>
chip_gen: v7x
topology: tpu7x:2x2x1
jax: 0.10.2.dev20260603
libtpu: 0.0.44.dev20260713+nightly
codegen_flags: <defaults>
</compile_context>

<pallas_src>
import functools

import jax
import jax.numpy as jnp
from jax import lax
from jax.experimental import pallas as pl
from jax.experimental.pallas import tpu as pltpu
from jax.experimental.pallas import tpu_sc as plsc

DIM = 128
LANES = 16


@functools.lru_cache(maxsize=None)
def _make_sc_partial(batch: int, chunk: int, nbuf: int, unroll: int,
                     nrel: int, rel_from_spmem: bool, rel_add: bool = False):
    try:
        info = plsc.get_sparse_core_info()
        ncores, nsub = info.num_cores, info.num_subcores
    except ValueError:
        ncores, nsub = 2, 16
    nworkers = ncores * nsub
    per_w = batch // nworkers
    assert batch % (nworkers * chunk) == 0
    nchunks = per_w // chunk
    assert nchunks >= nbuf
    mesh = plsc.VectorSubcoreMesh(
        core_axis_name="c", subcore_axis_name="s",
        num_cores=ncores, num_subcores=nsub)

    @functools.partial(
        pl.kernel,
        mesh=mesh,
        out_type=jax.ShapeDtypeStruct((batch // 8, DIM), jnp.float32),
        scratch_types=[
            pltpu.VMEM((per_w,), jnp.int32),
            pltpu.VMEM((per_w,), jnp.int32),
            pltpu.VMEM((per_w,), jnp.int32),
            pltpu.VMEM((nbuf, chunk, DIM), jnp.float32),
            pltpu.VMEM((nbuf, chunk, DIM), jnp.float32),
            pltpu.VMEM((1 if rel_add else nbuf, chunk, DIM), jnp.float32),
            pltpu.VMEM((per_w // 8, DIM), jnp.float32),
        ] + ([pltpu.VMEM_SHARED((nrel, DIM), jnp.float32)]
             if rel_from_spmem else [])
          + [pltpu.SemaphoreType.DMA] * (3 * nbuf),
    )
    def sc_partial(ent_hbm, rel_hbm, ih_hbm, ir_hbm, it_hbm, out_hbm,
                   ih_v, ir_v, it_v, hrows, rrows, trows, out_v, *rest):
        if rel_from_spmem:
            rel_sh, *sems_flat = rest
        else:
            rel_sh, sems_flat = None, list(rest)
        sems = tuple(sems_flat[3 * b: 3 * b + 3] for b in range(nbuf))
        sid = lax.axis_index("s")
        wid = sid * ncores + lax.axis_index("c")
        base = wid * per_w

        cpi_h = pltpu.async_copy(ih_hbm.at[pl.ds(base, per_w)], ih_v, sems[0][0])
        cpi_r = pltpu.async_copy(ir_hbm.at[pl.ds(base, per_w)], ir_v, sems[0][1])
        cpi_t = pltpu.async_copy(it_hbm.at[pl.ds(base, per_w)], it_v, sems[0][2])
        if rel_from_spmem:
            @pl.when(sid == 0)
            def _():
                pltpu.sync_copy(rel_hbm, rel_sh)
        cpi_h.wait()
        cpi_r.wait()
        cpi_t.wait()
        if rel_from_spmem:
            plsc.subcore_barrier()

        rel_src = rel_sh if rel_from_spmem else rel_hbm

        def issue_ht(c):
            b = c % nbuf
            sl = pl.ds(c * chunk, chunk)
            sh, _, st = sems[b]
            return (
                pltpu.async_copy(ent_hbm.at[ih_v.at[sl]], hrows.at[b], sh),
                pltpu.async_copy(ent_hbm.at[it_v.at[sl]], trows.at[b], st),
            )

        def issue_r(c):
            b = c % nbuf
            sl = pl.ds(c * chunk, chunk)
            _, sr, _ = sems[b]
            if rel_add:
                return pltpu.async_copy(rel_src.at[ir_v.at[sl]], hrows.at[b],
                                        sr, add=True)
            return pltpu.async_copy(rel_src.at[ir_v.at[sl]], rrows.at[b], sr)

        def compute(c):
            b = c % nbuf

            def row_body(i, c=c, b=b):
                acc = jnp.zeros((LANES,), jnp.float32)
                for s in range(DIM // LANES):
                    sl = pl.ds(s * LANES, LANES)
                    if rel_add:
                        diff = hrows[b, i, sl] - trows[b, i, sl]
                    else:
                        diff = (hrows[b, i, sl] + rrows[b, i, sl]
                                - trows[b, i, sl])
                    acc = acc + diff * diff
                row = c * chunk + i
                out_v[row >> 3, pl.ds((row & 7) * LANES, LANES)] = acc

            if unroll > 0:
                plsc.parallel_loop(0, chunk, 1, unroll=unroll)(row_body)

        if rel_add:
            assert nbuf >= 3
            ht = {c: issue_ht(c) for c in range(nbuf - 1)}
            ht[0][0].wait()
            rq = {0: issue_r(0)}
            for c in range(nchunks):
                if c + 1 < nchunks:
                    ht[c + 1][0].wait()
                    rq[c + 1] = issue_r(c + 1)
                rq.pop(c).wait()
                ht.pop(c)[1].wait()
                compute(c)
                if c + nbuf - 1 < nchunks:
                    ht[c + nbuf - 1] = issue_ht(c + nbuf - 1)
        else:
            inflight = [issue_ht(c) + (issue_r(c),) for c in range(nbuf - 1)]
            for c in range(nchunks):
                if c + nbuf - 1 < nchunks:
                    inflight.append(issue_ht(c + nbuf - 1)
                                    + (issue_r(c + nbuf - 1),))
                for cp in inflight.pop(0):
                    cp.wait()
                compute(c)

        pltpu.sync_copy(out_v, out_hbm.at[pl.ds(wid * (per_w // 8), per_w // 8)])

    return sc_partial


def _tc_finish_body(pacc_ref, out_ref):
    x = pacc_ref[...]
    d = lax.broadcasted_iota(jnp.int32, (DIM, 8), 0)
    j = lax.broadcasted_iota(jnp.int32, (DIM, 8), 1)
    m = (d // LANES == j).astype(jnp.float32)
    y = lax.dot_general(x, m, (((1,), (0,)), ((), ())),
                        preferred_element_type=jnp.float32,
                        precision=lax.Precision.HIGHEST)
    out_ref[...] = jnp.sqrt(y)


@functools.lru_cache(maxsize=None)
def _make_tc_finish(batch: int):
    return pl.pallas_call(
        _tc_finish_body,
        out_shape=jax.ShapeDtypeStruct((batch // 8, 8), jnp.float32),
    )


def kernel(entity_table, rel_table, batch_h, batch_r, batch_t):
    batch = batch_h.shape[0]
    bh = batch_h.astype(jnp.int32)
    br = batch_r.astype(jnp.int32)
    bt = batch_t.astype(jnp.int32)
    partials = _make_sc_partial(batch, 64, 2, 4, rel_table.shape[0], True)(
        entity_table, rel_table, bh, br, bt)
    return _make_tc_finish(batch)(partials).reshape(batch)

# --- scband reference (transcript-rebuilt; emitter-appended) ---
"""Pipeline reference for scband-base-model-33088428048586 (READ-ONLY COPY).

The authoritative reference and input builder live on the scoring server;
editing this copy changes nothing except your own understanding.
"""

import jax, jax.numpy as jnp
import numpy as np

NUM_ENTITIES = 1000000
NUM_RELATIONS = 1000
DIM = 128
BATCH = 16384
P_NORM = 2


def setup_inputs(seed: int = 0) -> dict:
    key = jax.random.key(seed)
    k1, k2, k3, k4, k5 = jax.random.split(key, 5)
    return {
        "entity_table": jax.random.normal(k1, (NUM_ENTITIES, DIM), dtype=jnp.float32) * 0.02,
        "rel_table": jax.random.normal(k2, (NUM_RELATIONS, DIM), dtype=jnp.float32) * 0.02,
        "batch_h": jax.random.randint(k3, (BATCH,), 0, NUM_ENTITIES, dtype=jnp.int64) if jax.config.jax_enable_x64 else jax.random.randint(k3, (BATCH,), 0, NUM_ENTITIES),
        "batch_r": jax.random.randint(k4, (BATCH,), 0, NUM_RELATIONS),
        "batch_t": jax.random.randint(k5, (BATCH,), 0, NUM_ENTITIES),
    }


def reference(entity_table, rel_table, batch_h, batch_r, batch_t):
    # forward: embedding lookups (the SparseCore-relevant gathers)
    h = jnp.take(entity_table, batch_h, axis=0)
    t = jnp.take(entity_table, batch_t, axis=0)
    r = jnp.take(rel_table, batch_r, axis=0)
    # calc_loss is abstract in BaseModel; canonical TransE subclass scoring:
    # score = || h + r - t ||_p along embedding dim
    score = jnp.linalg.norm(h + r - t, ord=P_NORM, axis=-1)
    return score

if __name__ == "__main__":
    import jax
    _d = setup_inputs()
    print(jax.jit(kernel)(*tuple(_d.values())))

</pallas_src>

<mosaic_0001>
#map = affine_map<(d0, d1) -> (0, 0)>
#map1 = affine_map<(d0, d1) -> (0)>
module attributes {stable_mosaic.version = 14 : i64} {
  func.func @sc_partial(%arg0: i32, %arg1: i32, %arg2: memref<1000000x128xf32, #tpu.memory_space<hbm>>, %arg3: memref<1000x128xf32, #tpu.memory_space<hbm>>, %arg4: memref<16384xi32, #tpu.memory_space<hbm>>, %arg5: memref<16384xi32, #tpu.memory_space<hbm>>, %arg6: memref<16384xi32, #tpu.memory_space<hbm>>, %arg7: memref<2048x128xf32, #tpu.memory_space<hbm>>, %arg8: memref<512xi32, #tpu.memory_space<vmem>>, %arg9: memref<512xi32, #tpu.memory_space<vmem>>, %arg10: memref<512xi32, #tpu.memory_space<vmem>>, %arg11: memref<2x64x128xf32, #tpu.memory_space<vmem>>, %arg12: memref<2x64x128xf32, #tpu.memory_space<vmem>>, %arg13: memref<2x64x128xf32, #tpu.memory_space<vmem>>, %arg14: memref<64x128xf32, #tpu.memory_space<vmem>>, %arg15: memref<1000x128xf32, #tpu.memory_space<vmem_shared>>, %arg16: memref<!tpu.dma_semaphore, #tpu.memory_space<semaphore_mem>>, %arg17: memref<!tpu.dma_semaphore, #tpu.memory_space<semaphore_mem>>, %arg18: memref<!tpu.dma_semaphore, #tpu.memory_space<semaphore_mem>>, %arg19: memref<!tpu.dma_semaphore, #tpu.memory_space<semaphore_mem>>, %arg20: memref<!tpu.dma_semaphore, #tpu.memory_space<semaphore_mem>>, %arg21: memref<!tpu.dma_semaphore, #tpu.memory_space<semaphore_mem>>) attributes {dimension_semantics = [#tpu.dimension_semantics<core_parallel>, #tpu.dimension_semantics<subcore_parallel>], iteration_bounds = array<i64: 2, 16>, scalar_prefetch = 0 : i64, scratch_operands = 14 : i64, tpu.core_type = #tpu.core_type<sc_vector_subcore>, window_params = [{transform_indices = #map}, {transform_indices = #map}, {transform_indices = #map1}, {transform_indices = #map1}, {transform_indices = #map1}, {transform_indices = #map}]} {
    %mul3A = arith.constant 2 : i32
    %mul3A_0 = arith.muli %arg1, %mul3A : i32
    %add3A = arith.addi %mul3A_0, %arg0 : i32
    %mul3A_1 = arith.constant 512 : i32
    %mul3A_2 = arith.muli %add3A, %mul3A_1 : i32
    %dma_start3A = tpu.memref_slice %arg4[%mul3A_2] : memref<16384xi32, #tpu.memory_space<hbm>> -> memref<512xi32, #tpu.memory_space<hbm>>
    %dma_start3A_3 = tpu.memref_slice %arg4[%mul3A_2] : memref<16384xi32, #tpu.memory_space<hbm>> -> memref<512xi32, #tpu.memory_space<hbm>>
    tpu.enqueue_dma source(%dma_start3A_3 : memref<512xi32, #tpu.memory_space<hbm>>) target(%arg8 : memref<512xi32, #tpu.memory_space<vmem>>) target_semaphore(%arg16 : memref<!tpu.dma_semaphore, #tpu.memory_space<semaphore_mem>>)
    %dma_start3A_4 = tpu.memref_slice %arg5[%mul3A_2] : memref<16384xi32, #tpu.memory_space<hbm>> -> memref<512xi32, #tpu.memory_space<hbm>>
    %dma_start3A_5 = tpu.memref_slice %arg5[%mul3A_2] : memref<16384xi32, #tpu.memory_space<hbm>> -> memref<512xi32, #tpu.memory_space<hbm>>
    tpu.enqueue_dma source(%dma_start3A_5 : memref<512xi32, #tpu.memory_space<hbm>>) target(%arg9 : memref<512xi32, #tpu.memory_space<vmem>>) target_semaphore(%arg17 : memref<!tpu.dma_semaphore, #tpu.memory_space<semaphore_mem>>)
    %dma_start3A_6 = tpu.memref_slice %arg6[%mul3A_2] : memref<16384xi32, #tpu.memory_space<hbm>> -> memref<512xi32, #tpu.memory_space<hbm>>
    %dma_start3A_7 = tpu.memref_slice %arg6[%mul3A_2] : memref<16384xi32, #tpu.memory_space<hbm>> -> memref<512xi32, #tpu.memory_space<hbm>>
    tpu.enqueue_dma source(%dma_start3A_7 : memref<512xi32, #tpu.memory_space<hbm>>) target(%arg10 : memref<512xi32, #tpu.memory_space<vmem>>) target_semaphore(%arg18 : memref<!tpu.dma_semaphore, #tpu.memory_space<semaphore_mem>>)
    %eq3A = arith.constant 0 : i32
    %eq3A_8 = arith.cmpi eq, %arg1, %eq3A : i32
    %convert_element_type3A = arith.extui %eq3A_8 : i1 to i32
    %cond3A = arith.constant 0 : i32
    %cond3A_9 = arith.cmpi ne, %convert_element_type3A, %cond3A : i32
    scf.if %cond3A_9 {
      "tpu.region"() ({
        %run_scoped3A = tpu.sem_alloc : memref<!tpu.dma_semaphore, #tpu.memory_space<semaphore_mem>>
        tpu.enqueue_dma source(%arg3 : memref<1000x128xf32, #tpu.memory_space<hbm>>) target(%arg15 : memref<1000x128xf32, #tpu.memory_space<vmem_shared>>) target_semaphore(%run_scoped3A : memref<!tpu.dma_semaphore, #tpu.memory_space<semaphore_mem>>)
        tpu.wait_dma2 semaphore(%run_scoped3A : memref<!tpu.dma_semaphore, #tpu.memory_space<semaphore_mem>>) src(%arg3 : memref<1000x128xf32, #tpu.memory_space<hbm>>) dst(%arg15 : memref<1000x128xf32, #tpu.memory_space<vmem_shared>>)
        tpu.yield
      }) : () -> ()
    } else {
    }
    %dma_wait3A = tpu.memref_slice %arg4[%mul3A_2] : memref<16384xi32, #tpu.memory_space<hbm>> -> memref<512xi32, #tpu.memory_space<hbm>>
    %dma_wait3A_10 = tpu.memref_slice %arg4[%mul3A_2] : memref<16384xi32, #tpu.memory_space<hbm>> -> memref<512xi32, #tpu.memory_space<hbm>>
    tpu.wait_dma2 semaphore(%arg16 : memref<!tpu.dma_semaphore, #tpu.memory_space<semaphore_mem>>) src(%dma_wait3A_10 : memref<512xi32, #tpu.memory_space<hbm>>) dst(%arg8 : memref<512xi32, #tpu.memory_space<vmem>>)
    %dma_wait3A_11 = tpu.memref_slice %arg5[%mul3A_2] : memref<16384xi32, #tpu.memory_space<hbm>> -> memref<512xi32, #tpu.memory_space<hbm>>
    %dma_wait3A_12 = tpu.memref_slice %arg5[%mul3A_2] : memref<16384xi32, #tpu.memory_space<hbm>> -> memref<512xi32, #tpu.memory_space<hbm>>
    tpu.wait_dma2 semaphore(%arg17 : memref<!tpu.dma_semaphore, #tpu.memory_space<semaphore_mem>>) src(%dma_wait3A_12 : memref<512xi32, #tpu.memory_space<hbm>>) dst(%arg9 : memref<512xi32, #tpu.memory_space<vmem>>)
    %dma_wait3A_13 = tpu.memref_slice %arg6[%mul3A_2] : memref<16384xi32, #tpu.memory_space<hbm>> -> memref<512xi32, #tpu.memory_space<hbm>>
    %dma_wait3A_14 = tpu.memref_slice %arg6[%mul3A_2] : memref<16384xi32, #tpu.memory_space<hbm>> -> memref<512xi32, #tpu.memory_space<hbm>>
    tpu.wait_dma2 semaphore(%arg18 : memref<!tpu.dma_semaphore, #tpu.memory_space<semaphore_mem>>) src(%dma_wait3A_14 : memref<512xi32, #tpu.memory_space<hbm>>) dst(%arg10 : memref<512xi32, #tpu.memory_space<vmem>>)
    %barrier3A = arith.constant 0 : index
    tpu.barrier barrier_id(%barrier3A)
    %dma_start3A_15 = arith.constant 0 : i32
    %dma_start3A_16 = arith.constant 0 : i32
    %dma_start3A_17 = arith.constant 0 : i32
    %dma_start3A_18 = tpu.memref_slice %arg11[%dma_start3A_15, %dma_start3A_16, %dma_start3A_17] : memref<2x64x128xf32, #tpu.memory_space<vmem>> -> memref<1x64x128xf32, #tpu.memory_space<vmem>>
    %dma_start3A_19 = tpu.memref_squeeze %dma_start3A_18 : memref<1x64x128xf32, #tpu.memory_space<vmem>> -> memref<64x128xf32, #tpu.memory_space<vmem>>
    %dma_start3A_20 = arith.constant 0 : i32
    %dma_start3A_21 = tpu.memref_slice %arg8[%dma_start3A_20] : memref<512xi32, #tpu.memory_space<vmem>> -> memref<64xi32, #tpu.memory_space<vmem>>
    %dma_start3A_22 = arith.constant 0 : i32
    %dma_start3A_23 = arith.constant 0 : i32
    %dma_start3A_24 = tpu.memref_slice %arg2[%dma_start3A_22, %dma_start3A_23] : memref<1000000x128xf32, #tpu.memory_space<hbm>> -> memref<1000000x128xf32, #tpu.memory_space<hbm>>
    tpu.enqueue_indirect_dma source(%dma_start3A_24 : memref<1000000x128xf32, #tpu.memory_space<hbm>>) target(%dma_start3A_19 : memref<64x128xf32, #tpu.memory_space<vmem>>) offsets(%dma_start3A_21 : memref<64xi32, #tpu.memory_space<vmem>>) semaphore(%arg16 : memref<!tpu.dma_semaphore, #tpu.memory_space<semaphore_mem>>)
    %dma_start3A_25 = arith.constant 0 : i32
    %dma_start3A_26 = arith.constant 0 : i32
    %dma_start3A_27 = arith.constant 0 : i32
    %dma_start3A_28 = tpu.memref_slice %arg13[%dma_start3A_25, %dma_start3A_26, %dma_start3A_27] : memref<2x64x128xf32, #tpu.memory_space<vmem>> -> memref<1x64x128xf32, #tpu.memory_space<vmem>>
    %dma_start3A_29 = tpu.memref_squeeze %dma_start3A_28 : memref<1x64x128xf32, #tpu.memory_space<vmem>> -> memref<64x128xf32, #tpu.memory_space<vmem>>
    %dma_start3A_30 = arith.constant 0 : i32
    %dma_start3A_31 = tpu.memref_slice %arg10[%dma_start3A_30] : memref<512xi32, #tpu.memory_space<vmem>> -> memref<64xi32, #tpu.memory_space<vmem>>
    %dma_start3A_32 = arith.constant 0 : i32
    %dma_start3A_33 = arith.constant 0 : i32
    %dma_start3A_34 = tpu.memref_slice %arg2[%dma_start3A_32, %dma_start3A_33] : memref<1000000x128xf32, #tpu.memory_space<hbm>> -> memref<1000000x128xf32, #tpu.memory_space<hbm>>
    tpu.enqueue_indirect_dma source(%dma_start3A_34 : memref<1000000x128xf32, #tpu.memory_space<hbm>>) target(%dma_start3A_29 : memref<64x128xf32, #tpu.memory_space<vmem>>) offsets(%dma_start3A_31 : memref<64xi32, #tpu.memory_space<vmem>>) semaphore(%arg18 : memref<!tpu.dma_semaphore, #tpu.memory_space<semaphore_mem>>)
    %dma_start3A_35 = arith.constant 0 : i32
    %dma_start3A_36 = arith.constant 0 : i32
    %dma_start3A_37 = arith.constant 0 : i32
    %dma_start3A_38 = tpu.memref_slice %arg12[%dma_start3A_35, %dma_start3A_36, %dma_start3A_37] : memref<2x64x128xf32, #tpu.memory_space<vmem>> -> memref<1x64x128xf32, #tpu.memory_space<vmem>>
    %dma_start3A_39 = tpu.memref_squeeze %dma_start3A_38 : memref<1x64x128xf32, #tpu.memory_space<vmem>> -> memref<64x128xf32, #tpu.memory_space<vmem>>
    %dma_start3A_40 = arith.constant 0 : i32
    %dma_start3A_41 = tpu.memref_slice %arg9[%dma_start3A_40] : memref<512xi32, #tpu.memory_space<vmem>> -> memref<64xi32, #tpu.memory_space<vmem>>
    %dma_start3A_42 = arith.constant 0 : i32
    %dma_start3A_43 = arith.constant 0 : i32
    %dma_start3A_44 = tpu.memref_slice %arg15[%dma_start3A_42, %dma_start3A_43] : memref<1000x128xf32, #tpu.memory_space<vmem_shared>> -> memref<1000x128xf32, #tpu.memory_space<vmem_shared>>
    tpu.enqueue_indirect_dma source(%dma_start3A_44 : memref<1000x128xf32, #tpu.memory_space<vmem_shared>>) target(%dma_start3A_39 : memref<64x128xf32, #tpu.memory_space<vmem>>) offsets(%dma_start3A_41 : memref<64xi32, #tpu.memory_space<vmem>>) semaphore(%arg17 : memref<!tpu.dma_semaphore, #tpu.memory_space<semaphore_mem>>)
    %dma_start3A_45 = arith.constant 1 : i32
    %dma_start3A_46 = arith.constant 0 : i32
    %dma_start3A_47 = arith.constant 0 : i32
    %dma_start3A_48 = tpu.memref_slice %arg11[%dma_start3A_45, %dma_start3A_46, %dma_start3A_47] : memref<2x64x128xf32, #tpu.memory_space<vmem>> -> memref<1x64x128xf32, #tpu.memory_space<vmem>>
    %dma_start3A_49 = tpu.memref_squeeze %dma_start3A_48 : memref<1x64x128xf32, #tpu.memory_space<vmem>> -> memref<64x128xf32, #tpu.memory_space<vmem>>
    %dma_start3A_50 = arith.constant 64 : i32
    %dma_start3A_51 = tpu.memref_slice %arg8[%dma_start3A_50] : memref<512xi32, #tpu.memory_space<vmem>> -> memref<64xi32, #tpu.memory_space<vmem>>
    %dma_start3A_52 = arith.constant 0 : i32
    %dma_start3A_53 = arith.constant 0 : i32
    %dma_start3A_54 = tpu.memref_slice %arg2[%dma_start3A_52, %dma_start3A_53] : memref<1000000x128xf32, #tpu.memory_space<hbm>> -> memref<1000000x128xf32, #tpu.memory_space<hbm>>
    tpu.enqueue_indirect_dma source(%dma_start3A_54 : memref<1000000x128xf32, #tpu.memory_space<hbm>>) target(%dma_start3A_49 : memref<64x128xf32, #tpu.memory_space<vmem>>) offsets(%dma_start3A_51 : memref<64xi32, #tpu.memory_space<vmem>>) semaphore(%arg19 : memref<!tpu.dma_semaphore, #tpu.memory_space<semaphore_mem>>)
    %dma_start3A_55 = arith.constant 1 : i32
    %dma_start3A_56 = arith.constant 0 : i32
    %dma_start3A_57 = arith.constant 0 : i32
    %dma_start3A_58 = tpu.memref_slice %arg13[%dma_start3A_55, %dma_start3A_56, %dma_start3A_57] : memref<2x64x128xf32, #tpu.memory_space<vmem>> -> memref<1x64x128xf32, #tpu.memory_space<vmem>>
    %dma_start3A_59 = tpu.memref_squeeze %dma_start3A_58 : memref<1x64x128xf32, #tpu.memory_space<vmem>> -> memref<64x128xf32, #tpu.memory_space<vmem>>
    %dma_start3A_60 = arith.constant 64 : i32
    %dma_start3A_61 = tpu.memref_slice %arg10[%dma_start3A_60] : memref<512xi32, #tpu.memory_space<vmem>> -> memref<64xi32, #tpu.memory_space<vmem>>
    %dma_start3A_62 = arith.constant 0 : i32
    %dma_start3A_63 = arith.constant 0 : i32
    %dma_start3A_64 = tpu.memref_slice %arg2[%dma_start3A_62, %dma_start3A_63] : memref<1000000x128xf32, #tpu.memory_space<hbm>> -> memref<1000000x128xf32, #tpu.memory_space<hbm>>
    tpu.enqueue_indirect_dma source(%dma_start3A_64 : memref<1000000x128xf32, #tpu.memory_space<hbm>>) target(%dma_start3A_59 : memref<64x128xf32, #tpu.memory_space<vmem>>) offsets(%dma_start3A_61 : memref<64xi32, #tpu.memory_space<vmem>>) semaphore(%arg21 : memref<!tpu.dma_semaphore, #tpu.memory_space<semaphore_mem>>)
    %dma_start3A_65 = arith.constant 1 : i32
    %dma_start3A_66 = arith.constant 0 : i32
    %dma_start3A_67 = arith.constant 0 : i32
    %dma_start3A_68 = tpu.memref_slice %arg12[%dma_start3A_65, %dma_start3A_66, %dma_start3A_67] : memref<2x64x128xf32, #tpu.memory_space<vmem>> -> memref<1x64x128xf32, #tpu.memory_space<vmem>>
    %dma_start3A_69 = tpu.memref_squeeze %dma_start3A_68 : memref<1x64x128xf32, #tpu.memory_space<vmem>> -> memref<64x128xf32, #tpu.memory_space<vmem>>
    %dma_start3A_70 = arith.constant 64 : i32
    %dma_start3A_71 = tpu.memref_slice %arg9[%dma_start3A_70] : memref<512xi32, #tpu.memory_space<vmem>> -> memref<64xi32, #tpu.memory_space<vmem>>
    %dma_start3A_72 = arith.constant 0 : i32
    %dma_start3A_73 = arith.constant 0 : i32
    %dma_start3A_74 = tpu.memref_slice %arg15[%dma_start3A_72, %dma_start3A_73] : memref<1000x128xf32, #tpu.memory_space<vmem_shared>> -> memref<1000x128xf32, #tpu.memory_space<vmem_shared>>
    tpu.enqueue_indirect_dma source(%dma_start3A_74 : memref<1000x128xf32, #tpu.memory_space<vmem_shared>>) target(%dma_start3A_69 : memref<64x128xf32, #tpu.memory_space<vmem>>) offsets(%dma_start3A_71 : memref<64xi32, #tpu.memory_space<vmem>>) semaphore(%arg20 : memref<!tpu.dma_semaphore, #tpu.memory_space<semaphore_mem>>)
    %dma_wait3A_75 = arith.constant 0 : i32
    %dma_wait3A_76 = arith.constant 0 : i32
    %dma_wait3A_77 = arith.constant 0 : i32
    %dma_wait3A_78 = tpu.memref_slice %arg11[%dma_wait3A_75, %dma_wait3A_76, %dma_wait3A_77] : memref<2x64x128xf32, #tpu.memory_space<vmem>> -> memref<1x64x128xf32, #tpu.memory_space<vmem>>
    %dma_wait3A_79 = tpu.memref_squeeze %dma_wait3A_78 : memref<1x64x128xf32, #tpu.memory_space<vmem>> -> memref<64x128xf32, #tpu.memory_space<vmem>>
    %dma_wait3A_80 = arith.constant 0 : i32
    %dma_wait3A_81 = tpu.memref_slice %arg8[%dma_wait3A_80] : memref<512xi32, #tpu.memory_space<vmem>> -> memref<64xi32, #tpu.memory_space<vmem>>
    %dma_wait3A_82 = arith.constant 0 : i32
    %dma_wait3A_83 = arith.constant 0 : i32
    %dma_wait3A_84 = tpu.memref_slice %arg2[%dma_wait3A_82, %dma_wait3A_83] : memref<1000000x128xf32, #tpu.memory_space<hbm>> -> memref<1000000x128xf32, #tpu.memory_space<hbm>>
    tpu.wait_indirect_dma semaphore(%arg16 : memref<!tpu.dma_semaphore, #tpu.memory_space<semaphore_mem>>) src(%dma_wait3A_84 : memref<1000000x128xf32, #tpu.memory_space<hbm>>) dst(%dma_wait3A_79 : memref<64x128xf32, #tpu.memory_space<vmem>>)
    %dma_wait3A_85 = arith.constant 0 : i32
    %dma_wait3A_86 = arith.constant 0 : i32
    %dma_wait3A_87 = arith.constant 0 : i32
    %dma_wait3A_88 = tpu.memref_slice %arg13[%dma_wait3A_85, %dma_wait3A_86, %dma_wait3A_87] : memref<2x64x128xf32, #tpu.memory_space<vmem>> -> memref<1x64x128xf32, #tpu.memory_space<vmem>>
    %dma_wait3A_89 = tpu.memref_squeeze %dma_wait3A_88 : memref<1x64x128xf32, #tpu.memory_space<vmem>> -> memref<64x128xf32, #tpu.memory_space<vmem>>
    %dma_wait3A_90 = arith.constant 0 : i32
    %dma_wait3A_91 = tpu.memref_slice %arg10[%dma_wait3A_90] : memref<512xi32, #tpu.memory_space<vmem>> -> memref<64xi32, #tpu.memory_space<vmem>>
    %dma_wait3A_92 = arith.constant 0 : i32
    %dma_wait3A_93 = arith.constant 0 : i32
    %dma_wait3A_94 = tpu.memref_slice %arg2[%dma_wait3A_92, %dma_wait3A_93] : memref<1000000x128xf32, #tpu.memory_space<hbm>> -> memref<1000000x128xf32, #tpu.memory_space<hbm>>
    tpu.wait_indirect_dma semaphore(%arg18 : memref<!tpu.dma_semaphore, #tpu.memory_space<semaphore_mem>>) src(%dma_wait3A_94 : memref<1000000x128xf32, #tpu.memory_space<hbm>>) dst(%dma_wait3A_89 : memref<64x128xf32, #tpu.memory_space<vmem>>)
    %dma_wait3A_95 = arith.constant 0 : i32
    %dma_wait3A_96 = arith.constant 0 : i32
    %dma_wait3A_97 = arith.constant 0 : i32
    %dma_wait3A_98 = tpu.memref_slice %arg12[%dma_wait3A_95, %dma_wait3A_96, %dma_wait3A_97] : memref<2x64x128xf32, #tpu.memory_space<vmem>> -> memref<1x64x128xf32, #tpu.memory_space<vmem>>
    %dma_wait3A_99 = tpu.memref_squeeze %dma_wait3A_98 : memref<1x64x128xf32, #tpu.memory_space<vmem>> -> memref<64x128xf32, #tpu.memory_space<vmem>>
    %dma_wait3A_100 = arith.constant 0 : i32
    %dma_wait3A_101 = tpu.memref_slice %arg9[%dma_wait3A_100] : memref<512xi32, #tpu.memory_space<vmem>> -> memref<64xi32, #tpu.memory_space<vmem>>
    %dma_wait3A_102 = arith.constant 0 : i32
    %dma_wait3A_103 = arith.constant 0 : i32
    %dma_wait3A_104 = tpu.memref_slice %arg15[%dma_wait3A_102, %dma_wait3A_103] : memref<1000x128xf32, #tpu.memory_space<vmem_shared>> -> memref<1000x128xf32, #tpu.memory_space<vmem_shared>>
    tpu.wait_indirect_dma semaphore(%arg17 : memref<!tpu.dma_semaphore, #tpu.memory_space<semaphore_mem>>) src(%dma_wait3A_104 : memref<1000x128xf32, #tpu.memory_space<vmem_shared>>) dst(%dma_wait3A_99 : memref<64x128xf32, #tpu.memory_space<vmem>>)
    %parallel_loop3A = arith.constant 0 : i32
    %parallel_loop3A_105 = arith.constant 64 : i32
    %parallel_loop3A_106 = arith.constant 1 : i32
    scf.for %parallel_loop3A_520 = %parallel_loop3A to %parallel_loop3A_105 step %parallel_loop3A_106  : i32 {
      %parallel_loop3A_521 = arith.constant 0.000000e+00 : f32
      %parallel_loop3A_522 = vector.broadcast %parallel_loop3A_521 : f32 to vector<16xf32>
      %parallel_loop3A_523 = arith.constant 0 : i32
      %parallel_loop3A_524 = arith.index_cast %parallel_loop3A_523 : i32 to index
      %parallel_loop3A_525 = arith.index_cast %parallel_loop3A_520 : i32 to index
      %parallel_loop3A_526 = arith.constant 0 : index
      %parallel_loop3A_527 = tpu.vector_load %arg11[%parallel_loop3A_524, %parallel_loop3A_525, %parallel_loop3A_526] {strides = array<i32>} : memref<2x64x128xf32, #tpu.memory_space<vmem>>, vector<1x1x16xf32>,
      %parallel_loop3A_528 = vector.shape_cast %parallel_loop3A_527 : vector<1x1x16xf32> to vector<16xf32>
      %parallel_loop3A_529 = arith.constant 0 : i32
      %parallel_loop3A_530 = arith.index_cast %parallel_loop3A_529 : i32 to index
      %parallel_loop3A_531 = arith.index_cast %parallel_loop3A_520 : i32 to index
      %parallel_loop3A_532 = arith.constant 0 : index
      %parallel_loop3A_533 = tpu.vector_load %arg12[%parallel_loop3A_530, %parallel_loop3A_531, %parallel_loop3A_532] {strides = array<i32>} : memref<2x64x128xf32, #tpu.memory_space<vmem>>, vector<1x1x16xf32>,
      %parallel_loop3A_534 = vector.shape_cast %parallel_loop3A_533 : vector<1x1x16xf32> to vector<16xf32>
      %parallel_loop3A_535 = arith.addf %parallel_loop3A_528, %parallel_loop3A_534 : vector<16xf32>
      %parallel_loop3A_536 = arith.constant 0 : i32
      %parallel_loop3A_537 = arith.index_cast %parallel_loop3A_536 : i32 to index
      %parallel_loop3A_538 = arith.index_cast %parallel_loop3A_520 : i32 to index
      %parallel_loop3A_539 = arith.constant 0 : index
      %parallel_loop3A_540 = tpu.vector_load %arg13[%parallel_loop3A_537, %parallel_loop3A_538, %parallel_loop3A_539] {strides = array<i32>} : memref<2x64x128xf32, #tpu.memory_space<vmem>>, vector<1x1x16xf32>,
      %parallel_loop3A_541 = vector.shape_cast %parallel_loop3A_540 : vector<1x1x16xf32> to vector<16xf32>
      %parallel_loop3A_542 = arith.subf %parallel_loop3A_535, %parallel_loop3A_541 : vector<16xf32>
      %parallel_loop3A_543 = arith.mulf %parallel_loop3A_542, %parallel_loop3A_542 : vector<16xf32>
      %parallel_loop3A_544 = arith.addf %parallel_loop3A_522, %parallel_loop3A_543 : vector<16xf32>
      %parallel_loop3A_545 = arith.constant 0 : i32
      %parallel_loop3A_546 = arith.index_cast %parallel_loop3A_545 : i32 to index
      %parallel_loop3A_547 = arith.index_cast %parallel_loop3A_520 : i32 to index
      %parallel_loop3A_548 = arith.constant 16 : index
      %parallel_loop3A_549 = tpu.vector_load %arg11[%parallel_loop3A_546, %parallel_loop3A_547, %parallel_loop3A_548] {strides = array<i32>} : memref<2x64x128xf32, #tpu.memory_space<vmem>>, vector<1x1x16xf32>,
      %parallel_loop3A_550 = vector.shape_cast %parallel_loop3A_549 : vector<1x1x16xf32> to vector<16xf32>
      %parallel_loop3A_551 = arith.constant 0 : i32
      %parallel_loop3A_552 = arith.index_cast %parallel_loop3A_551 : i32 to index
      %parallel_loop3A_553 = arith.index_cast %parallel_loop3A_520 : i32 to index
      %parallel_loop3A_554 = arith.constant 16 : index
      %parallel_loop3A_555 = tpu.vector_load %arg12[%parallel_loop3A_552, %parallel_loop3A_553, %parallel_loop3A_554] {strides = array<i32>} : memref<2x64x128xf32, #tpu.memory_space<vmem>>, vector<1x1x16xf32>,
      %parallel_loop3A_556 = vector.shape_cast %parallel_loop3A_555 : vector<1x1x16xf32> to vector<16xf32>
      %parallel_loop3A_557 = arith.addf %parallel_loop3A_550, %parallel_loop3A_556 : vector<16xf32>
      %parallel_loop3A_558 = arith.constant 0 : i32
      %parallel_loop3A_559 = arith.index_cast %parallel_loop3A_558 : i32 to index
      %parallel_loop3A_560 = arith.index_cast %parallel_loop3A_520 : i32 to index
      %parallel_loop3A_561 = arith.constant 16 : index
      %parallel_loop3A_562 = tpu.vector_load %arg13[%parallel_loop3A_559, %parallel_loop3A_560, %parallel_loop3A_561] {strides = array<i32>} : memref<2x64x128xf32, #tpu.memory_space<vmem>>, vector<1x1x16xf32>,
      %parallel_loop3A_563 = vector.shape_cast %parallel_loop3A_562 : vector<1x1x16xf32> to vector<16xf32>
      %parallel_loop3A_564 = arith.subf %parallel_loop3A_557, %parallel_loop3A_563 : vector<16xf32>
      %parallel_loop3A_565 = arith.mulf %parallel_loop3A_564, %parallel_loop3A_564 : vector<16xf32>
      %parallel_loop3A_566 = arith.addf %parallel_loop3A_544, %parallel_loop3A_565 : vector<16xf32>
      %parallel_loop3A_567 = arith.constant 0 : i32
      %parallel_loop3A_568 = arith.index_cast %parallel_loop3A_567 : i32 to index
      %parallel_loop3A_569 = arith.index_cast %parallel_loop3A_520 : i32 to index
      %parallel_loop3A_570 = arith.constant 32 : index
      %parallel_loop3A_571 = tpu.vector_load %arg11[%parallel_loop3A_568, %parallel_loop3A_569, %parallel_loop3A_570] {strides = array<i32>} : memref<2x64x128xf32, #tpu.memory_space<vmem>>, vector<1x1x16xf32>,
      %parallel_loop3A_572 = vector.shape_cast %parallel_loop3A_571 : vector<1x1x16xf32> to vector<16xf32>
      %parallel_loop3A_573 = arith.constant 0 : i32
      %parallel_loop3A_574 = arith.index_cast %parallel_loop3A_573 : i32 to index
      %parallel_loop3A_575 = arith.index_cast %parallel_loop3A_520 : i32 to index
      %parallel_loop3A_576 = arith.constant 32 : index
      %parallel_loop3A_577 = tpu.vector_load %arg12[%parallel_loop3A_574, %parallel_loop3A_575, %parallel_loop3A_576] {strides = array<i32>} : memref<2x64x128xf32, #tpu.memory_space<vmem>>, vector<1x1x16xf32>,
      %parallel_loop3A_578 = vector.shape_cast %parallel_loop3A_577 : vector<1x1x16xf32> to vector<16xf32>
      %parallel_loop3A_579 = arith.addf %parallel_loop3A_572, %parallel_loop3A_578 : vector<16xf32>
      %parallel_loop3A_580 = arith.constant 0 : i32
      %parallel_loop3A_581 = arith.index_cast %parallel_loop3A_580 : i32 to index
      %parallel_loop3A_582 = arith.index_cast %parallel_loop3A_520 : i32 to index
      %parallel_loop3A_583 = arith.constant 32 : index
      %parallel_loop3A_584 = tpu.vector_load %arg13[%parallel_loop3A_581, %parallel_loop3A_582, %parallel_loop3A_583] {strides = array<i32>} : memref<2x64x128xf32, #tpu.memory_space<vmem>>, vector<1x1x16xf32>,
      %parallel_loop3A_585 = vector.shape_cast %parallel_loop3A_584 : vector<1x1x16xf32> to vector<16xf32>
      %parallel_loop3A_586 = arith.subf %parallel_loop3A_579, %parallel_loop3A_585 : vector<16xf32>
      %parallel_loop3A_587 = arith.mulf %parallel_loop3A_586, %parallel_loop3A_586 : vector<16xf32>
      %parallel_loop3A_588 = arith.addf %parallel_loop3A_566, %parallel_loop3A_587 : vector<16xf32>
      %parallel_loop3A_589 = arith.constant 0 : i32
      %parallel_loop3A_590 = arith.index_cast %parallel_loop3A_589 : i32 to index
      %parallel_loop3A_591 = arith.index_cast %parallel_loop3A_520 : i32 to index
      %parallel_loop3A_592 = arith.constant 48 : index
      %parallel_loop3A_593 = tpu.vector_load %arg11[%parallel_loop3A_590, %parallel_loop3A_591, %parallel_loop3A_592] {strides = array<i32>} : memref<2x64x128xf32, #tpu.memory_space<vmem>>, vector<1x1x16xf32>,
      %parallel_loop3A_594 = vector.shape_cast %parallel_loop3A_593 : vector<1x1x16xf32> to vector<16xf32>
      %parallel_loop3A_595 = arith.constant 0 : i32
      %parallel_loop3A_596 = arith.index_cast %parallel_loop3A_595 : i32 to index
      %parallel_loop3A_597 = arith.index_cast %parallel_loop3A_520 : i32 to index
      %parallel_loop3A_598 = arith.constant 48 : index
      %parallel_loop3A_599 = tpu.vector_load %arg12[%parallel_loop3A_596, %parallel_loop3A_597, %parallel_loop3A_598] {strides = array<i32>} : memref<2x64x128xf32, #tpu.memory_space<vmem>>, vector<1x1x16xf32>,
      %parallel_loop3A_600 = vector.shape_cast %parallel_loop3A_599 : vector<1x1x16xf32> to vector<16xf32>
      %parallel_loop3A_601 = arith.addf %parallel_loop3A_594, %parallel_loop3A_600 : vector<16xf32>
      %parallel_loop3A_602 = arith.constant 0 : i32
      %parallel_loop3A_603 = arith.index_cast %parallel_loop3A_602 : i32 to index
      %parallel_loop3A_604 = arith.index_cast %parallel_loop3A_520 : i32 to index
      %parallel_loop3A_605 = arith.constant 48 : index
      %parallel_loop3A_606 = tpu.vector_load %arg13[%parallel_loop3A_603, %parallel_loop3A_604, %parallel_loop3A_605] {strides = array<i32>} : memref<2x64x128xf32, #tpu.memory_space<vmem>>, vector<1x1x16xf32>,
      %parallel_loop3A_607 = vector.shape_cast %parallel_loop3A_606 : vector<1x1x16xf32> to vector<16xf32>
      %parallel_loop3A_608 = arith.subf %parallel_loop3A_601, %parallel_loop3A_607 : vector<16xf32>
      %parallel_loop3A_609 = arith.mulf %parallel_loop3A_608, %parallel_loop3A_608 : vector<16xf32>
      %parallel_loop3A_610 = arith.addf %parallel_loop3A_588, %parallel_loop3A_609 : vector<16xf32>
      %parallel_loop3A_611 = arith.constant 0 : i32
      %parallel_loop3A_612 = arith.index_cast %parallel_loop3A_611 : i32 to index
      %parallel_loop3A_613 = arith.index_cast %parallel_loop3A_520 : i32 to index
      %parallel_loop3A_614 = arith.constant 64 : index
      %parallel_loop3A_615 = tpu.vector_load %arg11[%parallel_loop3A_612, %parallel_loop3A_613, %parallel_loop3A_614] {strides = array<i32>} : memref<2x64x128xf32, #tpu.memory_space<vmem>>, vector<1x1x16xf32>,
      %parallel_loop3A_616 = vector.shape_cast %parallel_loop3A_615 : vector<1x1x16xf32> to vector<16xf32>
      %parallel_loop3A_617 = arith.constant 0 : i32
      %parallel_loop3A_618 = arith.index_cast %parallel_loop3A_617 : i32 to index
      %parallel_loop3A_619 = arith.index_cast %parallel_loop3A_520 : i32 to index
      %parallel_loop3A_620 = arith.constant 64 : index
      %parallel_loop3A_621 = tpu.vector_load %arg12[%parallel_loop3A_618, %parallel_loop3A_619, %parallel_loop3A_620] {strides = array<i32>} : memref<2x64x128xf32, #tpu.memory_space<vmem>>, vector<1x1x16xf32>,
      %parallel_loop3A_622 = vector.shape_cast %parallel_loop3A_621 : vector<1x1x16xf32> to vector<16xf32>
      %parallel_loop3A_623 = arith.addf %parallel_loop3A_616, %parallel_loop3A_622 : vector<16xf32>
      %parallel_loop3A_624 = arith.constant 0 : i32
      %parallel_loop3A_625 = arith.index_cast %parallel_loop3A_624 : i32 to index
      %parallel_loop3A_626 = arith.index_cast %parallel_loop3A_520 : i32 to index
      %parallel_loop3A_627 = arith.constant 64 : index
      %parallel_loop3A_628 = tpu.vector_load %arg13[%parallel_loop3A_625, %parallel_loop3A_626, %parallel_loop3A_627] {strides = array<i32>} : memref<2x64x128xf32, #tpu.memory_space<vmem>>, vector<1x1x16xf32>,
      %parallel_loop3A_629 = vector.shape_cast %parallel_loop3A_628 : vector<1x1x16xf32> to vector<16xf32>
      %parallel_loop3A_630 = arith.subf %parallel_loop3A_623, %parallel_loop3A_629 : vector<16xf32>
      %parallel_loop3A_631 = arith.mulf %parallel_loop3A_630, %parallel_loop3A_630 : vector<16xf32>
      %parallel_loop3A_632 = arith.addf %parallel_loop3A_610, %parallel_loop3A_631 : vector<16xf32>
      %parallel_loop3A_633 = arith.constant 0 : i32
      %parallel_loop3A_634 = arith.index_cast %parallel_loop3A_633 : i32 to index
      %parallel_loop3A_635 = arith.index_cast %parallel_loop3A_520 : i32 to index
      %parallel_loop3A_636 = arith.constant 80 : index
      %parallel_loop3A_637 = tpu.vector_load %arg11[%parallel_loop3A_634, %parallel_loop3A_635, %parallel_loop3A_636] {strides = array<i32>} : memref<2x64x128xf32, #tpu.memory_space<vmem>>, vector<1x1x16xf32>,
      %parallel_loop3A_638 = vector.shape_cast %parallel_loop3A_637 : vector<1x1x16xf32> to vector<16xf32>
      %parallel_loop3A_639 = arith.constant 0 : i32
      %parallel_loop3A_640 = arith.index_cast %parallel_loop3A_639 : i32 to index
      %parallel_loop3A_641 = arith.index_cast %parallel_loop3A_520 : i32 to index
      %parallel_loop3A_642 = arith.constant 80 : index
      %parallel_loop3A_643 = tpu.vector_load %arg12[%parallel_loop3A_640, %parallel_loop3A_641, %parallel_loop3A_642] {strides = array<i32>} : memref<2x64x128xf32, #tpu.memory_space<vmem>>, vector<1x1x16xf32>,
      %parallel_loop3A_644 = vector.shape_cast %parallel_loop3A_643 : vector<1x1x16xf32> to vector<16xf32>
      %parallel_loop3A_645 = arith.addf %parallel_loop3A_638, %parallel_loop3A_644 : vector<16xf32>
      %parallel_loop3A_646 = arith.constant 0 : i32
      %parallel_loop3A_647 = arith.index_cast %parallel_loop3A_646 : i32 to index
      %parallel_loop3A_648 = arith.index_cast %parallel_loop3A_520 : i32 to index
      %parallel_loop3A_649 = arith.constant 80 : index
      %parallel_loop3A_650 = tpu.vector_load %arg13[%parallel_loop3A_647, %parallel_loop3A_648, %parallel_loop3A_649] {strides = array<i32>} : memref<2x64x128xf32, #tpu.memory_space<vmem>>, vector<1x1x16xf32>,
      %parallel_loop3A_651 = vector.shape_cast %parallel_loop3A_650 : vector<1x1x16xf32> to vector<16xf32>
      %parallel_loop3A_652 = arith.subf %parallel_loop3A_645, %parallel_loop3A_651 : vector<16xf32>
      %parallel_loop3A_653 = arith.mulf %parallel_loop3A_652, %parallel_loop3A_652 : vector<16xf32>
      %parallel_loop3A_654 = arith.addf %parallel_loop3A_632, %parallel_loop3A_653 : vector<16xf32>
      %parallel_loop3A_655 = arith.constant 0 : i32
      %parallel_loop3A_656 = arith.index_cast %parallel_loop3A_655 : i32 to index
      %parallel_loop3A_657 = arith.index_cast %parallel_loop3A_520 : i32 to index
      %parallel_loop3A_658 = arith.constant 96 : index
      %parallel_loop3A_659 = tpu.vector_load %arg11[%parallel_loop3A_656, %parallel_loop3A_657, %parallel_loop3A_658] {strides = array<i32>} : memref<2x64x128xf32, #tpu.memory_space<vmem>>, vector<1x1x16xf32>,
      %parallel_loop3A_660 = vector.shape_cast %parallel_loop3A_659 : vector<1x1x16xf32> to vector<16xf32>
      %parallel_loop3A_661 = arith.constant 0 : i32
      %parallel_loop3A_662 = arith.index_cast %parallel_loop3A_661 : i32 to index
      %parallel_loop3A_663 = arith.index_cast %parallel_loop3A_520 : i32 to index
      %parallel_loop3A_664 = arith.constant 96 : index
      %parallel_loop3A_665 = tpu.vector_load %arg12[%parallel_loop3A_662, %parallel_loop3A_663, %parallel_loop3A_664] {strides = array<i32>} : memref<2x64x128xf32, #tpu.memory_space<vmem>>, vector<1x1x16xf32>,
      %parallel_loop3A_666 = vector.shape_cast %parallel_loop3A_665 : vector<1x1x16xf32> to vector<16xf32>
      %parallel_loop3A_667 = arith.addf %parallel_loop3A_660, %parallel_loop3A_666 : vector<16xf32>
      %parallel_loop3A_668 = arith.constant 0 : i32
      %parallel_loop3A_669 = arith.index_cast %parallel_loop3A_668 : i32 to index
      %parallel_loop3A_670 = arith.index_cast %parallel_loop3A_520 : i32 to index
      %parallel_loop3A_671 = arith.constant 96 : index
      %parallel_loop3A_672 = tpu.vector_load %arg13[%parallel_loop3A_669, %parallel_loop3A_670, %parallel_loop3A_671] {strides = array<i32>} : memref<2x64x128xf32, #tpu.memory_space<vmem>>, vector<1x1x16xf32>,
      %parallel_loop3A_673 = vector.shape_cast %parallel_loop3A_672 : vector<1x1x16xf32> to vector<16xf32>
      %parallel_loop3A_674 = arith.subf %parallel_loop3A_667, %parallel_loop3A_673 : vector<16xf32>
      %parallel_loop3A_675 = arith.mulf %parallel_loop3A_674, %parallel_loop3A_674 : vector<16xf32>
      %parallel_loop3A_676 = arith.addf %parallel_loop3A_654, %parallel_loop3A_675 : vector<16xf32>
      %parallel_loop3A_677 = arith.constant 0 : i32
      %parallel_loop3A_678 = arith.index_cast %parallel_loop3A_677 : i32 to index
      %parallel_loop3A_679 = arith.index_cast %parallel_loop3A_520 : i32 to index
      %parallel_loop3A_680 = arith.constant 112 : index
      %parallel_loop3A_681 = tpu.vector_load %arg11[%parallel_loop3A_678, %parallel_loop3A_679, %parallel_loop3A_680] {strides = array<i32>} : memref<2x64x128xf32, #tpu.memory_space<vmem>>, vector<1x1x16xf32>,
      %parallel_loop3A_682 = vector.shape_cast %parallel_loop3A_681 : vector<1x1x16xf32> to vector<16xf32>
      %parallel_loop3A_683 = arith.constant 0 : i32
      %parallel_loop3A_684 = arith.index_cast %parallel_loop3A_683 : i32 to index
      %parallel_loop3A_685 = arith.index_cast %parallel_loop3A_520 : i32 to index
      %parallel_loop3A_686 = arith.constant 112 : index
      %parallel_loop3A_687 = tpu.vector_load %arg12[%parallel_loop3A_684, %parallel_loop3A_685, %parallel_loop3A_686] {strides = array<i32>} : memref<2x64x128xf32, #tpu.memory_space<vmem>>, vector<1x1x16xf32>,
      %parallel_loop3A_688 = vector.shape_cast %parallel_loop3A_687 : vector<1x1x16xf32> to vector<16xf32>
      %parallel_loop3A_689 = arith.addf %parallel_loop3A_682, %parallel_loop3A_688 : vector<16xf32>
      %parallel_loop3A_690 = arith.constant 0 : i32
      %parallel_loop3A_691 = arith.index_cast %parallel_loop3A_690 : i32 to index
      %parallel_loop3A_692 = arith.index_cast %parallel_loop3A_520 : i32 to index
      %parallel_loop3A_693 = arith.constant 112 : index
      %parallel_loop3A_694 = tpu.vector_load %arg13[%parallel_loop3A_691, %parallel_loop3A_692, %parallel_loop3A_693] {strides = array<i32>} : memref<2x64x128xf32, #tpu.memory_space<vmem>>, vector<1x1x16xf32>,
      %parallel_loop3A_695 = vector.shape_cast %parallel_loop3A_694 : vector<1x1x16xf32> to vector<16xf32>
      %parallel_loop3A_696 = arith.subf %parallel_loop3A_689, %parallel_loop3A_695 : vector<16xf32>
      %parallel_loop3A_697 = arith.mulf %parallel_loop3A_696, %parallel_loop3A_696 : vector<16xf32>
      %parallel_loop3A_698 = arith.addf %parallel_loop3A_676, %parallel_loop3A_697 : vector<16xf32>
      %parallel_loop3A_699 = arith.constant 0 : i32
      %parallel_loop3A_700 = arith.addi %parallel_loop3A_699, %parallel_loop3A_520 : i32
      %parallel_loop3A_701 = arith.constant 3 : i32
      %parallel_loop3A_702 = arith.shrsi %parallel_loop3A_700, %parallel_loop3A_701 : i32
      %parallel_loop3A_703 = arith.constant 7 : i32
      %parallel_loop3A_704 = arith.andi %parallel_loop3A_700, %parallel_loop3A_703 : i32
      %parallel_loop3A_705 = arith.constant 16 : i32
      %parallel_loop3A_706 = arith.muli %parallel_loop3A_704, %parallel_loop3A_705 : i32
      %parallel_loop3A_707 = arith.index_cast %parallel_loop3A_702 : i32 to index
      %parallel_loop3A_708 = arith.index_cast %parallel_loop3A_706 : i32 to index
      %parallel_loop3A_709 = tpu.vector_load %arg14[%parallel_loop3A_707, %parallel_loop3A_708] {strides = array<i32>} : memref<64x128xf32, #tpu.memory_space<vmem>>, vector<1x16xf32>,
      %parallel_loop3A_710 = vector.shape_cast %parallel_loop3A_709 : vector<1x16xf32> to vector<16xf32>
      %parallel_loop3A_711 = vector.shape_cast %parallel_loop3A_698 : vector<16xf32> to vector<1x16xf32>
      tpu.vector_store %arg14[%parallel_loop3A_707, %parallel_loop3A_708], %parallel_loop3A_711 {strides = array<i32>} : memref<64x128xf32, #tpu.memory_space<vmem>>, vector<1x16xf32>,
    } {sc.loop_unroll_factor = 4 : i64, sc.parallel_access}
    %dma_start3A_107 = arith.constant 0 : i32
    %dma_start3A_108 = arith.constant 0 : i32
    %dma_start3A_109 = arith.constant 0 : i32
    %dma_start3A_110 = tpu.memref_slice %arg11[%dma_start3A_107, %dma_start3A_108, %dma_start3A_109] : memref<2x64x128xf32, #tpu.memory_space<vmem>> -> memref<1x64x128xf32, #tpu.memory_space<vmem>>
    %dma_start3A_111 = tpu.memref_squeeze %dma_start3A_110 : memref<1x64x128xf32, #tpu.memory_space<vmem>> -> memref<64x128xf32, #tpu.memory_space<vmem>>
    %dma_start3A_112 = arith.constant 128 : i32
    %dma_start3A_113 = tpu.memref_slice %arg8[%dma_start3A_112] : memref<512xi32, #tpu.memory_space<vmem>> -> memref<64xi32, #tpu.memory_space<vmem>>
    %dma_start3A_114 = arith.constant 0 : i32
    %dma_start3A_115 = arith.constant 0 : i32
    %dma_start3A_116 = tpu.memref_slice %arg2[%dma_start3A_114, %dma_start3A_115] : memref<1000000x128xf32, #tpu.memory_space<hbm>> -> memref<1000000x128xf32, #tpu.memory_space<hbm>>
    tpu.enqueue_indirect_dma source(%dma_start3A_116 : memref<1000000x128xf32, #tpu.memory_space<hbm>>) target(%dma_start3A_111 : memref<64x128xf32, #tpu.memory_space<vmem>>) offsets(%dma_start3A_113 : memref<64xi32, #tpu.memory_space<vmem>>) semaphore(%arg16 : memref<!tpu.dma_semaphore, #tpu.memory_space<semaphore_mem>>)
    %dma_start3A_117 = arith.constant 0 : i32
    %dma_start3A_118 = arith.constant 0 : i32
    %dma_start3A_119 = arith.constant 0 : i32
    %dma_start3A_120 = tpu.memref_slice %arg13[%dma_start3A_117, %dma_start3A_118, %dma_start3A_119] : memref<2x64x128xf32, #tpu.memory_space<vmem>> -> memref<1x64x128xf32, #tpu.memory_space<vmem>>
    %dma_start3A_121 = tpu.memref_squeeze %dma_start3A_120 : memref<1x64x128xf32, #tpu.memory_space<vmem>> -> memref<64x128xf32, #tpu.memory_space<vmem>>
    %dma_start3A_122 = arith.constant 128 : i32
    %dma_start3A_123 = tpu.memref_slice %arg10[%dma_start3A_122] : memref<512xi32, #tpu.memory_space<vmem>> -> memref<64xi32, #tpu.memory_space<vmem>>
    %dma_start3A_124 = arith.constant 0 : i32
    %dma_start3A_125 = arith.constant 0 : i32
    %dma_start3A_126 = tpu.memref_slice %arg2[%dma_start3A_124, %dma_start3A_125] : memref<1000000x128xf32, #tpu.memory_space<hbm>> -> memref<1000000x128xf32, #tpu.memory_space<hbm>>
    tpu.enqueue_indirect_dma source(%dma_start3A_126 : memref<1000000x128xf32, #tpu.memory_space<hbm>>) target(%dma_start3A_121 : memref<64x128xf32, #tpu.memory_space<vmem>>) offsets(%dma_start3A_123 : memref<64xi32, #tpu.memory_space<vmem>>) semaphore(%arg18 : memref<!tpu.dma_semaphore, #tpu.memory_space<semaphore_mem>>)
    %dma_start3A_127 = arith.constant 0 : i32
    %dma_start3A_128 = arith.constant 0 : i32
    %dma_start3A_129 = arith.constant 0 : i32
    %dma_start3A_130 = tpu.memref_slice %arg12[%dma_start3A_127, %dma_start3A_128, %dma_start3A_129] : memref<2x64x128xf32, #tpu.memory_space<vmem>> -> memref<1x64x128xf32, #tpu.memory_space<vmem>>
    %dma_start3A_131 = tpu.memref_squeeze %dma_start3A_130 : memref<1x64x128xf32, #tpu.memory_space<vmem>> -> memref<64x128xf32, #tpu.memory_space<vmem>>
    %dma_start3A_132 = arith.constant 128 : i32
    %dma_start3A_133 = tpu.memref_slice %arg9[%dma_start3A_132] : memref<512xi32, #tpu.memory_space<vmem>> -> memref<64xi32, #tpu.memory_space<vmem>>
    %dma_start3A_134 = arith.constant 0 : i32
    %dma_start3A_135 = arith.constant 0 : i32
    %dma_start3A_136 = tpu.memref_slice %arg15[%dma_start3A_134, %dma_start3A_135] : memref<1000x128xf32, #tpu.memory_space<vmem_shared>> -> memref<1000x128xf32, #tpu.memory_space<vmem_shared>>
    tpu.enqueue_indirect_dma source(%dma_start3A_136 : memref<1000x128xf32, #tpu.memory_space<vmem_shared>>) target(%dma_start3A_131 : memref<64x128xf32, #tpu.memory_space<vmem>>) offsets(%dma_start3A_133 : memref<64xi32, #tpu.memory_space<vmem>>) semaphore(%arg17 : memref<!tpu.dma_semaphore, #tpu.memory_space<semaphore_mem>>)
    %dma_wait3A_137 = arith.constant 1 : i32
    %dma_wait3A_138 = arith.constant 0 : i32
    %dma_wait3A_139 = arith.constant 0 : i32
    %dma_wait3A_140 = tpu.memref_slice %arg11[%dma_wait3A_137, %dma_wait3A_138, %dma_wait3A_139] : memref<2x64x128xf32, #tpu.memory_space<vmem>> -> memref<1x64x128xf32, #tpu.memory_space<vmem>>
    %dma_wait3A_141 = tpu.memref_squeeze %dma_wait3A_140 : memref<1x64x128xf32, #tpu.memory_space<vmem>> -> memref<64x128xf32, #tpu.memory_space<vmem>>
    %dma_wait3A_142 = arith.constant 64 : i32
    %dma_wait3A_143 = tpu.memref_slice %arg8[%dma_wait3A_142] : memref<512xi32, #tpu.memory_space<vmem>> -> memref<64xi32, #tpu.memory_space<vmem>>
    %dma_wait3A_144 = arith.constant 0 : i32
    %dma_wait3A_145 = arith.constant 0 : i32
    %dma_wait3A_146 = tpu.memref_slice %arg2[%dma_wait3A_144, %dma_wait3A_145] : memref<1000000x128xf32, #tpu.memory_space<hbm>> -> memref<1000000x128xf32, #tpu.memory_space<hbm>>
    tpu.wait_indirect_dma semaphore(%arg19 : memref<!tpu.dma_semaphore, #tpu.memory_space<semaphore_mem>>) src(%dma_wait3A_146 : memref<1000000x128xf32, #tpu.memory_space<hbm>>) dst(%dma_wait3A_141 : memref<64x128xf32, #tpu.memory_space<vmem>>)
    %dma_wait3A_147 = arith.constant 1 : i32
    %dma_wait3A_148 = arith.constant 0 : i32
    %dma_wait3A_149 = arith.constant 0 : i32
    %dma_wait3A_150 = tpu.memref_slice %arg13[%dma_wait3A_147, %dma_wait3A_148, %dma_wait3A_149] : memref<2x64x128xf32, #tpu.memory_space<vmem>> -> memref<1x64x128xf32, #tpu.memory_space<vmem>>
    %dma_wait3A_151 = tpu.memref_squeeze %dma_wait3A_150 : memref<1x64x128xf32, #tpu.memory_space<vmem>> -> memref<64x128xf32, #tpu.memory_space<vmem>>
    %dma_wait3A_152 = arith.constant 64 : i32
    %dma_wait3A_153 = tpu.memref_slice %arg10[%dma_wait3A_152] : memref<512xi32, #tpu.memory_space<vmem>> -> memref<64xi32, #tpu.memory_space<vmem>>
    %dma_wait3A_154 = arith.constant 0 : i32
    %dma_wait3A_155 = arith.constant 0 : i32
    %dma_wait3A_156 = tpu.memref_slice %arg2[%dma_wait3A_154, %dma_wait3A_155] : memref<1000000x128xf32, #tpu.memory_space<hbm>> -> memref<1000000x128xf32, #tpu.memory_space<hbm>>
    tpu.wait_indirect_dma semaphore(%arg21 : memref<!tpu.dma_semaphore, #tpu.memory_space<semaphore_mem>>) src(%dma_wait3A_156 : memref<1000000x128xf32, #tpu.memory_space<hbm>>) dst(%dma_wait3A_151 : memref<64x128xf32, #tpu.memory_space<vmem>>)
    %dma_wait3A_157 = arith.constant 1 : i32
    %dma_wait3A_158 = arith.constant 0 : i32
    %dma_wait3A_159 = arith.constant 0 : i32
    %dma_wait3A_160 = tpu.memref_slice %arg12[%dma_wait3A_157, %dma_wait3A_158, %dma_wait3A_159] : memref<2x64x128xf32, #tpu.memory_space<vmem>> -> memref<1x64x128xf32, #tpu.memory_space<vmem>>
    %dma_wait3A_161 = tpu.memref_squeeze %dma_wait3A_160 : memref<1x64x128xf32, #tpu.memory_space<vmem>> -> memref<64x128xf32, #tpu.memory_space<vmem>>
    %dma_wait3A_162 = arith.constant 64 : i32
    %dma_wait3A_163 = tpu.memref_slice %arg9[%dma_wait3A_162] : memref<512xi32, #tpu.memory_space<vmem>> -> memref<64xi32, #tpu.memory_space<vmem>>
    %dma_wait3A_164 = arith.constant 0 : i32
    %dma_wait3A_165 = arith.constant 0 : i32
    %dma_wait3A_166 = tpu.memref_slice %arg15[%dma_wait3A_164, %dma_wait3A_165] : memref<1000x128xf32, #tpu.memory_space<vmem_shared>> -> memref<1000x128xf32, #tpu.memory_space<vmem_shared>>
    tpu.wait_indirect_dma semaphore(%arg20 : memref<!tpu.dma_semaphore, #tpu.memory_space<semaphore_mem>>) src(%dma_wait3A_166 : memref<1000x128xf32, #tpu.memory_space<vmem_shared>>) dst(%dma_wait3A_161 : memref<64x128xf32, #tpu.memory_space<vmem>>)
    %parallel_loop3A_167 = arith.constant 0 : i32
    %parallel_loop3A_168 = arith.constant 64 : i32
    %parallel_loop3A_169 = arith.constant 1 : i32
    scf.for %parallel_loop3A_520 = %parallel_loop3A_167 to %parallel_loop3A_168 step %parallel_loop3A_169  : i32 {
      %parallel_loop3A_521 = arith.constant 0.000000e+00 : f32
      %parallel_loop3A_522 = vector.broadcast %parallel_loop3A_521 : f32 to vector<16xf32>
      %parallel_loop3A_523 = arith.constant 1 : i32
      %parallel_loop3A_524 = arith.index_cast %parallel_loop3A_523 : i32 to index
      %parallel_loop3A_525 = arith.index_cast %parallel_loop3A_520 : i32 to index
      %parallel_loop3A_526 = arith.constant 0 : index
      %parallel_loop3A_527 = tpu.vector_load %arg11[%parallel_loop3A_524, %parallel_loop3A_525, %parallel_loop3A_526] {strides = array<i32>} : memref<2x64x128xf32, #tpu.memory_space<vmem>>, vector<1x1x16xf32>,
      %parallel_loop3A_528 = vector.shape_cast %parallel_loop3A_527 : vector<1x1x16xf32> to vector<16xf32>
      %parallel_loop3A_529 = arith.constant 1 : i32
      %parallel_loop3A_530 = arith.index_cast %parallel_loop3A_529 : i32 to index
      %parallel_loop3A_531 = arith.index_cast %parallel_loop3A_520 : i32 to index
      %parallel_loop3A_532 = arith.constant 0 : index
      %parallel_loop3A_533 = tpu.vector_load %arg12[%parallel_loop3A_530, %parallel_loop3A_531, %parallel_loop3A_532] {strides = array<i32>} : memref<2x64x128xf32, #tpu.memory_space<vmem>>, vector<1x1x16xf32>,
      %parallel_loop3A_534 = vector.shape_cast %parallel_loop3A_533 : vector<1x1x16xf32> to vector<16xf32>
      %parallel_loop3A_535 = arith.addf %parallel_loop3A_528, %parallel_loop3A_534 : vector<16xf32>
      %parallel_loop3A_536 = arith.constant 1 : i32
      %parallel_loop3A_537 = arith.index_cast %parallel_loop3A_536 : i32 to index
      %parallel_loop3A_538 = arith.index_cast %parallel_loop3A_520 : i32 to index
      %parallel_loop3A_539 = arith.constant 0 : index
      %parallel_loop3A_540 = tpu.vector_load %arg13[%parallel_loop3A_537, %parallel_loop3A_538, %parallel_loop3A_539] {strides = array<i32>} : memref<2x64x128xf32, #tpu.memory_space<vmem>>, vector<1x1x16xf32>,
      %parallel_loop3A_541 = vector.shape_cast %parallel_loop3A_540 : vector<1x1x16xf32> to vector<16xf32>
      %parallel_loop3A_542 = arith.subf %parallel_loop3A_535, %parallel_loop3A_541 : vector<16xf32>
      %parallel_loop3A_543 = arith.mulf %parallel_loop3A_542, %parallel_loop3A_542 : vector<16xf32>
      %parallel_loop3A_544 = arith.addf %parallel_loop3A_522, %parallel_loop3A_543 : vector<16xf32>
      %parallel_loop3A_545 = arith.constant 1 : i32
      %parallel_loop3A_546 = arith.index_cast %parallel_loop3A_545 : i32 to index
      %parallel_loop3A_547 = arith.index_cast %parallel_loop3A_520 : i32 to index
      %parallel_loop3A_548 = arith.constant 16 : index
      %parallel_loop3A_549 = tpu.vector_load %arg11[%parallel_loop3A_546, %parallel_loop3A_547, %parallel_loop3A_548] {strides = array<i32>} : memref<2x64x128xf32, #tpu.memory_space<vmem>>, vector<1x1x16xf32>,
      %parallel_loop3A_550 = vector.shape_cast %parallel_loop3A_549 : vector<1x1x16xf32> to vector<16xf32>
      %parallel_loop3A_551 = arith.constant 1 : i32
      %parallel_loop3A_552 = arith.index_cast %parallel_loop3A_551 : i32 to index
      %parallel_loop3A_553 = arith.index_cast %parallel_loop3A_520 : i32 to index
      %parallel_loop3A_554 = arith.constant 16 : index
      %parallel_loop3A_555 = tpu.vector_load %arg12[%parallel_loop3A_552, %parallel_loop3A_553, %parallel_loop3A_554] {strides = array<i32>} : memref<2x64x128xf32, #tpu.memory_space<vmem>>, vector<1x1x16xf32>,
      %parallel_loop3A_556 = vector.shape_cast %parallel_loop3A_555 : vector<1x1x16xf32> to vector<16xf32>
      %parallel_loop3A_557 = arith.addf %parallel_loop3A_550, %parallel_loop3A_556 : vector<16xf32>
      %parallel_loop3A_558 = arith.constant 1 : i32
      %parallel_loop3A_559 = arith.index_cast %parallel_loop3A_558 : i32 to index
      %parallel_loop3A_560 = arith.index_cast %parallel_loop3A_520 : i32 to index
      %parallel_loop3A_561 = arith.constant 16 : index
      %parallel_loop3A_562 = tpu.vector_load %arg13[%parallel_loop3A_559, %parallel_loop3A_560, %parallel_loop3A_561] {strides = array<i32>} : memref<2x64x128xf32, #tpu.memory_space<vmem>>, vector<1x1x16xf32>,
      %parallel_loop3A_563 = vector.shape_cast %parallel_loop3A_562 : vector<1x1x16xf32> to vector<16xf32>
      %parallel_loop3A_564 = arith.subf %parallel_loop3A_557, %parallel_loop3A_563 : vector<16xf32>
      %parallel_loop3A_565 = arith.mulf %parallel_loop3A_564, %parallel_loop3A_564 : vector<16xf32>
      %parallel_loop3A_566 = arith.addf %parallel_loop3A_544, %parallel_loop3A_565 : vector<16xf32>
      %parallel_loop3A_567 = arith.constant 1 : i32
      %parallel_loop3A_568 = arith.index_cast %parallel_loop3A_567 : i32 to index
      %parallel_loop3A_569 = arith.index_cast %parallel_loop3A_520 : i32 to index
      %parallel_loop3A_570 = arith.constant 32 : index
      %parallel_loop3A_571 = tpu.vector_load %arg11[%parallel_loop3A_568, %parallel_loop3A_569, %parallel_loop3A_570] {strides = array<i32>} : memref<2x64x128xf32, #tpu.memory_space<vmem>>, vector<1x1x16xf32>,
      %parallel_loop3A_572 = vector.shape_cast %parallel_loop3A_571 : vector<1x1x16xf32> to vector<16xf32>
      %parallel_loop3A_573 = arith.constant 1 : i32
      %parallel_loop3A_574 = arith.index_cast %parallel_loop3A_573 : i32 to index
      %parallel_loop3A_575 = arith.index_cast %parallel_loop3A_520 : i32 to index
      %parallel_loop3A_576 = arith.constant 32 : index
      %parallel_loop3A_577 = tpu.vector_load %arg12[%parallel_loop3A_574, %parallel_loop3A_575, %parallel_loop3A_576] {strides = array<i32>} : memref<2x64x128xf32, #tpu.memory_space<vmem>>, vector<1x1x16xf32>,
      %parallel_loop3A_578 = vector.shape_cast %parallel_loop3A_577 : vector<1x1x16xf32> to vector<16xf32>
      %parallel_loop3A_579 = arith.addf %parallel_loop3A_572, %parallel_loop3A_578 : vector<16xf32>
      %parallel_loop3A_580 = arith.constant 1 : i32
      %parallel_loop3A_581 = arith.index_cast %parallel_loop3A_580 : i32 to index
      %parallel_loop3A_582 = arith.index_cast %parallel_loop3A_520 : i32 to index
      %parallel_loop3A_583 = arith.constant 32 : index
      %parallel_loop3A_584 = tpu.vector_load %arg13[%parallel_loop3A_581, %parallel_loop3A_582, %parallel_loop3A_583] {strides = array<i32>} : memref<2x64x128xf32, #tpu.memory_space<vmem>>, vector<1x1x16xf32>,
      %parallel_loop3A_585 = vector.shape_cast %parallel_loop3A_584 : vector<1x1x16xf32> to vector<16xf32>
      %parallel_loop3A_586 = arith.subf %parallel_loop3A_579, %parallel_loop3A_585 : vector<16xf32>
      %parallel_loop3A_587 = arith.mulf %parallel_loop3A_586, %parallel_loop3A_586 : vector<16xf32>
      %parallel_loop3A_588 = arith.addf %parallel_loop3A_566, %parallel_loop3A_587 : vector<16xf32>
      %parallel_loop3A_589 = arith.constant 1 : i32
      %parallel_loop3A_590 = arith.index_cast %parallel_loop3A_589 : i32 to index
      %parallel_loop3A_591 = arith.index_cast %parallel_loop3A_520 : i32 to index
      %parallel_loop3A_592 = arith.constant 48 : index
      %parallel_loop3A_593 = tpu.vector_load %arg11[%parallel_loop3A_590, %parallel_loop3A_591, %parallel_loop3A_592] {strides = array<i32>} : memref<2x64x128xf32, #tpu.memory_space<vmem>>, vector<1x1x16xf32>,
      %parallel_loop3A_594 = vector.shape_cast %parallel_loop3A_593 : vector<1x1x16xf32> to vector<16xf32>
      %parallel_loop3A_595 = arith.constant 1 : i32
      %parallel_loop3A_596 = arith.index_cast %parallel_loop3A_595 : i32 to index
      %parallel_loop3A_597 = arith.index_cast %parallel_loop3A_520 : i32 to index
      %parallel_loop3A_598 = arith.constant 48 : index
      %parallel_loop3A_599 = tpu.vector_load %arg12[%parallel_loop3A_596, %parallel_loop3A_597, %parallel_loop3A_598] {strides = array<i32>} : memref<2x64x128xf32, #tpu.memory_space<vmem>>, vector<1x1x16xf32>,
      %parallel_loop3A_600 = vector.shape_cast %parallel_loop3A_599 : vector<1x1x16xf32> to vector<16xf32>
      %parallel_loop3A_601 = arith.addf %parallel_loop3A_594, %parallel_loop3A_600 : vector<16xf32>
      %parallel_loop3A_602 = arith.constant 1 : i32
      %parallel_loop3A_603 = arith.index_cast %parallel_loop3A_602 : i32 to index
      %parallel_loop3A_604 = arith.index_cast %parallel_loop3A_520 : i32 to index
      %parallel_loop3A_605 = arith.constant 48 : index
      %parallel_loop3A_606 = tpu.vector_load %arg13[%parallel_loop3A_603, %parallel_loop3A_604, %parallel_loop3A_605] {strides = array<i32>} : memref<2x64x128xf32, #tpu.memory_space<vmem>>, vector<1x1x16xf32>,
      %parallel_loop3A_607 = vector.shape_cast %parallel_loop3A_606 : vector<1x1x16xf32> to vector<16xf32>
      %parallel_loop3A_608 = arith.subf %parallel_loop3A_601, %parallel_loop3A_607 : vector<16xf32>
      %parallel_loop3A_609 = arith.mulf %parallel_loop3A_608, %parallel_loop3A_608 : vector<16xf32>
      %parallel_loop3A_610 = arith.addf %parallel_loop3A_588, %parallel_loop3A_609 : vector<16xf32>
      %parallel_loop3A_611 = arith.constant 1 : i32
      %parallel_loop3A_612 = arith.index_cast %parallel_loop3A_611 : i32 to index
      %parallel_loop3A_613 = arith.index_cast %parallel_loop3A_520 : i32 to index
      %parallel_loop3A_614 = arith.constant 64 : index
      %parallel_loop3A_615 = tpu.vector_load %arg11[%parallel_loop3A_612, %parallel_loop3A_613, %parallel_loop3A_614] {strides = array<i32>} : memref<2x64x128xf32, #tpu.memory_space<vmem>>, vector<1x1x16xf32>,
      %parallel_loop3A_616 = vector.shape_cast %parallel_loop3A_615 : vector<1x1x16xf32> to vector<16xf32>
      %parallel_loop3A_617 = arith.constant 1 : i32
      %parallel_loop3A_618 = arith.index_cast %parallel_loop3A_617 : i32 to index
      %parallel_loop3A_619 = arith.index_cast %parallel_loop3A_520 : i32 to index
      %parallel_loop3A_620 = arith.constant 64 : index
      %parallel_loop3A_621 = tpu.vector_load %arg12[%parallel_loop3A_618, %parallel_loop3A_619, %parallel_loop3A_620] {strides = array<i32>} : memref<2x64x128xf32, #tpu.memory_space<vmem>>, vector<1x1x16xf32>,
      %parallel_loop3A_622 = vector.shape_cast %parallel_loop3A_621 : vector<1x1x16xf32> to vector<16xf32>
      %parallel_loop3A_623 = arith.addf %parallel_loop3A_616, %parallel_loop3A_622 : vector<16xf32>
      %parallel_loop3A_624 = arith.constant 1 : i32
      %parallel_loop3A_625 = arith.index_cast %parallel_loop3A_624 : i32 to index
      %parallel_loop3A_626 = arith.index_cast %parallel_loop3A_520 : i32 to index
      %parallel_loop3A_627 = arith.constant 64 : index
      %parallel_loop3A_628 = tpu.vector_load %arg13[%parallel_loop3A_625, %parallel_loop3A_626, %parallel_loop3A_627] {strides = array<i32>} : memref<2x64x128xf32, #tpu.memory_space<vmem>>, vector<1x1x16xf32>,
      %parallel_loop3A_629 = vector.shape_cast %parallel_loop3A_628 : vector<1x1x16xf32> to vector<16xf32>
      %parallel_loop3A_630 = arith.subf %parallel_loop3A_623, %parallel_loop3A_629 : vector<16xf32>
      %parallel_loop3A_631 = arith.mulf %parallel_loop3A_630, %parallel_loop3A_630 : vector<16xf32>
      %parallel_loop3A_632 = arith.addf %parallel_loop3A_610, %parallel_loop3A_631 : vector<16xf32>
      %parallel_loop3A_633 = arith.constant 1 : i32
      %parallel_loop3A_634 = arith.index_cast %parallel_loop3A_633 : i32 to index
      %parallel_loop3A_635 = arith.index_cast %parallel_loop3A_520 : i32 to index
      %parallel_loop3A_636 = arith.constant 80 : index
      %parallel_loop3A_637 = tpu.vector_load %arg11[%parallel_loop3A_634, %parallel_loop3A_635, %parallel_loop3A_636] {strides = array<i32>} : memref<2x64x128xf32, #tpu.memory_space<vmem>>, vector<1x1x16xf32>,
      %parallel_loop3A_638 = vector.shape_cast %parallel_loop3A_637 : vector<1x1x16xf32> to vector<16xf32>
      %parallel_loop3A_639 = arith.constant 1 : i32
      %parallel_loop3A_640 = arith.index_cast %parallel_loop3A_639 : i32 to index
      %parallel_loop3A_641 = arith.index_cast %parallel_loop3A_520 : i32 to index
      %parallel_loop3A_642 = arith.constant 80 : index
      %parallel_loop3A_643 = tpu.vector_load %arg12[%parallel_loop3A_640, %parallel_loop3A_641, %parallel_loop3A_642] {strides = array<i32>} : memref<2x64x128xf32, #tpu.memory_space<vmem>>, vector<1x1x16xf32>,
      %parallel_loop3A_644 = vector.shape_cast %parallel_loop3A_643 : vector<1x1x16xf32> to vector<16xf32>
      %parallel_loop3A_645 = arith.addf %parallel_loop3A_638, %parallel_loop3A_644 : vector<16xf32>
      %parallel_loop3A_646 = arith.constant 1 : i32
      %parallel_loop3A_647 = arith.index_cast %parallel_loop3A_646 : i32 to index
      %parallel_loop3A_648 = arith.index_cast %parallel_loop3A_520 : i32 to index
      %parallel_loop3A_649 = arith.constant 80 : index
      %parallel_loop3A_650 = tpu.vector_load %arg13[%parallel_loop3A_647, %parallel_loop3A_648, %parallel_loop3A_649] {strides = array<i32>} : memref<2x64x128xf32, #tpu.memory_space<vmem>>, vector<1x1x16xf32>,
      %parallel_loop3A_651 = vector.shape_cast %parallel_loop3A_650 : vector<1x1x16xf32> to vector<16xf32>
      %parallel_loop3A_652 = arith.subf %parallel_loop3A_645, %parallel_loop3A_651 : vector<16xf32>
      %parallel_loop3A_653 = arith.mulf %parallel_loop3A_652, %parallel_loop3A_652 : vector<16xf32>
      %parallel_loop3A_654 = arith.addf %parallel_loop3A_632, %parallel_loop3A_653 : vector<16xf32>
      %parallel_loop3A_655 = arith.constant 1 : i32
      %parallel_loop3A_656 = arith.index_cast %parallel_loop3A_655 : i32 to index
      %parallel_loop3A_657 = arith.index_cast %parallel_loop3A_520 : i32 to index
      %parallel_loop3A_658 = arith.constant 96 : index
      %parallel_loop3A_659 = tpu.vector_load %arg11[%parallel_loop3A_656, %parallel_loop3A_657, %parallel_loop3A_658] {strides = array<i32>} : memref<2x64x128xf32, #tpu.memory_space<vmem>>, vector<1x1x16xf32>,
      %parallel_loop3A_660 = vector.shape_cast %parallel_loop3A_659 : vector<1x1x16xf32> to vector<16xf32>
      %parallel_loop3A_661 = arith.constant 1 : i32
      %parallel_loop3A_662 = arith.index_cast %parallel_loop3A_661 : i32 to index
      %parallel_loop3A_663 = arith.index_cast %parallel_loop3A_520 : i32 to index
      %parallel_loop3A_664 = arith.constant 96 : index
      %parallel_loop3A_665 = tpu.vector_load %arg12[%parallel_loop3A_662, %parallel_loop3A_663, %parallel_loop3A_664] {strides = array<i32>} : memref<2x64x128xf32, #tpu.memory_space<vmem>>, vector<1x1x16xf32>,
      %parallel_loop3A_666 = vector.shape_cast %parallel_loop3A_665 : vector<1x1x16xf32> to vector<16xf32>
      %parallel_loop3A_667 = arith.addf %parallel_loop3A_660, %parallel_loop3A_666 : vector<16xf32>
      %parallel_loop3A_668 = arith.constant 1 : i32
      %parallel_loop3A_669 = arith.index_cast %parallel_loop3A_668 : i32 to index
      %parallel_loop3A_670 = arith.index_cast %parallel_loop3A_520 : i32 to index
      %parallel_loop3A_671 = arith.constant 96 : index
      %parallel_loop3A_672 = tpu.vector_load %arg13[%parallel_loop3A_669, %parallel_loop3A_670, %parallel_loop3A_671] {strides = array<i32>} : memref<2x64x128xf32, #tpu.memory_space<vmem>>, vector<1x1x16xf32>,
      %parallel_loop3A_673 = vector.shape_cast %parallel_loop3A_672 : vector<1x1x16xf32> to vector<16xf32>
      %parallel_loop3A_674 = arith.subf %parallel_loop3A_667, %parallel_loop3A_673 : vector<16xf32>
      %parallel_loop3A_675 = arith.mulf %parallel_loop3A_674, %parallel_loop3A_674 : vector<16xf32>
      %parallel_loop3A_676 = arith.addf %parallel_loop3A_654, %parallel_loop3A_675 : vector<16xf32>
      %parallel_loop3A_677 = arith.constant 1 : i32
      %parallel_loop3A_678 = arith.index_cast %parallel_loop3A_677 : i32 to index
      %parallel_loop3A_679 = arith.index_cast %parallel_loop3A_520 : i32 to index
      %parallel_loop3A_680 = arith.constant 112 : index
      %parallel_loop3A_681 = tpu.vector_load %arg11[%parallel_loop3A_678, %parallel_loop3A_679, %parallel_loop3A_680] {strides = array<i32>} : memref<2x64x128xf32, #tpu.memory_space<vmem>>, vector<1x1x16xf32>,
      %parallel_loop3A_682 = vector.shape_cast %parallel_loop3A_681 : vector<1x1x16xf32> to vector<16xf32>
      %parallel_loop3A_683 = arith.constant 1 : i32
      %parallel_loop3A_684 = arith.index_cast %parallel_loop3A_683 : i32 to index
      %parallel_loop3A_685 = arith.index_cast %parallel_loop3A_520 : i32 to index
      %parallel_loop3A_686 = arith.constant 112 : index
      %parallel_loop3A_687 = tpu.vector_load %arg12[%parallel_loop3A_684, %parallel_loop3A_685, %parallel_loop3A_686] {strides = array<i32>} : memref<2x64x128xf32, #tpu.memory_space<vmem>>, vector<1x1x16xf32>,
      %parallel_loop3A_688 = vector.shape_cast %parallel_loop3A_687 : vector<1x1x16xf32> to vector<16xf32>
      %parallel_loop3A_689 = arith.addf %parallel_loop3A_682, %parallel_loop3A_688 : vector<16xf32>
      %parallel_loop3A_690 = arith.constant 1 : i32
      %parallel_loop3A_691 = arith.index_cast %parallel_loop3A_690 : i32 to index
      %parallel_loop3A_692 = arith.index_cast %parallel_loop3A_520 : i32 to index
      %parallel_loop3A_693 = arith.constant 112 : index
      %parallel_loop3A_694 = tpu.vector_load %arg13[%parallel_loop3A_691, %parallel_loop3A_692, %parallel_loop3A_693] {strides = array<i32>} : memref<2x64x128xf32, #tpu.memory_space<vmem>>, vector<1x1x16xf32>,
      %parallel_loop3A_695 = vector.shape_cast %parallel_loop3A_694 : vector<1x1x16xf32> to vector<16xf32>
      %parallel_loop3A_696 = arith.subf %parallel_loop3A_689, %parallel_loop3A_695 : vector<16xf32>
      %parallel_loop3A_697 = arith.mulf %parallel_loop3A_696, %parallel_loop3A_696 : vector<16xf32>
      %parallel_loop3A_698 = arith.addf %parallel_loop3A_676, %parallel_loop3A_697 : vector<16xf32>
      %parallel_loop3A_699 = arith.constant 64 : i32
      %parallel_loop3A_700 = arith.addi %parallel_loop3A_699, %parallel_loop3A_520 : i32
      %parallel_loop3A_701 = arith.constant 3 : i32
      %parallel_loop3A_702 = arith.shrsi %parallel_loop3A_700, %parallel_loop3A_701 : i32
      %parallel_loop3A_703 = arith.constant 7 : i32
      %parallel_loop3A_704 = arith.andi %parallel_loop3A_700, %parallel_loop3A_703 : i32
      %parallel_loop3A_705 = arith.constant 16 : i32
      %parallel_loop3A_706 = arith.muli %parallel_loop3A_704, %parallel_loop3A_705 : i32
      %parallel_loop3A_707 = arith.index_cast %parallel_loop3A_702 : i32 to index
      %parallel_loop3A_708 = arith.index_cast %parallel_loop3A_706 : i32 to index
      %parallel_loop3A_709 = tpu.vector_load %arg14[%parallel_loop3A_707, %parallel_loop3A_708] {strides = array<i32>} : memref<64x128xf32, #tpu.memory_space<vmem>>, vector<1x16xf32>,
      %parallel_loop3A_710 = vector.shape_cast %parallel_loop3A_709 : vector<1x16xf32> to vector<16xf32>
      %parallel_loop3A_711 = vector.shape_cast %parallel_loop3A_698 : vector<16xf32> to vector<1x16xf32>
      tpu.vector_store %arg14[%parallel_loop3A_707, %parallel_loop3A_708], %parallel_loop3A_711 {strides = array<i32>} : memref<64x128xf32, #tpu.memory_space<vmem>>, vector<1x16xf32>,
    } {sc.loop_unroll_factor = 4 : i64, sc.parallel_access}
    %dma_start3A_170 = arith.constant 1 : i32
    %dma_start3A_171 = arith.constant 0 : i32
    %dma_start3A_172 = arith.constant 0 : i32
    %dma_start3A_173 = tpu.memref_slice %arg11[%dma_start3A_170, %dma_start3A_171, %dma_start3A_172] : memref<2x64x128xf32, #tpu.memory_space<vmem>> -> memref<1x64x128xf32, #tpu.memory_space<vmem>>
    %dma_start3A_174 = tpu.memref_squeeze %dma_start3A_173 : memref<1x64x128xf32, #tpu.memory_space<vmem>> -> memref<64x128xf32, #tpu.memory_space<vmem>>
    %dma_start3A_175 = arith.constant 192 : i32
    %dma_start3A_176 = tpu.memref_slice %arg8[%dma_start3A_175] : memref<512xi32, #tpu.memory_space<vmem>> -> memref<64xi32, #tpu.memory_space<vmem>>
    %dma_start3A_177 = arith.constant 0 : i32
    %dma_start3A_178 = arith.constant 0 : i32
    %dma_start3A_179 = tpu.memref_slice %arg2[%dma_start3A_177, %dma_start3A_178] : memref<1000000x128xf32, #tpu.memory_space<hbm>> -> memref<1000000x128xf32, #tpu.memory_space<hbm>>
    tpu.enqueue_indirect_dma source(%dma_start3A_179 : memref<1000000x128xf32, #tpu.memory_space<hbm>>) target(%dma_start3A_174 : memref<64x128xf32, #tpu.memory_space<vmem>>) offsets(%dma_start3A_176 : memref<64xi32, #tpu.memory_space<vmem>>) semaphore(%arg19 : memref<!tpu.dma_semaphore, #tpu.memory_space<semaphore_mem>>)
    %dma_start3A_180 = arith.constant 1 : i32
    %dma_start3A_181 = arith.constant 0 : i32
    %dma_start3A_182 = arith.constant 0 : i32
    %dma_start3A_183 = tpu.memref_slice %arg13[%dma_start3A_180, %dma_start3A_181, %dma_start3A_182] : memref<2x64x128xf32, #tpu.memory_space<vmem>> -> memref<1x64x128xf32, #tpu.memory_space<vmem>>
    %dma_start3A_184 = tpu.memref_squeeze %dma_start3A_183 : memref<1x64x128xf32, #tpu.memory_space<vmem>> -> memref<64x128xf32, #tpu.memory_space<vmem>>
    %dma_start3A_185 = arith.constant 192 : i32
    %dma_start3A_186 = tpu.memref_slice %arg10[%dma_start3A_185] : memref<512xi32, #tpu.memory_space<vmem>> -> memref<64xi32, #tpu.memory_space<vmem>>
    %dma_start3A_187 = arith.constant 0 : i32
    %dma_start3A_188 = arith.constant 0 : i32
    %dma_start3A_189 = tpu.memref_slice %arg2[%dma_start3A_187, %dma_start3A_188] : memref<1000000x128xf32, #tpu.memory_space<hbm>> -> memref<1000000x128xf32, #tpu.memory_space<hbm>>
    tpu.enqueue_indirect_dma source(%dma_start3A_189 : memref<1000000x128xf32, #tpu.memory_space<hbm>>) target(%dma_start3A_184 : memref<64x128xf32, #tpu.memory_space<vmem>>) offsets(%dma_start3A_186 : memref<64xi32, #tpu.memory_space<vmem>>) semaphore(%arg21 : memref<!tpu.dma_semaphore, #tpu.memory_space<semaphore_mem>>)
    %dma_start3A_190 = arith.constant 1 : i32
    %dma_start3A_191 = arith.constant 0 : i32
    %dma_start3A_192 = arith.constant 0 : i32
    %dma_start3A_193 = tpu.memref_slice %arg12[%dma_start3A_190, %dma_start3A_191, %dma_start3A_192] : memref<2x64x128xf32, #tpu.memory_space<vmem>> -> memref<1x64x128xf32, #tpu.memory_space<vmem>>
    %dma_start3A_194 = tpu.memref_squeeze %dma_start3A_193 : memref<1x64x128xf32, #tpu.memory_space<vmem>> -> memref<64x128xf32, #tpu.memory_space<vmem>>
    %dma_start3A_195 = arith.constant 192 : i32
    %dma_start3A_196 = tpu.memref_slice %arg9[%dma_start3A_195] : memref<512xi32, #tpu.memory_space<vmem>> -> memref<64xi32, #tpu.memory_space<vmem>>
    %dma_start3A_197 = arith.constant 0 : i32
    %dma_start3A_198 = arith.constant 0 : i32
    %dma_start3A_199 = tpu.memref_slice %arg15[%dma_start3A_197, %dma_start3A_198] : memref<1000x128xf32, #tpu.memory_space<vmem_shared>> -> memref<1000x128xf32, #tpu.memory_space<vmem_shared>>
    tpu.enqueue_indirect_dma source(%dma_start3A_199 : memref<1000x128xf32, #tpu.memory_space<vmem_shared>>) target(%dma_start3A_194 : memref<64x128xf32, #tpu.memory_space<vmem>>) offsets(%dma_start3A_196 : memref<64xi32, #tpu.memory_space<vmem>>) semaphore(%arg20 : memref<!tpu.dma_semaphore, #tpu.memory_space<semaphore_mem>>)
    %dma_wait3A_200 = arith.constant 0 : i32
    %dma_wait3A_201 = arith.constant 0 : i32
    %dma_wait3A_202 = arith.constant 0 : i32
    %dma_wait3A_203 = tpu.memref_slice %arg11[%dma_wait3A_200, %dma_wait3A_201, %dma_wait3A_202] : memref<2x64x128xf32, #tpu.memory_space<vmem>> -> memref<1x64x128xf32, #tpu.memory_space<vmem>>
    %dma_wait3A_204 = tpu.memref_squeeze %dma_wait3A_203 : memref<1x64x128xf32, #tpu.memory_space<vmem>> -> memref<64x128xf32, #tpu.memory_space<vmem>>
    %dma_wait3A_205 = arith.constant 128 : i32
    %dma_wait3A_206 = tpu.memref_slice %arg8[%dma_wait3A_205] : memref<512xi32, #tpu.memory_space<vmem>> -> memref<64xi32, #tpu.memory_space<vmem>>
    %dma_wait3A_207 = arith.constant 0 : i32
    %dma_wait3A_208 = arith.constant 0 : i32
    %dma_wait3A_209 = tpu.memref_slice %arg2[%dma_wait3A_207, %dma_wait3A_208] : memref<1000000x128xf32, #tpu.memory_space<hbm>> -> memref<1000000x128xf32, #tpu.memory_space<hbm>>
    tpu.wait_indirect_dma semaphore(%arg16 : memref<!tpu.dma_semaphore, #tpu.memory_space<semaphore_mem>>) src(%dma_wait3A_209 : memref<1000000x128xf32, #tpu.memory_space<hbm>>) dst(%dma_wait3A_204 : memref<64x128xf32, #tpu.memory_space<vmem>>)
    %dma_wait3A_210 = arith.constant 0 : i32
    %dma_wait3A_211 = arith.constant 0 : i32
    %dma_wait3A_212 = arith.constant 0 : i32
    %dma_wait3A_213 = tpu.memref_slice %arg13[%dma_wait3A_210, %dma_wait3A_211, %dma_wait3A_212] : memref<2x64x128xf32, #tpu.memory_space<vmem>> -> memref<1x64x128xf32, #tpu.memory_space<vmem>>
    %dma_wait3A_214 = tpu.memref_squeeze %dma_wait3A_213 : memref<1x64x128xf32, #tpu.memory_space<vmem>> -> memref<64x128xf32, #tpu.memory_space<vmem>>
    %dma_wait3A_215 = arith.constant 128 : i32
    %dma_wait3A_216 = tpu.memref_slice %arg10[%dma_wait3A_215] : memref<512xi32, #tpu.memory_space<vmem>> -> memref<64xi32, #tpu.memory_space<vmem>>
    %dma_wait3A_217 = arith.constant 0 : i32
    %dma_wait3A_218 = arith.constant 0 : i32
    %dma_wait3A_219 = tpu.memref_slice %arg2[%dma_wait3A_217, %dma_wait3A_218] : memref<1000000x128xf32, #tpu.memory_space<hbm>> -> memref<1000000x128xf32, #tpu.memory_space<hbm>>
    tpu.wait_indirect_dma semaphore(%arg18 : memref<!tpu.dma_semaphore, #tpu.memory_space<semaphore_mem>>) src(%dma_wait3A_219 : memref<1000000x128xf32, #tpu.memory_space<hbm>>) dst(%dma_wait3A_214 : memref<64x128xf32, #tpu.memory_space<vmem>>)
    %dma_wait3A_220 = arith.constant 0 : i32
    %dma_wait3A_221 = arith.constant 0 : i32
    %dma_wait3A_222 = arith.constant 0 : i32
    %dma_wait3A_223 = tpu.memref_slice %arg12[%dma_wait3A_220, %dma_wait3A_221, %dma_wait3A_222] : memref<2x64x128xf32, #tpu.memory_space<vmem>> -> memref<1x64x128xf32, #tpu.memory_space<vmem>>
    %dma_wait3A_224 = tpu.memref_squeeze %dma_wait3A_223 : memref<1x64x128xf32, #tpu.memory_space<vmem>> -> memref<64x128xf32, #tpu.memory_space<vmem>>
    %dma_wait3A_225 = arith.constant 128 : i32
    %dma_wait3A_226 = tpu.memref_slice %arg9[%dma_wait3A_225] : memref<512xi32, #tpu.memory_space<vmem>> -> memref<64xi32, #tpu.memory_space<vmem>>
    %dma_wait3A_227 = arith.constant 0 : i32
    %dma_wait3A_228 = arith.constant 0 : i32
    %dma_wait3A_229 = tpu.memref_slice %arg15[%dma_wait3A_227, %dma_wait3A_228] : memref<1000x128xf32, #tpu.memory_space<vmem_shared>> -> memref<1000x128xf32, #tpu.memory_space<vmem_shared>>
    tpu.wait_indirect_dma semaphore(%arg17 : memref<!tpu.dma_semaphore, #tpu.memory_space<semaphore_mem>>) src(%dma_wait3A_229 : memref<1000x128xf32, #tpu.memory_space<vmem_shared>>) dst(%dma_wait3A_224 : memref<64x128xf32, #tpu.memory_space<vmem>>)
    %parallel_loop3A_230 = arith.constant 0 : i32
    %parallel_loop3A_231 = arith.constant 64 : i32
    %parallel_loop3A_232 = arith.constant 1 : i32
    scf.for %parallel_loop3A_520 = %parallel_loop3A_230 to %parallel_loop3A_231 step %parallel_loop3A_232  : i32 {
      %parallel_loop3A_521 = arith.constant 0.000000e+00 : f32
      %parallel_loop3A_522 = vector.broadcast %parallel_loop3A_521 : f32 to vector<16xf32>
      %parallel_loop3A_523 = arith.constant 0 : i32
      %parallel_loop3A_524 = arith.index_cast %parallel_loop3A_523 : i32 to index
      %parallel_loop3A_525 = arith.index_cast %parallel_loop3A_520 : i32 to index
      %parallel_loop3A_526 = arith.constant 0 : index
      %parallel_loop3A_527 = tpu.vector_load %arg11[%parallel_loop3A_524, %parallel_loop3A_525, %parallel_loop3A_526] {strides = array<i32>} : memref<2x64x128xf32, #tpu.memory_space<vmem>>, vector<1x1x16xf32>,
      %parallel_loop3A_528 = vector.shape_cast %parallel_loop3A_527 : vector<1x1x16xf32> to vector<16xf32>
      %parallel_loop3A_529 = arith.constant 0 : i32
      %parallel_loop3A_530 = arith.index_cast %parallel_loop3A_529 : i32 to index
      %parallel_loop3A_531 = arith.index_cast %parallel_loop3A_520 : i32 to index
      %parallel_loop3A_532 = arith.constant 0 : index
      %parallel_loop3A_533 = tpu.vector_load %arg12[%parallel_loop3A_530, %parallel_loop3A_531, %parallel_loop3A_532] {strides = array<i32>} : memref<2x64x128xf32, #tpu.memory_space<vmem>>, vector<1x1x16xf32>,
      %parallel_loop3A_534 = vector.shape_cast %parallel_loop3A_533 : vector<1x1x16xf32> to vector<16xf32>
      %parallel_loop3A_535 = arith.addf %parallel_loop3A_528, %parallel_loop3A_534 : vector<16xf32>
      %parallel_loop3A_536 = arith.constant 0 : i32
      %parallel_loop3A_537 = arith.index_cast %parallel_loop3A_536 : i32 to index
      %parallel_loop3A_538 = arith.index_cast %parallel_loop3A_520 : i32 to index
      %parallel_loop3A_539 = arith.constant 0 : index
      %parallel_loop3A_540 = tpu.vector_load %arg13[%parallel_loop3A_537, %parallel_loop3A_538, %parallel_loop3A_539] {strides = array<i32>} : memref<2x64x128xf32, #tpu.memory_space<vmem>>, vector<1x1x16xf32>,
      %parallel_loop3A_541 = vector.shape_cast %parallel_loop3A_540 : vector<1x1x16xf32> to vector<16xf32>
      %parallel_loop3A_542 = arith.subf %parallel_loop3A_535, %parallel_loop3A_541 : vector<16xf32>
      %parallel_loop3A_543 = arith.mulf %parallel_loop3A_542, %parallel_loop3A_542 : vector<16xf32>
      %parallel_loop3A_544 = arith.addf %parallel_loop3A_522, %parallel_loop3A_543 : vector<16xf32>
      %parallel_loop3A_545 = arith.constant 0 : i32
      %parallel_loop3A_546 = arith.index_cast %parallel_loop3A_545 : i32 to index
      %parallel_loop3A_547 = arith.index_cast %parallel_loop3A_520 : i32 to index
      %parallel_loop3A_548 = arith.constant 16 : index
      %parallel_loop3A_549 = tpu.vector_load %arg11[%parallel_loop3A_546, %parallel_loop3A_547, %parallel_loop3A_548] {strides = array<i32>} : memref<2x64x128xf32, #tpu.memory_space<vmem>>, vector<1x1x16xf32>,
      %parallel_loop3A_550 = vector.shape_cast %parallel_loop3A_549 : vector<1x1x16xf32> to vector<16xf32>
      %parallel_loop3A_551 = arith.constant 0 : i32
      %parallel_loop3A_552 = arith.index_cast %parallel_loop3A_551 : i32 to index
      %parallel_loop3A_553 = arith.index_cast %parallel_loop3A_520 : i32 to index
      %parallel_loop3A_554 = arith.constant 16 : index
      %parallel_loop3A_555 = tpu.vector_load %arg12[%parallel_loop3A_552, %parallel_loop3A_553, %parallel_loop3A_554] {strides = array<i32>} : memref<2x64x128xf32, #tpu.memory_space<vmem>>, vector<1x1x16xf32>,
      %parallel_loop3A_556 = vector.shape_cast %parallel_loop3A_555 : vector<1x1x16xf32> to vector<16xf32>
      %parallel_loop3A_557 = arith.addf %parallel_loop3A_550, %parallel_loop3A_556 : vector<16xf32>
      %parallel_loop3A_558 = arith.constant 0 : i32
      %parallel_loop3A_559 = arith.index_cast %parallel_loop3A_558 : i32 to index
      %parallel_loop3A_560 = arith.index_cast %parallel_loop3A_520 : i32 to index
      %parallel_loop3A_561 = arith.constant 16 : index
      %parallel_loop3A_562 = tpu.vector_load %arg13[%parallel_loop3A_559, %parallel_loop3A_560, %parallel_loop3A_561] {strides = array<i32>} : memref<2x64x128xf32, #tpu.memory_space<vmem>>, vector<1x1x16xf32>,
      %parallel_loop3A_563 = vector.shape_cast %parallel_loop3A_562 : vector<1x1x16xf32> to vector<16xf32>
      %parallel_loop3A_564 = arith.subf %parallel_loop3A_557, %parallel_loop3A_563 : vector<16xf32>
      %parallel_loop3A_565 = arith.mulf %parallel_loop3A_564, %parallel_loop3A_564 : vector<16xf32>
      %parallel_loop3A_566 = arith.addf %parallel_loop3A_544, %parallel_loop3A_565 : vector<16xf32>
      %parallel_loop3A_567 = arith.constant 0 : i32
      %parallel_loop3A_568 = arith.index_cast %parallel_loop3A_567 : i32 to index
      %parallel_loop3A_569 = arith.index_cast %parallel_loop3A_520 : i32 to index
      %parallel_loop3A_570 = arith.constant 32 : index
      %parallel_loop3A_571 = tpu.vector_load %arg11[%parallel_loop3A_568, %parallel_loop3A_569, %parallel_loop3A_570] {strides = array<i32>} : memref<2x64x128xf32, #tpu.memory_space<vmem>>, vector<1x1x16xf32>,
      %parallel_loop3A_572 = vector.shape_cast %parallel_loop3A_571 : vector<1x1x16xf32> to vector<16xf32>
      %parallel_loop3A_573 = arith.constant 0 : i32
      %parallel_loop3A_574 = arith.index_cast %parallel_loop3A_573 : i32 to index
      %parallel_loop3A_575 = arith.index_cast %parallel_loop3A_520 : i32 to index
      %parallel_loop3A_576 = arith.constant 32 : index
      %parallel_loop3A_577 = tpu.vector_load %arg12[%parallel_loop3A_574, %parallel_loop3A_575, %parallel_loop3A_576] {strides = array<i32>} : memref<2x64x128xf32, #tpu.memory_space<vmem>>, vector<1x1x16xf32>,
      %parallel_loop3A_578 = vector.shape_cast %parallel_loop3A_577 : vector<1x1x16xf32> to vector<16xf32>
      %parallel_loop3A_579 = arith.addf %parallel_loop3A_572, %parallel_loop3A_578 : vector<16xf32>
      %parallel_loop3A_580 = arith.constant 0 : i32
      %parallel_loop3A_581 = arith.index_cast %parallel_loop3A_580 : i32 to index
      %parallel_loop3A_582 = arith.index_cast %parallel_loop3A_520 : i32 to index
      %parallel_loop3A_583 = arith.constant 32 : index
      %parallel_loop3A_584 = tpu.vector_load %arg13[%parallel_loop3A_581, %parallel_loop3A_582, %parallel_loop3A_583] {strides = array<i32>} : memref<2x64x128xf32, #tpu.memory_space<vmem>>, vector<1x1x16xf32>,
      %parallel_loop3A_585 = vector.shape_cast %parallel_loop3A_584 : vector<1x1x16xf32> to vector<16xf32>
      %parallel_loop3A_586 = arith.subf %parallel_loop3A_579, %parallel_loop3A_585 : vector<16xf32>
      %parallel_loop3A_587 = arith.mulf %parallel_loop3A_586, %parallel_loop3A_586 : vector<16xf32>
      %parallel_loop3A_588 = arith.addf %parallel_loop3A_566, %parallel_loop3A_587 : vector<16xf32>
      %parallel_loop3A_589 = arith.constant 0 : i32
      %parallel_loop3A_590 = arith.index_cast %parallel_loop3A_589 : i32 to index
      %parallel_loop3A_591 = arith.index_cast %parallel_loop3A_520 : i32 to index
      %parallel_loop3A_592 = arith.constant 48 : index
      %parallel_loop3A_593 = tpu.vector_load %arg11[%parallel_loop3A_590, %parallel_loop3A_591, %parallel_loop3A_592] {strides = array<i32>} : memref<2x64x128xf32, #tpu.memory_space<vmem>>, vector<1x1x16xf32>,
      %parallel_loop3A_594 = vector.shape_cast %parallel_loop3A_593 : vector<1x1x16xf32> to vector<16xf32>
      %parallel_loop3A_595 = arith.constant 0 : i32
      %parallel_loop3A_596 = arith.index_cast %parallel_loop3A_595 : i32 to index
      %parallel_loop3A_597 = arith.index_cast %parallel_loop3A_520 : i32 to index
      %parallel_loop3A_598 = arith.constant 48 : index
      %parallel_loop3A_599 = tpu.vector_load %arg12[%parallel_loop3A_596, %parallel_loop3A_597, %parallel_loop3A_598] {strides = array<i32>} : memref<2x64x128xf32, #tpu.memory_space<vmem>>, vector<1x1x16xf32>,
      %parallel_loop3A_600 = vector.shape_cast %parallel_loop3A_599 : vector<1x1x16xf32> to vector<16xf32>
      %parallel_loop3A_601 = arith.addf %parallel_loop3A_594, %parallel_loop3A_600 : vector<16xf32>
      %parallel_loop3A_602 = arith.constant 0 : i32
      %parallel_loop3A_603 = arith.index_cast %parallel_loop3A_602 : i32 to index
      %parallel_loop3A_604 = arith.index_cast %parallel_loop3A_520 : i32 to index
      %parallel_loop3A_605 = arith.constant 48 : index
      %parallel_loop3A_606 = tpu.vector_load %arg13[%parallel_loop3A_603, %parallel_loop3A_604, %parallel_loop3A_605] {strides = array<i32>} : memref<2x64x128xf32, #tpu.memory_space<vmem>>, vector<1x1x16xf32>,
      %parallel_loop3A_607 = vector.shape_cast %parallel_loop3A_606 : vector<1x1x16xf32> to vector<16xf32>
      %parallel_loop3A_608 = arith.subf %parallel_loop3A_601, %parallel_loop3A_607 : vector<16xf32>
      %parallel_loop3A_609 = arith.mulf %parallel_loop3A_608, %parallel_loop3A_608 : vector<16xf32>
      %parallel_loop3A_610 = arith.addf %parallel_loop3A_588, %parallel_loop3A_609 : vector<16xf32>
      %parallel_loop3A_611 = arith.constant 0 : i32
      %parallel_loop3A_612 = arith.index_cast %parallel_loop3A_611 : i32 to index
      %parallel_loop3A_613 = arith.index_cast %parallel_loop3A_520 : i32 to index
      %parallel_loop3A_614 = arith.constant 64 : index
      %parallel_loop3A_615 = tpu.vector_load %arg11[%parallel_loop3A_612, %parallel_loop3A_613, %parallel_loop3A_614] {strides = array<i32>} : memref<2x64x128xf32, #tpu.memory_space<vmem>>, vector<1x1x16xf32>,
      %parallel_loop3A_616 = vector.shape_cast %parallel_loop3A_615 : vector<1x1x16xf32> to vector<16xf32>
      %parallel_loop3A_617 = arith.constant 0 : i32
      %parallel_loop3A_618 = arith.index_cast %parallel_loop3A_617 : i32 to index
      %parallel_loop3A_619 = arith.index_cast %parallel_loop3A_520 : i32 to index
      %parallel_loop3A_620 = arith.constant 64 : index
      %parallel_loop3A_621 = tpu.vector_load %arg12[%parallel_loop3A_618, %parallel_loop3A_619, %parallel_loop3A_620] {strides = array<i32>} : memref<2x64x128xf32, #tpu.memory_space<vmem>>, vector<1x1x16xf32>,
      %parallel_loop3A_622 = vector.shape_cast %parallel_loop3A_621 : vector<1x1x16xf32> to vector<16xf32>
      %parallel_loop3A_623 = arith.addf %parallel_loop3A_616, %parallel_loop3A_622 : vector<16xf32>
      %parallel_loop3A_624 = arith.constant 0 : i32
      %parallel_loop3A_625 = arith.index_cast %parallel_loop3A_624 : i32 to index
      %parallel_loop3A_626 = arith.index_cast %parallel_loop3A_520 : i32 to index
      %parallel_loop3A_627 = arith.constant 64 : index
      %parallel_loop3A_628 = tpu.vector_load %arg13[%parallel_loop3A_625, %parallel_loop3A_626, %parallel_loop3A_627] {strides = array<i32>} : memref<2x64x128xf32, #tpu.memory_space<vmem>>, vector<1x1x16xf32>,
      %parallel_loop3A_629 = vector.shape_cast %parallel_loop3A_628 : vector<1x1x16xf32> to vector<16xf32>
      %parallel_loop3A_630 = arith.subf %parallel_loop3A_623, %parallel_loop3A_629 : vector<16xf32>
      %parallel_loop3A_631 = arith.mulf %parallel_loop3A_630, %parallel_loop3A_630 : vector<16xf32>
      %parallel_loop3A_632 = arith.addf %parallel_loop3A_610, %parallel_loop3A_631 : vector<16xf32>
      %parallel_loop3A_633 = arith.constant 0 : i32
      %parallel_loop3A_634 = arith.index_cast %parallel_loop3A_633 : i32 to index
      %parallel_loop3A_635 = arith.index_cast %parallel_loop3A_520 : i32 to index
      %parallel_loop3A_636 = arith.constant 80 : index
      %parallel_loop3A_637 = tpu.vector_load %arg11[%parallel_loop3A_634, %parallel_loop3A_635, %parallel_loop3A_636] {strides = array<i32>} : memref<2x64x128xf32, #tpu.memory_space<vmem>>, vector<1x1x16xf32>,
      %parallel_loop3A_638 = vector.shape_cast %parallel_loop3A_637 : vector<1x1x16xf32> to vector<16xf32>
      %parallel_loop3A_639 = arith.constant 0 : i32
      %parallel_loop3A_640 = arith.index_cast %parallel_loop3A_639 : i32 to index
      %parallel_loop3A_641 = arith.index_cast %parallel_loop3A_520 : i32 to index
      %parallel_loop3A_642 = arith.constant 80 : index
      %parallel_loop3A_643 = tpu.vector_load %arg12[%parallel_loop3A_640, %parallel_loop3A_641, %parallel_loop3A_642] {strides = array<i32>} : memref<2x64x128xf32, #tpu.memory_space<vmem>>, vector<1x1x16xf32>,
      %parallel_loop3A_644 = vector.shape_cast %parallel_loop3A_643 : vector<1x1x16xf32> to vector<16xf32>
      %parallel_loop3A_645 = arith.addf %parallel_loop3A_638, %parallel_loop3A_644 : vector<16xf32>
      %parallel_loop3A_646 = arith.constant 0 : i32
      %parallel_loop3A_647 = arith.index_cast %parallel_loop3A_646 : i32 to index
      %parallel_loop3A_648 = arith.index_cast %parallel_loop3A_520 : i32 to index
      %parallel_loop3A_649 = arith.constant 80 : index
      %parallel_loop3A_650 = tpu.vector_load %arg13[%parallel_loop3A_647, %parallel_loop3A_648, %parallel_loop3A_649] {strides = array<i32>} : memref<2x64x128xf32, #tpu.memory_space<vmem>>, vector<1x1x16xf32>,
      %parallel_loop3A_651 = vector.shape_cast %parallel_loop3A_650 : vector<1x1x16xf32> to vector<16xf32>
      %parallel_loop3A_652 = arith.subf %parallel_loop3A_645, %parallel_loop3A_651 : vector<16xf32>
      %parallel_loop3A_653 = arith.mulf %parallel_loop3A_652, %parallel_loop3A_652 : vector<16xf32>
      %parallel_loop3A_654 = arith.addf %parallel_loop3A_632, %parallel_loop3A_653 : vector<16xf32>
      %parallel_loop3A_655 = arith.constant 0 : i32
      %parallel_loop3A_656 = arith.index_cast %parallel_loop3A_655 : i32 to index
      %parallel_loop3A_657 = arith.index_cast %parallel_loop3A_520 : i32 to index
      %parallel_loop3A_658 = arith.constant 96 : index
      %parallel_loop3A_659 = tpu.vector_load %arg11[%parallel_loop3A_656, %parallel_loop3A_657, %parallel_loop3A_658] {strides = array<i32>} : memref<2x64x128xf32, #tpu.memory_space<vmem>>, vector<1x1x16xf32>,
      %parallel_loop3A_660 = vector.shape_cast %parallel_loop3A_659 : vector<1x1x16xf32> to vector<16xf32>
      %parallel_loop3A_661 = arith.constant 0 : i32
      %parallel_loop3A_662 = arith.index_cast %parallel_loop3A_661 : i32 to index
      %parallel_loop3A_663 = arith.index_cast %parallel_loop3A_520 : i32 to index
      %parallel_loop3A_664 = arith.constant 96 : index
      %parallel_loop3A_665 = tpu.vector_load %arg12[%parallel_loop3A_662, %parallel_loop3A_663, %parallel_loop3A_664] {strides = array<i32>} : memref<2x64x128xf32, #tpu.memory_space<vmem>>, vector<1x1x16xf32>,
      %parallel_loop3A_666 = vector.shape_cast %parallel_loop3A_665 : vector<1x1x16xf32> to vector<16xf32>
      %parallel_loop3A_667 = arith.addf %parallel_loop3A_660, %parallel_loop3A_666 : vector<16xf32>
      %parallel_loop3A_668 = arith.constant 0 : i32
      %parallel_loop3A_669 = arith.index_cast %parallel_loop3A_668 : i32 to index
      %parallel_loop3A_670 = arith.index_cast %parallel_loop3A_520 : i32 to index
      %parallel_loop3A_671 = arith.constant 96 : index
      %parallel_loop3A_672 = tpu.vector_load %arg13[%parallel_loop3A_669, %parallel_loop3A_670, %parallel_loop3A_671] {strides = array<i32>} : memref<2x64x128xf32, #tpu.memory_space<vmem>>, vector<1x1x16xf32>,
      %parallel_loop3A_673 = vector.shape_cast %parallel_loop3A_672 : vector<1x1x16xf32> to vector<16xf32>
      %parallel_loop3A_674 = arith.subf %parallel_loop3A_667, %parallel_loop3A_673 : vector<16xf32>
      %parallel_loop3A_675 = arith.mulf %parallel_loop3A_674, %parallel_loop3A_674 : vector<16xf32>
      %parallel_loop3A_676 = arith.addf %parallel_loop3A_654, %parallel_loop3A_675 : vector<16xf32>
      %parallel_loop3A_677 = arith.constant 0 : i32
      %parallel_loop3A_678 = arith.index_cast %parallel_loop3A_677 : i32 to index
      %parallel_loop3A_679 = arith.index_cast %parallel_loop3A_520 : i32 to index
      %parallel_loop3A_680 = arith.constant 112 : index
      %parallel_loop3A_681 = tpu.vector_load %arg11[%parallel_loop3A_678, %parallel_loop3A_679, %parallel_loop3A_680] {strides = array<i32>} : memref<2x64x128xf32, #tpu.memory_space<vmem>>, vector<1x1x16xf32>,
      %parallel_loop3A_682 = vector.shape_cast %parallel_loop3A_681 : vector<1x1x16xf32> to vector<16xf32>
      %parallel_loop3A_683 = arith.constant 0 : i32
      %parallel_loop3A_684 = arith.index_cast %parallel_loop3A_683 : i32 to index
      %parallel_loop3A_685 = arith.index_cast %parallel_loop3A_520 : i32 to index
      %parallel_loop3A_686 = arith.constant 112 : index
      %parallel_loop3A_687 = tpu.vector_load %arg12[%parallel_loop3A_684, %parallel_loop3A_685, %parallel_loop3A_686] {strides = array<i32>} : memref<2x64x128xf32, #tpu.memory_space<vmem>>, vector<1x1x16xf32>,
      %parallel_loop3A_688 = vector.shape_cast %parallel_loop3A_687 : vector<1x1x16xf32> to vector<16xf32>
      %parallel_loop3A_689 = arith.addf %parallel_loop3A_682, %parallel_loop3A_688 : vector<16xf32>
      %parallel_loop3A_690 = arith.constant 0 : i32
      %parallel_loop3A_691 = arith.index_cast %parallel_loop3A_690 : i32 to index
      %parallel_loop3A_692 = arith.index_cast %parallel_loop3A_520 : i32 to index
      %parallel_loop3A_693 = arith.constant 112 : index
      %parallel_loop3A_694 = tpu.vector_load %arg13[%parallel_loop3A_691, %parallel_loop3A_692, %parallel_loop3A_693] {strides = array<i32>} : memref<2x64x128xf32, #tpu.memory_space<vmem>>, vector<1x1x16xf32>,
      %parallel_loop3A_695 = vector.shape_cast %parallel_loop3A_694 : vector<1x1x16xf32> to vector<16xf32>
      %parallel_loop3A_696 = arith.subf %parallel_loop3A_689, %parallel_loop3A_695 : vector<16xf32>
      %parallel_loop3A_697 = arith.mulf %parallel_loop3A_696, %parallel_loop3A_696 : vector<16xf32>
      %parallel_loop3A_698 = arith.addf %parallel_loop3A_676, %parallel_loop3A_697 : vector<16xf32>
      %parallel_loop3A_699 = arith.constant 128 : i32
      %parallel_loop3A_700 = arith.addi %parallel_loop3A_699, %parallel_loop3A_520 : i32
      %parallel_loop3A_701 = arith.constant 3 : i32
      %parallel_loop3A_702 = arith.shrsi %parallel_loop3A_700, %parallel_loop3A_701 : i32
      %parallel_loop3A_703 = arith.constant 7 : i32
      %parallel_loop3A_704 = arith.andi %parallel_loop3A_700, %parallel_loop3A_703 : i32
      %parallel_loop3A_705 = arith.constant 16 : i32
      %parallel_loop3A_706 = arith.muli %parallel_loop3A_704, %parallel_loop3A_705 : i32
      %parallel_loop3A_707 = arith.index_cast %parallel_loop3A_702 : i32 to index
      %parallel_loop3A_708 = arith.index_cast %parallel_loop3A_706 : i32 to index
      %parallel_loop3A_709 = tpu.vector_load %arg14[%parallel_loop3A_707, %parallel_loop3A_708] {strides = array<i32>} : memref<64x128xf32, #tpu.memory_space<vmem>>, vector<1x16xf32>,
      %parallel_loop3A_710 = vector.shape_cast %parallel_loop3A_709 : vector<1x16xf32> to vector<16xf32>
      %parallel_loop3A_711 = vector.shape_cast %parallel_loop3A_698 : vector<16xf32> to vector<1x16xf32>
      tpu.vector_store %arg14[%parallel_loop3A_707, %parallel_loop3A_708], %parallel_loop3A_711 {strides = array<i32>} : memref<64x128xf32, #tpu.memory_space<vmem>>, vector<1x16xf32>,
    } {sc.loop_unroll_factor = 4 : i64, sc.parallel_access}
    %dma_start3A_233 = arith.constant 0 : i32
    %dma_start3A_234 = arith.constant 0 : i32
    %dma_start3A_235 = arith.constant 0 : i32
    %dma_start3A_236 = tpu.memref_slice %arg11[%dma_start3A_233, %dma_start3A_234, %dma_start3A_235] : memref<2x64x128xf32, #tpu.memory_space<vmem>> -> memref<1x64x128xf32, #tpu.memory_space<vmem>>
    %dma_start3A_237 = tpu.memref_squeeze %dma_start3A_236 : memref<1x64x128xf32, #tpu.memory_space<vmem>> -> memref<64x128xf32, #tpu.memory_space<vmem>>
    %dma_start3A_238 = arith.constant 256 : i32
    %dma_start3A_239 = tpu.memref_slice %arg8[%dma_start3A_238] : memref<512xi32, #tpu.memory_space<vmem>> -> memref<64xi32, #tpu.memory_space<vmem>>
    %dma_start3A_240 = arith.constant 0 : i32
    %dma_start3A_241 = arith.constant 0 : i32
    %dma_start3A_242 = tpu.memref_slice %arg2[%dma_start3A_240, %dma_start3A_241] : memref<1000000x128xf32, #tpu.memory_space<hbm>> -> memref<1000000x128xf32, #tpu.memory_space<hbm>>
    tpu.enqueue_indirect_dma source(%dma_start3A_242 : memref<1000000x128xf32, #tpu.memory_space<hbm>>) target(%dma_start3A_237 : memref<64x128xf32, #tpu.memory_space<vmem>>) offsets(%dma_start3A_239 : memref<64xi32, #tpu.memory_space<vmem>>) semaphore(%arg16 : memref<!tpu.dma_semaphore, #tpu.memory_space<semaphore_mem>>)
    %dma_start3A_243 = arith.constant 0 : i32
    %dma_start3A_244 = arith.constant 0 : i32
    %dma_start3A_245 = arith.constant 0 : i32
    %dma_start3A_246 = tpu.memref_slice %arg13[%dma_start3A_243, %dma_start3A_244, %dma_start3A_245] : memref<2x64x128xf32, #tpu.memory_space<vmem>> -> memref<1x64x128xf32, #tpu.memory_space<vmem>>
    %dma_start3A_247 = tpu.memref_squeeze %dma_start3A_246 : memref<1x64x128xf32, #tpu.memory_space<vmem>> -> memref<64x128xf32, #tpu.memory_space<vmem>>
    %dma_start3A_248 = arith.constant 256 : i32
    %dma_start3A_249 = tpu.memref_slice %arg10[%dma_start3A_248] : memref<512xi32, #tpu.memory_space<vmem>> -> memref<64xi32, #tpu.memory_space<vmem>>
    %dma_start3A_250 = arith.constant 0 : i32
    %dma_start3A_251 = arith.constant 0 : i32
    %dma_start3A_252 = tpu.memref_slice %arg2[%dma_start3A_250, %dma_start3A_251] : memref<1000000x128xf32, #tpu.memory_space<hbm>> -> memref<1000000x128xf32, #tpu.memory_space<hbm>>
    tpu.enqueue_indirect_dma source(%dma_start3A_252 : memref<1000000x128xf32, #tpu.memory_space<hbm>>) target(%dma_start3A_247 : memref<64x128xf32, #tpu.memory_space<vmem>>) offsets(%dma_start3A_249 : memref<64xi32, #tpu.memory_space<vmem>>) semaphore(%arg18 : memref<!tpu.dma_semaphore, #tpu.memory_space<semaphore_mem>>)
    %dma_start3A_253 = arith.constant 0 : i32
    %dma_start3A_254 = arith.constant 0 : i32
    %dma_start3A_255 = arith.constant 0 : i32
    %dma_start3A_256 = tpu.memref_slice %arg12[%dma_start3A_253, %dma_start3A_254, %dma_start3A_255] : memref<2x64x128xf32, #tpu.memory_space<vmem>> -> memref<1x64x128xf32, #tpu.memory_space<vmem>>
    %dma_start3A_257 = tpu.memref_squeeze %dma_start3A_256 : memref<1x64x128xf32, #tpu.memory_space<vmem>> -> memref<64x128xf32, #tpu.memory_space<vmem>>
    %dma_start3A_258 = arith.constant 256 : i32
    %dma_start3A_259 = tpu.memref_slice %arg9[%dma_start3A_258] : memref<512xi32, #tpu.memory_space<vmem>> -> memref<64xi32, #tpu.memory_space<vmem>>
    %dma_start3A_260 = arith.constant 0 : i32
    %dma_start3A_261 = arith.constant 0 : i32
    %dma_start3A_262 = tpu.memref_slice %arg15[%dma_start3A_260, %dma_start3A_261] : memref<1000x128xf32, #tpu.memory_space<vmem_shared>> -> memref<1000x128xf32, #tpu.memory_space<vmem_shared>>
    tpu.enqueue_indirect_dma source(%dma_start3A_262 : memref<1000x128xf32, #tpu.memory_space<vmem_shared>>) target(%dma_start3A_257 : memref<64x128xf32, #tpu.memory_space<vmem>>) offsets(%dma_start3A_259 : memref<64xi32, #tpu.memory_space<vmem>>) semaphore(%arg17 : memref<!tpu.dma_semaphore, #tpu.memory_space<semaphore_mem>>)
    %dma_wait3A_263 = arith.constant 1 : i32
    %dma_wait3A_264 = arith.constant 0 : i32
    %dma_wait3A_265 = arith.constant 0 : i32
    %dma_wait3A_266 = tpu.memref_slice %arg11[%dma_wait3A_263, %dma_wait3A_264, %dma_wait3A_265] : memref<2x64x128xf32, #tpu.memory_space<vmem>> -> memref<1x64x128xf32, #tpu.memory_space<vmem>>
    %dma_wait3A_267 = tpu.memref_squeeze %dma_wait3A_266 : memref<1x64x128xf32, #tpu.memory_space<vmem>> -> memref<64x128xf32, #tpu.memory_space<vmem>>
    %dma_wait3A_268 = arith.constant 192 : i32
    %dma_wait3A_269 = tpu.memref_slice %arg8[%dma_wait3A_268] : memref<512xi32, #tpu.memory_space<vmem>> -> memref<64xi32, #tpu.memory_space<vmem>>
    %dma_wait3A_270 = arith.constant 0 : i32
    %dma_wait3A_271 = arith.constant 0 : i32
    %dma_wait3A_272 = tpu.memref_slice %arg2[%dma_wait3A_270, %dma_wait3A_271] : memref<1000000x128xf32, #tpu.memory_space<hbm>> -> memref<1000000x128xf32, #tpu.memory_space<hbm>>
    tpu.wait_indirect_dma semaphore(%arg19 : memref<!tpu.dma_semaphore, #tpu.memory_space<semaphore_mem>>) src(%dma_wait3A_272 : memref<1000000x128xf32, #tpu.memory_space<hbm>>) dst(%dma_wait3A_267 : memref<64x128xf32, #tpu.memory_space<vmem>>)
    %dma_wait3A_273 = arith.constant 1 : i32
    %dma_wait3A_274 = arith.constant 0 : i32
    %dma_wait3A_275 = arith.constant 0 : i32
    %dma_wait3A_276 = tpu.memref_slice %arg13[%dma_wait3A_273, %dma_wait3A_274, %dma_wait3A_275] : memref<2x64x128xf32, #tpu.memory_space<vmem>> -> memref<1x64x128xf32, #tpu.memory_space<vmem>>
    %dma_wait3A_277 = tpu.memref_squeeze %dma_wait3A_276 : memref<1x64x128xf32, #tpu.memory_space<vmem>> -> memref<64x128xf32, #tpu.memory_space<vmem>>
    %dma_wait3A_278 = arith.constant 192 : i32
    %dma_wait3A_279 = tpu.memref_slice %arg10[%dma_wait3A_278] : memref<512xi32, #tpu.memory_space<vmem>> -> memref<64xi32, #tpu.memory_space<vmem>>
    %dma_wait3A_280 = arith.constant 0 : i32
    %dma_wait3A_281 = arith.constant 0 : i32
    %dma_wait3A_282 = tpu.memref_slice %arg2[%dma_wait3A_280, %dma_wait3A_281] : memref<1000000x128xf32, #tpu.memory_space<hbm>> -> memref<1000000x128xf32, #tpu.memory_space<hbm>>
    tpu.wait_indirect_dma semaphore(%arg21 : memref<!tpu.dma_semaphore, #tpu.memory_space<semaphore_mem>>) src(%dma_wait3A_282 : memref<1000000x128xf32, #tpu.memory_space<hbm>>) dst(%dma_wait3A_277 : memref<64x128xf32, #tpu.memory_space<vmem>>)
    %dma_wait3A_283 = arith.constant 1 : i32
    %dma_wait3A_284 = arith.constant 0 : i32
    %dma_wait3A_285 = arith.constant 0 : i32
    %dma_wait3A_286 = tpu.memref_slice %arg12[%dma_wait3A_283, %dma_wait3A_284, %dma_wait3A_285] : memref<2x64x128xf32, #tpu.memory_space<vmem>> -> memref<1x64x128xf32, #tpu.memory_space<vmem>>
    %dma_wait3A_287 = tpu.memref_squeeze %dma_wait3A_286 : memref<1x64x128xf32, #tpu.memory_space<vmem>> -> memref<64x128xf32, #tpu.memory_space<vmem>>
    %dma_wait3A_288 = arith.constant 192 : i32
    %dma_wait3A_289 = tpu.memref_slice %arg9[%dma_wait3A_288] : memref<512xi32, #tpu.memory_space<vmem>> -> memref<64xi32, #tpu.memory_space<vmem>>
    %dma_wait3A_290 = arith.constant 0 : i32
    %dma_wait3A_291 = arith.constant 0 : i32
    %dma_wait3A_292 = tpu.memref_slice %arg15[%dma_wait3A_290, %dma_wait3A_291] : memref<1000x128xf32, #tpu.memory_space<vmem_shared>> -> memref<1000x128xf32, #tpu.memory_space<vmem_shared>>
    tpu.wait_indirect_dma semaphore(%arg20 : memref<!tpu.dma_semaphore, #tpu.memory_space<semaphore_mem>>) src(%dma_wait3A_292 : memref<1000x128xf32, #tpu.memory_space<vmem_shared>>) dst(%dma_wait3A_287 : memref<64x128xf32, #tpu.memory_space<vmem>>)
    %parallel_loop3A_293 = arith.constant 0 : i32
    %parallel_loop3A_294 = arith.constant 64 : i32
    %parallel_loop3A_295 = arith.constant 1 : i32
    scf.for %parallel_loop3A_520 = %parallel_loop3A_293 to %parallel_loop3A_294 step %parallel_loop3A_295  : i32 {
      %parallel_loop3A_521 = arith.constant 0.000000e+00 : f32
      %parallel_loop3A_522 = vector.broadcast %parallel_loop3A_521 : f32 to vector<16xf32>
      %parallel_loop3A_523 = arith.constant 1 : i32
      %parallel_loop3A_524 = arith.index_cast %parallel_loop3A_523 : i32 to index
      %parallel_loop3A_525 = arith.index_cast %parallel_loop3A_520 : i32 to index
      %parallel_loop3A_526 = arith.constant 0 : index
      %parallel_loop3A_527 = tpu.vector_load %arg11[%parallel_loop3A_524, %parallel_loop3A_525, %parallel_loop3A_526] {strides = array<i32>} : memref<2x64x128xf32, #tpu.memory_space<vmem>>, vector<1x1x16xf32>,
      %parallel_loop3A_528 = vector.shape_cast %parallel_loop3A_527 : vector<1x1x16xf32> to vector<16xf32>
      %parallel_loop3A_529 = arith.constant 1 : i32
      %parallel_loop3A_530 = arith.index_cast %parallel_loop3A_529 : i32 to index
      %parallel_loop3A_531 = arith.index_cast %parallel_loop3A_520 : i32 to index
      %parallel_loop3A_532 = arith.constant 0 : index
      %parallel_loop3A_533 = tpu.vector_load %arg12[%parallel_loop3A_530, %parallel_loop3A_531, %parallel_loop3A_532] {strides = array<i32>} : memref<2x64x128xf32, #tpu.memory_space<vmem>>, vector<1x1x16xf32>,
      %parallel_loop3A_534 = vector.shape_cast %parallel_loop3A_533 : vector<1x1x16xf32> to vector<16xf32>
      %parallel_loop3A_535 = arith.addf %parallel_loop3A_528, %parallel_loop3A_534 : vector<16xf32>
      %parallel_loop3A_536 = arith.constant 1 : i32
      %parallel_loop3A_537 = arith.index_cast %parallel_loop3A_536 : i32 to index
      %parallel_loop3A_538 = arith.index_cast %parallel_loop3A_520 : i32 to index
      %parallel_loop3A_539 = arith.constant 0 : index
      %parallel_loop3A_540 = tpu.vector_load %arg13[%parallel_loop3A_537, %parallel_loop3A_538, %parallel_loop3A_539] {strides = array<i32>} : memref<2x64x128xf32, #tpu.memory_space<vmem>>, vector<1x1x16xf32>,
      %parallel_loop3A_541 = vector.shape_cast %parallel_loop3A_540 : vector<1x1x16xf32> to vector<16xf32>
      %parallel_loop3A_542 = arith.subf %parallel_loop3A_535, %parallel_loop3A_541 : vector<16xf32>
      %parallel_loop3A_543 = arith.mulf %parallel_loop3A_542, %parallel_loop3A_542 : vector<16xf32>
      %parallel_loop3A_544 = arith.addf %parallel_loop3A_522, %parallel_loop3A_543 : vector<16xf32>
      %parallel_loop3A_545 = arith.constant 1 : i32
      %parallel_loop3A_546 = arith.index_cast %parallel_loop3A_545 : i32 to index
      %parallel_loop3A_547 = arith.index_cast %parallel_loop3A_520 : i32 to index
      %parallel_loop3A_548 = arith.constant 16 : index
      %parallel_loop3A_549 = tpu.vector_load %arg11[%parallel_loop3A_546, %parallel_loop3A_547, %parallel_loop3A_548] {strides = array<i32>} : memref<2x64x128xf32, #tpu.memory_space<vmem>>, vector<1x1x16xf32>,
      %parallel_loop3A_550 = vector.shape_cast %parallel_loop3A_549 : vector<1x1x16xf32> to vector<16xf32>
      %parallel_loop3A_551 = arith.constant 1 : i32
      %parallel_loop3A_552 = arith.index_cast %parallel_loop3A_551 : i32 to index
      %parallel_loop3A_553 = arith.index_cast %parallel_loop3A_520 : i32 to index
      %parallel_loop3A_554 = arith.constant 16 : index
      %parallel_loop3A_555 = tpu.vector_load %arg12[%parallel_loop3A_552, %parallel_loop3A_553, %parallel_loop3A_554] {strides = array<i32>} : memref<2x64x128xf32, #tpu.memory_space<vmem>>, vector<1x1x16xf32>,
      %parallel_loop3A_556 = vector.shape_cast %parallel_loop3A_555 : vector<1x1x16xf32> to vector<16xf32>
      %parallel_loop3A_557 = arith.addf %parallel_loop3A_550, %parallel_loop3A_556 : vector<16xf32>
      %parallel_loop3A_558 = arith.constant 1 : i32
      %parallel_loop3A_559 = arith.index_cast %parallel_loop3A_558 : i32 to index
      %parallel_loop3A_560 = arith.index_cast %parallel_loop3A_520 : i32 to index
      %parallel_loop3A_561 = arith.constant 16 : index
      %parallel_loop3A_562 = tpu.vector_load %arg13[%parallel_loop3A_559, %parallel_loop3A_560, %parallel_loop3A_561] {strides = array<i32>} : memref<2x64x128xf32, #tpu.memory_space<vmem>>, vector<1x1x16xf32>,
      %parallel_loop3A_563 = vector.shape_cast %parallel_loop3A_562 : vector<1x1x16xf32> to vector<16xf32>
      %parallel_loop3A_564 = arith.subf %parallel_loop3A_557, %parallel_loop3A_563 : vector<16xf32>
      %parallel_loop3A_565 = arith.mulf %parallel_loop3A_564, %parallel_loop3A_564 : vector<16xf32>
      %parallel_loop3A_566 = arith.addf %parallel_loop3A_544, %parallel_loop3A_565 : vector<16xf32>
      %parallel_loop3A_567 = arith.constant 1 : i32
      %parallel_loop3A_568 = arith.index_cast %parallel_loop3A_567 : i32 to index
      %parallel_loop3A_569 = arith.index_cast %parallel_loop3A_520 : i32 to index
      %parallel_loop3A_570 = arith.constant 32 : index
      %parallel_loop3A_571 = tpu.vector_load %arg11[%parallel_loop3A_568, %parallel_loop3A_569, %parallel_loop3A_570] {strides = array<i32>} : memref<2x64x128xf32, #tpu.memory_space<vmem>>, vector<1x1x16xf32>,
      %parallel_loop3A_572 = vector.shape_cast %parallel_loop3A_571 : vector<1x1x16xf32> to vector<16xf32>
      %parallel_loop3A_573 = arith.constant 1 : i32
      %parallel_loop3A_574 = arith.index_cast %parallel_loop3A_573 : i32 to index
      %parallel_loop3A_575 = arith.index_cast %parallel_loop3A_520 : i32 to index
      %parallel_loop3A_576 = arith.constant 32 : index
      %parallel_loop3A_577 = tpu.vector_load %arg12[%parallel_loop3A_574, %parallel_loop3A_575, %parallel_loop3A_576] {strides = array<i32>} : memref<2x64x128xf32, #tpu.memory_space<vmem>>, vector<1x1x16xf32>,
      %parallel_loop3A_578 = vector.shape_cast %parallel_loop3A_577 : vector<1x1x16xf32> to vector<16xf32>
      %parallel_loop3A_579 = arith.addf %parallel_loop3A_572, %parallel_loop3A_578 : vector<16xf32>
      %parallel_loop3A_580 = arith.constant 1 : i32
      %parallel_loop3A_581 = arith.index_cast %parallel_loop3A_580 : i32 to index
      %parallel_loop3A_582 = arith.index_cast %parallel_loop3A_520 : i32 to index
      %parallel_loop3A_583 = arith.constant 32 : index
      %parallel_loop3A_584 = tpu.vector_load %arg13[%parallel_loop3A_581, %parallel_loop3A_582, %parallel_loop3A_583] {strides = array<i32>} : memref<2x64x128xf32, #tpu.memory_space<vmem>>, vector<1x1x16xf32>,
      %parallel_loop3A_585 = vector.shape_cast %parallel_loop3A_584 : vector<1x1x16xf32> to vector<16xf32>
      %parallel_loop3A_586 = arith.subf %parallel_loop3A_579, %parallel_loop3A_585 : vector<16xf32>
      %parallel_loop3A_587 = arith.mulf %parallel_loop3A_586, %parallel_loop3A_586 : vector<16xf32>
      %parallel_loop3A_588 = arith.addf %parallel_loop3A_566, %parallel_loop3A_587 : vector<16xf32>
      %parallel_loop3A_589 = arith.constant 1 : i32
      %parallel_loop3A_590 = arith.index_cast %parallel_loop3A_589 : i32 to index
      %parallel_loop3A_591 = arith.index_cast %parallel_loop3A_520 : i32 to index
      %parallel_loop3A_592 = arith.constant 48 : index
      %parallel_loop3A_593 = tpu.vector_load %arg11[%parallel_loop3A_590, %parallel_loop3A_591, %parallel_loop3A_592] {strides = array<i32>} : memref<2x64x128xf32, #tpu.memory_space<vmem>>, vector<1x1x16xf32>,
      %parallel_loop3A_594 = vector.shape_cast %parallel_loop3A_593 : vector<1x1x16xf32> to vector<16xf32>
      %parallel_loop3A_595 = arith.constant 1 : i32
      %parallel_loop3A_596 = arith.index_cast %parallel_loop3A_595 : i32 to index
      %parallel_loop3A_597 = arith.index_cast %parallel_loop3A_520 : i32 to index
      %parallel_loop3A_598 = arith.constant 48 : index
      %parallel_loop3A_599 = tpu.vector_load %arg12[%parallel_loop3A_596, %parallel_loop3A_597, %parallel_loop3A_598] {strides = array<i32>} : memref<2x64x128xf32, #tpu.memory_space<vmem>>, vector<1x1x16xf32>,
      %parallel_loop3A_600 = vector.shape_cast %parallel_loop3A_599 : vector<1x1x16xf32> to vector<16xf32>
      %parallel_loop3A_601 = arith.addf %parallel_loop3A_594, %parallel_loop3A_600 : vector<16xf32>
      %parallel_loop3A_602 = arith.constant 1 : i32
      %parallel_loop3A_603 = arith.index_cast %parallel_loop3A_602 : i32 to index
      %parallel_loop3A_604 = arith.index_cast %parallel_loop3A_520 : i32 to index
      %parallel_loop3A_605 = arith.constant 48 : index
      %parallel_loop3A_606 = tpu.vector_load %arg13[%parallel_loop3A_603, %parallel_loop3A_604, %parallel_loop3A_605] {strides = array<i32>} : memref<2x64x128xf32, #tpu.memory_space<vmem>>, vector<1x1x16xf32>,
      %parallel_loop3A_607 = vector.shape_cast %parallel_loop3A_606 : vector<1x1x16xf32> to vector<16xf32>
      %parallel_loop3A_608 = arith.subf %parallel_loop3A_601, %parallel_loop3A_607 : vector<16xf32>
      %parallel_loop3A_609 = arith.mulf %parallel_loop3A_608, %parallel_loop3A_608 : vector<16xf32>
      %parallel_loop3A_610 = arith.addf %parallel_loop3A_588, %parallel_loop3A_609 : vector<16xf32>
      %parallel_loop3A_611 = arith.constant 1 : i32
      %parallel_loop3A_612 = arith.index_cast %parallel_loop3A_611 : i32 to index
      %parallel_loop3A_613 = arith.index_cast %parallel_loop3A_520 : i32 to index
      %parallel_loop3A_614 = arith.constant 64 : index
      %parallel_loop3A_615 = tpu.vector_load %arg11[%parallel_loop3A_612, %parallel_loop3A_613, %parallel_loop3A_614] {strides = array<i32>} : memref<2x64x128xf32, #tpu.memory_space<vmem>>, vector<1x1x16xf32>,
      %parallel_loop3A_616 = vector.shape_cast %parallel_loop3A_615 : vector<1x1x16xf32> to vector<16xf32>
      %parallel_loop3A_617 = arith.constant 1 : i32
      %parallel_loop3A_618 = arith.index_cast %parallel_loop3A_617 : i32 to index
      %parallel_loop3A_619 = arith.index_cast %parallel_loop3A_520 : i32 to index
      %parallel_loop3A_620 = arith.constant 64 : index
      %parallel_loop3A_621 = tpu.vector_load %arg12[%parallel_loop3A_618, %parallel_loop3A_619, %parallel_loop3A_620] {strides = array<i32>} : memref<2x64x128xf32, #tpu.memory_space<vmem>>, vector<1x1x16xf32>,
      %parallel_loop3A_622 = vector.shape_cast %parallel_loop3A_621 : vector<1x1x16xf32> to vector<16xf32>
      %parallel_loop3A_623 = arith.addf %parallel_loop3A_616, %parallel_loop3A_622 : vector<16xf32>
      %parallel_loop3A_624 = arith.constant 1 : i32
      %parallel_loop3A_625 = arith.index_cast %parallel_loop3A_624 : i32 to index
      %parallel_loop3A_626 = arith.index_cast %parallel_loop3A_520 : i32 to index
      %parallel_loop3A_627 = arith.constant 64 : index
      %parallel_loop3A_628 = tpu.vector_load %arg13[%parallel_loop3A_625, %parallel_loop3A_626, %parallel_loop3A_627] {strides = array<i32>} : memref<2x64x128xf32, #tpu.memory_space<vmem>>, vector<1x1x16xf32>,
      %parallel_loop3A_629 = vector.shape_cast %parallel_loop3A_628 : vector<1x1x16xf32> to vector<16xf32>
      %parallel_loop3A_630 = arith.subf %parallel_loop3A_623, %parallel_loop3A_629 : vector<16xf32>
      %parallel_loop3A_631 = arith.mulf %parallel_loop3A_630, %parallel_loop3A_630 : vector<16xf32>
      %parallel_loop3A_632 = arith.addf %parallel_loop3A_610, %parallel_loop3A_631 : vector<16xf32>
      %parallel_loop3A_633 = arith.constant 1 : i32
      %parallel_loop3A_634 = arith.index_cast %parallel_loop3A_633 : i32 to index
      %parallel_loop3A_635 = arith.index_cast %parallel_loop3A_520 : i32 to index
      %parallel_loop3A_636 = arith.constant 80 : index
      %parallel_loop3A_637 = tpu.vector_load %arg11[%parallel_loop3A_634, %parallel_loop3A_635, %parallel_loop3A_636] {strides = array<i32>} : memref<2x64x128xf32, #tpu.memory_space<vmem>>, vector<1x1x16xf32>,
      %parallel_loop3A_638 = vector.shape_cast %parallel_loop3A_637 : vector<1x1x16xf32> to vector<16xf32>
      %parallel_loop3A_639 = arith.constant 1 : i32
      %parallel_loop3A_640 = arith.index_cast %parallel_loop3A_639 : i32 to index
      %parallel_loop3A_641 = arith.index_cast %parallel_loop3A_520 : i32 to index
      %parallel_loop3A_642 = arith.constant 80 : index
      %parallel_loop3A_643 = tpu.vector_load %arg12[%parallel_loop3A_640, %parallel_loop3A_641, %parallel_loop3A_642] {strides = array<i32>} : memref<2x64x128xf32, #tpu.memory_space<vmem>>, vector<1x1x16xf32>,
      %parallel_loop3A_644 = vector.shape_cast %parallel_loop3A_643 : vector<1x1x16xf32> to vector<16xf32>
      %parallel_loop3A_645 = arith.addf %parallel_loop3A_638, %parallel_loop3A_644 : vector<16xf32>
      %parallel_loop3A_646 = arith.constant 1 : i32
      %parallel_loop3A_647 = arith.index_cast %parallel_loop3A_646 : i32 to index
      %parallel_loop3A_648 = arith.index_cast %parallel_loop3A_520 : i32 to index
      %parallel_loop3A_649 = arith.constant 80 : index
      %parallel_loop3A_650 = tpu.vector_load %arg13[%parallel_loop3A_647, %parallel_loop3A_648, %parallel_loop3A_649] {strides = array<i32>} : memref<2x64x128xf32, #tpu.memory_space<vmem>>, vector<1x1x16xf32>,
      %parallel_loop3A_651 = vector.shape_cast %parallel_loop3A_650 : vector<1x1x16xf32> to vector<16xf32>
      %parallel_loop3A_652 = arith.subf %parallel_loop3A_645, %parallel_loop3A_651 : vector<16xf32>
      %parallel_loop3A_653 = arith.mulf %parallel_loop3A_652, %parallel_loop3A_652 : vector<16xf32>
      %parallel_loop3A_654 = arith.addf %parallel_loop3A_632, %parallel_loop3A_653 : vector<16xf32>
      %parallel_loop3A_655 = arith.constant 1 : i32
      %parallel_loop3A_656 = arith.index_cast %parallel_loop3A_655 : i32 to index
      %parallel_loop3A_657 = arith.index_cast %parallel_loop3A_520 : i32 to index
      %parallel_loop3A_658 = arith.constant 96 : index
      %parallel_loop3A_659 = tpu.vector_load %arg11[%parallel_loop3A_656, %parallel_loop3A_657, %parallel_loop3A_658] {strides = array<i32>} : memref<2x64x128xf32, #tpu.memory_space<vmem>>, vector<1x1x16xf32>,
      %parallel_loop3A_660 = vector.shape_cast %parallel_loop3A_659 : vector<1x1x16xf32> to vector<16xf32>
      %parallel_loop3A_661 = arith.constant 1 : i32
      %parallel_loop3A_662 = arith.index_cast %parallel_loop3A_661 : i32 to index
      %parallel_loop3A_663 = arith.index_cast %parallel_loop3A_520 : i32 to index
      %parallel_loop3A_664 = arith.constant 96 : index
      %parallel_loop3A_665 = tpu.vector_load %arg12[%parallel_loop3A_662, %parallel_loop3A_663, %parallel_loop3A_664] {strides = array<i32>} : memref<2x64x128xf32, #tpu.memory_space<vmem>>, vector<1x1x16xf32>,
      %parallel_loop3A_666 = vector.shape_cast %parallel_loop3A_665 : vector<1x1x16xf32> to vector<16xf32>
      %parallel_loop3A_667 = arith.addf %parallel_loop3A_660, %parallel_loop3A_666 : vector<16xf32>
      %parallel_loop3A_668 = arith.constant 1 : i32
      %parallel_loop3A_669 = arith.index_cast %parallel_loop3A_668 : i32 to index
      %parallel_loop3A_670 = arith.index_cast %parallel_loop3A_520 : i32 to index
      %parallel_loop3A_671 = arith.constant 96 : index
      %parallel_loop3A_672 = tpu.vector_load %arg13[%parallel_loop3A_669, %parallel_loop3A_670, %parallel_loop3A_671] {strides = array<i32>} : memref<2x64x128xf32, #tpu.memory_space<vmem>>, vector<1x1x16xf32>,
      %parallel_loop3A_673 = vector.shape_cast %parallel_loop3A_672 : vector<1x1x16xf32> to vector<16xf32>
      %parallel_loop3A_674 = arith.subf %parallel_loop3A_667, %parallel_loop3A_673 : vector<16xf32>
      %parallel_loop3A_675 = arith.mulf %parallel_loop3A_674, %parallel_loop3A_674 : vector<16xf32>
      %parallel_loop3A_676 = arith.addf %parallel_loop3A_654, %parallel_loop3A_675 : vector<16xf32>
      %parallel_loop3A_677 = arith.constant 1 : i32
      %parallel_loop3A_678 = arith.index_cast %parallel_loop3A_677 : i32 to index
      %parallel_loop3A_679 = arith.index_cast %parallel_loop3A_520 : i32 to index
      %parallel_loop3A_680 = arith.constant 112 : index
      %parallel_loop3A_681 = tpu.vector_load %arg11[%parallel_loop3A_678, %parallel_loop3A_679, %parallel_loop3A_680] {strides = array<i32>} : memref<2x64x128xf32, #tpu.memory_space<vmem>>, vector<1x1x16xf32>,
      %parallel_loop3A_682 = vector.shape_cast %parallel_loop3A_681 : vector<1x1x16xf32> to vector<16xf32>
      %parallel_loop3A_683 = arith.constant 1 : i32
      %parallel_loop3A_684 = arith.index_cast %parallel_loop3A_683 : i32 to index
      %parallel_loop3A_685 = arith.index_cast %parallel_loop3A_520 : i32 to index
      %parallel_loop3A_686 = arith.constant 112 : index
      %parallel_loop3A_687 = tpu.vector_load %arg12[%parallel_loop3A_684, %parallel_loop3A_685, %parallel_loop3A_686] {strides = array<i32>} : memref<2x64x128xf32, #tpu.memory_space<vmem>>, vector<1x1x16xf32>,
      %parallel_loop3A_688 = vector.shape_cast %parallel_loop3A_687 : vector<1x1x16xf32> to vector<16xf32>
      %parallel_loop3A_689 = arith.addf %parallel_loop3A_682, %parallel_loop3A_688 : vector<16xf32>
      %parallel_loop3A_690 = arith.constant 1 : i32
      %parallel_loop3A_691 = arith.index_cast %parallel_loop3A_690 : i32 to index
      %parallel_loop3A_692 = arith.index_cast %parallel_loop3A_520 : i32 to index
      %parallel_loop3A_693 = arith.constant 112 : index
      %parallel_loop3A_694 = tpu.vector_load %arg13[%parallel_loop3A_691, %parallel_loop3A_692, %parallel_loop3A_693] {strides = array<i32>} : memref<2x64x128xf32, #tpu.memory_space<vmem>>, vector<1x1x16xf32>,
      %parallel_loop3A_695 = vector.shape_cast %parallel_loop3A_694 : vector<1x1x16xf32> to vector<16xf32>
      %parallel_loop3A_696 = arith.subf %parallel_loop3A_689, %parallel_loop3A_695 : vector<16xf32>
      %parallel_loop3A_697 = arith.mulf %parallel_loop3A_696, %parallel_loop3A_696 : vector<16xf32>
      %parallel_loop3A_698 = arith.addf %parallel_loop3A_676, %parallel_loop3A_697 : vector<16xf32>
      %parallel_loop3A_699 = arith.constant 192 : i32
      %parallel_loop3A_700 = arith.addi %parallel_loop3A_699, %parallel_loop3A_520 : i32
      %parallel_loop3A_701 = arith.constant 3 : i32
      %parallel_loop3A_702 = arith.shrsi %parallel_loop3A_700, %parallel_loop3A_701 : i32
      %parallel_loop3A_703 = arith.constant 7 : i32
      %parallel_loop3A_704 = arith.andi %parallel_loop3A_700, %parallel_loop3A_703 : i32
      %parallel_loop3A_705 = arith.constant 16 : i32
      %parallel_loop3A_706 = arith.muli %parallel_loop3A_704, %parallel_loop3A_705 : i32
      %parallel_loop3A_707 = arith.index_cast %parallel_loop3A_702 : i32 to index
      %parallel_loop3A_708 = arith.index_cast %parallel_loop3A_706 : i32 to index
      %parallel_loop3A_709 = tpu.vector_load %arg14[%parallel_loop3A_707, %parallel_loop3A_708] {strides = array<i32>} : memref<64x128xf32, #tpu.memory_space<vmem>>, vector<1x16xf32>,
      %parallel_loop3A_710 = vector.shape_cast %parallel_loop3A_709 : vector<1x16xf32> to vector<16xf32>
      %parallel_loop3A_711 = vector.shape_cast %parallel_loop3A_698 : vector<16xf32> to vector<1x16xf32>
      tpu.vector_store %arg14[%parallel_loop3A_707, %parallel_loop3A_708], %parallel_loop3A_711 {strides = array<i32>} : memref<64x128xf32, #tpu.memory_space<vmem>>, vector<1x16xf32>,
    } {sc.loop_unroll_factor = 4 : i64, sc.parallel_access}
    %dma_start3A_296 = arith.constant 1 : i32
    %dma_start3A_297 = arith.constant 0 : i32
    %dma_start3A_298 = arith.constant 0 : i32
    %dma_start3A_299 = tpu.memref_slice %arg11[%dma_start3A_296, %dma_start3A_297, %dma_start3A_298] : memref<2x64x128xf32, #tpu.memory_space<vmem>> -> memref<1x64x128xf32, #tpu.memory_space<vmem>>
    %dma_start3A_300 = tpu.memref_squeeze %dma_start3A_299 : memref<1x64x128xf32, #tpu.memory_space<vmem>> -> memref<64x128xf32, #tpu.memory_space<vmem>>
    %dma_start3A_301 = arith.constant 320 : i32
    %dma_start3A_302 = tpu.memref_slice %arg8[%dma_start3A_301] : memref<512xi32, #tpu.memory_space<vmem>> -> memref<64xi32, #tpu.memory_space<vmem>>
    %dma_start3A_303 = arith.constant 0 : i32
    %dma_start3A_304 = arith.constant 0 : i32
    %dma_start3A_305 = tpu.memref_slice %arg2[%dma_start3A_303, %dma_start3A_304] : memref<1000000x128xf32, #tpu.memory_space<hbm>> -> memref<1000000x128xf32, #tpu.memory_space<hbm>>
    tpu.enqueue_indirect_dma source(%dma_start3A_305 : memref<1000000x128xf32, #tpu.memory_space<hbm>>) target(%dma_start3A_300 : memref<64x128xf32, #tpu.memory_space<vmem>>) offsets(%dma_start3A_302 : memref<64xi32, #tpu.memory_space<vmem>>) semaphore(%arg19 : memref<!tpu.dma_semaphore, #tpu.memory_space<semaphore_mem>>)
    %dma_start3A_306 = arith.constant 1 : i32
    %dma_start3A_307 = arith.constant 0 : i32
    %dma_start3A_308 = arith.constant 0 : i32
    %dma_start3A_309 = tpu.memref_slice %arg13[%dma_start3A_306, %dma_start3A_307, %dma_start3A_308] : memref<2x64x128xf32, #tpu.memory_space<vmem>> -> memref<1x64x128xf32, #tpu.memory_space<vmem>>
    %dma_start3A_310 = tpu.memref_squeeze %dma_start3A_309 : memref<1x64x128xf32, #tpu.memory_space<vmem>> -> memref<64x128xf32, #tpu.memory_space<vmem>>
    %dma_start3A_311 = arith.constant 320 : i32
    %dma_start3A_312 = tpu.memref_slice %arg10[%dma_start3A_311] : memref<512xi32, #tpu.memory_space<vmem>> -> memref<64xi32, #tpu.memory_space<vmem>>
    %dma_start3A_313 = arith.constant 0 : i32
    %dma_start3A_314 = arith.constant 0 : i32
    %dma_start3A_315 = tpu.memref_slice %arg2[%dma_start3A_313, %dma_start3A_314] : memref<1000000x128xf32, #tpu.memory_space<hbm>> -> memref<1000000x128xf32, #tpu.memory_space<hbm>>
    tpu.enqueue_indirect_dma source(%dma_start3A_315 : memref<1000000x128xf32, #tpu.memory_space<hbm>>) target(%dma_start3A_310 : memref<64x128xf32, #tpu.memory_space<vmem>>) offsets(%dma_start3A_312 : memref<64xi32, #tpu.memory_space<vmem>>) semaphore(%arg21 : memref<!tpu.dma_semaphore, #tpu.memory_space<semaphore_mem>>)
    %dma_start3A_316 = arith.constant 1 : i32
    %dma_start3A_317 = arith.constant 0 : i32
    %dma_start3A_318 = arith.constant 0 : i32
    %dma_start3A_319 = tpu.memref_slice %arg12[%dma_start3A_316, %dma_start3A_317, %dma_start3A_318] : memref<2x64x128xf32, #tpu.memory_space<vmem>> -> memref<1x64x128xf32, #tpu.memory_space<vmem>>
    %dma_start3A_320 = tpu.memref_squeeze %dma_start3A_319 : memref<1x64x128xf32, #tpu.memory_space<vmem>> -> memref<64x128xf32, #tpu.memory_space<vmem>>
    %dma_start3A_321 = arith.constant 320 : i32
    %dma_start3A_322 = tpu.memref_slice %arg9[%dma_start3A_321] : memref<512xi32, #tpu.memory_space<vmem>> -> memref<64xi32, #tpu.memory_space<vmem>>
    %dma_start3A_323 = arith.constant 0 : i32
    %dma_start3A_324 = arith.constant 0 : i32
    %dma_start3A_325 = tpu.memref_slice %arg15[%dma_start3A_323, %dma_start3A_324] : memref<1000x128xf32, #tpu.memory_space<vmem_shared>> -> memref<1000x128xf32, #tpu.memory_space<vmem_shared>>
    tpu.enqueue_indirect_dma source(%dma_start3A_325 : memref<1000x128xf32, #tpu.memory_space<vmem_shared>>) target(%dma_start3A_320 : memref<64x128xf32, #tpu.memory_space<vmem>>) offsets(%dma_start3A_322 : memref<64xi32, #tpu.memory_space<vmem>>) semaphore(%arg20 : memref<!tpu.dma_semaphore, #tpu.memory_space<semaphore_mem>>)
    %dma_wait3A_326 = arith.constant 0 : i32
    %dma_wait3A_327 = arith.constant 0 : i32
    %dma_wait3A_328 = arith.constant 0 : i32
    %dma_wait3A_329 = tpu.memref_slice %arg11[%dma_wait3A_326, %dma_wait3A_327, %dma_wait3A_328] : memref<2x64x128xf32, #tpu.memory_space<vmem>> -> memref<1x64x128xf32, #tpu.memory_space<vmem>>
    %dma_wait3A_330 = tpu.memref_squeeze %dma_wait3A_329 : memref<1x64x128xf32, #tpu.memory_space<vmem>> -> memref<64x128xf32, #tpu.memory_space<vmem>>
    %dma_wait3A_331 = arith.constant 256 : i32
    %dma_wait3A_332 = tpu.memref_slice %arg8[%dma_wait3A_331] : memref<512xi32, #tpu.memory_space<vmem>> -> memref<64xi32, #tpu.memory_space<vmem>>
    %dma_wait3A_333 = arith.constant 0 : i32
    %dma_wait3A_334 = arith.constant 0 : i32
    %dma_wait3A_335 = tpu.memref_slice %arg2[%dma_wait3A_333, %dma_wait3A_334] : memref<1000000x128xf32, #tpu.memory_space<hbm>> -> memref<1000000x128xf32, #tpu.memory_space<hbm>>
    tpu.wait_indirect_dma semaphore(%arg16 : memref<!tpu.dma_semaphore, #tpu.memory_space<semaphore_mem>>) src(%dma_wait3A_335 : memref<1000000x128xf32, #tpu.memory_space<hbm>>) dst(%dma_wait3A_330 : memref<64x128xf32, #tpu.memory_space<vmem>>)
    %dma_wait3A_336 = arith.constant 0 : i32
    %dma_wait3A_337 = arith.constant 0 : i32
    %dma_wait3A_338 = arith.constant 0 : i32
    %dma_wait3A_339 = tpu.memref_slice %arg13[%dma_wait3A_336, %dma_wait3A_337, %dma_wait3A_338] : memref<2x64x128xf32, #tpu.memory_space<vmem>> -> memref<1x64x128xf32, #tpu.memory_space<vmem>>
    %dma_wait3A_340 = tpu.memref_squeeze %dma_wait3A_339 : memref<1x64x128xf32, #tpu.memory_space<vmem>> -> memref<64x128xf32, #tpu.memory_space<vmem>>
    %dma_wait3A_341 = arith.constant 256 : i32
    %dma_wait3A_342 = tpu.memref_slice %arg10[%dma_wait3A_341] : memref<512xi32, #tpu.memory_space<vmem>> -> memref<64xi32, #tpu.memory_space<vmem>>
    %dma_wait3A_343 = arith.constant 0 : i32
    %dma_wait3A_344 = arith.constant 0 : i32
    %dma_wait3A_345 = tpu.memref_slice %arg2[%dma_wait3A_343, %dma_wait3A_344] : memref<1000000x128xf32, #tpu.memory_space<hbm>> -> memref<1000000x128xf32, #tpu.memory_space<hbm>>
    tpu.wait_indirect_dma semaphore(%arg18 : memref<!tpu.dma_semaphore, #tpu.memory_space<semaphore_mem>>) src(%dma_wait3A_345 : memref<1000000x128xf32, #tpu.memory_space<hbm>>) dst(%dma_wait3A_340 : memref<64x128xf32, #tpu.memory_space<vmem>>)
    %dma_wait3A_346 = arith.constant 0 : i32
    %dma_wait3A_347 = arith.constant 0 : i32
    %dma_wait3A_348 = arith.constant 0 : i32
    %dma_wait3A_349 = tpu.memref_slice %arg12[%dma_wait3A_346, %dma_wait3A_347, %dma_wait3A_348] : memref<2x64x128xf32, #tpu.memory_space<vmem>> -> memref<1x64x128xf32, #tpu.memory_space<vmem>>
    %dma_wait3A_350 = tpu.memref_squeeze %dma_wait3A_349 : memref<1x64x128xf32, #tpu.memory_space<vmem>> -> memref<64x128xf32, #tpu.memory_space<vmem>>
    %dma_wait3A_351 = arith.constant 256 : i32
    %dma_wait3A_352 = tpu.memref_slice %arg9[%dma_wait3A_351] : memref<512xi32, #tpu.memory_space<vmem>> -> memref<64xi32, #tpu.memory_space<vmem>>
    %dma_wait3A_353 = arith.constant 0 : i32
    %dma_wait3A_354 = arith.constant 0 : i32
    %dma_wait3A_355 = tpu.memref_slice %arg15[%dma_wait3A_353, %dma_wait3A_354] : memref<1000x128xf32, #tpu.memory_space<vmem_shared>> -> memref<1000x128xf32, #tpu.memory_space<vmem_shared>>
    tpu.wait_indirect_dma semaphore(%arg17 : memref<!tpu.dma_semaphore, #tpu.memory_space<semaphore_mem>>) src(%dma_wait3A_355 : memref<1000x128xf32, #tpu.memory_space<vmem_shared>>) dst(%dma_wait3A_350 : memref<64x128xf32, #tpu.memory_space<vmem>>)
    %parallel_loop3A_356 = arith.constant 0 : i32
    %parallel_loop3A_357 = arith.constant 64 : i32
    %parallel_loop3A_358 = arith.constant 1 : i32
    scf.for %parallel_loop3A_520 = %parallel_loop3A_356 to %parallel_loop3A_357 step %parallel_loop3A_358  : i32 {
      %parallel_loop3A_521 = arith.constant 0.000000e+00 : f32
      %parallel_loop3A_522 = vector.broadcast %parallel_loop3A_521 : f32 to vector<16xf32>
      %parallel_loop3A_523 = arith.constant 0 : i32
      %parallel_loop3A_524 = arith.index_cast %parallel_loop3A_523 : i32 to index
      %parallel_loop3A_525 = arith.index_cast %parallel_loop3A_520 : i32 to index
      %parallel_loop3A_526 = arith.constant 0 : index
      %parallel_loop3A_527 = tpu.vector_load %arg11[%parallel_loop3A_524, %parallel_loop3A_525, %parallel_loop3A_526] {strides = array<i32>} : memref<2x64x128xf32, #tpu.memory_space<vmem>>, vector<1x1x16xf32>,
      %parallel_loop3A_528 = vector.shape_cast %parallel_loop3A_527 : vector<1x1x16xf32> to vector<16xf32>
      %parallel_loop3A_529 = arith.constant 0 : i32
      %parallel_loop3A_530 = arith.index_cast %parallel_loop3A_529 : i32 to index
      %parallel_loop3A_531 = arith.index_cast %parallel_loop3A_520 : i32 to index
      %parallel_loop3A_532 = arith.constant 0 : index
      %parallel_loop3A_533 = tpu.vector_load %arg12[%parallel_loop3A_530, %parallel_loop3A_531, %parallel_loop3A_532] {strides = array<i32>} : memref<2x64x128xf32, #tpu.memory_space<vmem>>, vector<1x1x16xf32>,
      %parallel_loop3A_534 = vector.shape_cast %parallel_loop3A_533 : vector<1x1x16xf32> to vector<16xf32>
      %parallel_loop3A_535 = arith.addf %parallel_loop3A_528, %parallel_loop3A_534 : vector<16xf32>
      %parallel_loop3A_536 = arith.constant 0 : i32
      %parallel_loop3A_537 = arith.index_cast %parallel_loop3A_536 : i32 to index
      %parallel_loop3A_538 = arith.index_cast %parallel_loop3A_520 : i32 to index
      %parallel_loop3A_539 = arith.constant 0 : index
      %parallel_loop3A_540 = tpu.vector_load %arg13[%parallel_loop3A_537, %parallel_loop3A_538, %parallel_loop3A_539] {strides = array<i32>} : memref<2x64x128xf32, #tpu.memory_space<vmem>>, vector<1x1x16xf32>,
      %parallel_loop3A_541 = vector.shape_cast %parallel_loop3A_540 : vector<1x1x16xf32> to vector<16xf32>
      %parallel_loop3A_542 = arith.subf %parallel_loop3A_535, %parallel_loop3A_541 : vector<16xf32>
      %parallel_loop3A_543 = arith.mulf %parallel_loop3A_542, %parallel_loop3A_542 : vector<16xf32>
      %parallel_loop3A_544 = arith.addf %parallel_loop3A_522, %parallel_loop3A_543 : vector<16xf32>
      %parallel_loop3A_545 = arith.constant 0 : i32
      %parallel_loop3A_546 = arith.index_cast %parallel_loop3A_545 : i32 to index
      %parallel_loop3A_547 = arith.index_cast %parallel_loop3A_520 : i32 to index
      %parallel_loop3A_548 = arith.constant 16 : index
      %parallel_loop3A_549 = tpu.vector_load %arg11[%parallel_loop3A_546, %parallel_loop3A_547, %parallel_loop3A_548] {strides = array<i32>} : memref<2x64x128xf32, #tpu.memory_space<vmem>>, vector<1x1x16xf32>,
      %parallel_loop3A_550 = vector.shape_cast %parallel_loop3A_549 : vector<1x1x16xf32> to vector<16xf32>
      %parallel_loop3A_551 = arith.constant 0 : i32
      %parallel_loop3A_552 = arith.index_cast %parallel_loop3A_551 : i32 to index
      %parallel_loop3A_553 = arith.index_cast %parallel_loop3A_520 : i32 to index
      %parallel_loop3A_554 = arith.constant 16 : index
      %parallel_loop3A_555 = tpu.vector_load %arg12[%parallel_loop3A_552, %parallel_loop3A_553, %parallel_loop3A_554] {strides = array<i32>} : memref<2x64x128xf32, #tpu.memory_space<vmem>>, vector<1x1x16xf32>,
      %parallel_loop3A_556 = vector.shape_cast %parallel_loop3A_555 : vector<1x1x16xf32> to vector<16xf32>
      %parallel_loop3A_557 = arith.addf %parallel_loop3A_550, %parallel_loop3A_556 : vector<16xf32>
      %parallel_loop3A_558 = arith.constant 0 : i32
      %parallel_loop3A_559 = arith.index_cast %parallel_loop3A_558 : i32 to index
      %parallel_loop3A_560 = arith.index_cast %parallel_loop3A_520 : i32 to index
      %parallel_loop3A_561 = arith.constant 16 : index
      %parallel_loop3A_562 = tpu.vector_load %arg13[%parallel_loop3A_559, %parallel_loop3A_560, %parallel_loop3A_561] {strides = array<i32>} : memref<2x64x128xf32, #tpu.memory_space<vmem>>, vector<1x1x16xf32>,
      %parallel_loop3A_563 = vector.shape_cast %parallel_loop3A_562 : vector<1x1x16xf32> to vector<16xf32>
      %parallel_loop3A_564 = arith.subf %parallel_loop3A_557, %parallel_loop3A_563 : vector<16xf32>
      %parallel_loop3A_565 = arith.mulf %parallel_loop3A_564, %parallel_loop3A_564 : vector<16xf32>
      %parallel_loop3A_566 = arith.addf %parallel_loop3A_544, %parallel_loop3A_565 : vector<16xf32>
      %parallel_loop3A_567 = arith.constant 0 : i32
      %parallel_loop3A_568 = arith.index_cast %parallel_loop3A_567 : i32 to index
      %parallel_loop3A_569 = arith.index_cast %parallel_loop3A_520 : i32 to index
      %parallel_loop3A_570 = arith.constant 32 : index
      %parallel_loop3A_571 = tpu.vector_load %arg11[%parallel_loop3A_568, %parallel_loop3A_569, %parallel_loop3A_570] {strides = array<i32>} : memref<2x64x128xf32, #tpu.memory_space<vmem>>, vector<1x1x16xf32>,
      %parallel_loop3A_572 = vector.shape_cast %parallel_loop3A_571 : vector<1x1x16xf32> to vector<16xf32>
      %parallel_loop3A_573 = arith.constant 0 : i32
      %parallel_loop3A_574 = arith.index_cast %parallel_loop3A_573 : i32 to index
      %parallel_loop3A_575 = arith.index_cast %parallel_loop3A_520 : i32 to index
      %parallel_loop3A_576 = arith.constant 32 : index
      %parallel_loop3A_577 = tpu.vector_load %arg12[%parallel_loop3A_574, %parallel_loop3A_575, %parallel_loop3A_576] {strides = array<i32>} : memref<2x64x128xf32, #tpu.memory_space<vmem>>, vector<1x1x16xf32>,
      %parallel_loop3A_578 = vector.shape_cast %parallel_loop3A_577 : vector<1x1x16xf32> to vector<16xf32>
      %parallel_loop3A_579 = arith.addf %parallel_loop3A_572, %parallel_loop3A_578 : vector<16xf32>
      %parallel_loop3A_580 = arith.constant 0 : i32
      %parallel_loop3A_581 = arith.index_cast %parallel_loop3A_580 : i32 to index
      %parallel_loop3A_582 = arith.index_cast %parallel_loop3A_520 : i32 to index
      %parallel_loop3A_583 = arith.constant 32 : index
      %parallel_loop3A_584 = tpu.vector_load %arg13[%parallel_loop3A_581, %parallel_loop3A_582, %parallel_loop3A_583] {strides = array<i32>} : memref<2x64x128xf32, #tpu.memory_space<vmem>>, vector<1x1x16xf32>,
      %parallel_loop3A_585 = vector.shape_cast %parallel_loop3A_584 : vector<1x1x16xf32> to vector<16xf32>
      %parallel_loop3A_586 = arith.subf %parallel_loop3A_579, %parallel_loop3A_585 : vector<16xf32>
      %parallel_loop3A_587 = arith.mulf %parallel_loop3A_586, %parallel_loop3A_586 : vector<16xf32>
      %parallel_loop3A_588 = arith.addf %parallel_loop3A_566, %parallel_loop3A_587 : vector<16xf32>
      %parallel_loop3A_589 = arith.constant 0 : i32
      %parallel_loop3A_590 = arith.index_cast %parallel_loop3A_589 : i32 to index
      %parallel_loop3A_591 = arith.index_cast %parallel_loop3A_520 : i32 to index
      %parallel_loop3A_592 = arith.constant 48 : index
      %parallel_loop3A_593 = tpu.vector_load %arg11[%parallel_loop3A_590, %parallel_loop3A_591, %parallel_loop3A_592] {strides = array<i32>} : memref<2x64x128xf32, #tpu.memory_space<vmem>>, vector<1x1x16xf32>,
      %parallel_loop3A_594 = vector.shape_cast %parallel_loop3A_593 : vector<1x1x16xf32> to vector<16xf32>
      %parallel_loop3A_595 = arith.constant 0 : i32
      %parallel_loop3A_596 = arith.index_cast %parallel_loop3A_595 : i32 to index
      %parallel_loop3A_597 = arith.index_cast %parallel_loop3A_520 : i32 to index
      %parallel_loop3A_598 = arith.constant 48 : index
      %parallel_loop3A_599 = tpu.vector_load %arg12[%parallel_loop3A_596, %parallel_loop3A_597, %parallel_loop3A_598] {strides = array<i32>} : memref<2x64x128xf32, #tpu.memory_space<vmem>>, vector<1x1x16xf32>,
      %parallel_loop3A_600 = vector.shape_cast %parallel_loop3A_599 : vector<1x1x16xf32> to vector<16xf32>
      %parallel_loop3A_601 = arith.addf %parallel_loop3A_594, %parallel_loop3A_600 : vector<16xf32>
      %parallel_loop3A_602 = arith.constant 0 : i32
      %parallel_loop3A_603 = arith.index_cast %parallel_loop3A_602 : i32 to index
      %parallel_loop3A_604 = arith.index_cast %parallel_loop3A_520 : i32 to index
      %parallel_loop3A_605 = arith.constant 48 : index
      %parallel_loop3A_606 = tpu.vector_load %arg13[%parallel_loop3A_603, %parallel_loop3A_604, %parallel_loop3A_605] {strides = array<i32>} : memref<2x64x128xf32, #tpu.memory_space<vmem>>, vector<1x1x16xf32>,
      %parallel_loop3A_607 = vector.shape_cast %parallel_loop3A_606 : vector<1x1x16xf32> to vector<16xf32>
      %parallel_loop3A_608 = arith.subf %parallel_loop3A_601, %parallel_loop3A_607 : vector<16xf32>
      %parallel_loop3A_609 = arith.mulf %parallel_loop3A_608, %parallel_loop3A_608 : vector<16xf32>
      %parallel_loop3A_610 = arith.addf %parallel_loop3A_588, %parallel_loop3A_609 : vector<16xf32>
      %parallel_loop3A_611 = arith.constant 0 : i32
      %parallel_loop3A_612 = arith.index_cast %parallel_loop3A_611 : i32 to index
      %parallel_loop3A_613 = arith.index_cast %parallel_loop3A_520 : i32 to index
      %parallel_loop3A_614 = arith.constant 64 : index
      %parallel_loop3A_615 = tpu.vector_load %arg11[%parallel_loop3A_612, %parallel_loop3A_613, %parallel_loop3A_614] {strides = array<i32>} : memref<2x64x128xf32, #tpu.memory_space<vmem>>, vector<1x1x16xf32>,
      %parallel_loop3A_616 = vector.shape_cast %parallel_loop3A_615 : vector<1x1x16xf32> to vector<16xf32>
      %parallel_loop3A_617 = arith.constant 0 : i32
      %parallel_loop3A_618 = arith.index_cast %parallel_loop3A_617 : i32 to index
      %parallel_loop3A_619 = arith.index_cast %parallel_loop3A_520 : i32 to index
      %parallel_loop3A_620 = arith.constant 64 : index
      %parallel_loop3A_621 = tpu.vector_load %arg12[%parallel_loop3A_618, %parallel_loop3A_619, %parallel_loop3A_620] {strides = array<i32>} : memref<2x64x128xf32, #tpu.memory_space<vmem>>, vector<1x1x16xf32>,
      %parallel_loop3A_622 = vector.shape_cast %parallel_loop3A_621 : vector<1x1x16xf32> to vector<16xf32>
      %parallel_loop3A_623 = arith.addf %parallel_loop3A_616, %parallel_loop3A_622 : vector<16xf32>
      %parallel_loop3A_624 = arith.constant 0 : i32
      %parallel_loop3A_625 = arith.index_cast %parallel_loop3A_624 : i32 to index
      %parallel_loop3A_626 = arith.index_cast %parallel_loop3A_520 : i32 to index
      %parallel_loop3A_627 = arith.constant 64 : index
      %parallel_loop3A_628 = tpu.vector_load %arg13[%parallel_loop3A_625, %parallel_loop3A_626, %parallel_loop3A_627] {strides = array<i32>} : memref<2x64x128xf32, #tpu.memory_space<vmem>>, vector<1x1x16xf32>,
      %parallel_loop3A_629 = vector.shape_cast %parallel_loop3A_628 : vector<1x1x16xf32> to vector<16xf32>
      %parallel_loop3A_630 = arith.subf %parallel_loop3A_623, %parallel_loop3A_629 : vector<16xf32>
      %parallel_loop3A_631 = arith.mulf %parallel_loop3A_630, %parallel_loop3A_630 : vector<16xf32>
      %parallel_loop3A_632 = arith.addf %parallel_loop3A_610, %parallel_loop3A_631 : vector<16xf32>
      %parallel_loop3A_633 = arith.constant 0 : i32
      %parallel_loop3A_634 = arith.index_cast %parallel_loop3A_633 : i32 to index
      %parallel_loop3A_635 = arith.index_cast %parallel_loop3A_520 : i32 to index
      %parallel_loop3A_636 = arith.constant 80 : index
      %parallel_loop3A_637 = tpu.vector_load %arg11[%parallel_loop3A_634, %parallel_loop3A_635, %parallel_loop3A_636] {strides = array<i32>} : memref<2x64x128xf32, #tpu.memory_space<vmem>>, vector<1x1x16xf32>,
      %parallel_loop3A_638 = vector.shape_cast %parallel_loop3A_637 : vector<1x1x16xf32> to vector<16xf32>
      %parallel_loop3A_639 = arith.constant 0 : i32
      %parallel_loop3A_640 = arith.index_cast %parallel_loop3A_639 : i32 to index
      %parallel_loop3A_641 = arith.index_cast %parallel_loop3A_520 : i32 to index
      %parallel_loop3A_642 = arith.constant 80 : index
      %parallel_loop3A_643 = tpu.vector_load %arg12[%parallel_loop3A_640, %parallel_loop3A_641, %parallel_loop3A_642] {strides = array<i32>} : memref<2x64x128xf32, #tpu.memory_space<vmem>>, vector<1x1x16xf32>,
      %parallel_loop3A_644 = vector.shape_cast %parallel_loop3A_643 : vector<1x1x16xf32> to vector<16xf32>
      %parallel_loop3A_645 = arith.addf %parallel_loop3A_638, %parallel_loop3A_644 : vector<16xf32>
      %parallel_loop3A_646 = arith.constant 0 : i32
      %parallel_loop3A_647 = arith.index_cast %parallel_loop3A_646 : i32 to index
      %parallel_loop3A_648 = arith.index_cast %parallel_loop3A_520 : i32 to index
      %parallel_loop3A_649 = arith.constant 80 : index
      %parallel_loop3A_650 = tpu.vector_load %arg13[%parallel_loop3A_647, %parallel_loop3A_648, %parallel_loop3A_649] {strides = array<i32>} : memref<2x64x128xf32, #tpu.memory_space<vmem>>, vector<1x1x16xf32>,
      %parallel_loop3A_651 = vector.shape_cast %parallel_loop3A_650 : vector<1x1x16xf32> to vector<16xf32>
      %parallel_loop3A_652 = arith.subf %parallel_loop3A_645, %parallel_loop3A_651 : vector<16xf32>
      %parallel_loop3A_653 = arith.mulf %parallel_loop3A_652, %parallel_loop3A_652 : vector<16xf32>
      %parallel_loop3A_654 = arith.addf %parallel_loop3A_632, %parallel_loop3A_653 : vector<16xf32>
      %parallel_loop3A_655 = arith.constant 0 : i32
      %parallel_loop3A_656 = arith.index_cast %parallel_loop3A_655 : i32 to index
      %parallel_loop3A_657 = arith.index_cast %parallel_loop3A_520 : i32 to index
      %parallel_loop3A_658 = arith.constant 96 : index
      %parallel_loop3A_659 = tpu.vector_load %arg11[%parallel_loop3A_656, %parallel_loop3A_657, %parallel_loop3A_658] {strides = array<i32>} : memref<2x64x128xf32, #tpu.memory_space<vmem>>, vector<1x1x16xf32>,
      %parallel_loop3A_660 = vector.shape_cast %parallel_loop3A_659 : vector<1x1x16xf32> to vector<16xf32>
      %parallel_loop3A_661 = arith.constant 0 : i32
      %parallel_loop3A_662 = arith.index_cast %parallel_loop3A_661 : i32 to index
      %parallel_loop3A_663 = arith.index_cast %parallel_loop3A_520 : i32 to index
      %parallel_loop3A_664 = arith.constant 96 : index
      %parallel_loop3A_665 = tpu.vector_load %arg12[%parallel_loop3A_662, %parallel_loop3A_663, %parallel_loop3A_664] {strides = array<i32>} : memref<2x64x128xf32, #tpu.memory_space<vmem>>, vector<1x1x16xf32>,
      %parallel_loop3A_666 = vector.shape_cast %parallel_loop3A_665 : vector<1x1x16xf32> to vector<16xf32>
      %parallel_loop3A_667 = arith.addf %parallel_loop3A_660, %parallel_loop3A_666 : vector<16xf32>
      %parallel_loop3A_668 = arith.constant 0 : i32
      %parallel_loop3A_669 = arith.index_cast %parallel_loop3A_668 : i32 to index
      %parallel_loop3A_670 = arith.index_cast %parallel_loop3A_520 : i32 to index
      %parallel_loop3A_671 = arith.constant 96 : index
      %parallel_loop3A_672 = tpu.vector_load %arg13[%parallel_loop3A_669, %parallel_loop3A_670, %parallel_loop3A_671] {strides = array<i32>} : memref<2x64x128xf32, #tpu.memory_space<vmem>>, vector<1x1x16xf32>,
      %parallel_loop3A_673 = vector.shape_cast %parallel_loop3A_672 : vector<1x1x16xf32> to vector<16xf32>
      %parallel_loop3A_674 = arith.subf %parallel_loop3A_667, %parallel_loop3A_673 : vector<16xf32>
      %parallel_loop3A_675 = arith.mulf %parallel_loop3A_674, %parallel_loop3A_674 : vector<16xf32>
      %parallel_loop3A_676 = arith.addf %parallel_loop3A_654, %parallel_loop3A_675 : vector<16xf32>
      %parallel_loop3A_677 = arith.constant 0 : i32
      %parallel_loop3A_678 = arith.index_cast %parallel_loop3A_677 : i32 to index
      %parallel_loop3A_679 = arith.index_cast %parallel_loop3A_520 : i32 to index
      %parallel_loop3A_680 = arith.constant 112 : index
      %parallel_loop3A_681 = tpu.vector_load %arg11[%parallel_loop3A_678, %parallel_loop3A_679, %parallel_loop3A_680] {strides = array<i32>} : memref<2x64x128xf32, #tpu.memory_space<vmem>>, vector<1x1x16xf32>,
      %parallel_loop3A_682 = vector.shape_cast %parallel_loop3A_681 : vector<1x1x16xf32> to vector<16xf32>
      %parallel_loop3A_683 = arith.constant 0 : i32
      %parallel_loop3A_684 = arith.index_cast %parallel_loop3A_683 : i32 to index
      %parallel_loop3A_685 = arith.index_cast %parallel_loop3A_520 : i32 to index
      %parallel_loop3A_686 = arith.constant 112 : index
      %parallel_loop3A_687 = tpu.vector_load %arg12[%parallel_loop3A_684, %parallel_loop3A_685, %parallel_loop3A_686] {strides = array<i32>} : memref<2x64x128xf32, #tpu.memory_space<vmem>>, vector<1x1x16xf32>,
      %parallel_loop3A_688 = vector.shape_cast %parallel_loop3A_687 : vector<1x1x16xf32> to vector<16xf32>
      %parallel_loop3A_689 = arith.addf %parallel_loop3A_682, %parallel_loop3A_688 : vector<16xf32>
      %parallel_loop3A_690 = arith.constant 0 : i32
      %parallel_loop3A_691 = arith.index_cast %parallel_loop3A_690 : i32 to index
      %parallel_loop3A_692 = arith.index_cast %parallel_loop3A_520 : i32 to index
      %parallel_loop3A_693 = arith.constant 112 : index
      %parallel_loop3A_694 = tpu.vector_load %arg13[%parallel_loop3A_691, %parallel_loop3A_692, %parallel_loop3A_693] {strides = array<i32>} : memref<2x64x128xf32, #tpu.memory_space<vmem>>, vector<1x1x16xf32>,
      %parallel_loop3A_695 = vector.shape_cast %parallel_loop3A_694 : vector<1x1x16xf32> to vector<16xf32>
      %parallel_loop3A_696 = arith.subf %parallel_loop3A_689, %parallel_loop3A_695 : vector<16xf32>
      %parallel_loop3A_697 = arith.mulf %parallel_loop3A_696, %parallel_loop3A_696 : vector<16xf32>
      %parallel_loop3A_698 = arith.addf %parallel_loop3A_676, %parallel_loop3A_697 : vector<16xf32>
      %parallel_loop3A_699 = arith.constant 256 : i32
      %parallel_loop3A_700 = arith.addi %parallel_loop3A_699, %parallel_loop3A_520 : i32
      %parallel_loop3A_701 = arith.constant 3 : i32
      %parallel_loop3A_702 = arith.shrsi %parallel_loop3A_700, %parallel_loop3A_701 : i32
      %parallel_loop3A_703 = arith.constant 7 : i32
      %parallel_loop3A_704 = arith.andi %parallel_loop3A_700, %parallel_loop3A_703 : i32
      %parallel_loop3A_705 = arith.constant 16 : i32
      %parallel_loop3A_706 = arith.muli %parallel_loop3A_704, %parallel_loop3A_705 : i32
      %parallel_loop3A_707 = arith.index_cast %parallel_loop3A_702 : i32 to index
      %parallel_loop3A_708 = arith.index_cast %parallel_loop3A_706 : i32 to index
      %parallel_loop3A_709 = tpu.vector_load %arg14[%parallel_loop3A_707, %parallel_loop3A_708] {strides = array<i32>} : memref<64x128xf32, #tpu.memory_space<vmem>>, vector<1x16xf32>,
      %parallel_loop3A_710 = vector.shape_cast %parallel_loop3A_709 : vector<1x16xf32> to vector<16xf32>
      %parallel_loop3A_711 = vector.shape_cast %parallel_loop3A_698 : vector<16xf32> to vector<1x16xf32>
      tpu.vector_store %arg14[%parallel_loop3A_707, %parallel_loop3A_708], %parallel_loop3A_711 {strides = array<i32>} : memref<64x128xf32, #tpu.memory_space<vmem>>, vector<1x16xf32>,
    } {sc.loop_unroll_factor = 4 : i64, sc.parallel_access}
    %dma_start3A_359 = arith.constant 0 : i32
    %dma_start3A_360 = arith.constant 0 : i32
    %dma_start3A_361 = arith.constant 0 : i32
    %dma_start3A_362 = tpu.memref_slice %arg11[%dma_start3A_359, %dma_start3A_360, %dma_start3A_361] : memref<2x64x128xf32, #tpu.memory_space<vmem>> -> memref<1x64x128xf32, #tpu.memory_space<vmem>>
    %dma_start3A_363 = tpu.memref_squeeze %dma_start3A_362 : memref<1x64x128xf32, #tpu.memory_space<vmem>> -> memref<64x128xf32, #tpu.memory_space<vmem>>
    %dma_start3A_364 = arith.constant 384 : i32
    %dma_start3A_365 = tpu.memref_slice %arg8[%dma_start3A_364] : memref<512xi32, #tpu.memory_space<vmem>> -> memref<64xi32, #tpu.memory_space<vmem>>
    %dma_start3A_366 = arith.constant 0 : i32
    %dma_start3A_367 = arith.constant 0 : i32
    %dma_start3A_368 = tpu.memref_slice %arg2[%dma_start3A_366, %dma_start3A_367] : memref<1000000x128xf32, #tpu.memory_space<hbm>> -> memref<1000000x128xf32, #tpu.memory_space<hbm>>
    tpu.enqueue_indirect_dma source(%dma_start3A_368 : memref<1000000x128xf32, #tpu.memory_space<hbm>>) target(%dma_start3A_363 : memref<64x128xf32, #tpu.memory_space<vmem>>) offsets(%dma_start3A_365 : memref<64xi32, #tpu.memory_space<vmem>>) semaphore(%arg16 : memref<!tpu.dma_semaphore, #tpu.memory_space<semaphore_mem>>)
    %dma_start3A_369 = arith.constant 0 : i32
    %dma_start3A_370 = arith.constant 0 : i32
    %dma_start3A_371 = arith.constant 0 : i32
    %dma_start3A_372 = tpu.memref_slice %arg13[%dma_start3A_369, %dma_start3A_370, %dma_start3A_371] : memref<2x64x128xf32, #tpu.memory_space<vmem>> -> memref<1x64x128xf32, #tpu.memory_space<vmem>>
    %dma_start3A_373 = tpu.memref_squeeze %dma_start3A_372 : memref<1x64x128xf32, #tpu.memory_space<vmem>> -> memref<64x128xf32, #tpu.memory_space<vmem>>
    %dma_start3A_374 = arith.constant 384 : i32
    %dma_start3A_375 = tpu.memref_slice %arg10[%dma_start3A_374] : memref<512xi32, #tpu.memory_space<vmem>> -> memref<64xi32, #tpu.memory_space<vmem>>
    %dma_start3A_376 = arith.constant 0 : i32
    %dma_start3A_377 = arith.constant 0 : i32
    %dma_start3A_378 = tpu.memref_slice %arg2[%dma_start3A_376, %dma_start3A_377] : memref<1000000x128xf32, #tpu.memory_space<hbm>> -> memref<1000000x128xf32, #tpu.memory_space<hbm>>
    tpu.enqueue_indirect_dma source(%dma_start3A_378 : memref<1000000x128xf32, #tpu.memory_space<hbm>>) target(%dma_start3A_373 : memref<64x128xf32, #tpu.memory_space<vmem>>) offsets(%dma_start3A_375 : memref<64xi32, #tpu.memory_space<vmem>>) semaphore(%arg18 : memref<!tpu.dma_semaphore, #tpu.memory_space<semaphore_mem>>)
    %dma_start3A_379 = arith.constant 0 : i32
    %dma_start3A_380 = arith.constant 0 : i32
    %dma_start3A_381 = arith.constant 0 : i32
    %dma_start3A_382 = tpu.memref_slice %arg12[%dma_start3A_379, %dma_start3A_380, %dma_start3A_381] : memref<2x64x128xf32, #tpu.memory_space<vmem>> -> memref<1x64x128xf32, #tpu.memory_space<vmem>>
    %dma_start3A_383 = tpu.memref_squeeze %dma_start3A_382 : memref<1x64x128xf32, #tpu.memory_space<vmem>> -> memref<64x128xf32, #tpu.memory_space<vmem>>
    %dma_start3A_384 = arith.constant 384 : i32
    %dma_start3A_385 = tpu.memref_slice %arg9[%dma_start3A_384] : memref<512xi32, #tpu.memory_space<vmem>> -> memref<64xi32, #tpu.memory_space<vmem>>
    %dma_start3A_386 = arith.constant 0 : i32
    %dma_start3A_387 = arith.constant 0 : i32
    %dma_start3A_388 = tpu.memref_slice %arg15[%dma_start3A_386, %dma_start3A_387] : memref<1000x128xf32, #tpu.memory_space<vmem_shared>> -> memref<1000x128xf32, #tpu.memory_space<vmem_shared>>
    tpu.enqueue_indirect_dma source(%dma_start3A_388 : memref<1000x128xf32, #tpu.memory_space<vmem_shared>>) target(%dma_start3A_383 : memref<64x128xf32, #tpu.memory_space<vmem>>) offsets(%dma_start3A_385 : memref<64xi32, #tpu.memory_space<vmem>>) semaphore(%arg17 : memref<!tpu.dma_semaphore, #tpu.memory_space<semaphore_mem>>)
    %dma_wait3A_389 = arith.constant 1 : i32
    %dma_wait3A_390 = arith.constant 0 : i32
    %dma_wait3A_391 = arith.constant 0 : i32
    %dma_wait3A_392 = tpu.memref_slice %arg11[%dma_wait3A_389, %dma_wait3A_390, %dma_wait3A_391] : memref<2x64x128xf32, #tpu.memory_space<vmem>> -> memref<1x64x128xf32, #tpu.memory_space<vmem>>
    %dma_wait3A_393 = tpu.memref_squeeze %dma_wait3A_392 : memref<1x64x128xf32, #tpu.memory_space<vmem>> -> memref<64x128xf32, #tpu.memory_space<vmem>>
    %dma_wait3A_394 = arith.constant 320 : i32
    %dma_wait3A_395 = tpu.memref_slice %arg8[%dma_wait3A_394] : memref<512xi32, #tpu.memory_space<vmem>> -> memref<64xi32, #tpu.memory_space<vmem>>
    %dma_wait3A_396 = arith.constant 0 : i32
    %dma_wait3A_397 = arith.constant 0 : i32
    %dma_wait3A_398 = tpu.memref_slice %arg2[%dma_wait3A_396, %dma_wait3A_397] : memref<1000000x128xf32, #tpu.memory_space<hbm>> -> memref<1000000x128xf32, #tpu.memory_space<hbm>>
    tpu.wait_indirect_dma semaphore(%arg19 : memref<!tpu.dma_semaphore, #tpu.memory_space<semaphore_mem>>) src(%dma_wait3A_398 : memref<1000000x128xf32, #tpu.memory_space<hbm>>) dst(%dma_wait3A_393 : memref<64x128xf32, #tpu.memory_space<vmem>>)
    %dma_wait3A_399 = arith.constant 1 : i32
    %dma_wait3A_400 = arith.constant 0 : i32
    %dma_wait3A_401 = arith.constant 0 : i32
    %dma_wait3A_402 = tpu.memref_slice %arg13[%dma_wait3A_399, %dma_wait3A_400, %dma_wait3A_401] : memref<2x64x128xf32, #tpu.memory_space<vmem>> -> memref<1x64x128xf32, #tpu.memory_space<vmem>>
    %dma_wait3A_403 = tpu.memref_squeeze %dma_wait3A_402 : memref<1x64x128xf32, #tpu.memory_space<vmem>> -> memref<64x128xf32, #tpu.memory_space<vmem>>
    %dma_wait3A_404 = arith.constant 320 : i32
    %dma_wait3A_405 = tpu.memref_slice %arg10[%dma_wait3A_404] : memref<512xi32, #tpu.memory_space<vmem>> -> memref<64xi32, #tpu.memory_space<vmem>>
    %dma_wait3A_406 = arith.constant 0 : i32
    %dma_wait3A_407 = arith.constant 0 : i32
    %dma_wait3A_408 = tpu.memref_slice %arg2[%dma_wait3A_406, %dma_wait3A_407] : memref<1000000x128xf32, #tpu.memory_space<hbm>> -> memref<1000000x128xf32, #tpu.memory_space<hbm>>
    tpu.wait_indirect_dma semaphore(%arg21 : memref<!tpu.dma_semaphore, #tpu.memory_space<semaphore_mem>>) src(%dma_wait3A_408 : memref<1000000x128xf32, #tpu.memory_space<hbm>>) dst(%dma_wait3A_403 : memref<64x128xf32, #tpu.memory_space<vmem>>)
    %dma_wait3A_409 = arith.constant 1 : i32
    %dma_wait3A_410 = arith.constant 0 : i32
    %dma_wait3A_411 = arith.constant 0 : i32
    %dma_wait3A_412 = tpu.memref_slice %arg12[%dma_wait3A_409, %dma_wait3A_410, %dma_wait3A_411] : memref<2x64x128xf32, #tpu.memory_space<vmem>> -> memref<1x64x128xf32, #tpu.memory_space<vmem>>
    %dma_wait3A_413 = tpu.memref_squeeze %dma_wait3A_412 : memref<1x64x128xf32, #tpu.memory_space<vmem>> -> memref<64x128xf32, #tpu.memory_space<vmem>>
    %dma_wait3A_414 = arith.constant 320 : i32
    %dma_wait3A_415 = tpu.memref_slice %arg9[%dma_wait3A_414] : memref<512xi32, #tpu.memory_space<vmem>> -> memref<64xi32, #tpu.memory_space<vmem>>
    %dma_wait3A_416 = arith.constant 0 : i32
    %dma_wait3A_417 = arith.constant 0 : i32
    %dma_wait3A_418 = tpu.memref_slice %arg15[%dma_wait3A_416, %dma_wait3A_417] : memref<1000x128xf32, #tpu.memory_space<vmem_shared>> -> memref<1000x128xf32, #tpu.memory_space<vmem_shared>>
    tpu.wait_indirect_dma semaphore(%arg20 : memref<!tpu.dma_semaphore, #tpu.memory_space<semaphore_mem>>) src(%dma_wait3A_418 : memref<1000x128xf32, #tpu.memory_space<vmem_shared>>) dst(%dma_wait3A_413 : memref<64x128xf32, #tpu.memory_space<vmem>>)
    %parallel_loop3A_419 = arith.constant 0 : i32
    %parallel_loop3A_420 = arith.constant 64 : i32
    %parallel_loop3A_421 = arith.constant 1 : i32
    scf.for %parallel_loop3A_520 = %parallel_loop3A_419 to %parallel_loop3A_420 step %parallel_loop3A_421  : i32 {
      %parallel_loop3A_521 = arith.constant 0.000000e+00 : f32
      %parallel_loop3A_522 = vector.broadcast %parallel_loop3A_521 : f32 to vector<16xf32>
      %parallel_loop3A_523 = arith.constant 1 : i32
      %parallel_loop3A_524 = arith.index_cast %parallel_loop3A_523 : i32 to index
      %parallel_loop3A_525 = arith.index_cast %parallel_loop3A_520 : i32 to index
      %parallel_loop3A_526 = arith.constant 0 : index
      %parallel_loop3A_527 = tpu.vector_load %arg11[%parallel_loop3A_524, %parallel_loop3A_525, %parallel_loop3A_526] {strides = array<i32>} : memref<2x64x128xf32, #tpu.memory_space<vmem>>, vector<1x1x16xf32>,
      %parallel_loop3A_528 = vector.shape_cast %parallel_loop3A_527 : vector<1x1x16xf32> to vector<16xf32>
      %parallel_loop3A_529 = arith.constant 1 : i32
      %parallel_loop3A_530 = arith.index_cast %parallel_loop3A_529 : i32 to index
      %parallel_loop3A_531 = arith.index_cast %parallel_loop3A_520 : i32 to index
      %parallel_loop3A_532 = arith.constant 0 : index
      %parallel_loop3A_533 = tpu.vector_load %arg12[%parallel_loop3A_530, %parallel_loop3A_531, %parallel_loop3A_532] {strides = array<i32>} : memref<2x64x128xf32, #tpu.memory_space<vmem>>, vector<1x1x16xf32>,
      %parallel_loop3A_534 = vector.shape_cast %parallel_loop3A_533 : vector<1x1x16xf32> to vector<16xf32>
      %parallel_loop3A_535 = arith.addf %parallel_loop3A_528, %parallel_loop3A_534 : vector<16xf32>
      %parallel_loop3A_536 = arith.constant 1 : i32
      %parallel_loop3A_537 = arith.index_cast %parallel_loop3A_536 : i32 to index
      %parallel_loop3A_538 = arith.index_cast %parallel_loop3A_520 : i32 to index
      %parallel_loop3A_539 = arith.constant 0 : index
      %parallel_loop3A_540 = tpu.vector_load %arg13[%parallel_loop3A_537, %parallel_loop3A_538, %parallel_loop3A_539] {strides = array<i32>} : memref<2x64x128xf32, #tpu.memory_space<vmem>>, vector<1x1x16xf32>,
      %parallel_loop3A_541 = vector.shape_cast %parallel_loop3A_540 : vector<1x1x16xf32> to vector<16xf32>
      %parallel_loop3A_542 = arith.subf %parallel_loop3A_535, %parallel_loop3A_541 : vector<16xf32>
      %parallel_loop3A_543 = arith.mulf %parallel_loop3A_542, %parallel_loop3A_542 : vector<16xf32>
      %parallel_loop3A_544 = arith.addf %parallel_loop3A_522, %parallel_loop3A_543 : vector<16xf32>
      %parallel_loop3A_545 = arith.constant 1 : i32
      %parallel_loop3A_546 = arith.index_cast %parallel_loop3A_545 : i32 to index
      %parallel_loop3A_547 = arith.index_cast %parallel_loop3A_520 : i32 to index
      %parallel_loop3A_548 = arith.constant 16 : index
      %parallel_loop3A_549 = tpu.vector_load %arg11[%parallel_loop3A_546, %parallel_loop3A_547, %parallel_loop3A_548] {strides = array<i32>} : memref<2x64x128xf32, #tpu.memory_space<vmem>>, vector<1x1x16xf32>,
      %parallel_loop3A_550 = vector.shape_cast %parallel_loop3A_549 : vector<1x1x16xf32> to vector<16xf32>
      %parallel_loop3A_551 = arith.constant 1 : i32
      %parallel_loop3A_552 = arith.index_cast %parallel_loop3A_551 : i32 to index
      %parallel_loop3A_553 = arith.index_cast %parallel_loop3A_520 : i32 to index
      %parallel_loop3A_554 = arith.constant 16 : index
      %parallel_loop3A_555 = tpu.vector_load %arg12[%parallel_loop3A_552, %parallel_loop3A_553, %parallel_loop3A_554] {strides = array<i32>} : memref<2x64x128xf32, #tpu.memory_space<vmem>>, vector<1x1x16xf32>,
      %parallel_loop3A_556 = vector.shape_cast %parallel_loop3A_555 : vector<1x1x16xf32> to vector<16xf32>
      %parallel_loop3A_557 = arith.addf %parallel_loop3A_550, %parallel_loop3A_556 : vector<16xf32>
      %parallel_loop3A_558 = arith.constant 1 : i32
      %parallel_loop3A_559 = arith.index_cast %parallel_loop3A_558 : i32 to index
      %parallel_loop3A_560 = arith.index_cast %parallel_loop3A_520 : i32 to index
      %parallel_loop3A_561 = arith.constant 16 : index
      %parallel_loop3A_562 = tpu.vector_load %arg13[%parallel_loop3A_559, %parallel_loop3A_560, %parallel_loop3A_561] {strides = array<i32>} : memref<2x64x128xf32, #tpu.memory_space<vmem>>, vector<1x1x16xf32>,
      %parallel_loop3A_563 = vector.shape_cast %parallel_loop3A_562 : vector<1x1x16xf32> to vector<16xf32>
      %parallel_loop3A_564 = arith.subf %parallel_loop3A_557, %parallel_loop3A_563 : vector<16xf32>
      %parallel_loop3A_565 = arith.mulf %parallel_loop3A_564, %parallel_loop3A_564 : vector<16xf32>
      %parallel_loop3A_566 = arith.addf %parallel_loop3A_544, %parallel_loop3A_565 : vector<16xf32>
      %parallel_loop3A_567 = arith.constant 1 : i32
      %parallel_loop3A_568 = arith.index_cast %parallel_loop3A_567 : i32 to index
      %parallel_loop3A_569 = arith.index_cast %parallel_loop3A_520 : i32 to index
      %parallel_loop3A_570 = arith.constant 32 : index
      %parallel_loop3A_571 = tpu.vector_load %arg11[%parallel_loop3A_568, %parallel_loop3A_569, %parallel_loop3A_570] {strides = array<i32>} : memref<2x64x128xf32, #tpu.memory_space<vmem>>, vector<1x1x16xf32>,
      %parallel_loop3A_572 = vector.shape_cast %parallel_loop3A_571 : vector<1x1x16xf32> to vector<16xf32>
      %parallel_loop3A_573 = arith.constant 1 : i32
      %parallel_loop3A_574 = arith.index_cast %parallel_loop3A_573 : i32 to index
      %parallel_loop3A_575 = arith.index_cast %parallel_loop3A_520 : i32 to index
      %parallel_loop3A_576 = arith.constant 32 : index
      %parallel_loop3A_577 = tpu.vector_load %arg12[%parallel_loop3A_574, %parallel_loop3A_575, %parallel_loop3A_576] {strides = array<i32>} : memref<2x64x128xf32, #tpu.memory_space<vmem>>, vector<1x1x16xf32>,
      %parallel_loop3A_578 = vector.shape_cast %parallel_loop3A_577 : vector<1x1x16xf32> to vector<16xf32>
      %parallel_loop3A_579 = arith.addf %parallel_loop3A_572, %parallel_loop3A_578 : vector<16xf32>
      %parallel_loop3A_580 = arith.constant 1 : i32
      %parallel_loop3A_581 = arith.index_cast %parallel_loop3A_580 : i32 to index
      %parallel_loop3A_582 = arith.index_cast %parallel_loop3A_520 : i32 to index
      %parallel_loop3A_583 = arith.constant 32 : index
      %parallel_loop3A_584 = tpu.vector_load %arg13[%parallel_loop3A_581, %parallel_loop3A_582, %parallel_loop3A_583] {strides = array<i32>} : memref<2x64x128xf32, #tpu.memory_space<vmem>>, vector<1x1x16xf32>,
      %parallel_loop3A_585 = vector.shape_cast %parallel_loop3A_584 : vector<1x1x16xf32> to vector<16xf32>
      %parallel_loop3A_586 = arith.subf %parallel_loop3A_579, %parallel_loop3A_585 : vector<16xf32>
      %parallel_loop3A_587 = arith.mulf %parallel_loop3A_586, %parallel_loop3A_586 : vector<16xf32>
      %parallel_loop3A_588 = arith.addf %parallel_loop3A_566, %parallel_loop3A_587 : vector<16xf32>
      %parallel_loop3A_589 = arith.constant 1 : i32
      %parallel_loop3A_590 = arith.index_cast %parallel_loop3A_589 : i32 to index
      %parallel_loop3A_591 = arith.index_cast %parallel_loop3A_520 : i32 to index
      %parallel_loop3A_592 = arith.constant 48 : index
      %parallel_loop3A_593 = tpu.vector_load %arg11[%parallel_loop3A_590, %parallel_loop3A_591, %parallel_loop3A_592] {strides = array<i32>} : memref<2x64x128xf32, #tpu.memory_space<vmem>>, vector<1x1x16xf32>,
      %parallel_loop3A_594 = vector.shape_cast %parallel_loop3A_593 : vector<1x1x16xf32> to vector<16xf32>
      %parallel_loop3A_595 = arith.constant 1 : i32
      %parallel_loop3A_596 = arith.index_cast %parallel_loop3A_595 : i32 to index
      %parallel_loop3A_597 = arith.index_cast %parallel_loop3A_520 : i32 to index
      %parallel_loop3A_598 = arith.constant 48 : index
      %parallel_loop3A_599 = tpu.vector_load %arg12[%parallel_loop3A_596, %parallel_loop3A_597, %parallel_loop3A_598] {strides = array<i32>} : memref<2x64x128xf32, #tpu.memory_space<vmem>>, vector<1x1x16xf32>,
      %parallel_loop3A_600 = vector.shape_cast %parallel_loop3A_599 : vector<1x1x16xf32> to vector<16xf32>
      %parallel_loop3A_601 = arith.addf %parallel_loop3A_594, %parallel_loop3A_600 : vector<16xf32>
      %parallel_loop3A_602 = arith.constant 1 : i32
      %parallel_loop3A_603 = arith.index_cast %parallel_loop3A_602 : i32 to index
      %parallel_loop3A_604 = arith.index_cast %parallel_loop3A_520 : i32 to index
      %parallel_loop3A_605 = arith.constant 48 : index
      %parallel_loop3A_606 = tpu.vector_load %arg13[%parallel_loop3A_603, %parallel_loop3A_604, %parallel_loop3A_605] {strides = array<i32>} : memref<2x64x128xf32, #tpu.memory_space<vmem>>, vector<1x1x16xf32>,
      %parallel_loop3A_607 = vector.shape_cast %parallel_loop3A_606 : vector<1x1x16xf32> to vector<16xf32>
      %parallel_loop3A_608 = arith.subf %parallel_loop3A_601, %parallel_loop3A_607 : vector<16xf32>
      %parallel_loop3A_609 = arith.mulf %parallel_loop3A_608, %parallel_loop3A_608 : vector<16xf32>
      %parallel_loop3A_610 = arith.addf %parallel_loop3A_588, %parallel_loop3A_609 : vector<16xf32>
      %parallel_loop3A_611 = arith.constant 1 : i32
      %parallel_loop3A_612 = arith.index_cast %parallel_loop3A_611 : i32 to index
      %parallel_loop3A_613 = arith.index_cast %parallel_loop3A_520 : i32 to index
      %parallel_loop3A_614 = arith.constant 64 : index
      %parallel_loop3A_615 = tpu.vector_load %arg11[%parallel_loop3A_612, %parallel_loop3A_613, %parallel_loop3A_614] {strides = array<i32>} : memref<2x64x128xf32, #tpu.memory_space<vmem>>, vector<1x1x16xf32>,
      %parallel_loop3A_616 = vector.shape_cast %parallel_loop3A_615 : vector<1x1x16xf32> to vector<16xf32>
      %parallel_loop3A_617 = arith.constant 1 : i32
      %parallel_loop3A_618 = arith.index_cast %parallel_loop3A_617 : i32 to index
      %parallel_loop3A_619 = arith.index_cast %parallel_loop3A_520 : i32 to index
      %parallel_loop3A_620 = arith.constant 64 : index
      %parallel_loop3A_621 = tpu.vector_load %arg12[%parallel_loop3A_618, %parallel_loop3A_619, %parallel_loop3A_620] {strides = array<i32>} : memref<2x64x128xf32, #tpu.memory_space<vmem>>, vector<1x1x16xf32>,
      %parallel_loop3A_622 = vector.shape_cast %parallel_loop3A_621 : vector<1x1x16xf32> to vector<16xf32>
      %parallel_loop3A_623 = arith.addf %parallel_loop3A_616, %parallel_loop3A_622 : vector<16xf32>
      %parallel_loop3A_624 = arith.constant 1 : i32
      %parallel_loop3A_625 = arith.index_cast %parallel_loop3A_624 : i32 to index
      %parallel_loop3A_626 = arith.index_cast %parallel_loop3A_520 : i32 to index
      %parallel_loop3A_627 = arith.constant 64 : index
      %parallel_loop3A_628 = tpu.vector_load %arg13[%parallel_loop3A_625, %parallel_loop3A_626, %parallel_loop3A_627] {strides = array<i32>} : memref<2x64x128xf32, #tpu.memory_space<vmem>>, vector<1x1x16xf32>,
      %parallel_loop3A_629 = vector.shape_cast %parallel_loop3A_628 : vector<1x1x16xf32> to vector<16xf32>
      %parallel_loop3A_630 = arith.subf %parallel_loop3A_623, %parallel_loop3A_629 : vector<16xf32>
      %parallel_loop3A_631 = arith.mulf %parallel_loop3A_630, %parallel_loop3A_630 : vector<16xf32>
      %parallel_loop3A_632 = arith.addf %parallel_loop3A_610, %parallel_loop3A_631 : vector<16xf32>
      %parallel_loop3A_633 = arith.constant 1 : i32
      %parallel_loop3A_634 = arith.index_cast %parallel_loop3A_633 : i32 to index
      %parallel_loop3A_635 = arith.index_cast %parallel_loop3A_520 : i32 to index
      %parallel_loop3A_636 = arith.constant 80 : index
      %parallel_loop3A_637 = tpu.vector_load %arg11[%parallel_loop3A_634, %parallel_loop3A_635, %parallel_loop3A_636] {strides = array<i32>} : memref<2x64x128xf32, #tpu.memory_space<vmem>>, vector<1x1x16xf32>,
      %parallel_loop3A_638 = vector.shape_cast %parallel_loop3A_637 : vector<1x1x16xf32> to vector<16xf32>
      %parallel_loop3A_639 = arith.constant 1 : i32
      %parallel_loop3A_640 = arith.index_cast %parallel_loop3A_639 : i32 to index
      %parallel_loop3A_641 = arith.index_cast %parallel_loop3A_520 : i32 to index
      %parallel_loop3A_642 = arith.constant 80 : index
      %parallel_loop3A_643 = tpu.vector_load %arg12[%parallel_loop3A_640, %parallel_loop3A_641, %parallel_loop3A_642] {strides = array<i32>} : memref<2x64x128xf32, #tpu.memory_space<vmem>>, vector<1x1x16xf32>,
      %parallel_loop3A_644 = vector.shape_cast %parallel_loop3A_643 : vector<1x1x16xf32> to vector<16xf32>
      %parallel_loop3A_645 = arith.addf %parallel_loop3A_638, %parallel_loop3A_644 : vector<16xf32>
      %parallel_loop3A_646 = arith.constant 1 : i32
      %parallel_loop3A_647 = arith.index_cast %parallel_loop3A_646 : i32 to index
      %parallel_loop3A_648 = arith.index_cast %parallel_loop3A_520 : i32 to index
      %parallel_loop3A_649 = arith.constant 80 : index
      %parallel_loop3A_650 = tpu.vector_load %arg13[%parallel_loop3A_647, %parallel_loop3A_648, %parallel_loop3A_649] {strides = array<i32>} : memref<2x64x128xf32, #tpu.memory_space<vmem>>, vector<1x1x16xf32>,
      %parallel_loop3A_651 = vector.shape_cast %parallel_loop3A_650 : vector<1x1x16xf32> to vector<16xf32>
      %parallel_loop3A_652 = arith.subf %parallel_loop3A_645, %parallel_loop3A_651 : vector<16xf32>
      %parallel_loop3A_653 = arith.mulf %parallel_loop3A_652, %parallel_loop3A_652 : vector<16xf32>
      %parallel_loop3A_654 = arith.addf %parallel_loop3A_632, %parallel_loop3A_653 : vector<16xf32>
      %parallel_loop3A_655 = arith.constant 1 : i32
      %parallel_loop3A_656 = arith.index_cast %parallel_loop3A_655 : i32 to index
      %parallel_loop3A_657 = arith.index_cast %parallel_loop3A_520 : i32 to index
      %parallel_loop3A_658 = arith.constant 96 : index
      %parallel_loop3A_659 = tpu.vector_load %arg11[%parallel_loop3A_656, %parallel_loop3A_657, %parallel_loop3A_658] {strides = array<i32>} : memref<2x64x128xf32, #tpu.memory_space<vmem>>, vector<1x1x16xf32>,
      %parallel_loop3A_660 = vector.shape_cast %parallel_loop3A_659 : vector<1x1x16xf32> to vector<16xf32>
      %parallel_loop3A_661 = arith.constant 1 : i32
      %parallel_loop3A_662 = arith.index_cast %parallel_loop3A_661 : i32 to index
      %parallel_loop3A_663 = arith.index_cast %parallel_loop3A_520 : i32 to index
      %parallel_loop3A_664 = arith.constant 96 : index
      %parallel_loop3A_665 = tpu.vector_load %arg12[%parallel_loop3A_662, %parallel_loop3A_663, %parallel_loop3A_664] {strides = array<i32>} : memref<2x64x128xf32, #tpu.memory_space<vmem>>, vector<1x1x16xf32>,
      %parallel_loop3A_666 = vector.shape_cast %parallel_loop3A_665 : vector<1x1x16xf32> to vector<16xf32>
      %parallel_loop3A_667 = arith.addf %parallel_loop3A_660, %parallel_loop3A_666 : vector<16xf32>
      %parallel_loop3A_668 = arith.constant 1 : i32
      %parallel_loop3A_669 = arith.index_cast %parallel_loop3A_668 : i32 to index
      %parallel_loop3A_670 = arith.index_cast %parallel_loop3A_520 : i32 to index
      %parallel_loop3A_671 = arith.constant 96 : index
      %parallel_loop3A_672 = tpu.vector_load %arg13[%parallel_loop3A_669, %parallel_loop3A_670, %parallel_loop3A_671] {strides = array<i32>} : memref<2x64x128xf32, #tpu.memory_space<vmem>>, vector<1x1x16xf32>,
      %parallel_loop3A_673 = vector.shape_cast %parallel_loop3A_672 : vector<1x1x16xf32> to vector<16xf32>
      %parallel_loop3A_674 = arith.subf %parallel_loop3A_667, %parallel_loop3A_673 : vector<16xf32>
      %parallel_loop3A_675 = arith.mulf %parallel_loop3A_674, %parallel_loop3A_674 : vector<16xf32>
      %parallel_loop3A_676 = arith.addf %parallel_loop3A_654, %parallel_loop3A_675 : vector<16xf32>
      %parallel_loop3A_677 = arith.constant 1 : i32
      %parallel_loop3A_678 = arith.index_cast %parallel_loop3A_677 : i32 to index
      %parallel_loop3A_679 = arith.index_cast %parallel_loop3A_520 : i32 to index
      %parallel_loop3A_680 = arith.constant 112 : index
      %parallel_loop3A_681 = tpu.vector_load %arg11[%parallel_loop3A_678, %parallel_loop3A_679, %parallel_loop3A_680] {strides = array<i32>} : memref<2x64x128xf32, #tpu.memory_space<vmem>>, vector<1x1x16xf32>,
      %parallel_loop3A_682 = vector.shape_cast %parallel_loop3A_681 : vector<1x1x16xf32> to vector<16xf32>
      %parallel_loop3A_683 = arith.constant 1 : i32
      %parallel_loop3A_684 = arith.index_cast %parallel_loop3A_683 : i32 to index
      %parallel_loop3A_685 = arith.index_cast %parallel_loop3A_520 : i32 to index
      %parallel_loop3A_686 = arith.constant 112 : index
      %parallel_loop3A_687 = tpu.vector_load %arg12[%parallel_loop3A_684, %parallel_loop3A_685, %parallel_loop3A_686] {strides = array<i32>} : memref<2x64x128xf32, #tpu.memory_space<vmem>>, vector<1x1x16xf32>,
      %parallel_loop3A_688 = vector.shape_cast %parallel_loop3A_687 : vector<1x1x16xf32> to vector<16xf32>
      %parallel_loop3A_689 = arith.addf %parallel_loop3A_682, %parallel_loop3A_688 : vector<16xf32>
      %parallel_loop3A_690 = arith.constant 1 : i32
      %parallel_loop3A_691 = arith.index_cast %parallel_loop3A_690 : i32 to index
      %parallel_loop3A_692 = arith.index_cast %parallel_loop3A_520 : i32 to index
      %parallel_loop3A_693 = arith.constant 112 : index
      %parallel_loop3A_694 = tpu.vector_load %arg13[%parallel_loop3A_691, %parallel_loop3A_692, %parallel_loop3A_693] {strides = array<i32>} : memref<2x64x128xf32, #tpu.memory_space<vmem>>, vector<1x1x16xf32>,
      %parallel_loop3A_695 = vector.shape_cast %parallel_loop3A_694 : vector<1x1x16xf32> to vector<16xf32>
      %parallel_loop3A_696 = arith.subf %parallel_loop3A_689, %parallel_loop3A_695 : vector<16xf32>
      %parallel_loop3A_697 = arith.mulf %parallel_loop3A_696, %parallel_loop3A_696 : vector<16xf32>
      %parallel_loop3A_698 = arith.addf %parallel_loop3A_676, %parallel_loop3A_697 : vector<16xf32>
      %parallel_loop3A_699 = arith.constant 320 : i32
      %parallel_loop3A_700 = arith.addi %parallel_loop3A_699, %parallel_loop3A_520 : i32
      %parallel_loop3A_701 = arith.constant 3 : i32
      %parallel_loop3A_702 = arith.shrsi %parallel_loop3A_700, %parallel_loop3A_701 : i32
      %parallel_loop3A_703 = arith.constant 7 : i32
      %parallel_loop3A_704 = arith.andi %parallel_loop3A_700, %parallel_loop3A_703 : i32
      %parallel_loop3A_705 = arith.constant 16 : i32
      %parallel_loop3A_706 = arith.muli %parallel_loop3A_704, %parallel_loop3A_705 : i32
      %parallel_loop3A_707 = arith.index_cast %parallel_loop3A_702 : i32 to index
      %parallel_loop3A_708 = arith.index_cast %parallel_loop3A_706 : i32 to index
      %parallel_loop3A_709 = tpu.vector_load %arg14[%parallel_loop3A_707, %parallel_loop3A_708] {strides = array<i32>} : memref<64x128xf32, #tpu.memory_space<vmem>>, vector<1x16xf32>,
      %parallel_loop3A_710 = vector.shape_cast %parallel_loop3A_709 : vector<1x16xf32> to vector<16xf32>
      %parallel_loop3A_711 = vector.shape_cast %parallel_loop3A_698 : vector<16xf32> to vector<1x16xf32>
      tpu.vector_store %arg14[%parallel_loop3A_707, %parallel_loop3A_708], %parallel_loop3A_711 {strides = array<i32>} : memref<64x128xf32, #tpu.memory_space<vmem>>, vector<1x16xf32>,
    } {sc.loop_unroll_factor = 4 : i64, sc.parallel_access}
    %dma_start3A_422 = arith.constant 1 : i32
    %dma_start3A_423 = arith.constant 0 : i32
    %dma_start3A_424 = arith.constant 0 : i32
    %dma_start3A_425 = tpu.memref_slice %arg11[%dma_start3A_422, %dma_start3A_423, %dma_start3A_424] : memref<2x64x128xf32, #tpu.memory_space<vmem>> -> memref<1x64x128xf32, #tpu.memory_space<vmem>>
    %dma_start3A_426 = tpu.memref_squeeze %dma_start3A_425 : memref<1x64x128xf32, #tpu.memory_space<vmem>> -> memref<64x128xf32, #tpu.memory_space<vmem>>
    %dma_start3A_427 = arith.constant 448 : i32
    %dma_start3A_428 = tpu.memref_slice %arg8[%dma_start3A_427] : memref<512xi32, #tpu.memory_space<vmem>> -> memref<64xi32, #tpu.memory_space<vmem>>
    %dma_start3A_429 = arith.constant 0 : i32
    %dma_start3A_430 = arith.constant 0 : i32
    %dma_start3A_431 = tpu.memref_slice %arg2[%dma_start3A_429, %dma_start3A_430] : memref<1000000x128xf32, #tpu.memory_space<hbm>> -> memref<1000000x128xf32, #tpu.memory_space<hbm>>
    tpu.enqueue_indirect_dma source(%dma_start3A_431 : memref<1000000x128xf32, #tpu.memory_space<hbm>>) target(%dma_start3A_426 : memref<64x128xf32, #tpu.memory_space<vmem>>) offsets(%dma_start3A_428 : memref<64xi32, #tpu.memory_space<vmem>>) semaphore(%arg19 : memref<!tpu.dma_semaphore, #tpu.memory_space<semaphore_mem>>)
    %dma_start3A_432 = arith.constant 1 : i32
    %dma_start3A_433 = arith.constant 0 : i32
    %dma_start3A_434 = arith.constant 0 : i32
    %dma_start3A_435 = tpu.memref_slice %arg13[%dma_start3A_432, %dma_start3A_433, %dma_start3A_434] : memref<2x64x128xf32, #tpu.memory_space<vmem>> -> memref<1x64x128xf32, #tpu.memory_space<vmem>>
    %dma_start3A_436 = tpu.memref_squeeze %dma_start3A_435 : memref<1x64x128xf32, #tpu.memory_space<vmem>> -> memref<64x128xf32, #tpu.memory_space<vmem>>
    %dma_start3A_437 = arith.constant 448 : i32
    %dma_start3A_438 = tpu.memref_slice %arg10[%dma_start3A_437] : memref<512xi32, #tpu.memory_space<vmem>> -> memref<64xi32, #tpu.memory_space<vmem>>
    %dma_start3A_439 = arith.constant 0 : i32
    %dma_start3A_440 = arith.constant 0 : i32
    %dma_start3A_441 = tpu.memref_slice %arg2[%dma_start3A_439, %dma_start3A_440] : memref<1000000x128xf32, #tpu.memory_space<hbm>> -> memref<1000000x128xf32, #tpu.memory_space<hbm>>
    tpu.enqueue_indirect_dma source(%dma_start3A_441 : memref<1000000x128xf32, #tpu.memory_space<hbm>>) target(%dma_start3A_436 : memref<64x128xf32, #tpu.memory_space<vmem>>) offsets(%dma_start3A_438 : memref<64xi32, #tpu.memory_space<vmem>>) semaphore(%arg21 : memref<!tpu.dma_semaphore, #tpu.memory_space<semaphore_mem>>)
    %dma_start3A_442 = arith.constant 1 : i32
    %dma_start3A_443 = arith.constant 0 : i32
    %dma_start3A_444 = arith.constant 0 : i32
    %dma_start3A_445 = tpu.memref_slice %arg12[%dma_start3A_442, %dma_start3A_443, %dma_start3A_444] : memref<2x64x128xf32, #tpu.memory_space<vmem>> -> memref<1x64x128xf32, #tpu.memory_space<vmem>>
    %dma_start3A_446 = tpu.memref_squeeze %dma_start3A_445 : memref<1x64x128xf32, #tpu.memory_space<vmem>> -> memref<64x128xf32, #tpu.memory_space<vmem>>
    %dma_start3A_447 = arith.constant 448 : i32
    %dma_start3A_448 = tpu.memref_slice %arg9[%dma_start3A_447] : memref<512xi32, #tpu.memory_space<vmem>> -> memref<64xi32, #tpu.memory_space<vmem>>
    %dma_start3A_449 = arith.constant 0 : i32
    %dma_start3A_450 = arith.constant 0 : i32
    %dma_start3A_451 = tpu.memref_slice %arg15[%dma_start3A_449, %dma_start3A_450] : memref<1000x128xf32, #tpu.memory_space<vmem_shared>> -> memref<1000x128xf32, #tpu.memory_space<vmem_shared>>
    tpu.enqueue_indirect_dma source(%dma_start3A_451 : memref<1000x128xf32, #tpu.memory_space<vmem_shared>>) target(%dma_start3A_446 : memref<64x128xf32, #tpu.memory_space<vmem>>) offsets(%dma_start3A_448 : memref<64xi32, #tpu.memory_space<vmem>>) semaphore(%arg20 : memref<!tpu.dma_semaphore, #tpu.memory_space<semaphore_mem>>)
    %dma_wait3A_452 = arith.constant 0 : i32
    %dma_wait3A_453 = arith.constant 0 : i32
    %dma_wait3A_454 = arith.constant 0 : i32
    %dma_wait3A_455 = tpu.memref_slice %arg11[%dma_wait3A_452, %dma_wait3A_453, %dma_wait3A_454] : memref<2x64x128xf32, #tpu.memory_space<vmem>> -> memref<1x64x128xf32, #tpu.memory_space<vmem>>
    %dma_wait3A_456 = tpu.memref_squeeze %dma_wait3A_455 : memref<1x64x128xf32, #tpu.memory_space<vmem>> -> memref<64x128xf32, #tpu.memory_space<vmem>>
    %dma_wait3A_457 = arith.constant 384 : i32
    %dma_wait3A_458 = tpu.memref_slice %arg8[%dma_wait3A_457] : memref<512xi32, #tpu.memory_space<vmem>> -> memref<64xi32, #tpu.memory_space<vmem>>
    %dma_wait3A_459 = arith.constant 0 : i32
    %dma_wait3A_460 = arith.constant 0 : i32
    %dma_wait3A_461 = tpu.memref_slice %arg2[%dma_wait3A_459, %dma_wait3A_460] : memref<1000000x128xf32, #tpu.memory_space<hbm>> -> memref<1000000x128xf32, #tpu.memory_space<hbm>>
    tpu.wait_indirect_dma semaphore(%arg16 : memref<!tpu.dma_semaphore, #tpu.memory_space<semaphore_mem>>) src(%dma_wait3A_461 : memref<1000000x128xf32, #tpu.memory_space<hbm>>) dst(%dma_wait3A_456 : memref<64x128xf32, #tpu.memory_space<vmem>>)
    %dma_wait3A_462 = arith.constant 0 : i32
    %dma_wait3A_463 = arith.constant 0 : i32
    %dma_wait3A_464 = arith.constant 0 : i32
    %dma_wait3A_465 = tpu.memref_slice %arg13[%dma_wait3A_462, %dma_wait3A_463, %dma_wait3A_464] : memref<2x64x128xf32, #tpu.memory_space<vmem>> -> memref<1x64x128xf32, #tpu.memory_space<vmem>>
    %dma_wait3A_466 = tpu.memref_squeeze %dma_wait3A_465 : memref<1x64x128xf32, #tpu.memory_space<vmem>> -> memref<64x128xf32, #tpu.memory_space<vmem>>
    %dma_wait3A_467 = arith.constant 384 : i32
    %dma_wait3A_468 = tpu.memref_slice %arg10[%dma_wait3A_467] : memref<512xi32, #tpu.memory_space<vmem>> -> memref<64xi32, #tpu.memory_space<vmem>>
    %dma_wait3A_469 = arith.constant 0 : i32
    %dma_wait3A_470 = arith.constant 0 : i32
    %dma_wait3A_471 = tpu.memref_slice %arg2[%dma_wait3A_469, %dma_wait3A_470] : memref<1000000x128xf32, #tpu.memory_space<hbm>> -> memref<1000000x128xf32, #tpu.memory_space<hbm>>
    tpu.wait_indirect_dma semaphore(%arg18 : memref<!tpu.dma_semaphore, #tpu.memory_space<semaphore_mem>>) src(%dma_wait3A_471 : memref<1000000x128xf32, #tpu.memory_space<hbm>>) dst(%dma_wait3A_466 : memref<64x128xf32, #tpu.memory_space<vmem>>)
    %dma_wait3A_472 = arith.constant 0 : i32
    %dma_wait3A_473 = arith.constant 0 : i32
    %dma_wait3A_474 = arith.constant 0 : i32
    %dma_wait3A_475 = tpu.memref_slice %arg12[%dma_wait3A_472, %dma_wait3A_473, %dma_wait3A_474] : memref<2x64x128xf32, #tpu.memory_space<vmem>> -> memref<1x64x128xf32, #tpu.memory_space<vmem>>
    %dma_wait3A_476 = tpu.memref_squeeze %dma_wait3A_475 : memref<1x64x128xf32, #tpu.memory_space<vmem>> -> memref<64x128xf32, #tpu.memory_space<vmem>>
    %dma_wait3A_477 = arith.constant 384 : i32
    %dma_wait3A_478 = tpu.memref_slice %arg9[%dma_wait3A_477] : memref<512xi32, #tpu.memory_space<vmem>> -> memref<64xi32, #tpu.memory_space<vmem>>
    %dma_wait3A_479 = arith.constant 0 : i32
    %dma_wait3A_480 = arith.constant 0 : i32
    %dma_wait3A_481 = tpu.memref_slice %arg15[%dma_wait3A_479, %dma_wait3A_480] : memref<1000x128xf32, #tpu.memory_space<vmem_shared>> -> memref<1000x128xf32, #tpu.memory_space<vmem_shared>>
    tpu.wait_indirect_dma semaphore(%arg17 : memref<!tpu.dma_semaphore, #tpu.memory_space<semaphore_mem>>) src(%dma_wait3A_481 : memref<1000x128xf32, #tpu.memory_space<vmem_shared>>) dst(%dma_wait3A_476 : memref<64x128xf32, #tpu.memory_space<vmem>>)
    %parallel_loop3A_482 = arith.constant 0 : i32
    %parallel_loop3A_483 = arith.constant 64 : i32
    %parallel_loop3A_484 = arith.constant 1 : i32
    scf.for %parallel_loop3A_520 = %parallel_loop3A_482 to %parallel_loop3A_483 step %parallel_loop3A_484  : i32 {
      %parallel_loop3A_521 = arith.constant 0.000000e+00 : f32
      %parallel_loop3A_522 = vector.broadcast %parallel_loop3A_521 : f32 to vector<16xf32>
      %parallel_loop3A_523 = arith.constant 0 : i32
      %parallel_loop3A_524 = arith.index_cast %parallel_loop3A_523 : i32 to index
      %parallel_loop3A_525 = arith.index_cast %parallel_loop3A_520 : i32 to index
      %parallel_loop3A_526 = arith.constant 0 : index
      %parallel_loop3A_527 = tpu.vector_load %arg11[%parallel_loop3A_524, %parallel_loop3A_525, %parallel_loop3A_526] {strides = array<i32>} : memref<2x64x128xf32, #tpu.memory_space<vmem>>, vector<1x1x16xf32>,
      %parallel_loop3A_528 = vector.shape_cast %parallel_loop3A_527 : vector<1x1x16xf32> to vector<16xf32>
      %parallel_loop3A_529 = arith.constant 0 : i32
      %parallel_loop3A_530 = arith.index_cast %parallel_loop3A_529 : i32 to index
      %parallel_loop3A_531 = arith.index_cast %parallel_loop3A_520 : i32 to index
      %parallel_loop3A_532 = arith.constant 0 : index
      %parallel_loop3A_533 = tpu.vector_load %arg12[%parallel_loop3A_530, %parallel_loop3A_531, %parallel_loop3A_532] {strides = array<i32>} : memref<2x64x128xf32, #tpu.memory_space<vmem>>, vector<1x1x16xf32>,
      %parallel_loop3A_534 = vector.shape_cast %parallel_loop3A_533 : vector<1x1x16xf32> to vector<16xf32>
      %parallel_loop3A_535 = arith.addf %parallel_loop3A_528, %parallel_loop3A_534 : vector<16xf32>
      %parallel_loop3A_536 = arith.constant 0 : i32
      %parallel_loop3A_537 = arith.index_cast %parallel_loop3A_536 : i32 to index
      %parallel_loop3A_538 = arith.index_cast %parallel_loop3A_520 : i32 to index
      %parallel_loop3A_539 = arith.constant 0 : index
      %parallel_loop3A_540 = tpu.vector_load %arg13[%parallel_loop3A_537, %parallel_loop3A_538, %parallel_loop3A_539] {strides = array<i32>} : memref<2x64x128xf32, #tpu.memory_space<vmem>>, vector<1x1x16xf32>,
      %parallel_loop3A_541 = vector.shape_cast %parallel_loop3A_540 : vector<1x1x16xf32> to vector<16xf32>
      %parallel_loop3A_542 = arith.subf %parallel_loop3A_535, %parallel_loop3A_541 : vector<16xf32>
      %parallel_loop3A_543 = arith.mulf %parallel_loop3A_542, %parallel_loop3A_542 : vector<16xf32>
      %parallel_loop3A_544 = arith.addf %parallel_loop3A_522, %parallel_loop3A_543 : vector<16xf32>
      %parallel_loop3A_545 = arith.constant 0 : i32
      %parallel_loop3A_546 = arith.index_cast %parallel_loop3A_545 : i32 to index
      %parallel_loop3A_547 = arith.index_cast %parallel_loop3A_520 : i32 to index
      %parallel_loop3A_548 = arith.constant 16 : index
      %parallel_loop3A_549 = tpu.vector_load %arg11[%parallel_loop3A_546, %parallel_loop3A_547, %parallel_loop3A_548] {strides = array<i32>} : memref<2x64x128xf32, #tpu.memory_space<vmem>>, vector<1x1x16xf32>,
      %parallel_loop3A_550 = vector.shape_cast %parallel_loop3A_549 : vector<1x1x16xf32> to vector<16xf32>
      %parallel_loop3A_551 = arith.constant 0 : i32
      %parallel_loop3A_552 = arith.index_cast %parallel_loop3A_551 : i32 to index
      %parallel_loop3A_553 = arith.index_cast %parallel_loop3A_520 : i32 to index
      %parallel_loop3A_554 = arith.constant 16 : index
      %parallel_loop3A_555 = tpu.vector_load %arg12[%parallel_loop3A_552, %parallel_loop3A_553, %parallel_loop3A_554] {strides = array<i32>} : memref<2x64x128xf32, #tpu.memory_space<vmem>>, vector<1x1x16xf32>,
      %parallel_loop3A_556 = vector.shape_cast %parallel_loop3A_555 : vector<1x1x16xf32> to vector<16xf32>
      %parallel_loop3A_557 = arith.addf %parallel_loop3A_550, %parallel_loop3A_556 : vector<16xf32>
      %parallel_loop3A_558 = arith.constant 0 : i32
      %parallel_loop3A_559 = arith.index_cast %parallel_loop3A_558 : i32 to index
      %parallel_loop3A_560 = arith.index_cast %parallel_loop3A_520 : i32 to index
      %parallel_loop3A_561 = arith.constant 16 : index
      %parallel_loop3A_562 = tpu.vector_load %arg13[%parallel_loop3A_559, %parallel_loop3A_560, %parallel_loop3A_561] {strides = array<i32>} : memref<2x64x128xf32, #tpu.memory_space<vmem>>, vector<1x1x16xf32>,
      %parallel_loop3A_563 = vector.shape_cast %parallel_loop3A_562 : vector<1x1x16xf32> to vector<16xf32>
      %parallel_loop3A_564 = arith.subf %parallel_loop3A_557, %parallel_loop3A_563 : vector<16xf32>
      %parallel_loop3A_565 = arith.mulf %parallel_loop3A_564, %parallel_loop3A_564 : vector<16xf32>
      %parallel_loop3A_566 = arith.addf %parallel_loop3A_544, %parallel_loop3A_565 : vector<16xf32>
      %parallel_loop3A_567 = arith.constant 0 : i32
      %parallel_loop3A_568 = arith.index_cast %parallel_loop3A_567 : i32 to index
      %parallel_loop3A_569 = arith.index_cast %parallel_loop3A_520 : i32 to index
      %parallel_loop3A_570 = arith.constant 32 : index
      %parallel_loop3A_571 = tpu.vector_load %arg11[%parallel_loop3A_568, %parallel_loop3A_569, %parallel_loop3A_570] {strides = array<i32>} : memref<2x64x128xf32, #tpu.memory_space<vmem>>, vector<1x1x16xf32>,
      %parallel_loop3A_572 = vector.shape_cast %parallel_loop3A_571 : vector<1x1x16xf32> to vector<16xf32>
      %parallel_loop3A_573 = arith.constant 0 : i32
      %parallel_loop3A_574 = arith.index_cast %parallel_loop3A_573 : i32 to index
      %parallel_loop3A_575 = arith.index_cast %parallel_loop3A_520 : i32 to index
      %parallel_loop3A_576 = arith.constant 32 : index
      %parallel_loop3A_577 = tpu.vector_load %arg12[%parallel_loop3A_574, %parallel_loop3A_575, %parallel_loop3A_576] {strides = array<i32>} : memref<2x64x128xf32, #tpu.memory_space<vmem>>, vector<1x1x16xf32>,
      %parallel_loop3A_578 = vector.shape_cast %parallel_loop3A_577 : vector<1x1x16xf32> to vector<16xf32>
      %parallel_loop3A_579 = arith.addf %parallel_loop3A_572, %parallel_loop3A_578 : vector<16xf32>
      %parallel_loop3A_580 = arith.constant 0 : i32
      %parallel_loop3A_581 = arith.index_cast %parallel_loop3A_580 : i32 to index
      %parallel_loop3A_582 = arith.index_cast %parallel_loop3A_520 : i32 to index
      %parallel_loop3A_583 = arith.constant 32 : index
      %parallel_loop3A_584 = tpu.vector_load %arg13[%parallel_loop3A_581, %parallel_loop3A_582, %parallel_loop3A_583] {strides = array<i32>} : memref<2x64x128xf32, #tpu.memory_space<vmem>>, vector<1x1x16xf32>,
      %parallel_loop3A_585 = vector.shape_cast %parallel_loop3A_584 : vector<1x1x16xf32> to vector<16xf32>
      %parallel_loop3A_586 = arith.subf %parallel_loop3A_579, %parallel_loop3A_585 : vector<16xf32>
      %parallel_loop3A_587 = arith.mulf %parallel_loop3A_586, %parallel_loop3A_586 : vector<16xf32>
      %parallel_loop3A_588 = arith.addf %parallel_loop3A_566, %parallel_loop3A_587 : vector<16xf32>
      %parallel_loop3A_589 = arith.constant 0 : i32
      %parallel_loop3A_590 = arith.index_cast %parallel_loop3A_589 : i32 to index
      %parallel_loop3A_591 = arith.index_cast %parallel_loop3A_520 : i32 to index
      %parallel_loop3A_592 = arith.constant 48 : index
      %parallel_loop3A_593 = tpu.vector_load %arg11[%parallel_loop3A_590, %parallel_loop3A_591, %parallel_loop3A_592] {strides = array<i32>} : memref<2x64x128xf32, #tpu.memory_space<vmem>>, vector<1x1x16xf32>,
      %parallel_loop3A_594 = vector.shape_cast %parallel_loop3A_593 : vector<1x1x16xf32> to vector<16xf32>
      %parallel_loop3A_595 = arith.constant 0 : i32
      %parallel_loop3A_596 = arith.index_cast %parallel_loop3A_595 : i32 to index
      %parallel_loop3A_597 = arith.index_cast %parallel_loop3A_520 : i32 to index
      %parallel_loop3A_598 = arith.constant 48 : index
      %parallel_loop3A_599 = tpu.vector_load %arg12[%parallel_loop3A_596, %parallel_loop3A_597, %parallel_loop3A_598] {strides = array<i32>} : memref<2x64x128xf32, #tpu.memory_space<vmem>>, vector<1x1x16xf32>,
      %parallel_loop3A_600 = vector.shape_cast %parallel_loop3A_599 : vector<1x1x16xf32> to vector<16xf32>
      %parallel_loop3A_601 = arith.addf %parallel_loop3A_594, %parallel_loop3A_600 : vector<16xf32>
      %parallel_loop3A_602 = arith.constant 0 : i32
      %parallel_loop3A_603 = arith.index_cast %parallel_loop3A_602 : i32 to index
      %parallel_loop3A_604 = arith.index_cast %parallel_loop3A_520 : i32 to index
      %parallel_loop3A_605 = arith.constant 48 : index
      %parallel_loop3A_606 = tpu.vector_load %arg13[%parallel_loop3A_603, %parallel_loop3A_604, %parallel_loop3A_605] {strides = array<i32>} : memref<2x64x128xf32, #tpu.memory_space<vmem>>, vector<1x1x16xf32>,
      %parallel_loop3A_607 = vector.shape_cast %parallel_loop3A_606 : vector<1x1x16xf32> to vector<16xf32>
      %parallel_loop3A_608 = arith.subf %parallel_loop3A_601, %parallel_loop3A_607 : vector<16xf32>
      %parallel_loop3A_609 = arith.mulf %parallel_loop3A_608, %parallel_loop3A_608 : vector<16xf32>
      %parallel_loop3A_610 = arith.addf %parallel_loop3A_588, %parallel_loop3A_609 : vector<16xf32>
      %parallel_loop3A_611 = arith.constant 0 : i32
      %parallel_loop3A_612 = arith.index_cast %parallel_loop3A_611 : i32 to index
      %parallel_loop3A_613 = arith.index_cast %parallel_loop3A_520 : i32 to index
      %parallel_loop3A_614 = arith.constant 64 : index
      %parallel_loop3A_615 = tpu.vector_load %arg11[%parallel_loop3A_612, %parallel_loop3A_613, %parallel_loop3A_614] {strides = array<i32>} : memref<2x64x128xf32, #tpu.memory_space<vmem>>, vector<1x1x16xf32>,
      %parallel_loop3A_616 = vector.shape_cast %parallel_loop3A_615 : vector<1x1x16xf32> to vector<16xf32>
      %parallel_loop3A_617 = arith.constant 0 : i32
      %parallel_loop3A_618 = arith.index_cast %parallel_loop3A_617 : i32 to index
      %parallel_loop3A_619 = arith.index_cast %parallel_loop3A_520 : i32 to index
      %parallel_loop3A_620 = arith.constant 64 : index
      %parallel_loop3A_621 = tpu.vector_load %arg12[%parallel_loop3A_618, %parallel_loop3A_619, %parallel_loop3A_620] {strides = array<i32>} : memref<2x64x128xf32, #tpu.memory_space<vmem>>, vector<1x1x16xf32>,
      %parallel_loop3A_622 = vector.shape_cast %parallel_loop3A_621 : vector<1x1x16xf32> to vector<16xf32>
      %parallel_loop3A_623 = arith.addf %parallel_loop3A_616, %parallel_loop3A_622 : vector<16xf32>
      %parallel_loop3A_624 = arith.constant 0 : i32
      %parallel_loop3A_625 = arith.index_cast %parallel_loop3A_624 : i32 to index
      %parallel_loop3A_626 = arith.index_cast %parallel_loop3A_520 : i32 to index
      %parallel_loop3A_627 = arith.constant 64 : index
      %parallel_loop3A_628 = tpu.vector_load %arg13[%parallel_loop3A_625, %parallel_loop3A_626, %parallel_loop3A_627] {strides = array<i32>} : memref<2x64x128xf32, #tpu.memory_space<vmem>>, vector<1x1x16xf32>,
      %parallel_loop3A_629 = vector.shape_cast %parallel_loop3A_628 : vector<1x1x16xf32> to vector<16xf32>
      %parallel_loop3A_630 = arith.subf %parallel_loop3A_623, %parallel_loop3A_629 : vector<16xf32>
      %parallel_loop3A_631 = arith.mulf %parallel_loop3A_630, %parallel_loop3A_630 : vector<16xf32>
      %parallel_loop3A_632 = arith.addf %parallel_loop3A_610, %parallel_loop3A_631 : vector<16xf32>
      %parallel_loop3A_633 = arith.constant 0 : i32
      %parallel_loop3A_634 = arith.index_cast %parallel_loop3A_633 : i32 to index
      %parallel_loop3A_635 = arith.index_cast %parallel_loop3A_520 : i32 to index
      %parallel_loop3A_636 = arith.constant 80 : index
      %parallel_loop3A_637 = tpu.vector_load %arg11[%parallel_loop3A_634, %parallel_loop3A_635, %parallel_loop3A_636] {strides = array<i32>} : memref<2x64x128xf32, #tpu.memory_space<vmem>>, vector<1x1x16xf32>,
      %parallel_loop3A_638 = vector.shape_cast %parallel_loop3A_637 : vector<1x1x16xf32> to vector<16xf32>
      %parallel_loop3A_639 = arith.constant 0 : i32
      %parallel_loop3A_640 = arith.index_cast %parallel_loop3A_639 : i32 to index
      %parallel_loop3A_641 = arith.index_cast %parallel_loop3A_520 : i32 to index
      %parallel_loop3A_642 = arith.constant 80 : index
      %parallel_loop3A_643 = tpu.vector_load %arg12[%parallel_loop3A_640, %parallel_loop3A_641, %parallel_loop3A_642] {strides = array<i32>} : memref<2x64x128xf32, #tpu.memory_space<vmem>>, vector<1x1x16xf32>,
      %parallel_loop3A_644 = vector.shape_cast %parallel_loop3A_643 : vector<1x1x16xf32> to vector<16xf32>
      %parallel_loop3A_645 = arith.addf %parallel_loop3A_638, %parallel_loop3A_644 : vector<16xf32>
      %parallel_loop3A_646 = arith.constant 0 : i32
      %parallel_loop3A_647 = arith.index_cast %parallel_loop3A_646 : i32 to index
      %parallel_loop3A_648 = arith.index_cast %parallel_loop3A_520 : i32 to index
      %parallel_loop3A_649 = arith.constant 80 : index
      %parallel_loop3A_650 = tpu.vector_load %arg13[%parallel_loop3A_647, %parallel_loop3A_648, %parallel_loop3A_649] {strides = array<i32>} : memref<2x64x128xf32, #tpu.memory_space<vmem>>, vector<1x1x16xf32>,
      %parallel_loop3A_651 = vector.shape_cast %parallel_loop3A_650 : vector<1x1x16xf32> to vector<16xf32>
      %parallel_loop3A_652 = arith.subf %parallel_loop3A_645, %parallel_loop3A_651 : vector<16xf32>
      %parallel_loop3A_653 = arith.mulf %parallel_loop3A_652, %parallel_loop3A_652 : vector<16xf32>
      %parallel_loop3A_654 = arith.addf %parallel_loop3A_632, %parallel_loop3A_653 : vector<16xf32>
      %parallel_loop3A_655 = arith.constant 0 : i32
      %parallel_loop3A_656 = arith.index_cast %parallel_loop3A_655 : i32 to index
      %parallel_loop3A_657 = arith.index_cast %parallel_loop3A_520 : i32 to index
      %parallel_loop3A_658 = arith.constant 96 : index
      %parallel_loop3A_659 = tpu.vector_load %arg11[%parallel_loop3A_656, %parallel_loop3A_657, %parallel_loop3A_658] {strides = array<i32>} : memref<2x64x128xf32, #tpu.memory_space<vmem>>, vector<1x1x16xf32>,
      %parallel_loop3A_660 = vector.shape_cast %parallel_loop3A_659 : vector<1x1x16xf32> to vector<16xf32>
      %parallel_loop3A_661 = arith.constant 0 : i32
      %parallel_loop3A_662 = arith.index_cast %parallel_loop3A_661 : i32 to index
      %parallel_loop3A_663 = arith.index_cast %parallel_loop3A_520 : i32 to index
      %parallel_loop3A_664 = arith.constant 96 : index
      %parallel_loop3A_665 = tpu.vector_load %arg12[%parallel_loop3A_662, %parallel_loop3A_663, %parallel_loop3A_664] {strides = array<i32>} : memref<2x64x128xf32, #tpu.memory_space<vmem>>, vector<1x1x16xf32>,
      %parallel_loop3A_666 = vector.shape_cast %parallel_loop3A_665 : vector<1x1x16xf32> to vector<16xf32>
      %parallel_loop3A_667 = arith.addf %parallel_loop3A_660, %parallel_loop3A_666 : vector<16xf32>
      %parallel_loop3A_668 = arith.constant 0 : i32
      %parallel_loop3A_669 = arith.index_cast %parallel_loop3A_668 : i32 to index
      %parallel_loop3A_670 = arith.index_cast %parallel_loop3A_520 : i32 to index
      %parallel_loop3A_671 = arith.constant 96 : index
      %parallel_loop3A_672 = tpu.vector_load %arg13[%parallel_loop3A_669, %parallel_loop3A_670, %parallel_loop3A_671] {strides = array<i32>} : memref<2x64x128xf32, #tpu.memory_space<vmem>>, vector<1x1x16xf32>,
      %parallel_loop3A_673 = vector.shape_cast %parallel_loop3A_672 : vector<1x1x16xf32> to vector<16xf32>
      %parallel_loop3A_674 = arith.subf %parallel_loop3A_667, %parallel_loop3A_673 : vector<16xf32>
      %parallel_loop3A_675 = arith.mulf %parallel_loop3A_674, %parallel_loop3A_674 : vector<16xf32>
      %parallel_loop3A_676 = arith.addf %parallel_loop3A_654, %parallel_loop3A_675 : vector<16xf32>
      %parallel_loop3A_677 = arith.constant 0 : i32
      %parallel_loop3A_678 = arith.index_cast %parallel_loop3A_677 : i32 to index
      %parallel_loop3A_679 = arith.index_cast %parallel_loop3A_520 : i32 to index
      %parallel_loop3A_680 = arith.constant 112 : index
      %parallel_loop3A_681 = tpu.vector_load %arg11[%parallel_loop3A_678, %parallel_loop3A_679, %parallel_loop3A_680] {strides = array<i32>} : memref<2x64x128xf32, #tpu.memory_space<vmem>>, vector<1x1x16xf32>,
      %parallel_loop3A_682 = vector.shape_cast %parallel_loop3A_681 : vector<1x1x16xf32> to vector<16xf32>
      %parallel_loop3A_683 = arith.constant 0 : i32
      %parallel_loop3A_684 = arith.index_cast %parallel_loop3A_683 : i32 to index
      %parallel_loop3A_685 = arith.index_cast %parallel_loop3A_520 : i32 to index
      %parallel_loop3A_686 = arith.constant 112 : index
      %parallel_loop3A_687 = tpu.vector_load %arg12[%parallel_loop3A_684, %parallel_loop3A_685, %parallel_loop3A_686] {strides = array<i32>} : memref<2x64x128xf32, #tpu.memory_space<vmem>>, vector<1x1x16xf32>,
      %parallel_loop3A_688 = vector.shape_cast %parallel_loop3A_687 : vector<1x1x16xf32> to vector<16xf32>
      %parallel_loop3A_689 = arith.addf %parallel_loop3A_682, %parallel_loop3A_688 : vector<16xf32>
      %parallel_loop3A_690 = arith.constant 0 : i32
      %parallel_loop3A_691 = arith.index_cast %parallel_loop3A_690 : i32 to index
      %parallel_loop3A_692 = arith.index_cast %parallel_loop3A_520 : i32 to index
      %parallel_loop3A_693 = arith.constant 112 : index
      %parallel_loop3A_694 = tpu.vector_load %arg13[%parallel_loop3A_691, %parallel_loop3A_692, %parallel_loop3A_693] {strides = array<i32>} : memref<2x64x128xf32, #tpu.memory_space<vmem>>, vector<1x1x16xf32>,
      %parallel_loop3A_695 = vector.shape_cast %parallel_loop3A_694 : vector<1x1x16xf32> to vector<16xf32>
      %parallel_loop3A_696 = arith.subf %parallel_loop3A_689, %parallel_loop3A_695 : vector<16xf32>
      %parallel_loop3A_697 = arith.mulf %parallel_loop3A_696, %parallel_loop3A_696 : vector<16xf32>
      %parallel_loop3A_698 = arith.addf %parallel_loop3A_676, %parallel_loop3A_697 : vector<16xf32>
      %parallel_loop3A_699 = arith.constant 384 : i32
      %parallel_loop3A_700 = arith.addi %parallel_loop3A_699, %parallel_loop3A_520 : i32
      %parallel_loop3A_701 = arith.constant 3 : i32
      %parallel_loop3A_702 = arith.shrsi %parallel_loop3A_700, %parallel_loop3A_701 : i32
      %parallel_loop3A_703 = arith.constant 7 : i32
      %parallel_loop3A_704 = arith.andi %parallel_loop3A_700, %parallel_loop3A_703 : i32
      %parallel_loop3A_705 = arith.constant 16 : i32
      %parallel_loop3A_706 = arith.muli %parallel_loop3A_704, %parallel_loop3A_705 : i32
      %parallel_loop3A_707 = arith.index_cast %parallel_loop3A_702 : i32 to index
      %parallel_loop3A_708 = arith.index_cast %parallel_loop3A_706 : i32 to index
      %parallel_loop3A_709 = tpu.vector_load %arg14[%parallel_loop3A_707, %parallel_loop3A_708] {strides = array<i32>} : memref<64x128xf32, #tpu.memory_space<vmem>>, vector<1x16xf32>,
      %parallel_loop3A_710 = vector.shape_cast %parallel_loop3A_709 : vector<1x16xf32> to vector<16xf32>
      %parallel_loop3A_711 = vector.shape_cast %parallel_loop3A_698 : vector<16xf32> to vector<1x16xf32>
      tpu.vector_store %arg14[%parallel_loop3A_707, %parallel_loop3A_708], %parallel_loop3A_711 {strides = array<i32>} : memref<64x128xf32, #tpu.memory_space<vmem>>, vector<1x16xf32>,
    } {sc.loop_unroll_factor = 4 : i64, sc.parallel_access}
    %dma_wait3A_485 = arith.constant 1 : i32
    %dma_wait3A_486 = arith.constant 0 : i32
    %dma_wait3A_487 = arith.constant 0 : i32
    %dma_wait3A_488 = tpu.memref_slice %arg11[%dma_wait3A_485, %dma_wait3A_486, %dma_wait3A_487] : memref<2x64x128xf32, #tpu.memory_space<vmem>> -> memref<1x64x128xf32, #tpu.memory_space<vmem>>
    %dma_wait3A_489 = tpu.memref_squeeze %dma_wait3A_488 : memref<1x64x128xf32, #tpu.memory_space<vmem>> -> memref<64x128xf32, #tpu.memory_space<vmem>>
    %dma_wait3A_490 = arith.constant 448 : i32
    %dma_wait3A_491 = tpu.memref_slice %arg8[%dma_wait3A_490] : memref<512xi32, #tpu.memory_space<vmem>> -> memref<64xi32, #tpu.memory_space<vmem>>
    %dma_wait3A_492 = arith.constant 0 : i32
    %dma_wait3A_493 = arith.constant 0 : i32
    %dma_wait3A_494 = tpu.memref_slice %arg2[%dma_wait3A_492, %dma_wait3A_493] : memref<1000000x128xf32, #tpu.memory_space<hbm>> -> memref<1000000x128xf32, #tpu.memory_space<hbm>>
    tpu.wait_indirect_dma semaphore(%arg19 : memref<!tpu.dma_semaphore, #tpu.memory_space<semaphore_mem>>) src(%dma_wait3A_494 : memref<1000000x128xf32, #tpu.memory_space<hbm>>) dst(%dma_wait3A_489 : memref<64x128xf32, #tpu.memory_space<vmem>>)
    %dma_wait3A_495 = arith.constant 1 : i32
    %dma_wait3A_496 = arith.constant 0 : i32
    %dma_wait3A_497 = arith.constant 0 : i32
    %dma_wait3A_498 = tpu.memref_slice %arg13[%dma_wait3A_495, %dma_wait3A_496, %dma_wait3A_497] : memref<2x64x128xf32, #tpu.memory_space<vmem>> -> memref<1x64x128xf32, #tpu.memory_space<vmem>>
    %dma_wait3A_499 = tpu.memref_squeeze %dma_wait3A_498 : memref<1x64x128xf32, #tpu.memory_space<vmem>> -> memref<64x128xf32, #tpu.memory_space<vmem>>
    %dma_wait3A_500 = arith.constant 448 : i32
    %dma_wait3A_501 = tpu.memref_slice %arg10[%dma_wait3A_500] : memref<512xi32, #tpu.memory_space<vmem>> -> memref<64xi32, #tpu.memory_space<vmem>>
    %dma_wait3A_502 = arith.constant 0 : i32
    %dma_wait3A_503 = arith.constant 0 : i32
    %dma_wait3A_504 = tpu.memref_slice %arg2[%dma_wait3A_502, %dma_wait3A_503] : memref<1000000x128xf32, #tpu.memory_space<hbm>> -> memref<1000000x128xf32, #tpu.memory_space<hbm>>
    tpu.wait_indirect_dma semaphore(%arg21 : memref<!tpu.dma_semaphore, #tpu.memory_space<semaphore_mem>>) src(%dma_wait3A_504 : memref<1000000x128xf32, #tpu.memory_space<hbm>>) dst(%dma_wait3A_499 : memref<64x128xf32, #tpu.memory_space<vmem>>)
    %dma_wait3A_505 = arith.constant 1 : i32
    %dma_wait3A_506 = arith.constant 0 : i32
    %dma_wait3A_507 = arith.constant 0 : i32
    %dma_wait3A_508 = tpu.memref_slice %arg12[%dma_wait3A_505, %dma_wait3A_506, %dma_wait3A_507] : memref<2x64x128xf32, #tpu.memory_space<vmem>> -> memref<1x64x128xf32, #tpu.memory_space<vmem>>
    %dma_wait3A_509 = tpu.memref_squeeze %dma_wait3A_508 : memref<1x64x128xf32, #tpu.memory_space<vmem>> -> memref<64x128xf32, #tpu.memory_space<vmem>>
    %dma_wait3A_510 = arith.constant 448 : i32
    %dma_wait3A_511 = tpu.memref_slice %arg9[%dma_wait3A_510] : memref<512xi32, #tpu.memory_space<vmem>> -> memref<64xi32, #tpu.memory_space<vmem>>
    %dma_wait3A_512 = arith.constant 0 : i32
    %dma_wait3A_513 = arith.constant 0 : i32
    %dma_wait3A_514 = tpu.memref_slice %arg15[%dma_wait3A_512, %dma_wait3A_513] : memref<1000x128xf32, #tpu.memory_space<vmem_shared>> -> memref<1000x128xf32, #tpu.memory_space<vmem_shared>>
    tpu.wait_indirect_dma semaphore(%arg20 : memref<!tpu.dma_semaphore, #tpu.memory_space<semaphore_mem>>) src(%dma_wait3A_514 : memref<1000x128xf32, #tpu.memory_space<vmem_shared>>) dst(%dma_wait3A_509 : memref<64x128xf32, #tpu.memory_space<vmem>>)
    %parallel_loop3A_515 = arith.constant 0 : i32
    %parallel_loop3A_516 = arith.constant 64 : i32
    %parallel_loop3A_517 = arith.constant 1 : i32
    scf.for %parallel_loop3A_520 = %parallel_loop3A_515 to %parallel_loop3A_516 step %parallel_loop3A_517  : i32 {
      %parallel_loop3A_521 = arith.constant 0.000000e+00 : f32
      %parallel_loop3A_522 = vector.broadcast %parallel_loop3A_521 : f32 to vector<16xf32>
      %parallel_loop3A_523 = arith.constant 1 : i32
      %parallel_loop3A_524 = arith.index_cast %parallel_loop3A_523 : i32 to index
      %parallel_loop3A_525 = arith.index_cast %parallel_loop3A_520 : i32 to index
      %parallel_loop3A_526 = arith.constant 0 : index
      %parallel_loop3A_527 = tpu.vector_load %arg11[%parallel_loop3A_524, %parallel_loop3A_525, %parallel_loop3A_526] {strides = array<i32>} : memref<2x64x128xf32, #tpu.memory_space<vmem>>, vector<1x1x16xf32>,
      %parallel_loop3A_528 = vector.shape_cast %parallel_loop3A_527 : vector<1x1x16xf32> to vector<16xf32>
      %parallel_loop3A_529 = arith.constant 1 : i32
      %parallel_loop3A_530 = arith.index_cast %parallel_loop3A_529 : i32 to index
      %parallel_loop3A_531 = arith.index_cast %parallel_loop3A_520 : i32 to index
      %parallel_loop3A_532 = arith.constant 0 : index
      %parallel_loop3A_533 = tpu.vector_load %arg12[%parallel_loop3A_530, %parallel_loop3A_531, %parallel_loop3A_532] {strides = array<i32>} : memref<2x64x128xf32, #tpu.memory_space<vmem>>, vector<1x1x16xf32>,
      %parallel_loop3A_534 = vector.shape_cast %parallel_loop3A_533 : vector<1x1x16xf32> to vector<16xf32>
      %parallel_loop3A_535 = arith.addf %parallel_loop3A_528, %parallel_loop3A_534 : vector<16xf32>
      %parallel_loop3A_536 = arith.constant 1 : i32
      %parallel_loop3A_537 = arith.index_cast %parallel_loop3A_536 : i32 to index
      %parallel_loop3A_538 = arith.index_cast %parallel_loop3A_520 : i32 to index
      %parallel_loop3A_539 = arith.constant 0 : index
      %parallel_loop3A_540 = tpu.vector_load %arg13[%parallel_loop3A_537, %parallel_loop3A_538, %parallel_loop3A_539] {strides = array<i32>} : memref<2x64x128xf32, #tpu.memory_space<vmem>>, vector<1x1x16xf32>,
      %parallel_loop3A_541 = vector.shape_cast %parallel_loop3A_540 : vector<1x1x16xf32> to vector<16xf32>
      %parallel_loop3A_542 = arith.subf %parallel_loop3A_535, %parallel_loop3A_541 : vector<16xf32>
      %parallel_loop3A_543 = arith.mulf %parallel_loop3A_542, %parallel_loop3A_542 : vector<16xf32>
      %parallel_loop3A_544 = arith.addf %parallel_loop3A_522, %parallel_loop3A_543 : vector<16xf32>
      %parallel_loop3A_545 = arith.constant 1 : i32
      %parallel_loop3A_546 = arith.index_cast %parallel_loop3A_545 : i32 to index
      %parallel_loop3A_547 = arith.index_cast %parallel_loop3A_520 : i32 to index
      %parallel_loop3A_548 = arith.constant 16 : index
      %parallel_loop3A_549 = tpu.vector_load %arg11[%parallel_loop3A_546, %parallel_loop3A_547, %parallel_loop3A_548] {strides = array<i32>} : memref<2x64x128xf32, #tpu.memory_space<vmem>>, vector<1x1x16xf32>,
      %parallel_loop3A_550 = vector.shape_cast %parallel_loop3A_549 : vector<1x1x16xf32> to vector<16xf32>
      %parallel_loop3A_551 = arith.constant 1 : i32
      %parallel_loop3A_552 = arith.index_cast %parallel_loop3A_551 : i32 to index
      %parallel_loop3A_553 = arith.index_cast %parallel_loop3A_520 : i32 to index
      %parallel_loop3A_554 = arith.constant 16 : index
      %parallel_loop3A_555 = tpu.vector_load %arg12[%parallel_loop3A_552, %parallel_loop3A_553, %parallel_loop3A_554] {strides = array<i32>} : memref<2x64x128xf32, #tpu.memory_space<vmem>>, vector<1x1x16xf32>,
      %parallel_loop3A_556 = vector.shape_cast %parallel_loop3A_555 : vector<1x1x16xf32> to vector<16xf32>
      %parallel_loop3A_557 = arith.addf %parallel_loop3A_550, %parallel_loop3A_556 : vector<16xf32>
      %parallel_loop3A_558 = arith.constant 1 : i32
      %parallel_loop3A_559 = arith.index_cast %parallel_loop3A_558 : i32 to index
      %parallel_loop3A_560 = arith.index_cast %parallel_loop3A_520 : i32 to index
      %parallel_loop3A_561 = arith.constant 16 : index
      %parallel_loop3A_562 = tpu.vector_load %arg13[%parallel_loop3A_559, %parallel_loop3A_560, %parallel_loop3A_561] {strides = array<i32>} : memref<2x64x128xf32, #tpu.memory_space<vmem>>, vector<1x1x16xf32>,
      %parallel_loop3A_563 = vector.shape_cast %parallel_loop3A_562 : vector<1x1x16xf32> to vector<16xf32>
      %parallel_loop3A_564 = arith.subf %parallel_loop3A_557, %parallel_loop3A_563 : vector<16xf32>
      %parallel_loop3A_565 = arith.mulf %parallel_loop3A_564, %parallel_loop3A_564 : vector<16xf32>
      %parallel_loop3A_566 = arith.addf %parallel_loop3A_544, %parallel_loop3A_565 : vector<16xf32>
      %parallel_loop3A_567 = arith.constant 1 : i32
      %parallel_loop3A_568 = arith.index_cast %parallel_loop3A_567 : i32 to index
      %parallel_loop3A_569 = arith.index_cast %parallel_loop3A_520 : i32 to index
      %parallel_loop3A_570 = arith.constant 32 : index
      %parallel_loop3A_571 = tpu.vector_load %arg11[%parallel_loop3A_568, %parallel_loop3A_569, %parallel_loop3A_570] {strides = array<i32>} : memref<2x64x128xf32, #tpu.memory_space<vmem>>, vector<1x1x16xf32>,
      %parallel_loop3A_572 = vector.shape_cast %parallel_loop3A_571 : vector<1x1x16xf32> to vector<16xf32>
      %parallel_loop3A_573 = arith.constant 1 : i32
      %parallel_loop3A_574 = arith.index_cast %parallel_loop3A_573 : i32 to index
      %parallel_loop3A_575 = arith.index_cast %parallel_loop3A_520 : i32 to index
      %parallel_loop3A_576 = arith.constant 32 : index
      %parallel_loop3A_577 = tpu.vector_load %arg12[%parallel_loop3A_574, %parallel_loop3A_575, %parallel_loop3A_576] {strides = array<i32>} : memref<2x64x128xf32, #tpu.memory_space<vmem>>, vector<1x1x16xf32>,
      %parallel_loop3A_578 = vector.shape_cast %parallel_loop3A_577 : vector<1x1x16xf32> to vector<16xf32>
      %parallel_loop3A_579 = arith.addf %parallel_loop3A_572, %parallel_loop3A_578 : vector<16xf32>
      %parallel_loop3A_580 = arith.constant 1 : i32
      %parallel_loop3A_581 = arith.index_cast %parallel_loop3A_580 : i32 to index
      %parallel_loop3A_582 = arith.index_cast %parallel_loop3A_520 : i32 to index
      %parallel_loop3A_583 = arith.constant 32 : index
      %parallel_loop3A_584 = tpu.vector_load %arg13[%parallel_loop3A_581, %parallel_loop3A_582, %parallel_loop3A_583] {strides = array<i32>} : memref<2x64x128xf32, #tpu.memory_space<vmem>>, vector<1x1x16xf32>,
      %parallel_loop3A_585 = vector.shape_cast %parallel_loop3A_584 : vector<1x1x16xf32> to vector<16xf32>
      %parallel_loop3A_586 = arith.subf %parallel_loop3A_579, %parallel_loop3A_585 : vector<16xf32>
      %parallel_loop3A_587 = arith.mulf %parallel_loop3A_586, %parallel_loop3A_586 : vector<16xf32>
      %parallel_loop3A_588 = arith.addf %parallel_loop3A_566, %parallel_loop3A_587 : vector<16xf32>
      %parallel_loop3A_589 = arith.constant 1 : i32
      %parallel_loop3A_590 = arith.index_cast %parallel_loop3A_589 : i32 to index
      %parallel_loop3A_591 = arith.index_cast %parallel_loop3A_520 : i32 to index
      %parallel_loop3A_592 = arith.constant 48 : index
      %parallel_loop3A_593 = tpu.vector_load %arg11[%parallel_loop3A_590, %parallel_loop3A_591, %parallel_loop3A_592] {strides = array<i32>} : memref<2x64x128xf32, #tpu.memory_space<vmem>>, vector<1x1x16xf32>,
      %parallel_loop3A_594 = vector.shape_cast %parallel_loop3A_593 : vector<1x1x16xf32> to vector<16xf32>
      %parallel_loop3A_595 = arith.constant 1 : i32
      %parallel_loop3A_596 = arith.index_cast %parallel_loop3A_595 : i32 to index
      %parallel_loop3A_597 = arith.index_cast %parallel_loop3A_520 : i32 to index
      %parallel_loop3A_598 = arith.constant 48 : index
      %parallel_loop3A_599 = tpu.vector_load %arg12[%parallel_loop3A_596, %parallel_loop3A_597, %parallel_loop3A_598] {strides = array<i32>} : memref<2x64x128xf32, #tpu.memory_space<vmem>>, vector<1x1x16xf32>,
      %parallel_loop3A_600 = vector.shape_cast %parallel_loop3A_599 : vector<1x1x16xf32> to vector<16xf32>
      %parallel_loop3A_601 = arith.addf %parallel_loop3A_594, %parallel_loop3A_600 : vector<16xf32>
      %parallel_loop3A_602 = arith.constant 1 : i32
      %parallel_loop3A_603 = arith.index_cast %parallel_loop3A_602 : i32 to index
      %parallel_loop3A_604 = arith.index_cast %parallel_loop3A_520 : i32 to index
      %parallel_loop3A_605 = arith.constant 48 : index
      %parallel_loop3A_606 = tpu.vector_load %arg13[%parallel_loop3A_603, %parallel_loop3A_604, %parallel_loop3A_605] {strides = array<i32>} : memref<2x64x128xf32, #tpu.memory_space<vmem>>, vector<1x1x16xf32>,
      %parallel_loop3A_607 = vector.shape_cast %parallel_loop3A_606 : vector<1x1x16xf32> to vector<16xf32>
      %parallel_loop3A_608 = arith.subf %parallel_loop3A_601, %parallel_loop3A_607 : vector<16xf32>
      %parallel_loop3A_609 = arith.mulf %parallel_loop3A_608, %parallel_loop3A_608 : vector<16xf32>
      %parallel_loop3A_610 = arith.addf %parallel_loop3A_588, %parallel_loop3A_609 : vector<16xf32>
      %parallel_loop3A_611 = arith.constant 1 : i32
      %parallel_loop3A_612 = arith.index_cast %parallel_loop3A_611 : i32 to index
      %parallel_loop3A_613 = arith.index_cast %parallel_loop3A_520 : i32 to index
      %parallel_loop3A_614 = arith.constant 64 : index
      %parallel_loop3A_615 = tpu.vector_load %arg11[%parallel_loop3A_612, %parallel_loop3A_613, %parallel_loop3A_614] {strides = array<i32>} : memref<2x64x128xf32, #tpu.memory_space<vmem>>, vector<1x1x16xf32>,
      %parallel_loop3A_616 = vector.shape_cast %parallel_loop3A_615 : vector<1x1x16xf32> to vector<16xf32>
      %parallel_loop3A_617 = arith.constant 1 : i32
      %parallel_loop3A_618 = arith.index_cast %parallel_loop3A_617 : i32 to index
      %parallel_loop3A_619 = arith.index_cast %parallel_loop3A_520 : i32 to index
      %parallel_loop3A_620 = arith.constant 64 : index
      %parallel_loop3A_621 = tpu.vector_load %arg12[%parallel_loop3A_618, %parallel_loop3A_619, %parallel_loop3A_620] {strides = array<i32>} : memref<2x64x128xf32, #tpu.memory_space<vmem>>, vector<1x1x16xf32>,
      %parallel_loop3A_622 = vector.shape_cast %parallel_loop3A_621 : vector<1x1x16xf32> to vector<16xf32>
      %parallel_loop3A_623 = arith.addf %parallel_loop3A_616, %parallel_loop3A_622 : vector<16xf32>
      %parallel_loop3A_624 = arith.constant 1 : i32
      %parallel_loop3A_625 = arith.index_cast %parallel_loop3A_624 : i32 to index
      %parallel_loop3A_626 = arith.index_cast %parallel_loop3A_520 : i32 to index
      %parallel_loop3A_627 = arith.constant 64 : index
      %parallel_loop3A_628 = tpu.vector_load %arg13[%parallel_loop3A_625, %parallel_loop3A_626, %parallel_loop3A_627] {strides = array<i32>} : memref<2x64x128xf32, #tpu.memory_space<vmem>>, vector<1x1x16xf32>,
      %parallel_loop3A_629 = vector.shape_cast %parallel_loop3A_628 : vector<1x1x16xf32> to vector<16xf32>
      %parallel_loop3A_630 = arith.subf %parallel_loop3A_623, %parallel_loop3A_629 : vector<16xf32>
      %parallel_loop3A_631 = arith.mulf %parallel_loop3A_630, %parallel_loop3A_630 : vector<16xf32>
      %parallel_loop3A_632 = arith.addf %parallel_loop3A_610, %parallel_loop3A_631 : vector<16xf32>
      %parallel_loop3A_633 = arith.constant 1 : i32
      %parallel_loop3A_634 = arith.index_cast %parallel_loop3A_633 : i32 to index
      %parallel_loop3A_635 = arith.index_cast %parallel_loop3A_520 : i32 to index
      %parallel_loop3A_636 = arith.constant 80 : index
      %parallel_loop3A_637 = tpu.vector_load %arg11[%parallel_loop3A_634, %parallel_loop3A_635, %parallel_loop3A_636] {strides = array<i32>} : memref<2x64x128xf32, #tpu.memory_space<vmem>>, vector<1x1x16xf32>,
      %parallel_loop3A_638 = vector.shape_cast %parallel_loop3A_637 : vector<1x1x16xf32> to vector<16xf32>
      %parallel_loop3A_639 = arith.constant 1 : i32
      %parallel_loop3A_640 = arith.index_cast %parallel_loop3A_639 : i32 to index
      %parallel_loop3A_641 = arith.index_cast %parallel_loop3A_520 : i32 to index
      %parallel_loop3A_642 = arith.constant 80 : index
      %parallel_loop3A_643 = tpu.vector_load %arg12[%parallel_loop3A_640, %parallel_loop3A_641, %parallel_loop3A_642] {strides = array<i32>} : memref<2x64x128xf32, #tpu.memory_space<vmem>>, vector<1x1x16xf32>,
      %parallel_loop3A_644 = vector.shape_cast %parallel_loop3A_643 : vector<1x1x16xf32> to vector<16xf32>
      %parallel_loop3A_645 = arith.addf %parallel_loop3A_638, %parallel_loop3A_644 : vector<16xf32>
      %parallel_loop3A_646 = arith.constant 1 : i32
      %parallel_loop3A_647 = arith.index_cast %parallel_loop3A_646 : i32 to index
      %parallel_loop3A_648 = arith.index_cast %parallel_loop3A_520 : i32 to index
      %parallel_loop3A_649 = arith.constant 80 : index
      %parallel_loop3A_650 = tpu.vector_load %arg13[%parallel_loop3A_647, %parallel_loop3A_648, %parallel_loop3A_649] {strides = array<i32>} : memref<2x64x128xf32, #tpu.memory_space<vmem>>, vector<1x1x16xf32>,
      %parallel_loop3A_651 = vector.shape_cast %parallel_loop3A_650 : vector<1x1x16xf32> to vector<16xf32>
      %parallel_loop3A_652 = arith.subf %parallel_loop3A_645, %parallel_loop3A_651 : vector<16xf32>
      %parallel_loop3A_653 = arith.mulf %parallel_loop3A_652, %parallel_loop3A_652 : vector<16xf32>
      %parallel_loop3A_654 = arith.addf %parallel_loop3A_632, %parallel_loop3A_653 : vector<16xf32>
      %parallel_loop3A_655 = arith.constant 1 : i32
      %parallel_loop3A_656 = arith.index_cast %parallel_loop3A_655 : i32 to index
      %parallel_loop3A_657 = arith.index_cast %parallel_loop3A_520 : i32 to index
      %parallel_loop3A_658 = arith.constant 96 : index
      %parallel_loop3A_659 = tpu.vector_load %arg11[%parallel_loop3A_656, %parallel_loop3A_657, %parallel_loop3A_658] {strides = array<i32>} : memref<2x64x128xf32, #tpu.memory_space<vmem>>, vector<1x1x16xf32>,
      %parallel_loop3A_660 = vector.shape_cast %parallel_loop3A_659 : vector<1x1x16xf32> to vector<16xf32>
      %parallel_loop3A_661 = arith.constant 1 : i32
      %parallel_loop3A_662 = arith.index_cast %parallel_loop3A_661 : i32 to index
      %parallel_loop3A_663 = arith.index_cast %parallel_loop3A_520 : i32 to index
      %parallel_loop3A_664 = arith.constant 96 : index
      %parallel_loop3A_665 = tpu.vector_load %arg12[%parallel_loop3A_662, %parallel_loop3A_663, %parallel_loop3A_664] {strides = array<i32>} : memref<2x64x128xf32, #tpu.memory_space<vmem>>, vector<1x1x16xf32>,
      %parallel_loop3A_666 = vector.shape_cast %parallel_loop3A_665 : vector<1x1x16xf32> to vector<16xf32>
      %parallel_loop3A_667 = arith.addf %parallel_loop3A_660, %parallel_loop3A_666 : vector<16xf32>
      %parallel_loop3A_668 = arith.constant 1 : i32
      %parallel_loop3A_669 = arith.index_cast %parallel_loop3A_668 : i32 to index
      %parallel_loop3A_670 = arith.index_cast %parallel_loop3A_520 : i32 to index
      %parallel_loop3A_671 = arith.constant 96 : index
      %parallel_loop3A_672 = tpu.vector_load %arg13[%parallel_loop3A_669, %parallel_loop3A_670, %parallel_loop3A_671] {strides = array<i32>} : memref<2x64x128xf32, #tpu.memory_space<vmem>>, vector<1x1x16xf32>,
      %parallel_loop3A_673 = vector.shape_cast %parallel_loop3A_672 : vector<1x1x16xf32> to vector<16xf32>
      %parallel_loop3A_674 = arith.subf %parallel_loop3A_667, %parallel_loop3A_673 : vector<16xf32>
      %parallel_loop3A_675 = arith.mulf %parallel_loop3A_674, %parallel_loop3A_674 : vector<16xf32>
      %parallel_loop3A_676 = arith.addf %parallel_loop3A_654, %parallel_loop3A_675 : vector<16xf32>
      %parallel_loop3A_677 = arith.constant 1 : i32
      %parallel_loop3A_678 = arith.index_cast %parallel_loop3A_677 : i32 to index
      %parallel_loop3A_679 = arith.index_cast %parallel_loop3A_520 : i32 to index
      %parallel_loop3A_680 = arith.constant 112 : index
      %parallel_loop3A_681 = tpu.vector_load %arg11[%parallel_loop3A_678, %parallel_loop3A_679, %parallel_loop3A_680] {strides = array<i32>} : memref<2x64x128xf32, #tpu.memory_space<vmem>>, vector<1x1x16xf32>,
      %parallel_loop3A_682 = vector.shape_cast %parallel_loop3A_681 : vector<1x1x16xf32> to vector<16xf32>
      %parallel_loop3A_683 = arith.constant 1 : i32
      %parallel_loop3A_684 = arith.index_cast %parallel_loop3A_683 : i32 to index
      %parallel_loop3A_685 = arith.index_cast %parallel_loop3A_520 : i32 to index
      %parallel_loop3A_686 = arith.constant 112 : index
      %parallel_loop3A_687 = tpu.vector_load %arg12[%parallel_loop3A_684, %parallel_loop3A_685, %parallel_loop3A_686] {strides = array<i32>} : memref<2x64x128xf32, #tpu.memory_space<vmem>>, vector<1x1x16xf32>,
      %parallel_loop3A_688 = vector.shape_cast %parallel_loop3A_687 : vector<1x1x16xf32> to vector<16xf32>
      %parallel_loop3A_689 = arith.addf %parallel_loop3A_682, %parallel_loop3A_688 : vector<16xf32>
      %parallel_loop3A_690 = arith.constant 1 : i32
      %parallel_loop3A_691 = arith.index_cast %parallel_loop3A_690 : i32 to index
      %parallel_loop3A_692 = arith.index_cast %parallel_loop3A_520 : i32 to index
      %parallel_loop3A_693 = arith.constant 112 : index
      %parallel_loop3A_694 = tpu.vector_load %arg13[%parallel_loop3A_691, %parallel_loop3A_692, %parallel_loop3A_693] {strides = array<i32>} : memref<2x64x128xf32, #tpu.memory_space<vmem>>, vector<1x1x16xf32>,
      %parallel_loop3A_695 = vector.shape_cast %parallel_loop3A_694 : vector<1x1x16xf32> to vector<16xf32>
      %parallel_loop3A_696 = arith.subf %parallel_loop3A_689, %parallel_loop3A_695 : vector<16xf32>
      %parallel_loop3A_697 = arith.mulf %parallel_loop3A_696, %parallel_loop3A_696 : vector<16xf32>
      %parallel_loop3A_698 = arith.addf %parallel_loop3A_676, %parallel_loop3A_697 : vector<16xf32>
      %parallel_loop3A_699 = arith.constant 448 : i32
      %parallel_loop3A_700 = arith.addi %parallel_loop3A_699, %parallel_loop3A_520 : i32
      %parallel_loop3A_701 = arith.constant 3 : i32
      %parallel_loop3A_702 = arith.shrsi %parallel_loop3A_700, %parallel_loop3A_701 : i32
      %parallel_loop3A_703 = arith.constant 7 : i32
      %parallel_loop3A_704 = arith.andi %parallel_loop3A_700, %parallel_loop3A_703 : i32
      %parallel_loop3A_705 = arith.constant 16 : i32
      %parallel_loop3A_706 = arith.muli %parallel_loop3A_704, %parallel_loop3A_705 : i32
      %parallel_loop3A_707 = arith.index_cast %parallel_loop3A_702 : i32 to index
      %parallel_loop3A_708 = arith.index_cast %parallel_loop3A_706 : i32 to index
      %parallel_loop3A_709 = tpu.vector_load %arg14[%parallel_loop3A_707, %parallel_loop3A_708] {strides = array<i32>} : memref<64x128xf32, #tpu.memory_space<vmem>>, vector<1x16xf32>,
      %parallel_loop3A_710 = vector.shape_cast %parallel_loop3A_709 : vector<1x16xf32> to vector<16xf32>
      %parallel_loop3A_711 = vector.shape_cast %parallel_loop3A_698 : vector<16xf32> to vector<1x16xf32>
      tpu.vector_store %arg14[%parallel_loop3A_707, %parallel_loop3A_708], %parallel_loop3A_711 {strides = array<i32>} : memref<64x128xf32, #tpu.memory_space<vmem>>, vector<1x16xf32>,
    } {sc.loop_unroll_factor = 4 : i64, sc.parallel_access}
    %mul3A_518 = arith.constant 64 : i32
    %mul3A_519 = arith.muli %add3A, %mul3A_518 : i32
    "tpu.region"() ({
      %run_scoped3A = tpu.sem_alloc : memref<!tpu.dma_semaphore, #tpu.memory_space<semaphore_mem>>
      %dma_start3A_520 = arith.constant 0 : i32
      %dma_start3A_521 = tpu.memref_slice %arg7[%mul3A_519, %dma_start3A_520] : memref<2048x128xf32, #tpu.memory_space<hbm>> -> memref<64x128xf32, #tpu.memory_space<hbm>>
      %dma_start3A_522 = arith.constant 0 : i32
      %dma_start3A_523 = tpu.memref_slice %arg7[%mul3A_519, %dma_start3A_522] : memref<2048x128xf32, #tpu.memory_space<hbm>> -> memref<64x128xf32, #tpu.memory_space<hbm>>
      tpu.enqueue_dma source(%arg14 : memref<64x128xf32, #tpu.memory_space<vmem>>) target(%dma_start3A_523 : memref<64x128xf32, #tpu.memory_space<hbm>>) target_semaphore(%run_scoped3A : memref<!tpu.dma_semaphore, #tpu.memory_space<semaphore_mem>>)
      %dma_wait3A_524 = arith.constant 0 : i32
      %dma_wait3A_525 = tpu.memref_slice %arg7[%mul3A_519, %dma_wait3A_524] : memref<2048x128xf32, #tpu.memory_space<hbm>> -> memref<64x128xf32, #tpu.memory_space<hbm>>
      %dma_wait3A_526 = arith.constant 0 : i32
      %dma_wait3A_527 = tpu.memref_slice %arg7[%mul3A_519, %dma_wait3A_526] : memref<2048x128xf32, #tpu.memory_space<hbm>> -> memref<64x128xf32, #tpu.memory_space<hbm>>
      tpu.wait_dma2 semaphore(%run_scoped3A : memref<!tpu.dma_semaphore, #tpu.memory_space<semaphore_mem>>) src(%arg14 : memref<64x128xf32, #tpu.memory_space<vmem>>) dst(%dma_wait3A_527 : memref<64x128xf32, #tpu.memory_space<hbm>>)
      tpu.yield
    }) : () -> ()
    return
  }
}

module attributes {stable_mosaic.version = 14 : i64} {
  func.func @_tc_finish_body(%arg0: memref<2048x128xf32, #tpu.memory_space<vmem>>, %arg1: memref<2048x8xf32, #tpu.memory_space<vmem>>) attributes {dimension_semantics = [], scalar_prefetch = 0 : i64, scratch_operands = 0 : i64, tpu.core_type = #tpu.core_type<tc>} {
    %get3A = arith.constant 0 : index
    %get3A_0 = arith.constant 0 : index
    %get3A_1 = vector.load %arg0[%get3A, %get3A_0] : memref<2048x128xf32, #tpu.memory_space<vmem>>, vector<2048x128xf32>
    %iota3A = tpu.iota {dimensions = array<i32: 0>} : vector<128x8xi32>
    %iota3A_2 = tpu.iota {dimensions = array<i32: 1>} : vector<128x8xi32>
    %jit3A = arith.constant 16 : i32
    %div3A = vector.broadcast %jit3A : i32 to vector<128x8xi32>
    %div3A_3 = arith.divsi %iota3A, %div3A : vector<128x8xi32>
    %sign3A = arith.constant 0 : i32
    %sign3A_4 = vector.broadcast %sign3A : i32 to vector<128x8xi32>
    %sign3A_5 = arith.cmpi sgt, %iota3A, %sign3A_4 : vector<128x8xi32>
    %sign3A_6 = arith.extui %sign3A_5 : vector<128x8xi1> to vector<128x8xi32>
    %sign3A_7 = arith.constant 0 : i32
    %sign3A_8 = vector.broadcast %sign3A_7 : i32 to vector<128x8xi32>
    %sign3A_9 = arith.cmpi slt, %iota3A, %sign3A_8 : vector<128x8xi32>
    %sign3A_10 = arith.extui %sign3A_9 : vector<128x8xi1> to vector<128x8xi32>
    %sign3A_11 = arith.subi %sign3A_6, %sign3A_10 : vector<128x8xi32>
    %sign3A_12 = arith.constant 0 : i32
    %sign3A_13 = arith.cmpi sgt, %jit3A, %sign3A_12 : i32
    %sign3A_14 = arith.extui %sign3A_13 : i1 to i32
    %sign3A_15 = arith.constant 0 : i32
    %sign3A_16 = arith.cmpi slt, %jit3A, %sign3A_15 : i32
    %sign3A_17 = arith.extui %sign3A_16 : i1 to i32
    %sign3A_18 = arith.subi %sign3A_14, %sign3A_17 : i32
    %ne3A = vector.broadcast %sign3A_18 : i32 to vector<128x8xi32>
    %ne3A_19 = arith.cmpi ne, %sign3A_11, %ne3A : vector<128x8xi32>
    %rem3A = vector.broadcast %jit3A : i32 to vector<128x8xi32>
    %rem3A_20 = arith.remsi %iota3A, %rem3A : vector<128x8xi32>
    %ne3A_21 = arith.constant 0 : i32
    %ne3A_22 = vector.broadcast %ne3A_21 : i32 to vector<128x8xi32>
    %ne3A_23 = arith.cmpi ne, %rem3A_20, %ne3A_22 : vector<128x8xi32>
    %and3A = arith.andi %ne3A_19, %ne3A_23 : vector<128x8xi1>
    %sub3A = arith.constant 1 : i32
    %sub3A_24 = vector.broadcast %sub3A : i32 to vector<128x8xi32>
    %sub3A_25 = arith.subi %div3A_3, %sub3A_24 : vector<128x8xi32>
    %select_n3A = arith.select %and3A, %sub3A_25, %div3A_3 : vector<128x8xi1>, vector<128x8xi32>
    %eq3A = arith.cmpi eq, %select_n3A, %iota3A_2 : vector<128x8xi32>
    %convert_element_type3A = arith.extui %eq3A : vector<128x8xi1> to vector<128x8xi32>
    %convert_element_type3A_26 = arith.sitofp %convert_element_type3A : vector<128x8xi32> to vector<128x8xf32>
    %dot_general3A = arith.constant dense<0.000000e+00> : vector<2048x8xf32>
    %dot_general3A_27 = tpu.matmul %get3A_1, %convert_element_type3A_26, %dot_general3A {dimension_numbers = #tpu.dot_dimension_numbers<[1], [0], [0], [1], [0, 0, 1, 1], [], []>, precision = #tpu.contract_precision<fp32>, transpose_lhs_hint = false} : vector<2048x128xf32>, vector<128x8xf32>, vector<2048x8xf32> -> vector<2048x8xf32>
    %sqrt3A = math.sqrt %dot_general3A_27 : vector<2048x8xf32>
    %swap3A = arith.constant 0 : index
    %swap3A_28 = arith.constant 0 : index
    %swap3A_29 = vector.load %arg1[%swap3A, %swap3A_28] : memref<2048x8xf32, #tpu.memory_space<vmem>>, vector<2048x8xf32>
    tpu.vector_store %arg1[%swap3A, %swap3A_28], %sqrt3A {strides = array<i32>} : memref<2048x8xf32, #tpu.memory_space<vmem>>, vector<2048x8xf32>,
    return
  }
}

</mosaic_0001>

<sc_bundles>
// kernel: kernel.4.cloned.1.call-start
scs
__scs_entry_jumppad:
0x0: {  	(pc) =	sbr.rel $0x88, $3  }
0x1: {  	(tag) =	ssettag $0x0;
	lr =	simm.s32 $0x1  }
0x2: {  	[smem:$0x3F9C] =	sst lr;
	_ =	strace $0xD0000000  }
0x3: {  	_ = 	snop  }
0x4: {  	_ = 	snop  }
0x5: {  	_ = 	snop  }
0x6: {  	_ = 	snop  }
0x7: {  	_ = 	snop  }
__scs_overlays_trampoline_lowered:
0x8: {  	[smem:$0x3FAB] =	sst s0  }
0x9: {  	[smem:$0x3FAC] =	sst s1  }
0xa: {  	[smem:$0x3FAD] =	sst s2  }
0xb: {  	[smem:$0x3FAE] =	sst s3  }
0xc: {  	[smem:$0x3FAF] =	sst s4  }
0xd: {  	[smem:$0x3FB0] =	sst s5  }
0xe: {  	[smem:$0x3FB1] =	sst s6  }
0xf: {  	[smem:$0x3FB2] =	sst s7  }
0x10: {  	[smem:$0x3FB3] =	sst s8  }
0x11: {  	[smem:$0x3FB4] =	sst s9;
	s0 =	simm.s32 @!p0 $0x0  }
0x12: {  	s1 =	sld [smem:$0x3F9A];
	s0 =	simm.s32 @p0 $0x1  }
0x13: {  	[smem:$0x3FB5] =	sst s0;
	s0 =	simm.s32 @!p1 $0x0  }
0x14: {  	s2 =	sld [smem:$0x3F99];
	s0 =	simm.s32 @p1 $0x1  }
0x15: {  	[smem:$0x3FB6] =	sst s0;
	s0 =	simm.s32 @!p2 $0x0  }
0x16: {  	s3 =	sld [smem:$0x3FDB];
	s0 =	simm.s32 @p2 $0x1  }
0x17: {  	s4 =	simm.s32 $0x1BF5;
	[smem:$0x3FB8] =	sst s0  }
0x18: {  	s0 =	sld [smem:$0x3F9B];
	_ =	swait.ge [sflag:s4], $0x0  }
0x19: {  	s7 =	sld [smem:$0x3F9C]  }
0x1a: {  	s8 =	sadd.s32 $0xFFFFE003, lr  }
0x1b: {  	s9 =	sadd.s32 $0xFFFFFEF7, lr;
	s5 =	simm.s32 $0xFFFFFFFF;
	p2 =	slt.u32 s8, $0xFFFFF086  }
0x1c: {  	p1 =	slt.u32 s9, $0xF7A;
	s5 =	simm.s32 @!p2 $0x0  }
0x1d: {  	s5 =	simm.s32 @p1 $0x1;
	p0 =	seq.s32 s7, s2  }
0x1e: {  	s7 =	smul.u32 @!p0 $0xF7A, s2;
	p2 =	seq.s32 @!p0 s5, $0x0  }
0x1f: {  	s9 =	smul.u32 $0xF7A, s1;
	s8 =	simm.s32 @!p0 $0x1BF5;
	p2 =	por !p2, p0  }
0x20: {  	[sflag:s8] =	ssyncset.s32 @!p0 $0xFFFFF086;
	s6 =	sadd.s32 @!p0 s3, s7;
	s7 =	simm.s32 @!p0 $0x108  }
0x21: {  	s3 =	sadd.s32 s3, s9;
	s6 =	sadd.s32 @!p0 $0x88, s6;
	s7 =	simm.s32 @p2 $0x1082  }
0x22: {  	[simem:s7], [sflag:s8] =	dma.local @!p0 [hbm:s6], $0xF7A  }
0x23: {  	s9 =	sor.u32 $0xD0000000, s2;
	s6 =	simm.s32 $0x108;
	_ =	swait.ge @!p0 [sflag:s8], $0x0  }
0x24: {  	s3 =	sadd.s32 $0x88, s3;
	s6 =	simm.s32 @!p1 $0x1082;
	[sflag:s4] =	ssyncset.s32 $0xFFFFF086  }
0x25: {  	[simem:s6], [sflag:s4] =	dma.local [hbm:s3], $0xF7A  }
0x26: {  	[smem:$0x3F9C] =	sst s1;
	(tag) =	ssettag s2;
	_ =	strace s9  }
0x27: {  	s1 =	sld [smem:$0x3FAC]  }
0x28: {  	s2 =	sld [smem:$0x3FAD]  }
0x29: {  	s4 =	sld [smem:$0x3FAF]  }
0x2a: {  	p0 =	seq.s32 s5, $0x0;
	s5 =	sld [smem:$0x3FB0]  }
0x2b: {  	s6 =	sld [smem:$0x3FB1]  }
0x2c: {  	s7 =	sld [smem:$0x3FB2]  }
0x2d: {  	s3 =	simm.s32 $0x108;
	s8 =	sld [smem:$0x3FB3]  }
0x2e: {  	s3 =	simm.s32 @!p0 $0x1082;
	s9 =	sld [smem:$0x3FB4]  }
0x2f: {  	lr =	sadd.s32 s0, s3;
	s0 =	sld [smem:$0x3FAB]  }
0x30: {  	s3 =	sld [smem:$0x3FAE]  }
0x31: {  	[smem:$0x3FB7] =	sst s10  }
0x32: {  	s10 =	sld [smem:$0x3FB5];
	_ =	sdelay $0x3  }
0x33: {  	p0 =	seq.s32 s10, $0x1;
	s10 =	sld [smem:$0x3FB7];
	_ =	sdelay $0x3  }
0x34: {  	[smem:$0x3FB7] =	sst s10  }
0x35: {  	s10 =	sld [smem:$0x3FB6];
	_ =	sdelay $0x3  }
0x36: {  	p1 =	seq.s32 s10, $0x1;
	s10 =	sld [smem:$0x3FB7];
	_ =	sdelay $0x3  }
0x37: {  	[smem:$0x3FB7] =	sst s10  }
0x38: {  	s10 =	sld [smem:$0x3FB8]  }
0x39: {  	_ = 	snop;
	(pc) =	sbr.ind lr, $3  }
0x3a: {  	_ = 	snop  }
0x3b: {  	_ = 	snop  }
0x3c: {  	p2 =	seq.s32 s10, $0x1;
	s10 =	sld [smem:$0x3FB7]  }
0x3d: {  	_ =	shalt  }
0x3e: {  	_ =	shalt  }
0x3f: {  	_ =	shalt  }
0x40: {  	_ =	shalt  }
0x41: {  	_ =	shalt  }
0x42: {  	_ =	shalt  }
0x43: {  	_ =	shalt  }
0x44: {  	_ =	shalt  }
0x45: {  	_ =	shalt  }
0x46: {  	_ =	shalt  }
0x47: {  	_ =	shalt  }
0x48: {  	_ =	shalt  }
0x49: {  	_ =	shalt  }
0x4a: {  	_ =	shalt  }
0x4b: {  	_ =	shalt  }
0x4c: {  	_ =	shalt  }
0x4d: {  	_ =	shalt  }
0x4e: {  	_ =	shalt  }
0x4f: {  	_ =	shalt  }
0x50: {  	_ =	shalt  }
0x51: {  	_ =	shalt  }
0x52: {  	_ =	shalt  }
0x53: {  	_ =	shalt  }
0x54: {  	_ =	shalt  }
0x55: {  	_ =	shalt  }
0x56: {  	_ =	shalt  }
0x57: {  	_ =	shalt  }
0x58: {  	_ =	shalt  }
0x59: {  	_ =	shalt  }
0x5a: {  	_ =	shalt  }
0x5b: {  	_ =	shalt  }
0x5c: {  	_ =	shalt  }
0x5d: {  	_ =	shalt  }
0x5e: {  	_ =	shalt  }
0x5f: {  	_ =	shalt  }
0x60: {  	_ =	shalt  }
0x61: {  	_ =	shalt  }
0x62: {  	_ =	shalt  }
0x63: {  	_ =	shalt  }
0x64: {  	_ =	shalt  }
0x65: {  	_ =	shalt  }
0x66: {  	_ =	shalt  }
0x67: {  	_ =	shalt  }
0x68: {  	_ =	shalt  }
0x69: {  	_ =	shalt  }
0x6a: {  	_ =	shalt  }
0x6b: {  	_ =	shalt  }
0x6c: {  	_ =	shalt  }
0x6d: {  	_ =	shalt  }
0x6e: {  	_ =	shalt  }
0x6f: {  	_ =	shalt  }
0x70: {  	_ =	shalt  }
0x71: {  	_ =	shalt  }
0x72: {  	_ =	shalt  }
0x73: {  	_ =	shalt  }
0x74: {  	_ =	shalt  }
0x75: {  	_ =	shalt  }
0x76: {  	_ =	shalt  }
0x77: {  	_ =	shalt  }
0x78: {  	_ =	shalt  }
0x79: {  	_ =	shalt  }
0x7a: {  	_ =	shalt  }
0x7b: {  	_ =	shalt  }
0x7c: {  	_ =	shalt  }
0x7d: {  	_ =	shalt  }
0x7e: {  	_ =	shalt  }
0x7f: {  	_ =	shalt  }
0x80: {  	_ =	shalt  }
0x81: {  	_ =	shalt  }
0x82: {  	_ =	shalt  }
0x83: {  	_ =	shalt  }
0x84: {  	_ =	shalt  }
0x85: {  	_ =	shalt  }
0x86: {  	_ =	shalt  }
0x87: {  	_ =	shalt  }
.Lfunc_end0:
.L_simem_size_0:
called_computation_lowered:
.L_overlay_start_0:
0x88: {  	s2 =	sld [smem:$0x3FD9]  }
0x89: {  	s3 =	sld [smem:$0x3FFE];
	_ =	sdelay $0x1  }
0x8a: {  	s1 =	srdreg.scid  }
0x8b: {  	s0 =	sand.u32 $0x1, s1  }
0x8c: {  	s17 =	sshll.u32 s0, $0xA;
	s2 =	sadd.s32 s3, s2  }
0x8d: {  	s2 =	sadd.s32 s2, s17  }
0x8e: {  	[smem:$0x3FC3] =	sst s2  }
0x8f: {  	_ = 	snop  }
0x90: {  	s2 =	sld [smem:$0x3FC9]  }
0x91: {  	s18 =	sld [smem:$0x3FC8]  }
0x92: {  	s4 =	sld [smem:$0x3FC7]  }
0x93: {  	s5 =	sld [smem:$0x3FC6]  }
0x94: {  	s6 =	sld [smem:$0x3FC5];
	(tm) =	ssettm $0x1  }
0x95: {  	s7 =	sld [smem:$0x3FFB];
	_ =	sdelay $0x3  }
0x96: {  	_ =	strace s7  }
0x97: {  	s7 =	sld [smem:$0x3FFC];
	_ =	sdelay $0x3  }
0x98: {  	_ =	strace s7  }
0x99: {  	s7 =	sld [smem:$0x3FFD];
	_ =	sdelay $0x3  }
0x9a: {  	_ =	strace s7  }
0x9b: {  	_ =	strace $0x8FFFFFFF  }
0x9c: {  	s19 =	sld [smem:$0x3FDB];
	_ =	sdelay $0x1  }
0x9d: {  	s8 =	simm.s32 $_scs_section_size  }
0x9e: {  	s9 =	simm.s32 $_size__tile_overlayer_lowered;
	s10 =	simm.s32 $_tile_overlayer_lowered  }
0x9f: {  	s22 =	simm.s32 $0x1BFF;
	s21 =	sshll.u32 s10, $0x1;
	s7 =	sadd.s32 s8, s19  }
0xa0: {  	s11 =	simm.s32 $0x0;
	s20 =	sshll.u32 s9, $0x1;
	s9 =	sadd.s32 s21, s7  }
0xa1: {  	[timem:s11], [sflag:s22] =	dma.local [hbm:s9], s20  }
0xa2: {  	_ =	swait.ge [sflag:s22], s20  }
0xa3: {  	s8 =	ssub.s32 $0x0, s20;
	[sflag:s22] =	ssyncset.done $0x0  }
0xa4: {  	[sflag:s22] =	ssyncadd.s32 s8;
	_ =	sdelay $0x1  }
0xa5: {  	s23 =	simm.s32 $0x1B8B  }
0xa6: {  	_ =	swait.ge [sflag:s23], $0x1  }
0xa7: {  	[sflag:s23] =	ssyncset.done $0x0  }
0xa8: {  	s25 =	simm.s32 $0x1B8E;
	s24 =	sld [smem:$0x3FFE];
	[sflag:s23] =	ssyncadd.s32 $0xFFFFFFFF  }
0xa9: {  	s26 =	simm.s32 $execute0_lowered;
	[smem:$0x3FD2] =	sst s25  }
0xaa: {  	s9 =	sshll.u32 s26, $0x1;
	_ =	strace $0x80000046;
	[dreg:$0x1] =	wrdreg $0xFFFFFFFF  }
0xab: {  	s28 =	simm.s32 $_size_execute0_lowered;
	s7 =	sadd.s32 s7, s9;
	[dreg:$0x0] =	wrdreg $0x0  }
0xac: {  	s9 =	sshll.u32 s28, $0x1;
	[dreg:$0x2] =	wrdreg s7  }
0xad: {  	[dreg:$0x3] =	wrdreg s9  }
0xae: {  	[dreg:$0x4] =	wrdreg $0xC0  }
0xaf: {  	_ =	task [dreg:s11], $0x5FFFF  }
0xb0: {  	[dreg:$0x1] =	wrdreg $0xFFFFFFFF  }
0xb1: {  	[dreg:$0x0] =	wrdreg $0x60  }
0xb2: {  	[dreg:$0x2] =	wrdreg s2  }
0xb3: {  	[dreg:$0x3] =	wrdreg s18  }
0xb4: {  	[dreg:$0x4] =	wrdreg s4  }
0xb5: {  	[dreg:$0x5] =	wrdreg s5  }
0xb6: {  	[dreg:$0x6] =	wrdreg s6  }
0xb7: {  	[dreg:$0x7] =	wrdreg s24  }
0xb8: {  	[dreg:$0x8] =	wrdreg $0xE6000  }
0xb9: {  	[dreg:$0x9] =	wrdreg $0x9  }
0xba: {  	_ =	task.clear_ibuf [dreg:s11], $0xAFFFF;
	_ =	strace $0x90000046  }
0xbb: {  	s29 =	simm.s32 $0x9;
	_ =	strace $0x80000048  }
0xbc: {  	_ =	swait.ge [sflag:s29], $0x1  }
0xbd: {  	[sflag:s29] =	ssyncadd.s32 $0xFFFFFFFF  }
0xbe: {  	_ =	strace $0x90000048  }
0xbf: {  	_ =	sfence  }
0xc0: {  	s30 =	sld [smem:$0x0];
	_ =	sdelay $0x2  }
0xc1: {  	s31 =	sshll.u32 s1, $0xD;
	s1 =	sshrl.u32 s1, $0x2  }
0xc2: {  	s3 =	sand.u32 $0x4000, s31;
	s1 =	sadd.s32 s1, s30  }
0xc3: {  	s0 =	sor.u32 s3, s0;
	s1 =	sshll.u32 s1, $0x11  }
0xc4: {  	s0 =	sor.u32 s1, s0  }
0xc5: {  	s0 =	sadd.s32 $0x8F2B, s0  }
0xc6: {  	[sflag:s0] =	ssyncadd.remote.s32 $0x1  }
0xc7: {  	_ =	sfence.sel $0xFFFF  }
0xc8: {  	[dreg:$0x0] =	wrdreg $0xFFFFFFFF;
	(pc) =	sbr.abs _section_cstart, $3  }
0xc9: {  	[dreg:$0x1] =	wrdreg $0xFFFFFFFF  }
0xca: {  	_ =	task.clear_ibuf [dreg:s11], $0x2FFFF;
	_ =	strace $0x9FFFFFFF  }
0xcb: {  	(tm) =	ssettm $0x7FFFFFFF  }
tec
execute0_lowered:
.L_overlay_start_1:
0x0: {  	(tag) =	ssettag $0x1  }
0x1: {  	s0 =	rddreg [dreg:$0x0]  }
0x2: {  	s1 =	rddreg [dreg:$0x2]  }
0x3: {  	s2 =	rddreg [dreg:$0x3]  }
0x4: {  	s5 =	rddreg [dreg:$0x4]  }
0x5: {  	s6 =	rddreg [dreg:$0x5]  }
0x6: {  	s3 =	rddreg [dreg:$0x6];
	s7 =	srdreg.scid  }
0x7: {  	s10 =	stileid.u32;
	s4 =	simm.s32 $0x0;
	s13 =	simm.s32 $0x1  }
0x8: {  	s14 =	simm.s32 $0x2;
	s15 =	simm.s32 $0x3;
	s16 =	simm.s32 $0x40  }
0x9: {  	s17 =	simm.s32 $0x600;
	s18 =	simm.s32 $0x8600;
	s19 =	simm.s32 $0x4600  }
0xa: {  	s20 =	simm.s32 $0x2600;
	s22 =	simm.s32 $0xA600;
	s29 =	simm.s32 $0x4  }
0xb: {  	s30 =	simm.s32 $0x6;
	s31 =	simm.s32 $0x5;
	s21 =	simm.s32 $0x7  }
0xc: {  	s23 =	simm.s32 $0x0;
	s7 =	sand.u32 $0x1, s7;
	s8 =	sshll.u32 s10, $0x1  }
0xd: {  	[smem:$0x7FF] =	sst s4;
	p0 =	sne.s32 s10, $0x0;
	s8 =	sor.u32 s7, s8  }
0xe: {  	s7 =	ssub.s32 $0x2, s7;
	_ =	strace $0x80000047;
	s24 =	sshll.u32 s8, $0x6  }
0xf: {  	s12 =	sshrl.u32 @!p0 s3, $0x3;
	s9 =	sshll.u32 s8, $0xA;
	s1 =	sadd.s32 s1, s24  }
0x10: {  	s11 =	sshrl.u32 s7, $0x1;
	s25 =	sadd.s32 s2, s24;
	[dreg:$0x8] =	wrdreg s1  }
0x11: {  	s9 =	sadd.s32 s9, s6;
	s26 =	sadd.s32 s5, s24;
	[dreg:$0x9] =	wrdreg s25  }
0x12: {  	s11 =	ssub.s32 s7, s11;
	[dreg:$0xa] =	wrdreg s26;
	s28 =	sadd.s32 $0x600, s9  }
0x13: {  	s24 =	simm.s32 $0x6600;
	s9 =	smax.u32 s11, $0x1;
	[dreg:$0xb] =	wrdreg s28  }
.LBB2_1:
0x14: {  	s1 =	rddreg [dreg:$0x8]  }
0x15: {  	s25 =	rddreg [dreg:$0x9]  }
0x16: {  	[tilespmem:s4], [sflag:$0x1] =	stream.linear.gather [hbm4b:s1+s4], $0x200, $0x38;
	[tilespmem:$0x10540] =	vst v63  }
0x17: {  	s5 =	simm.s32 $0x200;
	s26 =	rddreg [dreg:$0xa]  }
0x18: {  	[tilespmem:s5], [sflag:$0x2] =	stream.linear.gather [hbm4b:s25+s4], $0x200, $0x38;
	[tilespmem:$0x10540] =	vst v63  }
0x19: {  	s6 =	simm.s32 $0x400;
	s2 =	rddreg [dreg:$0x1];
	s1 =	simm.s32 @!p0 $0x1C07  }
0x1a: {  	[tilespmem:s6], [sflag:$0x3] =	stream.linear.gather [hbm4b:s26+s4], $0x200, $0x38;
	[tilespmem:$0x10540] =	vst v63  }
0x1b: {  	[spmem:s12], [sflag:s1] =	dma.local @!p0 [hbm:s2], $0x3E80  }
0x1c: {  	s1 =	simm.s32 @!p0 $0x7  }
0x1d: {  	_ =	swait.ge @!p0 [sflag:s1], $0x3E80  }
0x1e: {  	[sflag:s1] =	ssyncset.done @!p0 $0x0  }
0x1f: {  	[sflag:s1] =	ssyncadd.s32 @!p0 $0xFFFFC180  }
0x20: {  	_ =	swait.ge [sflag:s13], $0x200  }
0x21: {  	[sflag:s13] =	ssyncset.done $0x0  }
0x22: {  	[sflag:s13] =	ssyncadd.s32 $0xFFFFFE00  }
0x23: {  	_ =	swait.ge [sflag:s14], $0x200  }
0x24: {  	[sflag:s14] =	ssyncset.done $0x0  }
0x25: {  	[sflag:s14] =	ssyncadd.s32 $0xFFFFFE00  }
0x26: {  	_ =	swait.ge [sflag:s15], $0x200  }
0x27: {  	[sflag:s15] =	ssyncset.done $0x0  }
0x28: {  	[sflag:s15] =	ssyncadd.s32 $0xFFFFFE00  }
0x29: {  	[bflag:$0x0] =	sbarrier.arrive $0xFFFF  }
0x2a: {  	[tilespmem:s17], [sflag:$0x1] =	stream.indirect.gather [hbm4b:s0+s16], $0x80, s4, s16, $0xb8;
	[tilespmem:$0x10540] =	vst v63  }
0x2b: {  	_ = 	snop  }
0x2c: {  	[tilespmem:s18], [sflag:$0x3] =	stream.indirect.gather [hbm4b:s0+s16], $0x80, s6, s16, $0xb8;
	[tilespmem:$0x10540] =	vst v63  }
0x2d: {  	_ = 	snop  }
0x2e: {  	[tilespmem:s19], [sflag:$0x2] =	stream.indirect.gather [spmem:s3], $0x80, s5, s16, $0xb8;
	[tilespmem:$0x10540] =	vst v63  }
0x2f: {  	_ = 	snop  }
0x30: {  	[tilespmem:s20], [sflag:$0x4] =	stream.indirect.gather [hbm4b:s0+s16], $0x80, s16, s16, $0xb8;
	[tilespmem:$0x10540] =	vst v63  }
0x31: {  	s2 =	simm.s32 $0x440  }
0x32: {  	[tilespmem:s22], [sflag:$0x6] =	stream.indirect.gather [hbm4b:s0+s16], $0x80, s2, s16, $0xb8;
	[tilespmem:$0x10540] =	vst v63  }
0x33: {  	s5 =	simm.s32 $0x240  }
0x34: {  	[tilespmem:s24], [sflag:$0x5] =	stream.indirect.gather [spmem:s3], $0x80, s5, s16, $0xb8;
	[tilespmem:$0x10540] =	vst v63  }
0x35: {  	_ =	swait.ge [sflag:s13], $0x2000  }
0x36: {  	[sflag:s13] =	ssyncset.done $0x0  }
0x37: {  	[sflag:s13] =	ssyncadd.s32 $0xFFFFE000  }
0x38: {  	_ =	swait.ge [sflag:s15], $0x2000  }
0x39: {  	[sflag:s15] =	ssyncset.done $0x0  }
0x3a: {  	[sflag:s15] =	ssyncadd.s32 $0xFFFFE000  }
0x3b: {  	_ =	swait.ge [sflag:s14], $0x2000  }
0x3c: {  	[sflag:s14] =	ssyncset.done $0x0  }
0x3d: {  	s6 =	simm.s32 $0x700;
	[sflag:s14] =	ssyncadd.s32 $0xFFFFE000  }
0x3e: {  	v0 =	vld [tilespmem:s6+$0xF0]  }
0x3f: {  	v1 =	vld [tilespmem:s6+$0xE0]  }
0x40: {  	v2 =	vld [tilespmem:s6+$0xD0]  }
0x41: {  	v3 =	vld [tilespmem:s6+$0xC0]  }
0x42: {  	s25 =	simm.s32 $0x8700;
	v4 =	vld [tilespmem:s6+$0xB0]  }
0x43: {  	v5 =	vld [tilespmem:s25+$0x80]  }
0x44: {  	v6 =	vld [tilespmem:s6+$0xA0]  }
0x45: {  	s26 =	simm.s32 $0x4700;
	v7 =	vld [tilespmem:s6+$0x80]  }
0x46: {  	v8 =	vld [tilespmem:s26+$0x80]  }
0x47: {  	v9 =	vld [tilespmem:s6+$0x90]  }
0x48: {  	v10 =	vld [tilespmem:s26+$0x90]  }
0x49: {  	v11 =	vld [tilespmem:s26+$0xA0]  }
0x4a: {  	v12 =	vld [tilespmem:s25+$0x90]  }
0x4b: {  	v13 =	vld [tilespmem:s26+$0xB0]  }
0x4c: {  	v14 =	vld [tilespmem:s25+$0xA0]  }
0x4d: {  	v15 =	vld [tilespmem:s26+$0xC0]  }
0x4e: {  	v16 =	vld [tilespmem:s25+$0xB0]  }
0x4f: {  	v17 =	vld [tilespmem:s26+$0xD0]  }
0x50: {  	v18 =	vld [tilespmem:s25+$0xC0]  }
0x51: {  	v19 =	vld [tilespmem:s26+$0xE0]  }
0x52: {  	v20 =	vld [tilespmem:s25+$0xD0]  }
0x53: {  	v21 =	vld [tilespmem:s26+$0xF0]  }
0x54: {  	v22 =	vld [tilespmem:s25+$0xE0]  }
0x55: {  	v23 =	vld [tilespmem:s26+$0xFFFFFF00]  }
0x56: {  	v24 =	vld [tilespmem:s25+$0xF0]  }
0x57: {  	v25 =	vld [tilespmem:s6+$0xFFFFFF10]  }
0x58: {  	v26 =	vld [tilespmem:s26+$0xFFFFFF10]  }
0x59: {  	v27 =	vld [tilespmem:s6+$0xFFFFFF80]  }
0x5a: {  	v28 =	vld [tilespmem:s26+$0xFFFFFF80]  }
0x5b: {  	v29 =	vld [tilespmem:s6+$0xFFFFFF90]  }
0x5c: {  	v30 =	vld [tilespmem:s26+$0xFFFFFF90]  }
0x5d: {  	v31 =	vld [tilespmem:s6+$0x0]  }
0x5e: {  	v32 =	vld [tilespmem:s26+$0x0]  }
0x5f: {  	v33 =	vld [tilespmem:s6+$0x10]  }
0x60: {  	v34 =	vld [tilespmem:s26+$0x10]  }
0x61: {  	v35 =	vld [tilespmem:s6+$0xFFFFFF00]  }
0x62: {  	v36 =	vld [tilespmem:s25+$0xFFFFFF00]  }
0x63: {  	v37 =	vld [tilespmem:s25+$0xFFFFFF10]  }
0x64: {  	v38 =	vld [tilespmem:s6+$0xFFFFFF20]  }
0x65: {  	v39 =	vld [tilespmem:s26+$0xFFFFFF20]  }
0x66: {  	v40 =	vld [tilespmem:s25+$0xFFFFFF80]  }
0x67: {  	v41 =	vld [tilespmem:s25+$0xFFFFFF90]  }
0x68: {  	v42 =	vld [tilespmem:s6+$0xFFFFFFA0]  }
0x69: {  	v43 =	vld [tilespmem:s26+$0xFFFFFFA0]  }
0x6a: {  	v44 =	vld [tilespmem:s25+$0x0]  }
0x6b: {  	v45 =	vld [tilespmem:s25+$0x10]  }
0x6c: {  	v46 =	vld [tilespmem:s6+$0x20]  }
0x6d: {  	v54 =	vld [tilespmem:s25+$0x20]  }
0x6e: {  	v55 =	vld [tilespmem:s25+$0xFFFFFFB0]  }
0x6f: {  	v58 =	vld [tilespmem:s6+$0x40]  }
0x70: {  	v60 =	vld [tilespmem:s25+$0xFFFFFF40]  }
0x71: {  	v63 =	vld [tilespmem:s6+$0xFFFFFF50]  }
0x72: {  	v48 =	vld [tilespmem:s6+$0xFFFFFFD0]  }
0x73: {  	v49 =	vld [tilespmem:s26+$0xFFFFFFD0];
	v7 =	vadd.f32 v8, v7;
	v8 =	vadd.f32 v10, v9  }
0x74: {  	v50 =	vld [tilespmem:s25+$0x40];
	v6 =	vadd.f32 v11, v6;
	v4 =	vadd.f32 v13, v4  }
0x75: {  	v52 =	vld [tilespmem:s6+$0x50];
	v3 =	vadd.f32 v15, v3;
	v2 =	vadd.f32 v17, v2  }
0x76: {  	v53 =	vld [tilespmem:s26+$0x50];
	v1 =	vadd.f32 v19, v1;
	v0 =	vadd.f32 v21, v0  }
0x77: {  	v9 =	vld [tilespmem:s26+$0x20];
	v56 =	vadd.f32 v26, v25;
	v57 =	vadd.f32 v23, v35  }
0x78: {  	v10 =	vld [tilespmem:s25+$0xFFFFFF20];
	v5 =	vsub.f32 v7, v5;
	v7 =	vsub.f32 v8, v12  }
0x79: {  	v11 =	vld [tilespmem:s26+$0xFFFFFF30];
	v59 =	vadd.f32 v28, v27;
	v61 =	vadd.f32 v30, v29  }
0x7a: {  	v13 =	vld [tilespmem:s6+$0xFFFFFFB0];
	v6 =	vsub.f32 v6, v14;
	v5 =	vmul.f32 v5, v5;
	v7 =	vmul.f32 v7, v7  }
0x7b: {  	v15 =	vld [tilespmem:s26+$0x30];
	v62 =	vadd.f32 v32, v31;
	v39 =	vadd.f32 v39, v38  }
0x7c: {  	v8 =	vld [tilespmem:s6+$0xFFFFFF30];
	v4 =	vsub.f32 v4, v16;
	v6 =	vmul.f32 v6, v6;
	v5 =	vadd.f32 v7, v5  }
0x7d: {  	v51 =	vadd.f32 v43, v42;
	v12 =	vld [tilespmem:s25+$0xFFFFFFA0];
	v3 =	vsub.f32 v3, v18  }
0x7e: {  	v2 =	vsub.f32 v2, v20;
	v16 =	vld [tilespmem:s6+$0xFFFFFF40];
	v4 =	vmul.f32 v4, v4;
	v5 =	vadd.f32 v6, v5  }
0x7f: {  	v1 =	vsub.f32 v1, v22;
	v0 =	vsub.f32 v0, v24;
	v18 =	vld [tilespmem:s26+$0xFFFFFFC0]  }
0x80: {  	v19 =	vsub.f32 v56, v37;
	v37 =	vld [tilespmem:s26+$0xFFFFFF50];
	v3 =	vmul.f32 v3, v3;
	v4 =	vadd.f32 v4, v5  }
0x81: {  	v22 =	vsub.f32 v59, v40;
	v47 =	vsub.f32 v61, v41;
	v7 =	vld [tilespmem:s26+$0xFFFFFFB0]  }
0x82: {  	v25 =	vsub.f32 v62, v44;
	v2 =	vmul.f32 v2, v2;
	v6 =	vld [tilespmem:s6+$0x30];
	v3 =	vadd.f32 v3, v4  }
0x83: {  	v61 =	vadd.f32 v53, v52;
	v10 =	vsub.f32 v39, v10;
	v4 =	vld [tilespmem:s26+$0xFFFFFF40]  }
0x84: {  	v40 =	vld [tilespmem:s25+$0xFFFFFFC0];
	v1 =	vmul.f32 v1, v1;
	v9 =	vadd.f32 v9, v46;
	v2 =	vadd.f32 v2, v3  }
0x85: {  	v8 =	vadd.f32 v11, v8;
	v12 =	vsub.f32 v51, v12;
	v5 =	vld [tilespmem:s25+$0xFFFFFF30]  }
0x86: {  	v0 =	vmul.f32 v0, v0;
	v9 =	vsub.f32 v9, v54;
	v3 =	vld [tilespmem:s6+$0xFFFFFFC0];
	v1 =	vadd.f32 v1, v2  }
0x87: {  	v7 =	vadd.f32 v7, v13;
	v6 =	vadd.f32 v15, v6;
	v2 =	vld [tilespmem:s25+$0x30]  }
0x88: {  	v56 =	vld [tilespmem:s25+$0x50];
	v19 =	vmul.f32 v19, v19;
	v4 =	vadd.f32 v4, v16;
	v23 =	vadd.f32 v0, v1  }
0x89: {  	v22 =	vmul.f32 v22, v22;
	v0 =	vld [tilespmem:s26+$0x40];
	v1 =	vsub.f32 v57, v36;
	v36 =	vadd.f32 v34, v33  }
0x8a: {  	v59 =	vld [tilespmem:s6+$0xFFFFFF70];
	v25 =	vmul.f32 v25, v25;
	v7 =	vsub.f32 v7, v55;
	v5 =	vsub.f32 v8, v5  }
0x8b: {  	v62 =	vld [tilespmem:s26+$0xFFFFFFF0];
	v4 =	vsub.f32 v4, v60;
	v1 =	vmul.f32 v1, v1;
	v27 =	vsub.f32 v36, v45  }
0x8c: {  	v10 =	vmul.f32 v10, v10;
	v55 =	vld [tilespmem:s6+$0xFFFFFFE0];
	v3 =	vadd.f32 v18, v3;
	v2 =	vsub.f32 v6, v2  }
0x8d: {  	v6 =	vld [tilespmem:s26+$0xFFFFFFE0];
	v1 =	vadd.f32 v19, v1;
	v19 =	vmul.f32 v47, v47;
	v27 =	vmul.f32 v27, v27  }
0x8e: {  	v11 =	vld [tilespmem:s25+$0xFFFFFF50];
	v12 =	vmul.f32 v12, v12;
	v3 =	vsub.f32 v3, v40;
	v0 =	vadd.f32 v0, v58  }
0x8f: {  	v54 =	vld [tilespmem:s26+$0xFFFFFF60];
	v9 =	vmul.f32 v9, v9;
	v19 =	vadd.f32 v19, v22;
	v25 =	vadd.f32 v27, v25  }
0x90: {  	v8 =	vld [tilespmem:s25+$0xFFFFFFD0];
	v5 =	vmul.f32 v5, v5;
	v1 =	vadd.f32 v10, v1;
	v0 =	vsub.f32 v0, v50  }
0x91: {  	v2 =	vmul.f32 v2, v2;
	v10 =	vld [tilespmem:s6+$0xFFFFFF60];
	v12 =	vadd.f32 v12, v19;
	v9 =	vadd.f32 v9, v25  }
0x92: {  	v57 =	vld [tilespmem:s26+$0x60];
	v4 =	vmul.f32 v4, v4;
	v1 =	vadd.f32 v5, v1;
	v6 =	vadd.f32 v6, v55  }
0x93: {  	v7 =	vmul.f32 v7, v7;
	v58 =	vld [tilespmem:s25+$0xFFFFFF60];
	v2 =	vadd.f32 v2, v9;
	v9 =	vadd.f32 v37, v63  }
0x94: {  	v60 =	vld [tilespmem:s26+$0xFFFFFF70];
	v1 =	vadd.f32 v4, v1;
	v4 =	vadd.f32 v49, v48  }
0x95: {  	v3 =	vmul.f32 v3, v3;
	v7 =	vadd.f32 v7, v12;
	v9 =	vsub.f32 v9, v11;
	v11 =	vld [tilespmem:s25+$0xFFFFFFE0]  }
0x96: {  	v5 =	vld [tilespmem:s6+$0x60];
	v0 =	vmul.f32 v0, v0;
	v10 =	vadd.f32 v54, v10;
	v4 =	vsub.f32 v4, v8  }
0x97: {  	v63 =	vld [tilespmem:s25+$0x60];
	v7 =	vadd.f32 v3, v7;
	v3 =	vmul.f32 v9, v9;
	v9 =	vsub.f32 v61, v56  }
0x98: {  	s28 =	simm.s32 $0x30;
	v8 =	vld [tilespmem:s6+$0xFFFFFFF0];
	v2 =	vadd.f32 v0, v2;
	v0 =	vmul.f32 v4, v4;
	v4 =	vsub.f32 v10, v58  }
0x99: {  	s7 =	simm.s32 $0x0;
	s8 =	simm.s32 $0x10;
	s10 =	simm.s32 $0x20;
	v10 =	vadd.f32 v3, v1;
	v1 =	vmul.f32 v9, v9;
	v3 =	vld [tilespmem:s6+$0x70]  }
0x9a: {  	s11 =	sand.u32 $0x40, s7;
	s1 =	simm.s32 $0x900;
	s2 =	sand.u32 $0x380, s7;
	v0 =	vadd.f32 v0, v7;
	v7 =	vmul.f32 v4, v4;
	v4 =	vld [tilespmem:s26+$0x70];
	v9 =	vsub.f32 v6, v11  }
0x9b: {  	s7 =	sand.u32 $0x70, s28;
	s2 =	sadd.s32 $0xC600, s2;
	s5 =	sand.u32 $0x50, s8;
	v12 =	vadd.f32 v57, v5;
	v5 =	vadd.f32 v60, v59;
	v6 =	vld [tilespmem:s25+$0xFFFFFF70]  }
0x9c: {  	s11 =	sor.u32 s11, s2;
	s8 =	sor.u32 s7, s2;
	s6 =	sand.u32 $0x60, s10;
	v1 =	vadd.f32 v1, v2;
	v2 =	vadd.f32 v7, v10;
	v7 =	vld [tilespmem:s25+$0xFFFFFFF0];
	v10 =	vmul.f32 v9, v9  }
0x9d: {  	[tilespmem:s8+$0x0] =	vst v23;
	s10 =	sor.u32 s5, s2;
	s5 =	sor.u32 s6, s2;
	s2 =	simm.s32 $0x0;
	v11 =	vsub.f32 v12, v63;
	v9 =	vadd.f32 v62, v8;
	v8 =	vld [tilespmem:s25+$0x70]  }
.LBB2_2:
0x9e: {  	v12 =	vld [tilespmem:s1+$0xF0];
	v0 =	vadd.f32 v10, v0  }
0x9f: {  	v10 =	vld [tilespmem:s1+$0xE0];
	v11 =	vmul.f32 v11, v11;
	v3 =	vadd.f32 v4, v3  }
0xa0: {  	v4 =	vld [tilespmem:s1+$0xD0];
	v5 =	vsub.f32 v5, v6  }
0xa1: {  	v6 =	vld [tilespmem:s1+$0xC0];
	v7 =	vsub.f32 v9, v7;
	v1 =	vadd.f32 v11, v1  }
0xa2: {  	s25 =	sadd.s32 $0x200, s25;
	v9 =	vld [tilespmem:s1+$0xB0];
	v5 =	vmul.f32 v5, v5;
	v3 =	vsub.f32 v3, v8  }
0xa3: {  	v8 =	vld [tilespmem:s25+$0x80];
	v7 =	vmul.f32 v7, v7  }
0xa4: {  	v11 =	vld [tilespmem:s1+$0xA0];
	v2 =	vadd.f32 v5, v2;
	v3 =	vmul.f32 v3, v3  }
0xa5: {  	s26 =	sadd.s32 $0x200, s26;
	v5 =	vld [tilespmem:s1+$0x80];
	v0 =	vadd.f32 v7, v0  }
0xa6: {  	v7 =	vld [tilespmem:s26+$0x80];
	[tilespmem:s11+$0x0] =	vst v2;
	v1 =	vadd.f32 v3, v1  }
0xa7: {  	v2 =	vld [tilespmem:s1+$0x90];
	[tilespmem:s10+$0x0] =	vst v0  }
0xa8: {  	s2 =	sadd.s32 $0x4, s2;
	v0 =	vld [tilespmem:s26+$0x90];
	[tilespmem:s5+$0x0] =	vst v1  }
0xa9: {  	p1 =	slt.u32 s2, $0x3C;
	v1 =	vld [tilespmem:s26+$0xA0]  }
0xaa: {  	v3 =	vld [tilespmem:s25+$0x90]  }
0xab: {  	v13 =	vld [tilespmem:s26+$0xB0]  }
0xac: {  	v14 =	vld [tilespmem:s25+$0xA0]  }
0xad: {  	v5 =	vadd.f32 v7, v5;
	v0 =	vadd.f32 v0, v2;
	v2 =	vld [tilespmem:s26+$0xC0]  }
0xae: {  	v1 =	vadd.f32 v1, v11;
	v7 =	vld [tilespmem:s25+$0xB0]  }
0xaf: {  	v5 =	vsub.f32 v5, v8;
	v0 =	vsub.f32 v0, v3;
	v3 =	vld [tilespmem:s26+$0xD0]  }
0xb0: {  	v8 =	vadd.f32 v13, v9;
	v9 =	vld [tilespmem:s25+$0xC0]  }
0xb1: {  	v5 =	vmul.f32 v5, v5;
	v0 =	vmul.f32 v0, v0;
	v1 =	vsub.f32 v1, v14;
	v11 =	vld [tilespmem:s26+$0xE0]  }
0xb2: {  	v2 =	vadd.f32 v2, v6;
	v6 =	vld [tilespmem:s25+$0xD0]  }
0xb3: {  	v0 =	vadd.f32 v0, v5;
	v1 =	vmul.f32 v1, v1;
	v5 =	vsub.f32 v8, v7;
	v7 =	vld [tilespmem:s26+$0xF0]  }
0xb4: {  	v3 =	vadd.f32 v3, v4;
	v4 =	vld [tilespmem:s25+$0xE0]  }
0xb5: {  	v8 =	vld [tilespmem:s26+$0xFFFFFF00];
	v0 =	vadd.f32 v1, v0;
	v1 =	vmul.f32 v5, v5;
	v2 =	vsub.f32 v2, v9  }
0xb6: {  	v5 =	vadd.f32 v11, v10;
	v9 =	vld [tilespmem:s25+$0xF0]  }
0xb7: {  	v10 =	vld [tilespmem:s1+$0xFFFFFF10];
	v0 =	vadd.f32 v1, v0;
	v1 =	vmul.f32 v2, v2;
	v2 =	vsub.f32 v3, v6  }
0xb8: {  	v3 =	vld [tilespmem:s26+$0xFFFFFF10];
	v6 =	vadd.f32 v7, v12  }
0xb9: {  	v7 =	vld [tilespmem:s1+$0xFFFFFF80];
	v0 =	vadd.f32 v1, v0;
	v1 =	vmul.f32 v2, v2;
	v2 =	vsub.f32 v5, v4  }
0xba: {  	v4 =	vld [tilespmem:s26+$0xFFFFFF80]  }
0xbb: {  	v5 =	vld [tilespmem:s1+$0xFFFFFF90];
	v0 =	vadd.f32 v1, v0;
	v1 =	vmul.f32 v2, v2;
	v2 =	vsub.f32 v6, v9  }
0xbc: {  	s28 =	sadd.s32 $0x40, s28;
	v6 =	vld [tilespmem:s26+$0xFFFFFF90]  }
0xbd: {  	s6 =	sadd.s32 $0xFFFFFFE0, s28;
	s7 =	sadd.s32 $0xFFFFFFF0, s28;
	s5 =	sadd.s32 $0xFFFFFFD0, s28;
	v3 =	vadd.f32 v3, v10;
	v9 =	vld [tilespmem:s1+$0x0];
	v0 =	vadd.f32 v1, v0;
	v1 =	vmul.f32 v2, v2  }
0xbe: {  	s6 =	sand.u32 $0x50, s6;
	s10 =	sand.u32 $0x40, s5;
	s5 =	sand.u32 $0x380, s5;
	v2 =	vld [tilespmem:s26+$0x0]  }
0xbf: {  	s8 =	sand.u32 $0x70, s28;
	s7 =	sand.u32 $0x60, s7;
	s5 =	sadd.s32 $0xC600, s5;
	v4 =	vadd.f32 v4, v7;
	v7 =	vld [tilespmem:s1+$0x10];
	v0 =	vadd.f32 v1, v0  }
0xc0: {  	s11 =	sor.u32 s10, s5;
	s10 =	sor.u32 s6, s5;
	s6 =	sor.u32 s8, s5;
	v1 =	vld [tilespmem:s26+$0x10]  }
0xc1: {  	s5 =	sor.u32 s7, s5;
	v10 =	vld [tilespmem:s1+$0xFFFFFF00];
	v5 =	vadd.f32 v6, v5;
	[tilespmem:s6+$0x0] =	vst v0  }
0xc2: {  	v0 =	vld [tilespmem:s25+$0xFFFFFF00]  }
0xc3: {  	v6 =	vld [tilespmem:s25+$0xFFFFFF10];
	v2 =	vadd.f32 v2, v9  }
0xc4: {  	v9 =	vld [tilespmem:s1+$0xFFFFFF20]  }
0xc5: {  	v11 =	vld [tilespmem:s26+$0xFFFFFF20];
	v1 =	vadd.f32 v1, v7  }
0xc6: {  	v7 =	vadd.f32 v8, v10;
	v8 =	vld [tilespmem:s25+$0xFFFFFF80]  }
0xc7: {  	v10 =	vld [tilespmem:s25+$0xFFFFFF90]  }
0xc8: {  	v0 =	vsub.f32 v7, v0;
	v3 =	vsub.f32 v3, v6;
	v6 =	vld [tilespmem:s1+$0xFFFFFFA0]  }
0xc9: {  	v7 =	vld [tilespmem:s26+$0xFFFFFFA0]  }
0xca: {  	v0 =	vmul.f32 v0, v0;
	v3 =	vmul.f32 v3, v3;
	v9 =	vadd.f32 v11, v9;
	v11 =	vld [tilespmem:s25+$0x0]  }
0xcb: {  	v4 =	vsub.f32 v4, v8;
	v8 =	vld [tilespmem:s25+$0x10]  }
0xcc: {  	v0 =	vadd.f32 v3, v0;
	v3 =	vsub.f32 v5, v10;
	v5 =	vld [tilespmem:s1+$0x20]  }
0xcd: {  	v4 =	vmul.f32 v4, v4;
	v10 =	vld [tilespmem:s26+$0x20]  }
0xce: {  	v12 =	vld [tilespmem:s25+$0xFFFFFF20];
	v3 =	vmul.f32 v3, v3;
	v6 =	vadd.f32 v7, v6  }
0xcf: {  	v7 =	vld [tilespmem:s1+$0xFFFFFF30];
	v2 =	vsub.f32 v2, v11  }
0xd0: {  	v11 =	vld [tilespmem:s26+$0xFFFFFF30];
	v3 =	vadd.f32 v3, v4;
	v1 =	vsub.f32 v1, v8  }
0xd1: {  	v4 =	vld [tilespmem:s25+$0xFFFFFFA0];
	v2 =	vmul.f32 v2, v2  }
0xd2: {  	v8 =	vld [tilespmem:s1+$0xFFFFFFB0];
	v1 =	vmul.f32 v1, v1;
	v5 =	vadd.f32 v10, v5  }
0xd3: {  	v9 =	vsub.f32 v9, v12;
	v10 =	vld [tilespmem:s26+$0xFFFFFFB0]  }
0xd4: {  	v1 =	vadd.f32 v1, v2;
	v2 =	vld [tilespmem:s25+$0x20]  }
0xd5: {  	v9 =	vmul.f32 v9, v9;
	v7 =	vadd.f32 v11, v7;
	v11 =	vld [tilespmem:s1+$0x30]  }
0xd6: {  	v4 =	vsub.f32 v6, v4;
	v6 =	vld [tilespmem:s26+$0x30]  }
0xd7: {  	v0 =	vadd.f32 v9, v0;
	v9 =	vld [tilespmem:s25+$0xFFFFFF30]  }
0xd8: {  	v12 =	vld [tilespmem:s1+$0xFFFFFF40];
	v4 =	vmul.f32 v4, v4;
	v8 =	vadd.f32 v10, v8  }
0xd9: {  	v10 =	vld [tilespmem:s26+$0xFFFFFF40];
	v2 =	vsub.f32 v5, v2  }
0xda: {  	v3 =	vadd.f32 v4, v3;
	v4 =	vld [tilespmem:s25+$0xFFFFFFB0]  }
0xdb: {  	v5 =	vld [tilespmem:s1+$0xFFFFFFC0];
	v2 =	vmul.f32 v2, v2;
	v6 =	vadd.f32 v6, v11  }
0xdc: {  	v7 =	vsub.f32 v7, v9;
	v9 =	vld [tilespmem:s26+$0xFFFFFFC0]  }
0xdd: {  	v1 =	vadd.f32 v2, v1;
	v2 =	vld [tilespmem:s25+$0x30]  }
0xde: {  	v7 =	vmul.f32 v7, v7;
	v10 =	vadd.f32 v10, v12;
	v11 =	vld [tilespmem:s1+$0x40]  }
0xdf: {  	v4 =	vsub.f32 v8, v4;
	v8 =	vld [tilespmem:s26+$0x40]  }
0xe0: {  	v0 =	vadd.f32 v7, v0;
	v7 =	vld [tilespmem:s25+$0xFFFFFF40]  }
0xe1: {  	v12 =	vld [tilespmem:s1+$0xFFFFFF50];
	v4 =	vmul.f32 v4, v4;
	v5 =	vadd.f32 v9, v5  }
0xe2: {  	v9 =	vld [tilespmem:s26+$0xFFFFFF50];
	v2 =	vsub.f32 v6, v2  }
0xe3: {  	v3 =	vadd.f32 v4, v3;
	v4 =	vld [tilespmem:s25+$0xFFFFFFC0]  }
0xe4: {  	v6 =	vld [tilespmem:s1+$0xFFFFFFD0];
	v2 =	vmul.f32 v2, v2;
	v8 =	vadd.f32 v8, v11  }
0xe5: {  	v7 =	vsub.f32 v10, v7;
	v10 =	vld [tilespmem:s26+$0xFFFFFFD0]  }
0xe6: {  	v1 =	vadd.f32 v2, v1;
	v2 =	vld [tilespmem:s25+$0x40]  }
0xe7: {  	v7 =	vmul.f32 v7, v7;
	v9 =	vadd.f32 v9, v12;
	v11 =	vld [tilespmem:s1+$0x50]  }
0xe8: {  	v4 =	vsub.f32 v5, v4;
	v5 =	vld [tilespmem:s26+$0x50]  }
0xe9: {  	v0 =	vadd.f32 v7, v0;
	v7 =	vld [tilespmem:s25+$0xFFFFFF50]  }
0xea: {  	v12 =	vld [tilespmem:s1+$0xFFFFFF60];
	v4 =	vmul.f32 v4, v4;
	v6 =	vadd.f32 v10, v6  }
0xeb: {  	v10 =	vld [tilespmem:s26+$0xFFFFFF60];
	v2 =	vsub.f32 v8, v2  }
0xec: {  	v3 =	vadd.f32 v4, v3;
	v4 =	vld [tilespmem:s25+$0xFFFFFFD0]  }
0xed: {  	v8 =	vld [tilespmem:s1+$0xFFFFFFE0];
	v2 =	vmul.f32 v2, v2;
	v5 =	vadd.f32 v5, v11  }
0xee: {  	v7 =	vsub.f32 v9, v7;
	v9 =	vld [tilespmem:s26+$0xFFFFFFE0]  }
0xef: {  	v1 =	vadd.f32 v2, v1;
	v2 =	vld [tilespmem:s25+$0x50]  }
0xf0: {  	v7 =	vmul.f32 v7, v7;
	v10 =	vadd.f32 v10, v12;
	v11 =	vld [tilespmem:s1+$0x60]  }
0xf1: {  	v4 =	vsub.f32 v6, v4;
	v6 =	vld [tilespmem:s26+$0x60]  }
0xf2: {  	v7 =	vadd.f32 v7, v0;
	v12 =	vld [tilespmem:s25+$0xFFFFFF60]  }
0xf3: {  	v13 =	vld [tilespmem:s1+$0xFFFFFF70];
	v0 =	vmul.f32 v4, v4;
	v4 =	vadd.f32 v9, v8  }
0xf4: {  	v8 =	vld [tilespmem:s26+$0xFFFFFF70];
	v2 =	vsub.f32 v5, v2  }
0xf5: {  	v0 =	vadd.f32 v0, v3;
	v9 =	vld [tilespmem:s25+$0xFFFFFFE0]  }
0xf6: {  	v14 =	vld [tilespmem:s1+$0xFFFFFFF0];
	v2 =	vmul.f32 v2, v2;
	v11 =	vadd.f32 v6, v11  }
0xf7: {  	v3 =	vsub.f32 v10, v12;
	v12 =	vld [tilespmem:s26+$0xFFFFFFF0]  }
0xf8: {  	v1 =	vadd.f32 v2, v1;
	v15 =	vld [tilespmem:s25+$0x60]  }
.Ltmp0:
0xf9: {  	v2 =	vmul.f32 v3, v3;
	v5 =	vadd.f32 v8, v13;
	v3 =	vld [tilespmem:s1+$0x70];
	(pc) =	sbr.rel @p1 .LBB2_2-.Ltmp0, $4  }
0xfa: {  	v8 =	vsub.f32 v4, v9;
	v4 =	vld [tilespmem:s26+$0x70]  }
0xfb: {  	v2 =	vadd.f32 v2, v7;
	v6 =	vld [tilespmem:s25+$0xFFFFFF70]  }
0xfc: {  	v10 =	vmul.f32 v8, v8;
	v9 =	vadd.f32 v12, v14;
	v7 =	vld [tilespmem:s25+$0xFFFFFFF0]  }
0xfd: {  	s1 =	sadd.s32 $0x200, s1;
	v11 =	vsub.f32 v11, v15;
	v8 =	vld [tilespmem:s25+$0x70]  }
0xfe: {  	_ =	sdelay $0x1  }
0xff: {  	v3 =	vadd.f32 v4, v3;
	v4 =	vsub.f32 v5, v6  }
0x100: {  	v5 =	vsub.f32 v9, v7  }
0x101: {  	v6 =	vmul.f32 v11, v11;
	v4 =	vmul.f32 v4, v4;
	v3 =	vsub.f32 v3, v8  }
0x102: {  	v0 =	vadd.f32 v10, v0;
	v5 =	vmul.f32 v5, v5  }
0x103: {  	v1 =	vadd.f32 v6, v1;
	v2 =	vadd.f32 v4, v2;
	v3 =	vmul.f32 v3, v3  }
0x104: {  	v0 =	vadd.f32 v5, v0  }
0x105: {  	[tilespmem:s11+$0x0] =	vst v2;
	v1 =	vadd.f32 v3, v1  }
0x106: {  	[tilespmem:s10+$0x0] =	vst v0  }
0x107: {  	s1 =	simm.s32 $0x80;
	[tilespmem:s5+$0x0] =	vst v1  }
0x108: {  	[tilespmem:s17], [sflag:$0x1] =	stream.indirect.gather [hbm4b:s0+s16], $0x80, s1, s16, $0xb8;
	[tilespmem:$0x10540] =	vst v63  }
0x109: {  	s6 =	simm.s32 $0x480  }
0x10a: {  	[tilespmem:s18], [sflag:$0x3] =	stream.indirect.gather [hbm4b:s0+s16], $0x80, s6, s16, $0xb8;
	[tilespmem:$0x10540] =	vst v63  }
0x10b: {  	s7 =	simm.s32 $0x280  }
0x10c: {  	[tilespmem:s19], [sflag:$0x2] =	stream.indirect.gather [spmem:s3], $0x80, s7, s16, $0xb8;
	[tilespmem:$0x10540] =	vst v63  }
0x10d: {  	_ =	swait.ge [sflag:s29], $0x2000  }
0x10e: {  	[sflag:s29] =	ssyncset.done $0x0  }
0x10f: {  	[sflag:s29] =	ssyncadd.s32 $0xFFFFE000  }
0x110: {  	_ =	swait.ge [sflag:s30], $0x2000  }
0x111: {  	[sflag:s30] =	ssyncset.done $0x0  }
0x112: {  	[sflag:s30] =	ssyncadd.s32 $0xFFFFE000  }
0x113: {  	_ =	swait.ge [sflag:s31], $0x2000  }
0x114: {  	[sflag:s31] =	ssyncset.done $0x0  }
0x115: {  	s8 =	simm.s32 $0x27F0;
	[sflag:s31] =	ssyncadd.s32 $0xFFFFE000  }
0x116: {  	v0 =	vld [tilespmem:s8+$0x0]  }
0x117: {  	v1 =	vld [tilespmem:s8+$0xFFFFFFF0]  }
0x118: {  	v2 =	vld [tilespmem:s8+$0xFFFFFFE0]  }
0x119: {  	v3 =	vld [tilespmem:s8+$0xFFFFFFD0]  }
0x11a: {  	s25 =	simm.s32 $0xA7F0;
	v4 =	vld [tilespmem:s8+$0xFFFFFFC0]  }
0x11b: {  	v5 =	vld [tilespmem:s25+$0xFFFFFF90]  }
0x11c: {  	v6 =	vld [tilespmem:s8+$0xFFFFFFB0]  }
0x11d: {  	s26 =	simm.s32 $0x67F0;
	v7 =	vld [tilespmem:s8+$0xFFFFFF90]  }
0x11e: {  	v8 =	vld [tilespmem:s26+$0xFFFFFF90]  }
0x11f: {  	v9 =	vld [tilespmem:s8+$0xFFFFFFA0]  }
0x120: {  	v10 =	vld [tilespmem:s26+$0xFFFFFFA0]  }
0x121: {  	v11 =	vld [tilespmem:s26+$0xFFFFFFB0]  }
0x122: {  	v12 =	vld [tilespmem:s25+$0xFFFFFFA0]  }
0x123: {  	v13 =	vld [tilespmem:s26+$0xFFFFFFC0]  }
0x124: {  	v14 =	vld [tilespmem:s25+$0xFFFFFFB0]  }
0x125: {  	v15 =	vld [tilespmem:s26+$0xFFFFFFD0]  }
0x126: {  	v16 =	vld [tilespmem:s25+$0xFFFFFFC0]  }
0x127: {  	v17 =	vld [tilespmem:s26+$0xFFFFFFE0]  }
0x128: {  	v18 =	vld [tilespmem:s25+$0xFFFFFFD0]  }
0x129: {  	v19 =	vld [tilespmem:s26+$0xFFFFFFF0]  }
0x12a: {  	v20 =	vld [tilespmem:s25+$0xFFFFFFE0]  }
0x12b: {  	v21 =	vld [tilespmem:s26+$0x0]  }
0x12c: {  	v22 =	vld [tilespmem:s25+$0xFFFFFFF0]  }
0x12d: {  	v23 =	vld [tilespmem:s26+$0xFFFFFE10]  }
0x12e: {  	v24 =	vld [tilespmem:s25+$0x0]  }
0x12f: {  	v25 =	vld [tilespmem:s8+$0xFFFFFE20]  }
0x130: {  	v26 =	vld [tilespmem:s26+$0xFFFFFE20]  }
0x131: {  	v27 =	vld [tilespmem:s8+$0xFFFFFE90]  }
0x132: {  	v28 =	vld [tilespmem:s26+$0xFFFFFE90]  }
0x133: {  	v29 =	vld [tilespmem:s8+$0xFFFFFEA0]  }
0x134: {  	v30 =	vld [tilespmem:s26+$0xFFFFFEA0]  }
0x135: {  	v31 =	vld [tilespmem:s8+$0xFFFFFF10]  }
0x136: {  	v32 =	vld [tilespmem:s26+$0xFFFFFF10]  }
0x137: {  	v33 =	vld [tilespmem:s8+$0xFFFFFF20]  }
0x138: {  	v34 =	vld [tilespmem:s26+$0xFFFFFF20]  }
0x139: {  	v35 =	vld [tilespmem:s8+$0xFFFFFE10]  }
0x13a: {  	v36 =	vld [tilespmem:s25+$0xFFFFFE10]  }
0x13b: {  	v37 =	vld [tilespmem:s25+$0xFFFFFE20]  }
0x13c: {  	v38 =	vld [tilespmem:s8+$0xFFFFFE30]  }
0x13d: {  	v39 =	vld [tilespmem:s26+$0xFFFFFE30]  }
0x13e: {  	v40 =	vld [tilespmem:s25+$0xFFFFFE90]  }
0x13f: {  	v41 =	vld [tilespmem:s25+$0xFFFFFEA0]  }
0x140: {  	v42 =	vld [tilespmem:s8+$0xFFFFFEB0]  }
0x141: {  	v43 =	vld [tilespmem:s26+$0xFFFFFEB0]  }
0x142: {  	v44 =	vld [tilespmem:s25+$0xFFFFFF10]  }
0x143: {  	v45 =	vld [tilespmem:s25+$0xFFFFFF20]  }
0x144: {  	v46 =	vld [tilespmem:s8+$0xFFFFFF30]  }
0x145: {  	v54 =	vld [tilespmem:s25+$0xFFFFFF30]  }
0x146: {  	v55 =	vld [tilespmem:s25+$0xFFFFFEC0]  }
0x147: {  	v58 =	vld [tilespmem:s8+$0xFFFFFF50]  }
0x148: {  	v60 =	vld [tilespmem:s25+$0xFFFFFE50]  }
0x149: {  	v63 =	vld [tilespmem:s8+$0xFFFFFE60]  }
0x14a: {  	v48 =	vld [tilespmem:s8+$0xFFFFFEE0]  }
0x14b: {  	v49 =	vld [tilespmem:s26+$0xFFFFFEE0];
	v7 =	vadd.f32 v8, v7;
	v8 =	vadd.f32 v10, v9  }
0x14c: {  	v50 =	vld [tilespmem:s25+$0xFFFFFF50];
	v6 =	vadd.f32 v11, v6;
	v4 =	vadd.f32 v13, v4  }
0x14d: {  	v52 =	vld [tilespmem:s8+$0xFFFFFF60];
	v3 =	vadd.f32 v15, v3;
	v2 =	vadd.f32 v17, v2  }
0x14e: {  	v53 =	vld [tilespmem:s26+$0xFFFFFF60];
	v1 =	vadd.f32 v19, v1;
	v0 =	vadd.f32 v21, v0  }
0x14f: {  	v9 =	vld [tilespmem:s26+$0xFFFFFF30];
	v56 =	vadd.f32 v26, v25;
	v57 =	vadd.f32 v23, v35  }
0x150: {  	v10 =	vld [tilespmem:s25+$0xFFFFFE30];
	v5 =	vsub.f32 v7, v5;
	v7 =	vsub.f32 v8, v12  }
0x151: {  	v11 =	vld [tilespmem:s26+$0xFFFFFE40];
	v59 =	vadd.f32 v28, v27;
	v61 =	vadd.f32 v30, v29  }
0x152: {  	v13 =	vld [tilespmem:s8+$0xFFFFFEC0];
	v6 =	vsub.f32 v6, v14;
	v5 =	vmul.f32 v5, v5;
	v7 =	vmul.f32 v7, v7  }
0x153: {  	v15 =	vld [tilespmem:s26+$0xFFFFFF40];
	v62 =	vadd.f32 v32, v31;
	v39 =	vadd.f32 v39, v38  }
0x154: {  	v8 =	vld [tilespmem:s8+$0xFFFFFE40];
	v4 =	vsub.f32 v4, v16;
	v6 =	vmul.f32 v6, v6;
	v5 =	vadd.f32 v7, v5  }
0x155: {  	v51 =	vadd.f32 v43, v42;
	v12 =	vld [tilespmem:s25+$0xFFFFFEB0];
	v3 =	vsub.f32 v3, v18  }
0x156: {  	v2 =	vsub.f32 v2, v20;
	v16 =	vld [tilespmem:s8+$0xFFFFFE50];
	v4 =	vmul.f32 v4, v4;
	v5 =	vadd.f32 v6, v5  }
0x157: {  	v1 =	vsub.f32 v1, v22;
	v0 =	vsub.f32 v0, v24;
	v18 =	vld [tilespmem:s26+$0xFFFFFED0]  }
0x158: {  	v19 =	vsub.f32 v56, v37;
	v37 =	vld [tilespmem:s26+$0xFFFFFE60];
	v3 =	vmul.f32 v3, v3;
	v4 =	vadd.f32 v4, v5  }
0x159: {  	v22 =	vsub.f32 v59, v40;
	v47 =	vsub.f32 v61, v41;
	v7 =	vld [tilespmem:s26+$0xFFFFFEC0]  }
0x15a: {  	v25 =	vsub.f32 v62, v44;
	v2 =	vmul.f32 v2, v2;
	v6 =	vld [tilespmem:s8+$0xFFFFFF40];
	v3 =	vadd.f32 v3, v4  }
0x15b: {  	v61 =	vadd.f32 v53, v52;
	v10 =	vsub.f32 v39, v10;
	v4 =	vld [tilespmem:s26+$0xFFFFFE50]  }
0x15c: {  	v40 =	vld [tilespmem:s25+$0xFFFFFED0];
	v1 =	vmul.f32 v1, v1;
	v9 =	vadd.f32 v9, v46;
	v2 =	vadd.f32 v2, v3  }
0x15d: {  	v8 =	vadd.f32 v11, v8;
	v12 =	vsub.f32 v51, v12;
	v5 =	vld [tilespmem:s25+$0xFFFFFE40]  }
0x15e: {  	v0 =	vmul.f32 v0, v0;
	v9 =	vsub.f32 v9, v54;
	v3 =	vld [tilespmem:s8+$0xFFFFFED0];
	v1 =	vadd.f32 v1, v2  }
0x15f: {  	v7 =	vadd.f32 v7, v13;
	v6 =	vadd.f32 v15, v6;
	v2 =	vld [tilespmem:s25+$0xFFFFFF40]  }
0x160: {  	v56 =	vld [tilespmem:s25+$0xFFFFFF60];
	v19 =	vmul.f32 v19, v19;
	v4 =	vadd.f32 v4, v16;
	v23 =	vadd.f32 v0, v1  }
0x161: {  	v22 =	vmul.f32 v22, v22;
	v0 =	vld [tilespmem:s26+$0xFFFFFF50];
	v1 =	vsub.f32 v57, v36;
	v36 =	vadd.f32 v34, v33  }
0x162: {  	v59 =	vld [tilespmem:s8+$0xFFFFFE80];
	v25 =	vmul.f32 v25, v25;
	v7 =	vsub.f32 v7, v55;
	v5 =	vsub.f32 v8, v5  }
0x163: {  	v62 =	vld [tilespmem:s26+$0xFFFFFF00];
	v4 =	vsub.f32 v4, v60;
	v1 =	vmul.f32 v1, v1;
	v27 =	vsub.f32 v36, v45  }
0x164: {  	v10 =	vmul.f32 v10, v10;
	v55 =	vld [tilespmem:s8+$0xFFFFFEF0];
	v3 =	vadd.f32 v18, v3;
	v2 =	vsub.f32 v6, v2  }
0x165: {  	v6 =	vld [tilespmem:s26+$0xFFFFFEF0];
	v1 =	vadd.f32 v19, v1;
	v19 =	vmul.f32 v47, v47;
	v27 =	vmul.f32 v27, v27  }
0x166: {  	v11 =	vld [tilespmem:s25+$0xFFFFFE60];
	v12 =	vmul.f32 v12, v12;
	v3 =	vsub.f32 v3, v40;
	v0 =	vadd.f32 v0, v58  }
0x167: {  	v54 =	vld [tilespmem:s26+$0xFFFFFE70];
	v9 =	vmul.f32 v9, v9;
	v19 =	vadd.f32 v19, v22;
	v25 =	vadd.f32 v27, v25  }
0x168: {  	v8 =	vld [tilespmem:s25+$0xFFFFFEE0];
	v5 =	vmul.f32 v5, v5;
	v1 =	vadd.f32 v10, v1;
	v0 =	vsub.f32 v0, v50  }
0x169: {  	v2 =	vmul.f32 v2, v2;
	v10 =	vld [tilespmem:s8+$0xFFFFFE70];
	v12 =	vadd.f32 v12, v19;
	v9 =	vadd.f32 v9, v25  }
0x16a: {  	v57 =	vld [tilespmem:s26+$0xFFFFFF70];
	v4 =	vmul.f32 v4, v4;
	v1 =	vadd.f32 v5, v1;
	v6 =	vadd.f32 v6, v55  }
0x16b: {  	v7 =	vmul.f32 v7, v7;
	v58 =	vld [tilespmem:s25+$0xFFFFFE70];
	v2 =	vadd.f32 v2, v9;
	v9 =	vadd.f32 v37, v63  }
0x16c: {  	v60 =	vld [tilespmem:s26+$0xFFFFFE80];
	v1 =	vadd.f32 v4, v1;
	v4 =	vadd.f32 v49, v48  }
0x16d: {  	v3 =	vmul.f32 v3, v3;
	v7 =	vadd.f32 v7, v12;
	v9 =	vsub.f32 v9, v11;
	v11 =	vld [tilespmem:s25+$0xFFFFFEF0]  }
0x16e: {  	v5 =	vld [tilespmem:s8+$0xFFFFFF70];
	v0 =	vmul.f32 v0, v0;
	v10 =	vadd.f32 v54, v10;
	v4 =	vsub.f32 v4, v8  }
0x16f: {  	v63 =	vld [tilespmem:s25+$0xFFFFFF70];
	v7 =	vadd.f32 v3, v7;
	v3 =	vmul.f32 v9, v9;
	v9 =	vsub.f32 v61, v56  }
0x170: {  	v8 =	vld [tilespmem:s8+$0xFFFFFF00];
	v2 =	vadd.f32 v0, v2;
	v0 =	vmul.f32 v4, v4;
	v4 =	vsub.f32 v10, v58  }
0x171: {  	v10 =	vadd.f32 v3, v1;
	v1 =	vmul.f32 v9, v9;
	v3 =	vld [tilespmem:s8+$0xFFFFFF80]  }
0x172: {  	s28 =	simm.s32 $0x430;
	v0 =	vadd.f32 v0, v7;
	v7 =	vmul.f32 v4, v4;
	v4 =	vld [tilespmem:s26+$0xFFFFFF80];
	v9 =	vsub.f32 v6, v11  }
0x173: {  	s2 =	simm.s32 $0x0;
	s11 =	simm.s32 $0x420;
	s10 =	simm.s32 $0x0;
	v12 =	vadd.f32 v57, v5;
	v5 =	vadd.f32 v60, v59;
	v6 =	vld [tilespmem:s25+$0xFFFFFE80]  }
0x174: {  	s11 =	sand.u32 $0x7E0, s11;
	s6 =	simm.s32 $0x410;
	s7 =	sand.u32 $0x7F0, s28;
	v1 =	vadd.f32 v1, v2;
	v2 =	vadd.f32 v7, v10;
	v7 =	vld [tilespmem:s25+$0xFFFFFF00];
	v10 =	vmul.f32 v9, v9  }
0x175: {  	s5 =	sand.u32 $0x3C0, s10;
	s1 =	simm.s32 $0x29F0;
	s10 =	sand.u32 $0x7D0, s6;
	[tilespmem:s7+$0xC600] =	vst v23;
	v11 =	vsub.f32 v12, v63;
	v9 =	vadd.f32 v62, v8;
	v8 =	vld [tilespmem:s25+$0xFFFFFF80]  }
.LBB2_4:
0x176: {  	v12 =	vld [tilespmem:s1+$0x0];
	v0 =	vadd.f32 v10, v0  }
0x177: {  	v10 =	vld [tilespmem:s1+$0xFFFFFFF0];
	v11 =	vmul.f32 v11, v11;
	v3 =	vadd.f32 v4, v3  }
0x178: {  	v4 =	vld [tilespmem:s1+$0xFFFFFFE0];
	v5 =	vsub.f32 v5, v6  }
0x179: {  	v6 =	vld [tilespmem:s1+$0xFFFFFFD0];
	v7 =	vsub.f32 v9, v7;
	v1 =	vadd.f32 v11, v1  }
0x17a: {  	s25 =	sadd.s32 $0x200, s25;
	v9 =	vld [tilespmem:s1+$0xFFFFFFC0];
	v5 =	vmul.f32 v5, v5;
	v3 =	vsub.f32 v3, v8  }
0x17b: {  	v8 =	vld [tilespmem:s25+$0xFFFFFF90];
	v7 =	vmul.f32 v7, v7  }
0x17c: {  	v11 =	vld [tilespmem:s1+$0xFFFFFFB0];
	v2 =	vadd.f32 v5, v2;
	v3 =	vmul.f32 v3, v3  }
0x17d: {  	s26 =	sadd.s32 $0x200, s26;
	v5 =	vld [tilespmem:s1+$0xFFFFFF90];
	v0 =	vadd.f32 v7, v0  }
0x17e: {  	v7 =	vld [tilespmem:s26+$0xFFFFFF90];
	[tilespmem:s5+$0xCA00] =	vst v2;
	v1 =	vadd.f32 v3, v1  }
0x17f: {  	v2 =	vld [tilespmem:s1+$0xFFFFFFA0];
	[tilespmem:s10+$0xC600] =	vst v0  }
0x180: {  	s2 =	sadd.s32 $0x4, s2;
	v0 =	vld [tilespmem:s26+$0xFFFFFFA0];
	[tilespmem:s11+$0xC600] =	vst v1  }
0x181: {  	p1 =	slt.u32 s2, $0x3C;
	v1 =	vld [tilespmem:s26+$0xFFFFFFB0]  }
0x182: {  	v3 =	vld [tilespmem:s25+$0xFFFFFFA0]  }
0x183: {  	v13 =	vld [tilespmem:s26+$0xFFFFFFC0]  }
0x184: {  	v14 =	vld [tilespmem:s25+$0xFFFFFFB0]  }
0x185: {  	v5 =	vadd.f32 v7, v5;
	v0 =	vadd.f32 v0, v2;
	v2 =	vld [tilespmem:s26+$0xFFFFFFD0]  }
0x186: {  	v1 =	vadd.f32 v1, v11;
	v7 =	vld [tilespmem:s25+$0xFFFFFFC0]  }
0x187: {  	v5 =	vsub.f32 v5, v8;
	v0 =	vsub.f32 v0, v3;
	v3 =	vld [tilespmem:s26+$0xFFFFFFE0]  }
0x188: {  	v8 =	vadd.f32 v13, v9;
	v9 =	vld [tilespmem:s25+$0xFFFFFFD0]  }
0x189: {  	v5 =	vmul.f32 v5, v5;
	v0 =	vmul.f32 v0, v0;
	v1 =	vsub.f32 v1, v14;
	v11 =	vld [tilespmem:s26+$0xFFFFFFF0]  }
0x18a: {  	v2 =	vadd.f32 v2, v6;
	v6 =	vld [tilespmem:s25+$0xFFFFFFE0]  }
0x18b: {  	v0 =	vadd.f32 v0, v5;
	v1 =	vmul.f32 v1, v1;
	v5 =	vsub.f32 v8, v7;
	v7 =	vld [tilespmem:s26+$0x0]  }
0x18c: {  	v3 =	vadd.f32 v3, v4;
	v4 =	vld [tilespmem:s25+$0xFFFFFFF0]  }
0x18d: {  	v8 =	vld [tilespmem:s26+$0xFFFFFE10];
	v0 =	vadd.f32 v1, v0;
	v1 =	vmul.f32 v5, v5;
	v2 =	vsub.f32 v2, v9  }
0x18e: {  	v5 =	vadd.f32 v11, v10;
	v9 =	vld [tilespmem:s25+$0x0]  }
0x18f: {  	v10 =	vld [tilespmem:s1+$0xFFFFFE20];
	v0 =	vadd.f32 v1, v0;
	v1 =	vmul.f32 v2, v2;
	v2 =	vsub.f32 v3, v6  }
0x190: {  	v3 =	vld [tilespmem:s26+$0xFFFFFE20];
	v6 =	vadd.f32 v7, v12  }
0x191: {  	v7 =	vld [tilespmem:s1+$0xFFFFFE90];
	v0 =	vadd.f32 v1, v0;
	v1 =	vmul.f32 v2, v2;
	v2 =	vsub.f32 v5, v4  }
0x192: {  	v4 =	vld [tilespmem:s26+$0xFFFFFE90]  }
0x193: {  	v5 =	vld [tilespmem:s1+$0xFFFFFEA0];
	v0 =	vadd.f32 v1, v0;
	v1 =	vmul.f32 v2, v2;
	v2 =	vsub.f32 v6, v9  }
0x194: {  	v6 =	vld [tilespmem:s26+$0xFFFFFEA0]  }
0x195: {  	v3 =	vadd.f32 v3, v10;
	v9 =	vld [tilespmem:s1+$0xFFFFFF10];
	v0 =	vadd.f32 v1, v0;
	v1 =	vmul.f32 v2, v2  }
0x196: {  	v2 =	vld [tilespmem:s26+$0xFFFFFF10]  }
0x197: {  	s28 =	sadd.s32 $0x40, s28;
	v4 =	vadd.f32 v4, v7;
	v7 =	vld [tilespmem:s1+$0xFFFFFF20];
	v0 =	vadd.f32 v1, v0  }
0x198: {  	s6 =	sadd.s32 $0xFFFFFFE0, s28;
	s7 =	sand.u32 $0x7F0, s28;
	s5 =	sadd.s32 $0xFFFFFBD0, s28;
	v1 =	vld [tilespmem:s26+$0xFFFFFF20]  }
0x199: {  	s5 =	sand.u32 $0x3C0, s5;
	s10 =	sand.u32 $0x7D0, s6;
	s6 =	sadd.s32 $0xFFFFFFF0, s28;
	v10 =	vld [tilespmem:s1+$0xFFFFFE10];
	v5 =	vadd.f32 v6, v5;
	[tilespmem:s7+$0xC600] =	vst v0  }
0x19a: {  	s11 =	sand.u32 $0x7E0, s6;
	v0 =	vld [tilespmem:s25+$0xFFFFFE10]  }
0x19b: {  	v6 =	vld [tilespmem:s25+$0xFFFFFE20];
	v2 =	vadd.f32 v2, v9  }
0x19c: {  	v9 =	vld [tilespmem:s1+$0xFFFFFE30]  }
0x19d: {  	v11 =	vld [tilespmem:s26+$0xFFFFFE30];
	v1 =	vadd.f32 v1, v7  }
0x19e: {  	v7 =	vadd.f32 v8, v10;
	v8 =	vld [tilespmem:s25+$0xFFFFFE90]  }
0x19f: {  	v10 =	vld [tilespmem:s25+$0xFFFFFEA0]  }
0x1a0: {  	v0 =	vsub.f32 v7, v0;
	v3 =	vsub.f32 v3, v6;
	v6 =	vld [tilespmem:s1+$0xFFFFFEB0]  }
0x1a1: {  	v7 =	vld [tilespmem:s26+$0xFFFFFEB0]  }
0x1a2: {  	v0 =	vmul.f32 v0, v0;
	v3 =	vmul.f32 v3, v3;
	v9 =	vadd.f32 v11, v9;
	v11 =	vld [tilespmem:s25+$0xFFFFFF10]  }
0x1a3: {  	v4 =	vsub.f32 v4, v8;
	v8 =	vld [tilespmem:s25+$0xFFFFFF20]  }
0x1a4: {  	v0 =	vadd.f32 v3, v0;
	v3 =	vsub.f32 v5, v10;
	v5 =	vld [tilespmem:s1+$0xFFFFFF30]  }
0x1a5: {  	v4 =	vmul.f32 v4, v4;
	v10 =	vld [tilespmem:s26+$0xFFFFFF30]  }
0x1a6: {  	v12 =	vld [tilespmem:s25+$0xFFFFFE30];
	v3 =	vmul.f32 v3, v3;
	v6 =	vadd.f32 v7, v6  }
0x1a7: {  	v7 =	vld [tilespmem:s1+$0xFFFFFE40];
	v2 =	vsub.f32 v2, v11  }
0x1a8: {  	v11 =	vld [tilespmem:s26+$0xFFFFFE40];
	v3 =	vadd.f32 v3, v4;
	v1 =	vsub.f32 v1, v8  }
0x1a9: {  	v4 =	vld [tilespmem:s25+$0xFFFFFEB0];
	v2 =	vmul.f32 v2, v2  }
0x1aa: {  	v8 =	vld [tilespmem:s1+$0xFFFFFEC0];
	v1 =	vmul.f32 v1, v1;
	v5 =	vadd.f32 v10, v5  }
0x1ab: {  	v9 =	vsub.f32 v9, v12;
	v10 =	vld [tilespmem:s26+$0xFFFFFEC0]  }
0x1ac: {  	v1 =	vadd.f32 v1, v2;
	v2 =	vld [tilespmem:s25+$0xFFFFFF30]  }
0x1ad: {  	v9 =	vmul.f32 v9, v9;
	v7 =	vadd.f32 v11, v7;
	v11 =	vld [tilespmem:s1+$0xFFFFFF40]  }
0x1ae: {  	v4 =	vsub.f32 v6, v4;
	v6 =	vld [tilespmem:s26+$0xFFFFFF40]  }
0x1af: {  	v0 =	vadd.f32 v9, v0;
	v9 =	vld [tilespmem:s25+$0xFFFFFE40]  }
0x1b0: {  	v12 =	vld [tilespmem:s1+$0xFFFFFE50];
	v4 =	vmul.f32 v4, v4;
	v8 =	vadd.f32 v10, v8  }
0x1b1: {  	v10 =	vld [tilespmem:s26+$0xFFFFFE50];
	v2 =	vsub.f32 v5, v2  }
0x1b2: {  	v3 =	vadd.f32 v4, v3;
	v4 =	vld [tilespmem:s25+$0xFFFFFEC0]  }
0x1b3: {  	v5 =	vld [tilespmem:s1+$0xFFFFFED0];
	v2 =	vmul.f32 v2, v2;
	v6 =	vadd.f32 v6, v11  }
0x1b4: {  	v7 =	vsub.f32 v7, v9;
	v9 =	vld [tilespmem:s26+$0xFFFFFED0]  }
0x1b5: {  	v1 =	vadd.f32 v2, v1;
	v2 =	vld [tilespmem:s25+$0xFFFFFF40]  }
0x1b6: {  	v7 =	vmul.f32 v7, v7;
	v10 =	vadd.f32 v10, v12;
	v11 =	vld [tilespmem:s1+$0xFFFFFF50]  }
0x1b7: {  	v4 =	vsub.f32 v8, v4;
	v8 =	vld [tilespmem:s26+$0xFFFFFF50]  }
0x1b8: {  	v0 =	vadd.f32 v7, v0;
	v7 =	vld [tilespmem:s25+$0xFFFFFE50]  }
0x1b9: {  	v12 =	vld [tilespmem:s1+$0xFFFFFE60];
	v4 =	vmul.f32 v4, v4;
	v5 =	vadd.f32 v9, v5  }
0x1ba: {  	v9 =	vld [tilespmem:s26+$0xFFFFFE60];
	v2 =	vsub.f32 v6, v2  }
0x1bb: {  	v3 =	vadd.f32 v4, v3;
	v4 =	vld [tilespmem:s25+$0xFFFFFED0]  }
0x1bc: {  	v6 =	vld [tilespmem:s1+$0xFFFFFEE0];
	v2 =	vmul.f32 v2, v2;
	v8 =	vadd.f32 v8, v11  }
0x1bd: {  	v7 =	vsub.f32 v10, v7;
	v10 =	vld [tilespmem:s26+$0xFFFFFEE0]  }
0x1be: {  	v1 =	vadd.f32 v2, v1;
	v2 =	vld [tilespmem:s25+$0xFFFFFF50]  }
0x1bf: {  	v7 =	vmul.f32 v7, v7;
	v9 =	vadd.f32 v9, v12;
	v11 =	vld [tilespmem:s1+$0xFFFFFF60]  }
0x1c0: {  	v4 =	vsub.f32 v5, v4;
	v5 =	vld [tilespmem:s26+$0xFFFFFF60]  }
0x1c1: {  	v0 =	vadd.f32 v7, v0;
	v7 =	vld [tilespmem:s25+$0xFFFFFE60]  }
0x1c2: {  	v12 =	vld [tilespmem:s1+$0xFFFFFE70];
	v4 =	vmul.f32 v4, v4;
	v6 =	vadd.f32 v10, v6  }
0x1c3: {  	v10 =	vld [tilespmem:s26+$0xFFFFFE70];
	v2 =	vsub.f32 v8, v2  }
0x1c4: {  	v3 =	vadd.f32 v4, v3;
	v4 =	vld [tilespmem:s25+$0xFFFFFEE0]  }
0x1c5: {  	v8 =	vld [tilespmem:s1+$0xFFFFFEF0];
	v2 =	vmul.f32 v2, v2;
	v5 =	vadd.f32 v5, v11  }
0x1c6: {  	v7 =	vsub.f32 v9, v7;
	v9 =	vld [tilespmem:s26+$0xFFFFFEF0]  }
0x1c7: {  	v1 =	vadd.f32 v2, v1;
	v2 =	vld [tilespmem:s25+$0xFFFFFF60]  }
0x1c8: {  	v7 =	vmul.f32 v7, v7;
	v10 =	vadd.f32 v10, v12;
	v11 =	vld [tilespmem:s1+$0xFFFFFF70]  }
0x1c9: {  	v4 =	vsub.f32 v6, v4;
	v6 =	vld [tilespmem:s26+$0xFFFFFF70]  }
0x1ca: {  	v7 =	vadd.f32 v7, v0;
	v12 =	vld [tilespmem:s25+$0xFFFFFE70]  }
0x1cb: {  	v13 =	vld [tilespmem:s1+$0xFFFFFE80];
	v0 =	vmul.f32 v4, v4;
	v4 =	vadd.f32 v9, v8  }
0x1cc: {  	v8 =	vld [tilespmem:s26+$0xFFFFFE80];
	v2 =	vsub.f32 v5, v2  }
0x1cd: {  	v0 =	vadd.f32 v0, v3;
	v9 =	vld [tilespmem:s25+$0xFFFFFEF0]  }
0x1ce: {  	v14 =	vld [tilespmem:s1+$0xFFFFFF00];
	v2 =	vmul.f32 v2, v2;
	v11 =	vadd.f32 v6, v11  }
0x1cf: {  	v3 =	vsub.f32 v10, v12;
	v12 =	vld [tilespmem:s26+$0xFFFFFF00]  }
0x1d0: {  	v1 =	vadd.f32 v2, v1;
	v15 =	vld [tilespmem:s25+$0xFFFFFF70]  }
.Ltmp1:
0x1d1: {  	v2 =	vmul.f32 v3, v3;
	v5 =	vadd.f32 v8, v13;
	v3 =	vld [tilespmem:s1+$0xFFFFFF80];
	(pc) =	sbr.rel @p1 .LBB2_4-.Ltmp1, $4  }
0x1d2: {  	v8 =	vsub.f32 v4, v9;
	v4 =	vld [tilespmem:s26+$0xFFFFFF80]  }
0x1d3: {  	v2 =	vadd.f32 v2, v7;
	v6 =	vld [tilespmem:s25+$0xFFFFFE80]  }
0x1d4: {  	v10 =	vmul.f32 v8, v8;
	v9 =	vadd.f32 v12, v14;
	v7 =	vld [tilespmem:s25+$0xFFFFFF00]  }
0x1d5: {  	s1 =	sadd.s32 $0x200, s1;
	v11 =	vsub.f32 v11, v15;
	v8 =	vld [tilespmem:s25+$0xFFFFFF80]  }
0x1d6: {  	_ =	sdelay $0x1  }
0x1d7: {  	v3 =	vadd.f32 v4, v3;
	v4 =	vsub.f32 v5, v6  }
0x1d8: {  	v5 =	vsub.f32 v9, v7  }
0x1d9: {  	v6 =	vmul.f32 v11, v11;
	v4 =	vmul.f32 v4, v4;
	v3 =	vsub.f32 v3, v8  }
0x1da: {  	v0 =	vadd.f32 v10, v0;
	v5 =	vmul.f32 v5, v5  }
0x1db: {  	v1 =	vadd.f32 v6, v1;
	v2 =	vadd.f32 v4, v2;
	v3 =	vmul.f32 v3, v3  }
0x1dc: {  	v0 =	vadd.f32 v5, v0  }
0x1dd: {  	[tilespmem:s5+$0xCA00] =	vst v2;
	v1 =	vadd.f32 v3, v1  }
0x1de: {  	[tilespmem:s10+$0xC600] =	vst v0  }
0x1df: {  	s1 =	simm.s32 $0xC0;
	[tilespmem:s11+$0xC600] =	vst v1  }
0x1e0: {  	[tilespmem:s20], [sflag:$0x4] =	stream.indirect.gather [hbm4b:s0+s16], $0x80, s1, s16, $0xb8;
	[tilespmem:$0x10540] =	vst v63  }
0x1e1: {  	s6 =	simm.s32 $0x4C0  }
0x1e2: {  	[tilespmem:s22], [sflag:$0x6] =	stream.indirect.gather [hbm4b:s0+s16], $0x80, s6, s16, $0xb8;
	[tilespmem:$0x10540] =	vst v63  }
0x1e3: {  	s7 =	simm.s32 $0x2C0  }
0x1e4: {  	[tilespmem:s24], [sflag:$0x5] =	stream.indirect.gather [spmem:s3], $0x80, s7, s16, $0xb8;
	[tilespmem:$0x10540] =	vst v63  }
0x1e5: {  	_ =	swait.ge [sflag:s13], $0x2000  }
0x1e6: {  	[sflag:s13] =	ssyncset.done $0x0  }
0x1e7: {  	[sflag:s13] =	ssyncadd.s32 $0xFFFFE000  }
0x1e8: {  	_ =	swait.ge [sflag:s15], $0x2000  }
0x1e9: {  	[sflag:s15] =	ssyncset.done $0x0  }
0x1ea: {  	[sflag:s15] =	ssyncadd.s32 $0xFFFFE000  }
0x1eb: {  	_ =	swait.ge [sflag:s14], $0x2000  }
0x1ec: {  	[sflag:s14] =	ssyncset.done $0x0  }
0x1ed: {  	s8 =	simm.s32 $0x700;
	[sflag:s14] =	ssyncadd.s32 $0xFFFFE000  }
0x1ee: {  	v0 =	vld [tilespmem:s8+$0xF0]  }
0x1ef: {  	v1 =	vld [tilespmem:s8+$0xE0]  }
0x1f0: {  	v2 =	vld [tilespmem:s8+$0xD0]  }
0x1f1: {  	v3 =	vld [tilespmem:s8+$0xC0]  }
0x1f2: {  	s25 =	simm.s32 $0x8700;
	v4 =	vld [tilespmem:s8+$0xB0]  }
0x1f3: {  	v5 =	vld [tilespmem:s25+$0x80]  }
0x1f4: {  	v6 =	vld [tilespmem:s8+$0xA0]  }
0x1f5: {  	s26 =	simm.s32 $0x4700;
	v7 =	vld [tilespmem:s8+$0x80]  }
0x1f6: {  	v8 =	vld [tilespmem:s26+$0x80]  }
0x1f7: {  	v9 =	vld [tilespmem:s8+$0x90]  }
0x1f8: {  	v10 =	vld [tilespmem:s26+$0x90]  }
0x1f9: {  	v11 =	vld [tilespmem:s26+$0xA0]  }
0x1fa: {  	v12 =	vld [tilespmem:s25+$0x90]  }
0x1fb: {  	v13 =	vld [tilespmem:s26+$0xB0]  }
0x1fc: {  	v14 =	vld [tilespmem:s25+$0xA0]  }
0x1fd: {  	v15 =	vld [tilespmem:s26+$0xC0]  }
0x1fe: {  	v16 =	vld [tilespmem:s25+$0xB0]  }
0x1ff: {  	v17 =	vld [tilespmem:s26+$0xD0]  }
0x200: {  	v18 =	vld [tilespmem:s25+$0xC0]  }
0x201: {  	v19 =	vld [tilespmem:s26+$0xE0]  }
0x202: {  	v20 =	vld [tilespmem:s25+$0xD0]  }
0x203: {  	v21 =	vld [tilespmem:s26+$0xF0]  }
0x204: {  	v22 =	vld [tilespmem:s25+$0xE0]  }
0x205: {  	v23 =	vld [tilespmem:s26+$0xFFFFFF00]  }
0x206: {  	v24 =	vld [tilespmem:s25+$0xF0]  }
0x207: {  	v25 =	vld [tilespmem:s8+$0xFFFFFF10]  }
0x208: {  	v26 =	vld [tilespmem:s26+$0xFFFFFF10]  }
0x209: {  	v27 =	vld [tilespmem:s8+$0xFFFFFF80]  }
0x20a: {  	v28 =	vld [tilespmem:s26+$0xFFFFFF80]  }
0x20b: {  	v29 =	vld [tilespmem:s8+$0xFFFFFF90]  }
0x20c: {  	v30 =	vld [tilespmem:s26+$0xFFFFFF90]  }
0x20d: {  	v31 =	vld [tilespmem:s8+$0x0]  }
0x20e: {  	v32 =	vld [tilespmem:s26+$0x0]  }
0x20f: {  	v33 =	vld [tilespmem:s8+$0x10]  }
0x210: {  	v34 =	vld [tilespmem:s26+$0x10]  }
0x211: {  	v35 =	vld [tilespmem:s8+$0xFFFFFF00]  }
0x212: {  	v36 =	vld [tilespmem:s25+$0xFFFFFF00]  }
0x213: {  	v37 =	vld [tilespmem:s25+$0xFFFFFF10]  }
0x214: {  	v38 =	vld [tilespmem:s8+$0xFFFFFF20]  }
0x215: {  	v39 =	vld [tilespmem:s26+$0xFFFFFF20]  }
0x216: {  	v40 =	vld [tilespmem:s25+$0xFFFFFF80]  }
0x217: {  	v41 =	vld [tilespmem:s25+$0xFFFFFF90]  }
0x218: {  	v42 =	vld [tilespmem:s8+$0xFFFFFFA0]  }
0x219: {  	v43 =	vld [tilespmem:s26+$0xFFFFFFA0]  }
0x21a: {  	v44 =	vld [tilespmem:s25+$0x0]  }
0x21b: {  	v45 =	vld [tilespmem:s25+$0x10]  }
0x21c: {  	v46 =	vld [tilespmem:s8+$0x20]  }
0x21d: {  	v54 =	vld [tilespmem:s25+$0x20]  }
0x21e: {  	v55 =	vld [tilespmem:s25+$0xFFFFFFB0]  }
0x21f: {  	v58 =	vld [tilespmem:s8+$0x40]  }
0x220: {  	v60 =	vld [tilespmem:s25+$0xFFFFFF40]  }
0x221: {  	v63 =	vld [tilespmem:s8+$0xFFFFFF50]  }
0x222: {  	v48 =	vld [tilespmem:s8+$0xFFFFFFD0]  }
0x223: {  	v49 =	vld [tilespmem:s26+$0xFFFFFFD0];
	v7 =	vadd.f32 v8, v7;
	v8 =	vadd.f32 v10, v9  }
0x224: {  	v50 =	vld [tilespmem:s25+$0x40];
	v6 =	vadd.f32 v11, v6;
	v4 =	vadd.f32 v13, v4  }
0x225: {  	v52 =	vld [tilespmem:s8+$0x50];
	v3 =	vadd.f32 v15, v3;
	v2 =	vadd.f32 v17, v2  }
0x226: {  	v53 =	vld [tilespmem:s26+$0x50];
	v1 =	vadd.f32 v19, v1;
	v0 =	vadd.f32 v21, v0  }
0x227: {  	v9 =	vld [tilespmem:s26+$0x20];
	v56 =	vadd.f32 v26, v25;
	v57 =	vadd.f32 v23, v35  }
0x228: {  	v10 =	vld [tilespmem:s25+$0xFFFFFF20];
	v5 =	vsub.f32 v7, v5;
	v7 =	vsub.f32 v8, v12  }
0x229: {  	v11 =	vld [tilespmem:s26+$0xFFFFFF30];
	v59 =	vadd.f32 v28, v27;
	v61 =	vadd.f32 v30, v29  }
0x22a: {  	v13 =	vld [tilespmem:s8+$0xFFFFFFB0];
	v6 =	vsub.f32 v6, v14;
	v5 =	vmul.f32 v5, v5;
	v7 =	vmul.f32 v7, v7  }
0x22b: {  	v15 =	vld [tilespmem:s26+$0x30];
	v62 =	vadd.f32 v32, v31;
	v39 =	vadd.f32 v39, v38  }
0x22c: {  	v8 =	vld [tilespmem:s8+$0xFFFFFF30];
	v4 =	vsub.f32 v4, v16;
	v6 =	vmul.f32 v6, v6;
	v5 =	vadd.f32 v7, v5  }
0x22d: {  	v51 =	vadd.f32 v43, v42;
	v12 =	vld [tilespmem:s25+$0xFFFFFFA0];
	v3 =	vsub.f32 v3, v18  }
0x22e: {  	v2 =	vsub.f32 v2, v20;
	v16 =	vld [tilespmem:s8+$0xFFFFFF40];
	v4 =	vmul.f32 v4, v4;
	v5 =	vadd.f32 v6, v5  }
0x22f: {  	v1 =	vsub.f32 v1, v22;
	v0 =	vsub.f32 v0, v24;
	v18 =	vld [tilespmem:s26+$0xFFFFFFC0]  }
0x230: {  	v19 =	vsub.f32 v56, v37;
	v37 =	vld [tilespmem:s26+$0xFFFFFF50];
	v3 =	vmul.f32 v3, v3;
	v4 =	vadd.f32 v4, v5  }
0x231: {  	v22 =	vsub.f32 v59, v40;
	v47 =	vsub.f32 v61, v41;
	v7 =	vld [tilespmem:s26+$0xFFFFFFB0]  }
0x232: {  	v25 =	vsub.f32 v62, v44;
	v2 =	vmul.f32 v2, v2;
	v6 =	vld [tilespmem:s8+$0x30];
	v3 =	vadd.f32 v3, v4  }
0x233: {  	v61 =	vadd.f32 v53, v52;
	v10 =	vsub.f32 v39, v10;
	v4 =	vld [tilespmem:s26+$0xFFFFFF40]  }
0x234: {  	v40 =	vld [tilespmem:s25+$0xFFFFFFC0];
	v1 =	vmul.f32 v1, v1;
	v9 =	vadd.f32 v9, v46;
	v2 =	vadd.f32 v2, v3  }
0x235: {  	v8 =	vadd.f32 v11, v8;
	v12 =	vsub.f32 v51, v12;
	v5 =	vld [tilespmem:s25+$0xFFFFFF30]  }
0x236: {  	v0 =	vmul.f32 v0, v0;
	v9 =	vsub.f32 v9, v54;
	v3 =	vld [tilespmem:s8+$0xFFFFFFC0];
	v1 =	vadd.f32 v1, v2  }
0x237: {  	v7 =	vadd.f32 v7, v13;
	v6 =	vadd.f32 v15, v6;
	v2 =	vld [tilespmem:s25+$0x30]  }
0x238: {  	v56 =	vld [tilespmem:s25+$0x50];
	v19 =	vmul.f32 v19, v19;
	v4 =	vadd.f32 v4, v16;
	v23 =	vadd.f32 v0, v1  }
0x239: {  	v22 =	vmul.f32 v22, v22;
	v0 =	vld [tilespmem:s26+$0x40];
	v1 =	vsub.f32 v57, v36;
	v36 =	vadd.f32 v34, v33  }
0x23a: {  	v59 =	vld [tilespmem:s8+$0xFFFFFF70];
	v25 =	vmul.f32 v25, v25;
	v7 =	vsub.f32 v7, v55;
	v5 =	vsub.f32 v8, v5  }
0x23b: {  	v62 =	vld [tilespmem:s26+$0xFFFFFFF0];
	v4 =	vsub.f32 v4, v60;
	v1 =	vmul.f32 v1, v1;
	v27 =	vsub.f32 v36, v45  }
0x23c: {  	v10 =	vmul.f32 v10, v10;
	v55 =	vld [tilespmem:s8+$0xFFFFFFE0];
	v3 =	vadd.f32 v18, v3;
	v2 =	vsub.f32 v6, v2  }
0x23d: {  	v6 =	vld [tilespmem:s26+$0xFFFFFFE0];
	v1 =	vadd.f32 v19, v1;
	v19 =	vmul.f32 v47, v47;
	v27 =	vmul.f32 v27, v27  }
0x23e: {  	v11 =	vld [tilespmem:s25+$0xFFFFFF50];
	v12 =	vmul.f32 v12, v12;
	v3 =	vsub.f32 v3, v40;
	v0 =	vadd.f32 v0, v58  }
0x23f: {  	v54 =	vld [tilespmem:s26+$0xFFFFFF60];
	v9 =	vmul.f32 v9, v9;
	v19 =	vadd.f32 v19, v22;
	v25 =	vadd.f32 v27, v25  }
0x240: {  	v8 =	vld [tilespmem:s25+$0xFFFFFFD0];
	v5 =	vmul.f32 v5, v5;
	v1 =	vadd.f32 v10, v1;
	v0 =	vsub.f32 v0, v50  }
0x241: {  	v2 =	vmul.f32 v2, v2;
	v10 =	vld [tilespmem:s8+$0xFFFFFF60];
	v12 =	vadd.f32 v12, v19;
	v9 =	vadd.f32 v9, v25  }
0x242: {  	v57 =	vld [tilespmem:s26+$0x60];
	v4 =	vmul.f32 v4, v4;
	v1 =	vadd.f32 v5, v1;
	v6 =	vadd.f32 v6, v55  }
0x243: {  	v7 =	vmul.f32 v7, v7;
	v58 =	vld [tilespmem:s25+$0xFFFFFF60];
	v2 =	vadd.f32 v2, v9;
	v9 =	vadd.f32 v37, v63  }
0x244: {  	v60 =	vld [tilespmem:s26+$0xFFFFFF70];
	v1 =	vadd.f32 v4, v1;
	v4 =	vadd.f32 v49, v48  }
0x245: {  	v3 =	vmul.f32 v3, v3;
	v7 =	vadd.f32 v7, v12;
	v9 =	vsub.f32 v9, v11;
	v11 =	vld [tilespmem:s25+$0xFFFFFFE0]  }
0x246: {  	v5 =	vld [tilespmem:s8+$0x60];
	v0 =	vmul.f32 v0, v0;
	v10 =	vadd.f32 v54, v10;
	v4 =	vsub.f32 v4, v8  }
0x247: {  	v63 =	vld [tilespmem:s25+$0x60];
	v7 =	vadd.f32 v3, v7;
	v3 =	vmul.f32 v9, v9;
	v9 =	vsub.f32 v61, v56  }
0x248: {  	v8 =	vld [tilespmem:s8+$0xFFFFFFF0];
	v2 =	vadd.f32 v0, v2;
	v0 =	vmul.f32 v4, v4;
	v4 =	vsub.f32 v10, v58  }
0x249: {  	v10 =	vadd.f32 v3, v1;
	v1 =	vmul.f32 v9, v9;
	v3 =	vld [tilespmem:s8+$0x70]  }
0x24a: {  	s10 =	simm.s32 $0x0;
	v0 =	vadd.f32 v0, v7;
	v7 =	vmul.f32 v4, v4;
	v4 =	vld [tilespmem:s26+$0x70];
	v9 =	vsub.f32 v6, v11  }
0x24b: {  	s28 =	simm.s32 $0x830;
	s2 =	simm.s32 $0x0;
	s5 =	sand.u32 $0x3C0, s10;
	v12 =	vadd.f32 v57, v5;
	v5 =	vadd.f32 v60, v59;
	v6 =	vld [tilespmem:s25+$0xFFFFFF70]  }
0x24c: {  	s11 =	simm.s32 $0x820;
	s6 =	simm.s32 $0x810;
	s7 =	sand.u32 $0xBF0, s28;
	v1 =	vadd.f32 v1, v2;
	v2 =	vadd.f32 v7, v10;
	v7 =	vld [tilespmem:s25+$0xFFFFFFF0];
	v10 =	vmul.f32 v9, v9  }
0x24d: {  	s11 =	sand.u32 $0xBE0, s11;
	s1 =	simm.s32 $0x900;
	s10 =	sand.u32 $0xBD0, s6;
	[tilespmem:s7+$0xC600] =	vst v23;
	v11 =	vsub.f32 v12, v63;
	v9 =	vadd.f32 v62, v8;
	v8 =	vld [tilespmem:s25+$0x70]  }
.LBB2_6:
0x24e: {  	v12 =	vld [tilespmem:s1+$0xF0];
	v0 =	vadd.f32 v10, v0  }
0x24f: {  	v10 =	vld [tilespmem:s1+$0xE0];
	v11 =	vmul.f32 v11, v11;
	v3 =	vadd.f32 v4, v3  }
0x250: {  	v4 =	vld [tilespmem:s1+$0xD0];
	v5 =	vsub.f32 v5, v6  }
0x251: {  	v6 =	vld [tilespmem:s1+$0xC0];
	v7 =	vsub.f32 v9, v7;
	v1 =	vadd.f32 v11, v1  }
0x252: {  	s25 =	sadd.s32 $0x200, s25;
	v9 =	vld [tilespmem:s1+$0xB0];
	v5 =	vmul.f32 v5, v5;
	v3 =	vsub.f32 v3, v8  }
0x253: {  	v8 =	vld [tilespmem:s25+$0x80];
	v7 =	vmul.f32 v7, v7  }
0x254: {  	v11 =	vld [tilespmem:s1+$0xA0];
	v2 =	vadd.f32 v5, v2;
	v3 =	vmul.f32 v3, v3  }
0x255: {  	s26 =	sadd.s32 $0x200, s26;
	v5 =	vld [tilespmem:s1+$0x80];
	v0 =	vadd.f32 v7, v0  }
0x256: {  	v7 =	vld [tilespmem:s26+$0x80];
	[tilespmem:s5+$0xCE00] =	vst v2;
	v1 =	vadd.f32 v3, v1  }
0x257: {  	v2 =	vld [tilespmem:s1+$0x90];
	[tilespmem:s10+$0xC600] =	vst v0  }
0x258: {  	s2 =	sadd.s32 $0x4, s2;
	v0 =	vld [tilespmem:s26+$0x90];
	[tilespmem:s11+$0xC600] =	vst v1  }
0x259: {  	p1 =	slt.u32 s2, $0x3C;
	v1 =	vld [tilespmem:s26+$0xA0]  }
0x25a: {  	v3 =	vld [tilespmem:s25+$0x90]  }
0x25b: {  	v13 =	vld [tilespmem:s26+$0xB0]  }
0x25c: {  	v14 =	vld [tilespmem:s25+$0xA0]  }
0x25d: {  	v5 =	vadd.f32 v7, v5;
	v0 =	vadd.f32 v0, v2;
	v2 =	vld [tilespmem:s26+$0xC0]  }
0x25e: {  	v1 =	vadd.f32 v1, v11;
	v7 =	vld [tilespmem:s25+$0xB0]  }
0x25f: {  	v5 =	vsub.f32 v5, v8;
	v0 =	vsub.f32 v0, v3;
	v3 =	vld [tilespmem:s26+$0xD0]  }
0x260: {  	v8 =	vadd.f32 v13, v9;
	v9 =	vld [tilespmem:s25+$0xC0]  }
0x261: {  	v5 =	vmul.f32 v5, v5;
	v0 =	vmul.f32 v0, v0;
	v1 =	vsub.f32 v1, v14;
	v11 =	vld [tilespmem:s26+$0xE0]  }
0x262: {  	v2 =	vadd.f32 v2, v6;
	v6 =	vld [tilespmem:s25+$0xD0]  }
0x263: {  	v0 =	vadd.f32 v0, v5;
	v1 =	vmul.f32 v1, v1;
	v5 =	vsub.f32 v8, v7;
	v7 =	vld [tilespmem:s26+$0xF0]  }
0x264: {  	v3 =	vadd.f32 v3, v4;
	v4 =	vld [tilespmem:s25+$0xE0]  }
0x265: {  	v8 =	vld [tilespmem:s26+$0xFFFFFF00];
	v0 =	vadd.f32 v1, v0;
	v1 =	vmul.f32 v5, v5;
	v2 =	vsub.f32 v2, v9  }
0x266: {  	v5 =	vadd.f32 v11, v10;
	v9 =	vld [tilespmem:s25+$0xF0]  }
0x267: {  	v10 =	vld [tilespmem:s1+$0xFFFFFF10];
	v0 =	vadd.f32 v1, v0;
	v1 =	vmul.f32 v2, v2;
	v2 =	vsub.f32 v3, v6  }
0x268: {  	v3 =	vld [tilespmem:s26+$0xFFFFFF10];
	v6 =	vadd.f32 v7, v12  }
0x269: {  	v7 =	vld [tilespmem:s1+$0xFFFFFF80];
	v0 =	vadd.f32 v1, v0;
	v1 =	vmul.f32 v2, v2;
	v2 =	vsub.f32 v5, v4  }
0x26a: {  	v4 =	vld [tilespmem:s26+$0xFFFFFF80]  }
0x26b: {  	v5 =	vld [tilespmem:s1+$0xFFFFFF90];
	v0 =	vadd.f32 v1, v0;
	v1 =	vmul.f32 v2, v2;
	v2 =	vsub.f32 v6, v9  }
0x26c: {  	v6 =	vld [tilespmem:s26+$0xFFFFFF90]  }
0x26d: {  	v3 =	vadd.f32 v3, v10;
	v9 =	vld [tilespmem:s1+$0x0];
	v0 =	vadd.f32 v1, v0;
	v1 =	vmul.f32 v2, v2  }
0x26e: {  	v2 =	vld [tilespmem:s26+$0x0]  }
0x26f: {  	s28 =	sadd.s32 $0x40, s28;
	v4 =	vadd.f32 v4, v7;
	v7 =	vld [tilespmem:s1+$0x10];
	v0 =	vadd.f32 v1, v0  }
0x270: {  	s6 =	sadd.s32 $0xFFFFFFE0, s28;
	s7 =	sand.u32 $0xBF0, s28;
	s5 =	sadd.s32 $0xFFFFF7D0, s28;
	v1 =	vld [tilespmem:s26+$0x10]  }
0x271: {  	s5 =	sand.u32 $0x3C0, s5;
	s10 =	sand.u32 $0xBD0, s6;
	s6 =	sadd.s32 $0xFFFFFFF0, s28;
	v10 =	vld [tilespmem:s1+$0xFFFFFF00];
	v5 =	vadd.f32 v6, v5;
	[tilespmem:s7+$0xC600] =	vst v0  }
0x272: {  	s11 =	sand.u32 $0xBE0, s6;
	v0 =	vld [tilespmem:s25+$0xFFFFFF00]  }
0x273: {  	v6 =	vld [tilespmem:s25+$0xFFFFFF10];
	v2 =	vadd.f32 v2, v9  }
0x274: {  	v9 =	vld [tilespmem:s1+$0xFFFFFF20]  }
0x275: {  	v11 =	vld [tilespmem:s26+$0xFFFFFF20];
	v1 =	vadd.f32 v1, v7  }
0x276: {  	v7 =	vadd.f32 v8, v10;
	v8 =	vld [tilespmem:s25+$0xFFFFFF80]  }
0x277: {  	v10 =	vld [tilespmem:s25+$0xFFFFFF90]  }
0x278: {  	v0 =	vsub.f32 v7, v0;
	v3 =	vsub.f32 v3, v6;
	v6 =	vld [tilespmem:s1+$0xFFFFFFA0]  }
0x279: {  	v7 =	vld [tilespmem:s26+$0xFFFFFFA0]  }
0x27a: {  	v0 =	vmul.f32 v0, v0;
	v3 =	vmul.f32 v3, v3;
	v9 =	vadd.f32 v11, v9;
	v11 =	vld [tilespmem:s25+$0x0]  }
0x27b: {  	v4 =	vsub.f32 v4, v8;
	v8 =	vld [tilespmem:s25+$0x10]  }
0x27c: {  	v0 =	vadd.f32 v3, v0;
	v3 =	vsub.f32 v5, v10;
	v5 =	vld [tilespmem:s1+$0x20]  }
0x27d: {  	v4 =	vmul.f32 v4, v4;
	v10 =	vld [tilespmem:s26+$0x20]  }
0x27e: {  	v12 =	vld [tilespmem:s25+$0xFFFFFF20];
	v3 =	vmul.f32 v3, v3;
	v6 =	vadd.f32 v7, v6  }
0x27f: {  	v7 =	vld [tilespmem:s1+$0xFFFFFF30];
	v2 =	vsub.f32 v2, v11  }
0x280: {  	v11 =	vld [tilespmem:s26+$0xFFFFFF30];
	v3 =	vadd.f32 v3, v4;
	v1 =	vsub.f32 v1, v8  }
0x281: {  	v4 =	vld [tilespmem:s25+$0xFFFFFFA0];
	v2 =	vmul.f32 v2, v2  }
0x282: {  	v8 =	vld [tilespmem:s1+$0xFFFFFFB0];
	v1 =	vmul.f32 v1, v1;
	v5 =	vadd.f32 v10, v5  }
0x283: {  	v9 =	vsub.f32 v9, v12;
	v10 =	vld [tilespmem:s26+$0xFFFFFFB0]  }
0x284: {  	v1 =	vadd.f32 v1, v2;
	v2 =	vld [tilespmem:s25+$0x20]  }
0x285: {  	v9 =	vmul.f32 v9, v9;
	v7 =	vadd.f32 v11, v7;
	v11 =	vld [tilespmem:s1+$0x30]  }
0x286: {  	v4 =	vsub.f32 v6, v4;
	v6 =	vld [tilespmem:s26+$0x30]  }
0x287: {  	v0 =	vadd.f32 v9, v0;
	v9 =	vld [tilespmem:s25+$0xFFFFFF30]  }
0x288: {  	v12 =	vld [tilespmem:s1+$0xFFFFFF40];
	v4 =	vmul.f32 v4, v4;
	v8 =	vadd.f32 v10, v8  }
0x289: {  	v10 =	vld [tilespmem:s26+$0xFFFFFF40];
	v2 =	vsub.f32 v5, v2  }
0x28a: {  	v3 =	vadd.f32 v4, v3;
	v4 =	vld [tilespmem:s25+$0xFFFFFFB0]  }
0x28b: {  	v5 =	vld [tilespmem:s1+$0xFFFFFFC0];
	v2 =	vmul.f32 v2, v2;
	v6 =	vadd.f32 v6, v11  }
0x28c: {  	v7 =	vsub.f32 v7, v9;
	v9 =	vld [tilespmem:s26+$0xFFFFFFC0]  }
0x28d: {  	v1 =	vadd.f32 v2, v1;
	v2 =	vld [tilespmem:s25+$0x30]  }
0x28e: {  	v7 =	vmul.f32 v7, v7;
	v10 =	vadd.f32 v10, v12;
	v11 =	vld [tilespmem:s1+$0x40]  }
0x28f: {  	v4 =	vsub.f32 v8, v4;
	v8 =	vld [tilespmem:s26+$0x40]  }
0x290: {  	v0 =	vadd.f32 v7, v0;
	v7 =	vld [tilespmem:s25+$0xFFFFFF40]  }
0x291: {  	v12 =	vld [tilespmem:s1+$0xFFFFFF50];
	v4 =	vmul.f32 v4, v4;
	v5 =	vadd.f32 v9, v5  }
0x292: {  	v9 =	vld [tilespmem:s26+$0xFFFFFF50];
	v2 =	vsub.f32 v6, v2  }
0x293: {  	v3 =	vadd.f32 v4, v3;
	v4 =	vld [tilespmem:s25+$0xFFFFFFC0]  }
0x294: {  	v6 =	vld [tilespmem:s1+$0xFFFFFFD0];
	v2 =	vmul.f32 v2, v2;
	v8 =	vadd.f32 v8, v11  }
0x295: {  	v7 =	vsub.f32 v10, v7;
	v10 =	vld [tilespmem:s26+$0xFFFFFFD0]  }
0x296: {  	v1 =	vadd.f32 v2, v1;
	v2 =	vld [tilespmem:s25+$0x40]  }
0x297: {  	v7 =	vmul.f32 v7, v7;
	v9 =	vadd.f32 v9, v12;
	v11 =	vld [tilespmem:s1+$0x50]  }
0x298: {  	v4 =	vsub.f32 v5, v4;
	v5 =	vld [tilespmem:s26+$0x50]  }
0x299: {  	v0 =	vadd.f32 v7, v0;
	v7 =	vld [tilespmem:s25+$0xFFFFFF50]  }
0x29a: {  	v12 =	vld [tilespmem:s1+$0xFFFFFF60];
	v4 =	vmul.f32 v4, v4;
	v6 =	vadd.f32 v10, v6  }
0x29b: {  	v10 =	vld [tilespmem:s26+$0xFFFFFF60];
	v2 =	vsub.f32 v8, v2  }
0x29c: {  	v3 =	vadd.f32 v4, v3;
	v4 =	vld [tilespmem:s25+$0xFFFFFFD0]  }
0x29d: {  	v8 =	vld [tilespmem:s1+$0xFFFFFFE0];
	v2 =	vmul.f32 v2, v2;
	v5 =	vadd.f32 v5, v11  }
0x29e: {  	v7 =	vsub.f32 v9, v7;
	v9 =	vld [tilespmem:s26+$0xFFFFFFE0]  }
0x29f: {  	v1 =	vadd.f32 v2, v1;
	v2 =	vld [tilespmem:s25+$0x50]  }
0x2a0: {  	v7 =	vmul.f32 v7, v7;
	v10 =	vadd.f32 v10, v12;
	v11 =	vld [tilespmem:s1+$0x60]  }
0x2a1: {  	v4 =	vsub.f32 v6, v4;
	v6 =	vld [tilespmem:s26+$0x60]  }
0x2a2: {  	v7 =	vadd.f32 v7, v0;
	v12 =	vld [tilespmem:s25+$0xFFFFFF60]  }
0x2a3: {  	v13 =	vld [tilespmem:s1+$0xFFFFFF70];
	v0 =	vmul.f32 v4, v4;
	v4 =	vadd.f32 v9, v8  }
0x2a4: {  	v8 =	vld [tilespmem:s26+$0xFFFFFF70];
	v2 =	vsub.f32 v5, v2  }
0x2a5: {  	v0 =	vadd.f32 v0, v3;
	v9 =	vld [tilespmem:s25+$0xFFFFFFE0]  }
0x2a6: {  	v14 =	vld [tilespmem:s1+$0xFFFFFFF0];
	v2 =	vmul.f32 v2, v2;
	v11 =	vadd.f32 v6, v11  }
0x2a7: {  	v3 =	vsub.f32 v10, v12;
	v12 =	vld [tilespmem:s26+$0xFFFFFFF0]  }
0x2a8: {  	v1 =	vadd.f32 v2, v1;
	v15 =	vld [tilespmem:s25+$0x60]  }
.Ltmp2:
0x2a9: {  	v2 =	vmul.f32 v3, v3;
	v5 =	vadd.f32 v8, v13;
	v3 =	vld [tilespmem:s1+$0x70];
	(pc) =	sbr.rel @p1 .LBB2_6-.Ltmp2, $4  }
0x2aa: {  	v8 =	vsub.f32 v4, v9;
	v4 =	vld [tilespmem:s26+$0x70]  }
0x2ab: {  	v2 =	vadd.f32 v2, v7;
	v6 =	vld [tilespmem:s25+$0xFFFFFF70]  }
0x2ac: {  	v10 =	vmul.f32 v8, v8;
	v9 =	vadd.f32 v12, v14;
	v7 =	vld [tilespmem:s25+$0xFFFFFFF0]  }
0x2ad: {  	s1 =	sadd.s32 $0x200, s1;
	v11 =	vsub.f32 v11, v15;
	v8 =	vld [tilespmem:s25+$0x70]  }
0x2ae: {  	_ =	sdelay $0x1  }
0x2af: {  	v3 =	vadd.f32 v4, v3;
	v4 =	vsub.f32 v5, v6  }
0x2b0: {  	v5 =	vsub.f32 v9, v7  }
0x2b1: {  	v6 =	vmul.f32 v11, v11;
	v4 =	vmul.f32 v4, v4;
	v3 =	vsub.f32 v3, v8  }
0x2b2: {  	v0 =	vadd.f32 v10, v0;
	v5 =	vmul.f32 v5, v5  }
0x2b3: {  	v1 =	vadd.f32 v6, v1;
	v2 =	vadd.f32 v4, v2;
	v3 =	vmul.f32 v3, v3  }
0x2b4: {  	v0 =	vadd.f32 v5, v0  }
0x2b5: {  	[tilespmem:s5+$0xCE00] =	vst v2;
	v1 =	vadd.f32 v3, v1  }
0x2b6: {  	[tilespmem:s10+$0xC600] =	vst v0  }
0x2b7: {  	s1 =	simm.s32 $0x100;
	[tilespmem:s11+$0xC600] =	vst v1  }
0x2b8: {  	[tilespmem:s17], [sflag:$0x1] =	stream.indirect.gather [hbm4b:s0+s16], $0x80, s1, s16, $0xb8;
	[tilespmem:$0x10540] =	vst v63  }
0x2b9: {  	s6 =	simm.s32 $0x500  }
0x2ba: {  	[tilespmem:s18], [sflag:$0x3] =	stream.indirect.gather [hbm4b:s0+s16], $0x80, s6, s16, $0xb8;
	[tilespmem:$0x10540] =	vst v63  }
0x2bb: {  	s7 =	simm.s32 $0x300  }
0x2bc: {  	[tilespmem:s19], [sflag:$0x2] =	stream.indirect.gather [spmem:s3], $0x80, s7, s16, $0xb8;
	[tilespmem:$0x10540] =	vst v63  }
0x2bd: {  	_ =	swait.ge [sflag:s29], $0x2000  }
0x2be: {  	[sflag:s29] =	ssyncset.done $0x0  }
0x2bf: {  	[sflag:s29] =	ssyncadd.s32 $0xFFFFE000  }
0x2c0: {  	_ =	swait.ge [sflag:s30], $0x2000  }
0x2c1: {  	[sflag:s30] =	ssyncset.done $0x0  }
0x2c2: {  	[sflag:s30] =	ssyncadd.s32 $0xFFFFE000  }
0x2c3: {  	_ =	swait.ge [sflag:s31], $0x2000  }
0x2c4: {  	[sflag:s31] =	ssyncset.done $0x0  }
0x2c5: {  	s8 =	simm.s32 $0x27F0;
	[sflag:s31] =	ssyncadd.s32 $0xFFFFE000  }
0x2c6: {  	v0 =	vld [tilespmem:s8+$0x0]  }
0x2c7: {  	v1 =	vld [tilespmem:s8+$0xFFFFFFF0]  }
0x2c8: {  	v2 =	vld [tilespmem:s8+$0xFFFFFFE0]  }
0x2c9: {  	v3 =	vld [tilespmem:s8+$0xFFFFFFD0]  }
0x2ca: {  	s25 =	simm.s32 $0xA7F0;
	v4 =	vld [tilespmem:s8+$0xFFFFFFC0]  }
0x2cb: {  	v5 =	vld [tilespmem:s25+$0xFFFFFF90]  }
0x2cc: {  	v6 =	vld [tilespmem:s8+$0xFFFFFFB0]  }
0x2cd: {  	s26 =	simm.s32 $0x67F0;
	v7 =	vld [tilespmem:s8+$0xFFFFFF90]  }
0x2ce: {  	v8 =	vld [tilespmem:s26+$0xFFFFFF90]  }
0x2cf: {  	v9 =	vld [tilespmem:s8+$0xFFFFFFA0]  }
0x2d0: {  	v10 =	vld [tilespmem:s26+$0xFFFFFFA0]  }
0x2d1: {  	v11 =	vld [tilespmem:s26+$0xFFFFFFB0]  }
0x2d2: {  	v12 =	vld [tilespmem:s25+$0xFFFFFFA0]  }
0x2d3: {  	v13 =	vld [tilespmem:s26+$0xFFFFFFC0]  }
0x2d4: {  	v14 =	vld [tilespmem:s25+$0xFFFFFFB0]  }
0x2d5: {  	v15 =	vld [tilespmem:s26+$0xFFFFFFD0]  }
0x2d6: {  	v16 =	vld [tilespmem:s25+$0xFFFFFFC0]  }
0x2d7: {  	v17 =	vld [tilespmem:s26+$0xFFFFFFE0]  }
0x2d8: {  	v18 =	vld [tilespmem:s25+$0xFFFFFFD0]  }
0x2d9: {  	v19 =	vld [tilespmem:s26+$0xFFFFFFF0]  }
0x2da: {  	v20 =	vld [tilespmem:s25+$0xFFFFFFE0]  }
0x2db: {  	v21 =	vld [tilespmem:s26+$0x0]  }
0x2dc: {  	v22 =	vld [tilespmem:s25+$0xFFFFFFF0]  }
0x2dd: {  	v23 =	vld [tilespmem:s26+$0xFFFFFE10]  }
0x2de: {  	v24 =	vld [tilespmem:s25+$0x0]  }
0x2df: {  	v25 =	vld [tilespmem:s8+$0xFFFFFE20]  }
0x2e0: {  	v26 =	vld [tilespmem:s26+$0xFFFFFE20]  }
0x2e1: {  	v27 =	vld [tilespmem:s8+$0xFFFFFE90]  }
0x2e2: {  	v28 =	vld [tilespmem:s26+$0xFFFFFE90]  }
0x2e3: {  	v29 =	vld [tilespmem:s8+$0xFFFFFEA0]  }
0x2e4: {  	v30 =	vld [tilespmem:s26+$0xFFFFFEA0]  }
0x2e5: {  	v31 =	vld [tilespmem:s8+$0xFFFFFF10]  }
0x2e6: {  	v32 =	vld [tilespmem:s26+$0xFFFFFF10]  }
0x2e7: {  	v33 =	vld [tilespmem:s8+$0xFFFFFF20]  }
0x2e8: {  	v34 =	vld [tilespmem:s26+$0xFFFFFF20]  }
0x2e9: {  	v35 =	vld [tilespmem:s8+$0xFFFFFE10]  }
0x2ea: {  	v36 =	vld [tilespmem:s25+$0xFFFFFE10]  }
0x2eb: {  	v37 =	vld [tilespmem:s25+$0xFFFFFE20]  }
0x2ec: {  	v38 =	vld [tilespmem:s8+$0xFFFFFE30]  }
0x2ed: {  	v39 =	vld [tilespmem:s26+$0xFFFFFE30]  }
0x2ee: {  	v40 =	vld [tilespmem:s25+$0xFFFFFE90]  }
0x2ef: {  	v41 =	vld [tilespmem:s25+$0xFFFFFEA0]  }
0x2f0: {  	v42 =	vld [tilespmem:s8+$0xFFFFFEB0]  }
0x2f1: {  	v43 =	vld [tilespmem:s26+$0xFFFFFEB0]  }
0x2f2: {  	v44 =	vld [tilespmem:s25+$0xFFFFFF10]  }
0x2f3: {  	v45 =	vld [tilespmem:s25+$0xFFFFFF20]  }
0x2f4: {  	v46 =	vld [tilespmem:s8+$0xFFFFFF30]  }
0x2f5: {  	v54 =	vld [tilespmem:s25+$0xFFFFFF30]  }
0x2f6: {  	v55 =	vld [tilespmem:s25+$0xFFFFFEC0]  }
0x2f7: {  	v58 =	vld [tilespmem:s8+$0xFFFFFF50]  }
0x2f8: {  	v60 =	vld [tilespmem:s25+$0xFFFFFE50]  }
0x2f9: {  	v63 =	vld [tilespmem:s8+$0xFFFFFE60]  }
0x2fa: {  	v48 =	vld [tilespmem:s8+$0xFFFFFEE0]  }
0x2fb: {  	v49 =	vld [tilespmem:s26+$0xFFFFFEE0];
	v7 =	vadd.f32 v8, v7;
	v8 =	vadd.f32 v10, v9  }
0x2fc: {  	v50 =	vld [tilespmem:s25+$0xFFFFFF50];
	v6 =	vadd.f32 v11, v6;
	v4 =	vadd.f32 v13, v4  }
0x2fd: {  	v52 =	vld [tilespmem:s8+$0xFFFFFF60];
	v3 =	vadd.f32 v15, v3;
	v2 =	vadd.f32 v17, v2  }
0x2fe: {  	v53 =	vld [tilespmem:s26+$0xFFFFFF60];
	v1 =	vadd.f32 v19, v1;
	v0 =	vadd.f32 v21, v0  }
0x2ff: {  	v9 =	vld [tilespmem:s26+$0xFFFFFF30];
	v56 =	vadd.f32 v26, v25;
	v57 =	vadd.f32 v23, v35  }
0x300: {  	v10 =	vld [tilespmem:s25+$0xFFFFFE30];
	v5 =	vsub.f32 v7, v5;
	v7 =	vsub.f32 v8, v12  }
0x301: {  	v11 =	vld [tilespmem:s26+$0xFFFFFE40];
	v59 =	vadd.f32 v28, v27;
	v61 =	vadd.f32 v30, v29  }
0x302: {  	v13 =	vld [tilespmem:s8+$0xFFFFFEC0];
	v6 =	vsub.f32 v6, v14;
	v5 =	vmul.f32 v5, v5;
	v7 =	vmul.f32 v7, v7  }
0x303: {  	v15 =	vld [tilespmem:s26+$0xFFFFFF40];
	v62 =	vadd.f32 v32, v31;
	v39 =	vadd.f32 v39, v38  }
0x304: {  	v8 =	vld [tilespmem:s8+$0xFFFFFE40];
	v4 =	vsub.f32 v4, v16;
	v6 =	vmul.f32 v6, v6;
	v5 =	vadd.f32 v7, v5  }
0x305: {  	v51 =	vadd.f32 v43, v42;
	v12 =	vld [tilespmem:s25+$0xFFFFFEB0];
	v3 =	vsub.f32 v3, v18  }
0x306: {  	v2 =	vsub.f32 v2, v20;
	v16 =	vld [tilespmem:s8+$0xFFFFFE50];
	v4 =	vmul.f32 v4, v4;
	v5 =	vadd.f32 v6, v5  }
0x307: {  	v1 =	vsub.f32 v1, v22;
	v0 =	vsub.f32 v0, v24;
	v18 =	vld [tilespmem:s26+$0xFFFFFED0]  }
0x308: {  	v19 =	vsub.f32 v56, v37;
	v37 =	vld [tilespmem:s26+$0xFFFFFE60];
	v3 =	vmul.f32 v3, v3;
	v4 =	vadd.f32 v4, v5  }
0x309: {  	v22 =	vsub.f32 v59, v40;
	v47 =	vsub.f32 v61, v41;
	v7 =	vld [tilespmem:s26+$0xFFFFFEC0]  }
0x30a: {  	v25 =	vsub.f32 v62, v44;
	v2 =	vmul.f32 v2, v2;
	v6 =	vld [tilespmem:s8+$0xFFFFFF40];
	v3 =	vadd.f32 v3, v4  }
0x30b: {  	v61 =	vadd.f32 v53, v52;
	v10 =	vsub.f32 v39, v10;
	v4 =	vld [tilespmem:s26+$0xFFFFFE50]  }
0x30c: {  	v40 =	vld [tilespmem:s25+$0xFFFFFED0];
	v1 =	vmul.f32 v1, v1;
	v9 =	vadd.f32 v9, v46;
	v2 =	vadd.f32 v2, v3  }
0x30d: {  	v8 =	vadd.f32 v11, v8;
	v12 =	vsub.f32 v51, v12;
	v5 =	vld [tilespmem:s25+$0xFFFFFE40]  }
0x30e: {  	v0 =	vmul.f32 v0, v0;
	v9 =	vsub.f32 v9, v54;
	v3 =	vld [tilespmem:s8+$0xFFFFFED0];
	v1 =	vadd.f32 v1, v2  }
0x30f: {  	v7 =	vadd.f32 v7, v13;
	v6 =	vadd.f32 v15, v6;
	v2 =	vld [tilespmem:s25+$0xFFFFFF40]  }
0x310: {  	v56 =	vld [tilespmem:s25+$0xFFFFFF60];
	v19 =	vmul.f32 v19, v19;
	v4 =	vadd.f32 v4, v16;
	v23 =	vadd.f32 v0, v1  }
0x311: {  	v22 =	vmul.f32 v22, v22;
	v0 =	vld [tilespmem:s26+$0xFFFFFF50];
	v1 =	vsub.f32 v57, v36;
	v36 =	vadd.f32 v34, v33  }
0x312: {  	v59 =	vld [tilespmem:s8+$0xFFFFFE80];
	v25 =	vmul.f32 v25, v25;
	v7 =	vsub.f32 v7, v55;
	v5 =	vsub.f32 v8, v5  }
0x313: {  	v62 =	vld [tilespmem:s26+$0xFFFFFF00];
	v4 =	vsub.f32 v4, v60;
	v1 =	vmul.f32 v1, v1;
	v27 =	vsub.f32 v36, v45  }
0x314: {  	v10 =	vmul.f32 v10, v10;
	v55 =	vld [tilespmem:s8+$0xFFFFFEF0];
	v3 =	vadd.f32 v18, v3;
	v2 =	vsub.f32 v6, v2  }
0x315: {  	v6 =	vld [tilespmem:s26+$0xFFFFFEF0];
	v1 =	vadd.f32 v19, v1;
	v19 =	vmul.f32 v47, v47;
	v27 =	vmul.f32 v27, v27  }
0x316: {  	v11 =	vld [tilespmem:s25+$0xFFFFFE60];
	v12 =	vmul.f32 v12, v12;
	v3 =	vsub.f32 v3, v40;
	v0 =	vadd.f32 v0, v58  }
0x317: {  	v54 =	vld [tilespmem:s26+$0xFFFFFE70];
	v9 =	vmul.f32 v9, v9;
	v19 =	vadd.f32 v19, v22;
	v25 =	vadd.f32 v27, v25  }
0x318: {  	v8 =	vld [tilespmem:s25+$0xFFFFFEE0];
	v5 =	vmul.f32 v5, v5;
	v1 =	vadd.f32 v10, v1;
	v0 =	vsub.f32 v0, v50  }
0x319: {  	v2 =	vmul.f32 v2, v2;
	v10 =	vld [tilespmem:s8+$0xFFFFFE70];
	v12 =	vadd.f32 v12, v19;
	v9 =	vadd.f32 v9, v25  }
0x31a: {  	v57 =	vld [tilespmem:s26+$0xFFFFFF70];
	v4 =	vmul.f32 v4, v4;
	v1 =	vadd.f32 v5, v1;
	v6 =	vadd.f32 v6, v55  }
0x31b: {  	v7 =	vmul.f32 v7, v7;
	v58 =	vld [tilespmem:s25+$0xFFFFFE70];
	v2 =	vadd.f32 v2, v9;
	v9 =	vadd.f32 v37, v63  }
0x31c: {  	v60 =	vld [tilespmem:s26+$0xFFFFFE80];
	v1 =	vadd.f32 v4, v1;
	v4 =	vadd.f32 v49, v48  }
0x31d: {  	v3 =	vmul.f32 v3, v3;
	v7 =	vadd.f32 v7, v12;
	v9 =	vsub.f32 v9, v11;
	v11 =	vld [tilespmem:s25+$0xFFFFFEF0]  }
0x31e: {  	v5 =	vld [tilespmem:s8+$0xFFFFFF70];
	v0 =	vmul.f32 v0, v0;
	v10 =	vadd.f32 v54, v10;
	v4 =	vsub.f32 v4, v8  }
0x31f: {  	v63 =	vld [tilespmem:s25+$0xFFFFFF70];
	v7 =	vadd.f32 v3, v7;
	v3 =	vmul.f32 v9, v9;
	v9 =	vsub.f32 v61, v56  }
0x320: {  	v8 =	vld [tilespmem:s8+$0xFFFFFF00];
	v2 =	vadd.f32 v0, v2;
	v0 =	vmul.f32 v4, v4;
	v4 =	vsub.f32 v10, v58  }
0x321: {  	v10 =	vadd.f32 v3, v1;
	v1 =	vmul.f32 v9, v9;
	v3 =	vld [tilespmem:s8+$0xFFFFFF80]  }
0x322: {  	s10 =	simm.s32 $0x0;
	v0 =	vadd.f32 v0, v7;
	v7 =	vmul.f32 v4, v4;
	v4 =	vld [tilespmem:s26+$0xFFFFFF80];
	v9 =	vsub.f32 v6, v11  }
0x323: {  	s28 =	simm.s32 $0xC30;
	s2 =	simm.s32 $0x0;
	s5 =	sand.u32 $0x3C0, s10;
	v12 =	vadd.f32 v57, v5;
	v5 =	vadd.f32 v60, v59;
	v6 =	vld [tilespmem:s25+$0xFFFFFE80]  }
0x324: {  	s11 =	simm.s32 $0xC20;
	s6 =	simm.s32 $0xC10;
	s7 =	sand.u32 $0xFF0, s28;
	v1 =	vadd.f32 v1, v2;
	v2 =	vadd.f32 v7, v10;
	v7 =	vld [tilespmem:s25+$0xFFFFFF00];
	v10 =	vmul.f32 v9, v9  }
0x325: {  	s11 =	sand.u32 $0xFE0, s11;
	s1 =	simm.s32 $0x29F0;
	s10 =	sand.u32 $0xFD0, s6;
	[tilespmem:s7+$0xC600] =	vst v23;
	v11 =	vsub.f32 v12, v63;
	v9 =	vadd.f32 v62, v8;
	v8 =	vld [tilespmem:s25+$0xFFFFFF80]  }
.LBB2_8:
0x326: {  	v12 =	vld [tilespmem:s1+$0x0];
	v0 =	vadd.f32 v10, v0  }
0x327: {  	v10 =	vld [tilespmem:s1+$0xFFFFFFF0];
	v11 =	vmul.f32 v11, v11;
	v3 =	vadd.f32 v4, v3  }
0x328: {  	v4 =	vld [tilespmem:s1+$0xFFFFFFE0];
	v5 =	vsub.f32 v5, v6  }
0x329: {  	v6 =	vld [tilespmem:s1+$0xFFFFFFD0];
	v7 =	vsub.f32 v9, v7;
	v1 =	vadd.f32 v11, v1  }
0x32a: {  	s25 =	sadd.s32 $0x200, s25;
	v9 =	vld [tilespmem:s1+$0xFFFFFFC0];
	v5 =	vmul.f32 v5, v5;
	v3 =	vsub.f32 v3, v8  }
0x32b: {  	v8 =	vld [tilespmem:s25+$0xFFFFFF90];
	v7 =	vmul.f32 v7, v7  }
0x32c: {  	v11 =	vld [tilespmem:s1+$0xFFFFFFB0];
	v2 =	vadd.f32 v5, v2;
	v3 =	vmul.f32 v3, v3  }
0x32d: {  	s26 =	sadd.s32 $0x200, s26;
	v5 =	vld [tilespmem:s1+$0xFFFFFF90];
	v0 =	vadd.f32 v7, v0  }
0x32e: {  	v7 =	vld [tilespmem:s26+$0xFFFFFF90];
	[tilespmem:s5+$0xD200] =	vst v2;
	v1 =	vadd.f32 v3, v1  }
0x32f: {  	v2 =	vld [tilespmem:s1+$0xFFFFFFA0];
	[tilespmem:s10+$0xC600] =	vst v0  }
0x330: {  	s2 =	sadd.s32 $0x4, s2;
	v0 =	vld [tilespmem:s26+$0xFFFFFFA0];
	[tilespmem:s11+$0xC600] =	vst v1  }
0x331: {  	p1 =	slt.u32 s2, $0x3C;
	v1 =	vld [tilespmem:s26+$0xFFFFFFB0]  }
0x332: {  	v3 =	vld [tilespmem:s25+$0xFFFFFFA0]  }
0x333: {  	v13 =	vld [tilespmem:s26+$0xFFFFFFC0]  }
0x334: {  	v14 =	vld [tilespmem:s25+$0xFFFFFFB0]  }
0x335: {  	v5 =	vadd.f32 v7, v5;
	v0 =	vadd.f32 v0, v2;
	v2 =	vld [tilespmem:s26+$0xFFFFFFD0]  }
0x336: {  	v1 =	vadd.f32 v1, v11;
	v7 =	vld [tilespmem:s25+$0xFFFFFFC0]  }
0x337: {  	v5 =	vsub.f32 v5, v8;
	v0 =	vsub.f32 v0, v3;
	v3 =	vld [tilespmem:s26+$0xFFFFFFE0]  }
0x338: {  	v8 =	vadd.f32 v13, v9;
	v9 =	vld [tilespmem:s25+$0xFFFFFFD0]  }
0x339: {  	v5 =	vmul.f32 v5, v5;
	v0 =	vmul.f32 v0, v0;
	v1 =	vsub.f32 v1, v14;
	v11 =	vld [tilespmem:s26+$0xFFFFFFF0]  }
0x33a: {  	v2 =	vadd.f32 v2, v6;
	v6 =	vld [tilespmem:s25+$0xFFFFFFE0]  }
0x33b: {  	v0 =	vadd.f32 v0, v5;
	v1 =	vmul.f32 v1, v1;
	v5 =	vsub.f32 v8, v7;
	v7 =	vld [tilespmem:s26+$0x0]  }
0x33c: {  	v3 =	vadd.f32 v3, v4;
	v4 =	vld [tilespmem:s25+$0xFFFFFFF0]  }
0x33d: {  	v8 =	vld [tilespmem:s26+$0xFFFFFE10];
	v0 =	vadd.f32 v1, v0;
	v1 =	vmul.f32 v5, v5;
	v2 =	vsub.f32 v2, v9  }
0x33e: {  	v5 =	vadd.f32 v11, v10;
	v9 =	vld [tilespmem:s25+$0x0]  }
0x33f: {  	v10 =	vld [tilespmem:s1+$0xFFFFFE20];
	v0 =	vadd.f32 v1, v0;
	v1 =	vmul.f32 v2, v2;
	v2 =	vsub.f32 v3, v6  }
0x340: {  	v3 =	vld [tilespmem:s26+$0xFFFFFE20];
	v6 =	vadd.f32 v7, v12  }
0x341: {  	v7 =	vld [tilespmem:s1+$0xFFFFFE90];
	v0 =	vadd.f32 v1, v0;
	v1 =	vmul.f32 v2, v2;
	v2 =	vsub.f32 v5, v4  }
0x342: {  	v4 =	vld [tilespmem:s26+$0xFFFFFE90]  }
0x343: {  	v5 =	vld [tilespmem:s1+$0xFFFFFEA0];
	v0 =	vadd.f32 v1, v0;
	v1 =	vmul.f32 v2, v2;
	v2 =	vsub.f32 v6, v9  }
0x344: {  	v6 =	vld [tilespmem:s26+$0xFFFFFEA0]  }
0x345: {  	v3 =	vadd.f32 v3, v10;
	v9 =	vld [tilespmem:s1+$0xFFFFFF10];
	v0 =	vadd.f32 v1, v0;
	v1 =	vmul.f32 v2, v2  }
0x346: {  	v2 =	vld [tilespmem:s26+$0xFFFFFF10]  }
0x347: {  	s28 =	sadd.s32 $0x40, s28;
	v4 =	vadd.f32 v4, v7;
	v7 =	vld [tilespmem:s1+$0xFFFFFF20];
	v0 =	vadd.f32 v1, v0  }
0x348: {  	s6 =	sadd.s32 $0xFFFFFFE0, s28;
	s7 =	sand.u32 $0xFF0, s28;
	s5 =	sadd.s32 $0xFFFFF3D0, s28;
	v1 =	vld [tilespmem:s26+$0xFFFFFF20]  }
0x349: {  	s5 =	sand.u32 $0x3C0, s5;
	s10 =	sand.u32 $0xFD0, s6;
	s6 =	sadd.s32 $0xFFFFFFF0, s28;
	v10 =	vld [tilespmem:s1+$0xFFFFFE10];
	v5 =	vadd.f32 v6, v5;
	[tilespmem:s7+$0xC600] =	vst v0  }
0x34a: {  	s11 =	sand.u32 $0xFE0, s6;
	v0 =	vld [tilespmem:s25+$0xFFFFFE10]  }
0x34b: {  	v6 =	vld [tilespmem:s25+$0xFFFFFE20];
	v2 =	vadd.f32 v2, v9  }
0x34c: {  	v9 =	vld [tilespmem:s1+$0xFFFFFE30]  }
0x34d: {  	v11 =	vld [tilespmem:s26+$0xFFFFFE30];
	v1 =	vadd.f32 v1, v7  }
0x34e: {  	v7 =	vadd.f32 v8, v10;
	v8 =	vld [tilespmem:s25+$0xFFFFFE90]  }
0x34f: {  	v10 =	vld [tilespmem:s25+$0xFFFFFEA0]  }
0x350: {  	v0 =	vsub.f32 v7, v0;
	v3 =	vsub.f32 v3, v6;
	v6 =	vld [tilespmem:s1+$0xFFFFFEB0]  }
0x351: {  	v7 =	vld [tilespmem:s26+$0xFFFFFEB0]  }
0x352: {  	v0 =	vmul.f32 v0, v0;
	v3 =	vmul.f32 v3, v3;
	v9 =	vadd.f32 v11, v9;
	v11 =	vld [tilespmem:s25+$0xFFFFFF10]  }
0x353: {  	v4 =	vsub.f32 v4, v8;
	v8 =	vld [tilespmem:s25+$0xFFFFFF20]  }
0x354: {  	v0 =	vadd.f32 v3, v0;
	v3 =	vsub.f32 v5, v10;
	v5 =	vld [tilespmem:s1+$0xFFFFFF30]  }
0x355: {  	v4 =	vmul.f32 v4, v4;
	v10 =	vld [tilespmem:s26+$0xFFFFFF30]  }
0x356: {  	v12 =	vld [tilespmem:s25+$0xFFFFFE30];
	v3 =	vmul.f32 v3, v3;
	v6 =	vadd.f32 v7, v6  }
0x357: {  	v7 =	vld [tilespmem:s1+$0xFFFFFE40];
	v2 =	vsub.f32 v2, v11  }
0x358: {  	v11 =	vld [tilespmem:s26+$0xFFFFFE40];
	v3 =	vadd.f32 v3, v4;
	v1 =	vsub.f32 v1, v8  }
0x359: {  	v4 =	vld [tilespmem:s25+$0xFFFFFEB0];
	v2 =	vmul.f32 v2, v2  }
0x35a: {  	v8 =	vld [tilespmem:s1+$0xFFFFFEC0];
	v1 =	vmul.f32 v1, v1;
	v5 =	vadd.f32 v10, v5  }
0x35b: {  	v9 =	vsub.f32 v9, v12;
	v10 =	vld [tilespmem:s26+$0xFFFFFEC0]  }
0x35c: {  	v1 =	vadd.f32 v1, v2;
	v2 =	vld [tilespmem:s25+$0xFFFFFF30]  }
0x35d: {  	v9 =	vmul.f32 v9, v9;
	v7 =	vadd.f32 v11, v7;
	v11 =	vld [tilespmem:s1+$0xFFFFFF40]  }
0x35e: {  	v4 =	vsub.f32 v6, v4;
	v6 =	vld [tilespmem:s26+$0xFFFFFF40]  }
0x35f: {  	v0 =	vadd.f32 v9, v0;
	v9 =	vld [tilespmem:s25+$0xFFFFFE40]  }
0x360: {  	v12 =	vld [tilespmem:s1+$0xFFFFFE50];
	v4 =	vmul.f32 v4, v4;
	v8 =	vadd.f32 v10, v8  }
0x361: {  	v10 =	vld [tilespmem:s26+$0xFFFFFE50];
	v2 =	vsub.f32 v5, v2  }
0x362: {  	v3 =	vadd.f32 v4, v3;
	v4 =	vld [tilespmem:s25+$0xFFFFFEC0]  }
0x363: {  	v5 =	vld [tilespmem:s1+$0xFFFFFED0];
	v2 =	vmul.f32 v2, v2;
	v6 =	vadd.f32 v6, v11  }
0x364: {  	v7 =	vsub.f32 v7, v9;
	v9 =	vld [tilespmem:s26+$0xFFFFFED0]  }
0x365: {  	v1 =	vadd.f32 v2, v1;
	v2 =	vld [tilespmem:s25+$0xFFFFFF40]  }
0x366: {  	v7 =	vmul.f32 v7, v7;
	v10 =	vadd.f32 v10, v12;
	v11 =	vld [tilespmem:s1+$0xFFFFFF50]  }
0x367: {  	v4 =	vsub.f32 v8, v4;
	v8 =	vld [tilespmem:s26+$0xFFFFFF50]  }
0x368: {  	v0 =	vadd.f32 v7, v0;
	v7 =	vld [tilespmem:s25+$0xFFFFFE50]  }
0x369: {  	v12 =	vld [tilespmem:s1+$0xFFFFFE60];
	v4 =	vmul.f32 v4, v4;
	v5 =	vadd.f32 v9, v5  }
0x36a: {  	v9 =	vld [tilespmem:s26+$0xFFFFFE60];
	v2 =	vsub.f32 v6, v2  }
0x36b: {  	v3 =	vadd.f32 v4, v3;
	v4 =	vld [tilespmem:s25+$0xFFFFFED0]  }
0x36c: {  	v6 =	vld [tilespmem:s1+$0xFFFFFEE0];
	v2 =	vmul.f32 v2, v2;
	v8 =	vadd.f32 v8, v11  }
0x36d: {  	v7 =	vsub.f32 v10, v7;
	v10 =	vld [tilespmem:s26+$0xFFFFFEE0]  }
0x36e: {  	v1 =	vadd.f32 v2, v1;
	v2 =	vld [tilespmem:s25+$0xFFFFFF50]  }
0x36f: {  	v7 =	vmul.f32 v7, v7;
	v9 =	vadd.f32 v9, v12;
	v11 =	vld [tilespmem:s1+$0xFFFFFF60]  }
0x370: {  	v4 =	vsub.f32 v5, v4;
	v5 =	vld [tilespmem:s26+$0xFFFFFF60]  }
0x371: {  	v0 =	vadd.f32 v7, v0;
	v7 =	vld [tilespmem:s25+$0xFFFFFE60]  }
0x372: {  	v12 =	vld [tilespmem:s1+$0xFFFFFE70];
	v4 =	vmul.f32 v4, v4;
	v6 =	vadd.f32 v10, v6  }
0x373: {  	v10 =	vld [tilespmem:s26+$0xFFFFFE70];
	v2 =	vsub.f32 v8, v2  }
0x374: {  	v3 =	vadd.f32 v4, v3;
	v4 =	vld [tilespmem:s25+$0xFFFFFEE0]  }
0x375: {  	v8 =	vld [tilespmem:s1+$0xFFFFFEF0];
	v2 =	vmul.f32 v2, v2;
	v5 =	vadd.f32 v5, v11  }
0x376: {  	v7 =	vsub.f32 v9, v7;
	v9 =	vld [tilespmem:s26+$0xFFFFFEF0]  }
0x377: {  	v1 =	vadd.f32 v2, v1;
	v2 =	vld [tilespmem:s25+$0xFFFFFF60]  }
0x378: {  	v7 =	vmul.f32 v7, v7;
	v10 =	vadd.f32 v10, v12;
	v11 =	vld [tilespmem:s1+$0xFFFFFF70]  }
0x379: {  	v4 =	vsub.f32 v6, v4;
	v6 =	vld [tilespmem:s26+$0xFFFFFF70]  }
0x37a: {  	v7 =	vadd.f32 v7, v0;
	v12 =	vld [tilespmem:s25+$0xFFFFFE70]  }
0x37b: {  	v13 =	vld [tilespmem:s1+$0xFFFFFE80];
	v0 =	vmul.f32 v4, v4;
	v4 =	vadd.f32 v9, v8  }
0x37c: {  	v8 =	vld [tilespmem:s26+$0xFFFFFE80];
	v2 =	vsub.f32 v5, v2  }
0x37d: {  	v0 =	vadd.f32 v0, v3;
	v9 =	vld [tilespmem:s25+$0xFFFFFEF0]  }
0x37e: {  	v14 =	vld [tilespmem:s1+$0xFFFFFF00];
	v2 =	vmul.f32 v2, v2;
	v11 =	vadd.f32 v6, v11  }
0x37f: {  	v3 =	vsub.f32 v10, v12;
	v12 =	vld [tilespmem:s26+$0xFFFFFF00]  }
0x380: {  	v1 =	vadd.f32 v2, v1;
	v15 =	vld [tilespmem:s25+$0xFFFFFF70]  }
.Ltmp3:
0x381: {  	v2 =	vmul.f32 v3, v3;
	v5 =	vadd.f32 v8, v13;
	v3 =	vld [tilespmem:s1+$0xFFFFFF80];
	(pc) =	sbr.rel @p1 .LBB2_8-.Ltmp3, $4  }
0x382: {  	v8 =	vsub.f32 v4, v9;
	v4 =	vld [tilespmem:s26+$0xFFFFFF80]  }
0x383: {  	v2 =	vadd.f32 v2, v7;
	v6 =	vld [tilespmem:s25+$0xFFFFFE80]  }
0x384: {  	v10 =	vmul.f32 v8, v8;
	v9 =	vadd.f32 v12, v14;
	v7 =	vld [tilespmem:s25+$0xFFFFFF00]  }
0x385: {  	s1 =	sadd.s32 $0x200, s1;
	v11 =	vsub.f32 v11, v15;
	v8 =	vld [tilespmem:s25+$0xFFFFFF80]  }
0x386: {  	_ =	sdelay $0x1  }
0x387: {  	v3 =	vadd.f32 v4, v3;
	v4 =	vsub.f32 v5, v6  }
0x388: {  	v5 =	vsub.f32 v9, v7  }
0x389: {  	v6 =	vmul.f32 v11, v11;
	v4 =	vmul.f32 v4, v4;
	v3 =	vsub.f32 v3, v8  }
0x38a: {  	v0 =	vadd.f32 v10, v0;
	v5 =	vmul.f32 v5, v5  }
0x38b: {  	v1 =	vadd.f32 v6, v1;
	v2 =	vadd.f32 v4, v2;
	v3 =	vmul.f32 v3, v3  }
0x38c: {  	v0 =	vadd.f32 v5, v0  }
0x38d: {  	[tilespmem:s5+$0xD200] =	vst v2;
	v1 =	vadd.f32 v3, v1  }
0x38e: {  	[tilespmem:s10+$0xC600] =	vst v0  }
0x38f: {  	s1 =	simm.s32 $0x140;
	[tilespmem:s11+$0xC600] =	vst v1  }
0x390: {  	[tilespmem:s20], [sflag:$0x4] =	stream.indirect.gather [hbm4b:s0+s16], $0x80, s1, s16, $0xb8;
	[tilespmem:$0x10540] =	vst v63  }
0x391: {  	s6 =	simm.s32 $0x540  }
0x392: {  	[tilespmem:s22], [sflag:$0x6] =	stream.indirect.gather [hbm4b:s0+s16], $0x80, s6, s16, $0xb8;
	[tilespmem:$0x10540] =	vst v63  }
0x393: {  	s7 =	simm.s32 $0x340  }
0x394: {  	[tilespmem:s24], [sflag:$0x5] =	stream.indirect.gather [spmem:s3], $0x80, s7, s16, $0xb8;
	[tilespmem:$0x10540] =	vst v63  }
0x395: {  	_ =	swait.ge [sflag:s13], $0x2000  }
0x396: {  	[sflag:s13] =	ssyncset.done $0x0  }
0x397: {  	[sflag:s13] =	ssyncadd.s32 $0xFFFFE000  }
0x398: {  	_ =	swait.ge [sflag:s15], $0x2000  }
0x399: {  	[sflag:s15] =	ssyncset.done $0x0  }
0x39a: {  	[sflag:s15] =	ssyncadd.s32 $0xFFFFE000  }
0x39b: {  	_ =	swait.ge [sflag:s14], $0x2000  }
0x39c: {  	[sflag:s14] =	ssyncset.done $0x0  }
0x39d: {  	s8 =	simm.s32 $0x700;
	[sflag:s14] =	ssyncadd.s32 $0xFFFFE000  }
0x39e: {  	v0 =	vld [tilespmem:s8+$0xF0]  }
0x39f: {  	v1 =	vld [tilespmem:s8+$0xE0]  }
0x3a0: {  	v2 =	vld [tilespmem:s8+$0xD0]  }
0x3a1: {  	v3 =	vld [tilespmem:s8+$0xC0]  }
0x3a2: {  	s25 =	simm.s32 $0x8700;
	v4 =	vld [tilespmem:s8+$0xB0]  }
0x3a3: {  	v5 =	vld [tilespmem:s25+$0x80]  }
0x3a4: {  	v6 =	vld [tilespmem:s8+$0xA0]  }
0x3a5: {  	s26 =	simm.s32 $0x4700;
	v7 =	vld [tilespmem:s8+$0x80]  }
0x3a6: {  	v8 =	vld [tilespmem:s26+$0x80]  }
0x3a7: {  	v9 =	vld [tilespmem:s8+$0x90]  }
0x3a8: {  	v10 =	vld [tilespmem:s26+$0x90]  }
0x3a9: {  	v11 =	vld [tilespmem:s26+$0xA0]  }
0x3aa: {  	v12 =	vld [tilespmem:s25+$0x90]  }
0x3ab: {  	v13 =	vld [tilespmem:s26+$0xB0]  }
0x3ac: {  	v14 =	vld [tilespmem:s25+$0xA0]  }
0x3ad: {  	v15 =	vld [tilespmem:s26+$0xC0]  }
0x3ae: {  	v16 =	vld [tilespmem:s25+$0xB0]  }
0x3af: {  	v17 =	vld [tilespmem:s26+$0xD0]  }
0x3b0: {  	v18 =	vld [tilespmem:s25+$0xC0]  }
0x3b1: {  	v19 =	vld [tilespmem:s26+$0xE0]  }
0x3b2: {  	v20 =	vld [tilespmem:s25+$0xD0]  }
0x3b3: {  	v21 =	vld [tilespmem:s26+$0xF0]  }
0x3b4: {  	v22 =	vld [tilespmem:s25+$0xE0]  }
0x3b5: {  	v23 =	vld [tilespmem:s26+$0xFFFFFF00]  }
0x3b6: {  	v24 =	vld [tilespmem:s25+$0xF0]  }
0x3b7: {  	v25 =	vld [tilespmem:s8+$0xFFFFFF10]  }
0x3b8: {  	v26 =	vld [tilespmem:s26+$0xFFFFFF10]  }
0x3b9: {  	v27 =	vld [tilespmem:s8+$0xFFFFFF80]  }
0x3ba: {  	v28 =	vld [tilespmem:s26+$0xFFFFFF80]  }
0x3bb: {  	v29 =	vld [tilespmem:s8+$0xFFFFFF90]  }
0x3bc: {  	v30 =	vld [tilespmem:s26+$0xFFFFFF90]  }
0x3bd: {  	v31 =	vld [tilespmem:s8+$0x0]  }
0x3be: {  	v32 =	vld [tilespmem:s26+$0x0]  }
0x3bf: {  	v33 =	vld [tilespmem:s8+$0x10]  }
0x3c0: {  	v34 =	vld [tilespmem:s26+$0x10]  }
0x3c1: {  	v35 =	vld [tilespmem:s8+$0xFFFFFF00]  }
0x3c2: {  	v36 =	vld [tilespmem:s25+$0xFFFFFF00]  }
0x3c3: {  	v37 =	vld [tilespmem:s25+$0xFFFFFF10]  }
0x3c4: {  	v38 =	vld [tilespmem:s8+$0xFFFFFF20]  }
0x3c5: {  	v39 =	vld [tilespmem:s26+$0xFFFFFF20]  }
0x3c6: {  	v40 =	vld [tilespmem:s25+$0xFFFFFF80]  }
0x3c7: {  	v41 =	vld [tilespmem:s25+$0xFFFFFF90]  }
0x3c8: {  	v42 =	vld [tilespmem:s8+$0xFFFFFFA0]  }
0x3c9: {  	v43 =	vld [tilespmem:s26+$0xFFFFFFA0]  }
0x3ca: {  	v44 =	vld [tilespmem:s25+$0x0]  }
0x3cb: {  	v45 =	vld [tilespmem:s25+$0x10]  }
0x3cc: {  	v46 =	vld [tilespmem:s8+$0x20]  }
0x3cd: {  	v54 =	vld [tilespmem:s25+$0x20]  }
0x3ce: {  	v55 =	vld [tilespmem:s25+$0xFFFFFFB0]  }
0x3cf: {  	v58 =	vld [tilespmem:s8+$0x40]  }
0x3d0: {  	v60 =	vld [tilespmem:s25+$0xFFFFFF40]  }
0x3d1: {  	v63 =	vld [tilespmem:s8+$0xFFFFFF50]  }
0x3d2: {  	v48 =	vld [tilespmem:s8+$0xFFFFFFD0]  }
0x3d3: {  	v49 =	vld [tilespmem:s26+$0xFFFFFFD0];
	v7 =	vadd.f32 v8, v7;
	v8 =	vadd.f32 v10, v9  }
0x3d4: {  	v50 =	vld [tilespmem:s25+$0x40];
	v6 =	vadd.f32 v11, v6;
	v4 =	vadd.f32 v13, v4  }
0x3d5: {  	v52 =	vld [tilespmem:s8+$0x50];
	v3 =	vadd.f32 v15, v3;
	v2 =	vadd.f32 v17, v2  }
0x3d6: {  	v53 =	vld [tilespmem:s26+$0x50];
	v1 =	vadd.f32 v19, v1;
	v0 =	vadd.f32 v21, v0  }
0x3d7: {  	v9 =	vld [tilespmem:s26+$0x20];
	v56 =	vadd.f32 v26, v25;
	v57 =	vadd.f32 v23, v35  }
0x3d8: {  	v10 =	vld [tilespmem:s25+$0xFFFFFF20];
	v5 =	vsub.f32 v7, v5;
	v7 =	vsub.f32 v8, v12  }
0x3d9: {  	v11 =	vld [tilespmem:s26+$0xFFFFFF30];
	v59 =	vadd.f32 v28, v27;
	v61 =	vadd.f32 v30, v29  }
0x3da: {  	v13 =	vld [tilespmem:s8+$0xFFFFFFB0];
	v6 =	vsub.f32 v6, v14;
	v5 =	vmul.f32 v5, v5;
	v7 =	vmul.f32 v7, v7  }
0x3db: {  	v15 =	vld [tilespmem:s26+$0x30];
	v62 =	vadd.f32 v32, v31;
	v39 =	vadd.f32 v39, v38  }
0x3dc: {  	v8 =	vld [tilespmem:s8+$0xFFFFFF30];
	v4 =	vsub.f32 v4, v16;
	v6 =	vmul.f32 v6, v6;
	v5 =	vadd.f32 v7, v5  }
0x3dd: {  	v51 =	vadd.f32 v43, v42;
	v12 =	vld [tilespmem:s25+$0xFFFFFFA0];
	v3 =	vsub.f32 v3, v18  }
0x3de: {  	v2 =	vsub.f32 v2, v20;
	v16 =	vld [tilespmem:s8+$0xFFFFFF40];
	v4 =	vmul.f32 v4, v4;
	v5 =	vadd.f32 v6, v5  }
0x3df: {  	v1 =	vsub.f32 v1, v22;
	v0 =	vsub.f32 v0, v24;
	v18 =	vld [tilespmem:s26+$0xFFFFFFC0]  }
0x3e0: {  	v19 =	vsub.f32 v56, v37;
	v37 =	vld [tilespmem:s26+$0xFFFFFF50];
	v3 =	vmul.f32 v3, v3;
	v4 =	vadd.f32 v4, v5  }
0x3e1: {  	v22 =	vsub.f32 v59, v40;
	v47 =	vsub.f32 v61, v41;
	v7 =	vld [tilespmem:s26+$0xFFFFFFB0]  }
0x3e2: {  	v25 =	vsub.f32 v62, v44;
	v2 =	vmul.f32 v2, v2;
	v6 =	vld [tilespmem:s8+$0x30];
	v3 =	vadd.f32 v3, v4  }
0x3e3: {  	v61 =	vadd.f32 v53, v52;
	v10 =	vsub.f32 v39, v10;
	v4 =	vld [tilespmem:s26+$0xFFFFFF40]  }
0x3e4: {  	v40 =	vld [tilespmem:s25+$0xFFFFFFC0];
	v1 =	vmul.f32 v1, v1;
	v9 =	vadd.f32 v9, v46;
	v2 =	vadd.f32 v2, v3  }
0x3e5: {  	v8 =	vadd.f32 v11, v8;
	v12 =	vsub.f32 v51, v12;
	v5 =	vld [tilespmem:s25+$0xFFFFFF30]  }
0x3e6: {  	v0 =	vmul.f32 v0, v0;
	v9 =	vsub.f32 v9, v54;
	v3 =	vld [tilespmem:s8+$0xFFFFFFC0];
	v1 =	vadd.f32 v1, v2  }
0x3e7: {  	v7 =	vadd.f32 v7, v13;
	v6 =	vadd.f32 v15, v6;
	v2 =	vld [tilespmem:s25+$0x30]  }
0x3e8: {  	v56 =	vld [tilespmem:s25+$0x50];
	v19 =	vmul.f32 v19, v19;
	v4 =	vadd.f32 v4, v16;
	v23 =	vadd.f32 v0, v1  }
0x3e9: {  	v22 =	vmul.f32 v22, v22;
	v0 =	vld [tilespmem:s26+$0x40];
	v1 =	vsub.f32 v57, v36;
	v36 =	vadd.f32 v34, v33  }
0x3ea: {  	v59 =	vld [tilespmem:s8+$0xFFFFFF70];
	v25 =	vmul.f32 v25, v25;
	v7 =	vsub.f32 v7, v55;
	v5 =	vsub.f32 v8, v5  }
0x3eb: {  	v62 =	vld [tilespmem:s26+$0xFFFFFFF0];
	v4 =	vsub.f32 v4, v60;
	v1 =	vmul.f32 v1, v1;
	v27 =	vsub.f32 v36, v45  }
0x3ec: {  	v10 =	vmul.f32 v10, v10;
	v55 =	vld [tilespmem:s8+$0xFFFFFFE0];
	v3 =	vadd.f32 v18, v3;
	v2 =	vsub.f32 v6, v2  }
0x3ed: {  	v6 =	vld [tilespmem:s26+$0xFFFFFFE0];
	v1 =	vadd.f32 v19, v1;
	v19 =	vmul.f32 v47, v47;
	v27 =	vmul.f32 v27, v27  }
0x3ee: {  	v11 =	vld [tilespmem:s25+$0xFFFFFF50];
	v12 =	vmul.f32 v12, v12;
	v3 =	vsub.f32 v3, v40;
	v0 =	vadd.f32 v0, v58  }
0x3ef: {  	v54 =	vld [tilespmem:s26+$0xFFFFFF60];
	v9 =	vmul.f32 v9, v9;
	v19 =	vadd.f32 v19, v22;
	v25 =	vadd.f32 v27, v25  }
0x3f0: {  	v8 =	vld [tilespmem:s25+$0xFFFFFFD0];
	v5 =	vmul.f32 v5, v5;
	v1 =	vadd.f32 v10, v1;
	v0 =	vsub.f32 v0, v50  }
0x3f1: {  	v2 =	vmul.f32 v2, v2;
	v10 =	vld [tilespmem:s8+$0xFFFFFF60];
	v12 =	vadd.f32 v12, v19;
	v9 =	vadd.f32 v9, v25  }
0x3f2: {  	v57 =	vld [tilespmem:s26+$0x60];
	v4 =	vmul.f32 v4, v4;
	v1 =	vadd.f32 v5, v1;
	v6 =	vadd.f32 v6, v55  }
0x3f3: {  	v7 =	vmul.f32 v7, v7;
	v58 =	vld [tilespmem:s25+$0xFFFFFF60];
	v2 =	vadd.f32 v2, v9;
	v9 =	vadd.f32 v37, v63  }
0x3f4: {  	v60 =	vld [tilespmem:s26+$0xFFFFFF70];
	v1 =	vadd.f32 v4, v1;
	v4 =	vadd.f32 v49, v48  }
0x3f5: {  	v3 =	vmul.f32 v3, v3;
	v7 =	vadd.f32 v7, v12;
	v9 =	vsub.f32 v9, v11;
	v11 =	vld [tilespmem:s25+$0xFFFFFFE0]  }
0x3f6: {  	v5 =	vld [tilespmem:s8+$0x60];
	v0 =	vmul.f32 v0, v0;
	v10 =	vadd.f32 v54, v10;
	v4 =	vsub.f32 v4, v8  }
0x3f7: {  	v63 =	vld [tilespmem:s25+$0x60];
	v7 =	vadd.f32 v3, v7;
	v3 =	vmul.f32 v9, v9;
	v9 =	vsub.f32 v61, v56  }
0x3f8: {  	v8 =	vld [tilespmem:s8+$0xFFFFFFF0];
	v2 =	vadd.f32 v0, v2;
	v0 =	vmul.f32 v4, v4;
	v4 =	vsub.f32 v10, v58  }
0x3f9: {  	v10 =	vadd.f32 v3, v1;
	v1 =	vmul.f32 v9, v9;
	v3 =	vld [tilespmem:s8+$0x70]  }
0x3fa: {  	s10 =	simm.s32 $0x0;
	v0 =	vadd.f32 v0, v7;
	v7 =	vmul.f32 v4, v4;
	v4 =	vld [tilespmem:s26+$0x70];
	v9 =	vsub.f32 v6, v11  }
0x3fb: {  	s28 =	simm.s32 $0x1030;
	s2 =	simm.s32 $0x0;
	s5 =	sand.u32 $0x3C0, s10;
	v12 =	vadd.f32 v57, v5;
	v5 =	vadd.f32 v60, v59;
	v6 =	vld [tilespmem:s25+$0xFFFFFF70]  }
0x3fc: {  	s11 =	simm.s32 $0x1020;
	s6 =	simm.s32 $0x1010;
	s7 =	sand.u32 $0x13F0, s28;
	v1 =	vadd.f32 v1, v2;
	v2 =	vadd.f32 v7, v10;
	v7 =	vld [tilespmem:s25+$0xFFFFFFF0];
	v10 =	vmul.f32 v9, v9  }
0x3fd: {  	s11 =	sand.u32 $0x13E0, s11;
	s1 =	simm.s32 $0x900;
	s10 =	sand.u32 $0x13D0, s6;
	[tilespmem:s7+$0xC600] =	vst v23;
	v11 =	vsub.f32 v12, v63;
	v9 =	vadd.f32 v62, v8;
	v8 =	vld [tilespmem:s25+$0x70]  }
.LBB2_10:
0x3fe: {  	v12 =	vld [tilespmem:s1+$0xF0];
	v0 =	vadd.f32 v10, v0  }
0x3ff: {  	v10 =	vld [tilespmem:s1+$0xE0];
	v11 =	vmul.f32 v11, v11;
	v3 =	vadd.f32 v4, v3  }
0x400: {  	v4 =	vld [tilespmem:s1+$0xD0];
	v5 =	vsub.f32 v5, v6  }
0x401: {  	v6 =	vld [tilespmem:s1+$0xC0];
	v7 =	vsub.f32 v9, v7;
	v1 =	vadd.f32 v11, v1  }
0x402: {  	s25 =	sadd.s32 $0x200, s25;
	v9 =	vld [tilespmem:s1+$0xB0];
	v5 =	vmul.f32 v5, v5;
	v3 =	vsub.f32 v3, v8  }
0x403: {  	v8 =	vld [tilespmem:s25+$0x80];
	v7 =	vmul.f32 v7, v7  }
0x404: {  	v11 =	vld [tilespmem:s1+$0xA0];
	v2 =	vadd.f32 v5, v2;
	v3 =	vmul.f32 v3, v3  }
0x405: {  	s26 =	sadd.s32 $0x200, s26;
	v5 =	vld [tilespmem:s1+$0x80];
	v0 =	vadd.f32 v7, v0  }
0x406: {  	v7 =	vld [tilespmem:s26+$0x80];
	[tilespmem:s5+$0xD600] =	vst v2;
	v1 =	vadd.f32 v3, v1  }
0x407: {  	v2 =	vld [tilespmem:s1+$0x90];
	[tilespmem:s10+$0xC600] =	vst v0  }
0x408: {  	s2 =	sadd.s32 $0x4, s2;
	v0 =	vld [tilespmem:s26+$0x90];
	[tilespmem:s11+$0xC600] =	vst v1  }
0x409: {  	p1 =	slt.u32 s2, $0x3C;
	v1 =	vld [tilespmem:s26+$0xA0]  }
0x40a: {  	v3 =	vld [tilespmem:s25+$0x90]  }
0x40b: {  	v13 =	vld [tilespmem:s26+$0xB0]  }
0x40c: {  	v14 =	vld [tilespmem:s25+$0xA0]  }
0x40d: {  	v5 =	vadd.f32 v7, v5;
	v0 =	vadd.f32 v0, v2;
	v2 =	vld [tilespmem:s26+$0xC0]  }
0x40e: {  	v1 =	vadd.f32 v1, v11;
	v7 =	vld [tilespmem:s25+$0xB0]  }
0x40f: {  	v5 =	vsub.f32 v5, v8;
	v0 =	vsub.f32 v0, v3;
	v3 =	vld [tilespmem:s26+$0xD0]  }
0x410: {  	v8 =	vadd.f32 v13, v9;
	v9 =	vld [tilespmem:s25+$0xC0]  }
0x411: {  	v5 =	vmul.f32 v5, v5;
	v0 =	vmul.f32 v0, v0;
	v1 =	vsub.f32 v1, v14;
	v11 =	vld [tilespmem:s26+$0xE0]  }
0x412: {  	v2 =	vadd.f32 v2, v6;
	v6 =	vld [tilespmem:s25+$0xD0]  }
0x413: {  	v0 =	vadd.f32 v0, v5;
	v1 =	vmul.f32 v1, v1;
	v5 =	vsub.f32 v8, v7;
	v7 =	vld [tilespmem:s26+$0xF0]  }
0x414: {  	v3 =	vadd.f32 v3, v4;
	v4 =	vld [tilespmem:s25+$0xE0]  }
0x415: {  	v8 =	vld [tilespmem:s26+$0xFFFFFF00];
	v0 =	vadd.f32 v1, v0;
	v1 =	vmul.f32 v5, v5;
	v2 =	vsub.f32 v2, v9  }
0x416: {  	v5 =	vadd.f32 v11, v10;
	v9 =	vld [tilespmem:s25+$0xF0]  }
0x417: {  	v10 =	vld [tilespmem:s1+$0xFFFFFF10];
	v0 =	vadd.f32 v1, v0;
	v1 =	vmul.f32 v2, v2;
	v2 =	vsub.f32 v3, v6  }
0x418: {  	v3 =	vld [tilespmem:s26+$0xFFFFFF10];
	v6 =	vadd.f32 v7, v12  }
0x419: {  	v7 =	vld [tilespmem:s1+$0xFFFFFF80];
	v0 =	vadd.f32 v1, v0;
	v1 =	vmul.f32 v2, v2;
	v2 =	vsub.f32 v5, v4  }
0x41a: {  	v4 =	vld [tilespmem:s26+$0xFFFFFF80]  }
0x41b: {  	v5 =	vld [tilespmem:s1+$0xFFFFFF90];
	v0 =	vadd.f32 v1, v0;
	v1 =	vmul.f32 v2, v2;
	v2 =	vsub.f32 v6, v9  }
0x41c: {  	v6 =	vld [tilespmem:s26+$0xFFFFFF90]  }
0x41d: {  	v3 =	vadd.f32 v3, v10;
	v9 =	vld [tilespmem:s1+$0x0];
	v0 =	vadd.f32 v1, v0;
	v1 =	vmul.f32 v2, v2  }
0x41e: {  	v2 =	vld [tilespmem:s26+$0x0]  }
0x41f: {  	s28 =	sadd.s32 $0x40, s28;
	v4 =	vadd.f32 v4, v7;
	v7 =	vld [tilespmem:s1+$0x10];
	v0 =	vadd.f32 v1, v0  }
0x420: {  	s6 =	sadd.s32 $0xFFFFFFE0, s28;
	s7 =	sand.u32 $0x13F0, s28;
	s5 =	sadd.s32 $0xFFFFEFD0, s28;
	v1 =	vld [tilespmem:s26+$0x10]  }
0x421: {  	s5 =	sand.u32 $0x3C0, s5;
	s10 =	sand.u32 $0x13D0, s6;
	s6 =	sadd.s32 $0xFFFFFFF0, s28;
	v10 =	vld [tilespmem:s1+$0xFFFFFF00];
	v5 =	vadd.f32 v6, v5;
	[tilespmem:s7+$0xC600] =	vst v0  }
0x422: {  	s11 =	sand.u32 $0x13E0, s6;
	v0 =	vld [tilespmem:s25+$0xFFFFFF00]  }
0x423: {  	v6 =	vld [tilespmem:s25+$0xFFFFFF10];
	v2 =	vadd.f32 v2, v9  }
0x424: {  	v9 =	vld [tilespmem:s1+$0xFFFFFF20]  }
0x425: {  	v11 =	vld [tilespmem:s26+$0xFFFFFF20];
	v1 =	vadd.f32 v1, v7  }
0x426: {  	v7 =	vadd.f32 v8, v10;
	v8 =	vld [tilespmem:s25+$0xFFFFFF80]  }
0x427: {  	v10 =	vld [tilespmem:s25+$0xFFFFFF90]  }
0x428: {  	v0 =	vsub.f32 v7, v0;
	v3 =	vsub.f32 v3, v6;
	v6 =	vld [tilespmem:s1+$0xFFFFFFA0]  }
0x429: {  	v7 =	vld [tilespmem:s26+$0xFFFFFFA0]  }
0x42a: {  	v0 =	vmul.f32 v0, v0;
	v3 =	vmul.f32 v3, v3;
	v9 =	vadd.f32 v11, v9;
	v11 =	vld [tilespmem:s25+$0x0]  }
0x42b: {  	v4 =	vsub.f32 v4, v8;
	v8 =	vld [tilespmem:s25+$0x10]  }
0x42c: {  	v0 =	vadd.f32 v3, v0;
	v3 =	vsub.f32 v5, v10;
	v5 =	vld [tilespmem:s1+$0x20]  }
0x42d: {  	v4 =	vmul.f32 v4, v4;
	v10 =	vld [tilespmem:s26+$0x20]  }
0x42e: {  	v12 =	vld [tilespmem:s25+$0xFFFFFF20];
	v3 =	vmul.f32 v3, v3;
	v6 =	vadd.f32 v7, v6  }
0x42f: {  	v7 =	vld [tilespmem:s1+$0xFFFFFF30];
	v2 =	vsub.f32 v2, v11  }
0x430: {  	v11 =	vld [tilespmem:s26+$0xFFFFFF30];
	v3 =	vadd.f32 v3, v4;
	v1 =	vsub.f32 v1, v8  }
0x431: {  	v4 =	vld [tilespmem:s25+$0xFFFFFFA0];
	v2 =	vmul.f32 v2, v2  }
0x432: {  	v8 =	vld [tilespmem:s1+$0xFFFFFFB0];
	v1 =	vmul.f32 v1, v1;
	v5 =	vadd.f32 v10, v5  }
0x433: {  	v9 =	vsub.f32 v9, v12;
	v10 =	vld [tilespmem:s26+$0xFFFFFFB0]  }
0x434: {  	v1 =	vadd.f32 v1, v2;
	v2 =	vld [tilespmem:s25+$0x20]  }
0x435: {  	v9 =	vmul.f32 v9, v9;
	v7 =	vadd.f32 v11, v7;
	v11 =	vld [tilespmem:s1+$0x30]  }
0x436: {  	v4 =	vsub.f32 v6, v4;
	v6 =	vld [tilespmem:s26+$0x30]  }
0x437: {  	v0 =	vadd.f32 v9, v0;
	v9 =	vld [tilespmem:s25+$0xFFFFFF30]  }
0x438: {  	v12 =	vld [tilespmem:s1+$0xFFFFFF40];
	v4 =	vmul.f32 v4, v4;
	v8 =	vadd.f32 v10, v8  }
0x439: {  	v10 =	vld [tilespmem:s26+$0xFFFFFF40];
	v2 =	vsub.f32 v5, v2  }
0x43a: {  	v3 =	vadd.f32 v4, v3;
	v4 =	vld [tilespmem:s25+$0xFFFFFFB0]  }
0x43b: {  	v5 =	vld [tilespmem:s1+$0xFFFFFFC0];
	v2 =	vmul.f32 v2, v2;
	v6 =	vadd.f32 v6, v11  }
0x43c: {  	v7 =	vsub.f32 v7, v9;
	v9 =	vld [tilespmem:s26+$0xFFFFFFC0]  }
0x43d: {  	v1 =	vadd.f32 v2, v1;
	v2 =	vld [tilespmem:s25+$0x30]  }
0x43e: {  	v7 =	vmul.f32 v7, v7;
	v10 =	vadd.f32 v10, v12;
	v11 =	vld [tilespmem:s1+$0x40]  }
0x43f: {  	v4 =	vsub.f32 v8, v4;
	v8 =	vld [tilespmem:s26+$0x40]  }
0x440: {  	v0 =	vadd.f32 v7, v0;
	v7 =	vld [tilespmem:s25+$0xFFFFFF40]  }
0x441: {  	v12 =	vld [tilespmem:s1+$0xFFFFFF50];
	v4 =	vmul.f32 v4, v4;
	v5 =	vadd.f32 v9, v5  }
0x442: {  	v9 =	vld [tilespmem:s26+$0xFFFFFF50];
	v2 =	vsub.f32 v6, v2  }
0x443: {  	v3 =	vadd.f32 v4, v3;
	v4 =	vld [tilespmem:s25+$0xFFFFFFC0]  }
0x444: {  	v6 =	vld [tilespmem:s1+$0xFFFFFFD0];
	v2 =	vmul.f32 v2, v2;
	v8 =	vadd.f32 v8, v11  }
0x445: {  	v7 =	vsub.f32 v10, v7;
	v10 =	vld [tilespmem:s26+$0xFFFFFFD0]  }
0x446: {  	v1 =	vadd.f32 v2, v1;
	v2 =	vld [tilespmem:s25+$0x40]  }
0x447: {  	v7 =	vmul.f32 v7, v7;
	v9 =	vadd.f32 v9, v12;
	v11 =	vld [tilespmem:s1+$0x50]  }
0x448: {  	v4 =	vsub.f32 v5, v4;
	v5 =	vld [tilespmem:s26+$0x50]  }
0x449: {  	v0 =	vadd.f32 v7, v0;
	v7 =	vld [tilespmem:s25+$0xFFFFFF50]  }
0x44a: {  	v12 =	vld [tilespmem:s1+$0xFFFFFF60];
	v4 =	vmul.f32 v4, v4;
	v6 =	vadd.f32 v10, v6  }
0x44b: {  	v10 =	vld [tilespmem:s26+$0xFFFFFF60];
	v2 =	vsub.f32 v8, v2  }
0x44c: {  	v3 =	vadd.f32 v4, v3;
	v4 =	vld [tilespmem:s25+$0xFFFFFFD0]  }
0x44d: {  	v8 =	vld [tilespmem:s1+$0xFFFFFFE0];
	v2 =	vmul.f32 v2, v2;
	v5 =	vadd.f32 v5, v11  }
0x44e: {  	v7 =	vsub.f32 v9, v7;
	v9 =	vld [tilespmem:s26+$0xFFFFFFE0]  }
0x44f: {  	v1 =	vadd.f32 v2, v1;
	v2 =	vld [tilespmem:s25+$0x50]  }
0x450: {  	v7 =	vmul.f32 v7, v7;
	v10 =	vadd.f32 v10, v12;
	v11 =	vld [tilespmem:s1+$0x60]  }
0x451: {  	v4 =	vsub.f32 v6, v4;
	v6 =	vld [tilespmem:s26+$0x60]  }
0x452: {  	v7 =	vadd.f32 v7, v0;
	v12 =	vld [tilespmem:s25+$0xFFFFFF60]  }
0x453: {  	v13 =	vld [tilespmem:s1+$0xFFFFFF70];
	v0 =	vmul.f32 v4, v4;
	v4 =	vadd.f32 v9, v8  }
0x454: {  	v8 =	vld [tilespmem:s26+$0xFFFFFF70];
	v2 =	vsub.f32 v5, v2  }
0x455: {  	v0 =	vadd.f32 v0, v3;
	v9 =	vld [tilespmem:s25+$0xFFFFFFE0]  }
0x456: {  	v14 =	vld [tilespmem:s1+$0xFFFFFFF0];
	v2 =	vmul.f32 v2, v2;
	v11 =	vadd.f32 v6, v11  }
0x457: {  	v3 =	vsub.f32 v10, v12;
	v12 =	vld [tilespmem:s26+$0xFFFFFFF0]  }
0x458: {  	v1 =	vadd.f32 v2, v1;
	v15 =	vld [tilespmem:s25+$0x60]  }
.Ltmp4:
0x459: {  	v2 =	vmul.f32 v3, v3;
	v5 =	vadd.f32 v8, v13;
	v3 =	vld [tilespmem:s1+$0x70];
	(pc) =	sbr.rel @p1 .LBB2_10-.Ltmp4, $4  }
0x45a: {  	v8 =	vsub.f32 v4, v9;
	v4 =	vld [tilespmem:s26+$0x70]  }
0x45b: {  	v2 =	vadd.f32 v2, v7;
	v6 =	vld [tilespmem:s25+$0xFFFFFF70]  }
0x45c: {  	v10 =	vmul.f32 v8, v8;
	v9 =	vadd.f32 v12, v14;
	v7 =	vld [tilespmem:s25+$0xFFFFFFF0]  }
0x45d: {  	s1 =	sadd.s32 $0x200, s1;
	v11 =	vsub.f32 v11, v15;
	v8 =	vld [tilespmem:s25+$0x70]  }
0x45e: {  	_ =	sdelay $0x1  }
0x45f: {  	v3 =	vadd.f32 v4, v3;
	v4 =	vsub.f32 v5, v6  }
0x460: {  	v5 =	vsub.f32 v9, v7  }
0x461: {  	v6 =	vmul.f32 v11, v11;
	v4 =	vmul.f32 v4, v4;
	v3 =	vsub.f32 v3, v8  }
0x462: {  	v0 =	vadd.f32 v10, v0;
	v5 =	vmul.f32 v5, v5  }
0x463: {  	v1 =	vadd.f32 v6, v1;
	v2 =	vadd.f32 v4, v2;
	v3 =	vmul.f32 v3, v3  }
0x464: {  	v0 =	vadd.f32 v5, v0  }
0x465: {  	[tilespmem:s5+$0xD600] =	vst v2;
	v1 =	vadd.f32 v3, v1  }
0x466: {  	[tilespmem:s10+$0xC600] =	vst v0  }
0x467: {  	s1 =	simm.s32 $0x180;
	[tilespmem:s11+$0xC600] =	vst v1  }
0x468: {  	[tilespmem:s17], [sflag:$0x1] =	stream.indirect.gather [hbm4b:s0+s16], $0x80, s1, s16, $0xb8;
	[tilespmem:$0x10540] =	vst v63  }
0x469: {  	s6 =	simm.s32 $0x580  }
0x46a: {  	[tilespmem:s18], [sflag:$0x3] =	stream.indirect.gather [hbm4b:s0+s16], $0x80, s6, s16, $0xb8;
	[tilespmem:$0x10540] =	vst v63  }
0x46b: {  	s7 =	simm.s32 $0x380  }
0x46c: {  	[tilespmem:s19], [sflag:$0x2] =	stream.indirect.gather [spmem:s3], $0x80, s7, s16, $0xb8;
	[tilespmem:$0x10540] =	vst v63  }
0x46d: {  	_ =	swait.ge [sflag:s29], $0x2000  }
0x46e: {  	[sflag:s29] =	ssyncset.done $0x0  }
0x46f: {  	[sflag:s29] =	ssyncadd.s32 $0xFFFFE000  }
0x470: {  	_ =	swait.ge [sflag:s30], $0x2000  }
0x471: {  	[sflag:s30] =	ssyncset.done $0x0  }
0x472: {  	[sflag:s30] =	ssyncadd.s32 $0xFFFFE000  }
0x473: {  	_ =	swait.ge [sflag:s31], $0x2000  }
0x474: {  	[sflag:s31] =	ssyncset.done $0x0  }
0x475: {  	s8 =	simm.s32 $0x27F0;
	[sflag:s31] =	ssyncadd.s32 $0xFFFFE000  }
0x476: {  	v0 =	vld [tilespmem:s8+$0x0]  }
0x477: {  	v1 =	vld [tilespmem:s8+$0xFFFFFFF0]  }
0x478: {  	v2 =	vld [tilespmem:s8+$0xFFFFFFE0]  }
0x479: {  	v3 =	vld [tilespmem:s8+$0xFFFFFFD0]  }
0x47a: {  	s25 =	simm.s32 $0xA7F0;
	v4 =	vld [tilespmem:s8+$0xFFFFFFC0]  }
0x47b: {  	v5 =	vld [tilespmem:s25+$0xFFFFFF90]  }
0x47c: {  	v6 =	vld [tilespmem:s8+$0xFFFFFFB0]  }
0x47d: {  	s26 =	simm.s32 $0x67F0;
	v7 =	vld [tilespmem:s8+$0xFFFFFF90]  }
0x47e: {  	v8 =	vld [tilespmem:s26+$0xFFFFFF90]  }
0x47f: {  	v9 =	vld [tilespmem:s8+$0xFFFFFFA0]  }
0x480: {  	v10 =	vld [tilespmem:s26+$0xFFFFFFA0]  }
0x481: {  	v11 =	vld [tilespmem:s26+$0xFFFFFFB0]  }
0x482: {  	v12 =	vld [tilespmem:s25+$0xFFFFFFA0]  }
0x483: {  	v13 =	vld [tilespmem:s26+$0xFFFFFFC0]  }
0x484: {  	v14 =	vld [tilespmem:s25+$0xFFFFFFB0]  }
0x485: {  	v15 =	vld [tilespmem:s26+$0xFFFFFFD0]  }
0x486: {  	v16 =	vld [tilespmem:s25+$0xFFFFFFC0]  }
0x487: {  	v17 =	vld [tilespmem:s26+$0xFFFFFFE0]  }
0x488: {  	v18 =	vld [tilespmem:s25+$0xFFFFFFD0]  }
0x489: {  	v19 =	vld [tilespmem:s26+$0xFFFFFFF0]  }
0x48a: {  	v20 =	vld [tilespmem:s25+$0xFFFFFFE0]  }
0x48b: {  	v21 =	vld [tilespmem:s26+$0x0]  }
0x48c: {  	v22 =	vld [tilespmem:s25+$0xFFFFFFF0]  }
0x48d: {  	v23 =	vld [tilespmem:s26+$0xFFFFFE10]  }
0x48e: {  	v24 =	vld [tilespmem:s25+$0x0]  }
0x48f: {  	v25 =	vld [tilespmem:s8+$0xFFFFFE20]  }
0x490: {  	v26 =	vld [tilespmem:s26+$0xFFFFFE20]  }
0x491: {  	v27 =	vld [tilespmem:s8+$0xFFFFFE90]  }
0x492: {  	v28 =	vld [tilespmem:s26+$0xFFFFFE90]  }
0x493: {  	v29 =	vld [tilespmem:s8+$0xFFFFFEA0]  }
0x494: {  	v30 =	vld [tilespmem:s26+$0xFFFFFEA0]  }
0x495: {  	v31 =	vld [tilespmem:s8+$0xFFFFFF10]  }
0x496: {  	v32 =	vld [tilespmem:s26+$0xFFFFFF10]  }
0x497: {  	v33 =	vld [tilespmem:s8+$0xFFFFFF20]  }
0x498: {  	v34 =	vld [tilespmem:s26+$0xFFFFFF20]  }
0x499: {  	v35 =	vld [tilespmem:s8+$0xFFFFFE10]  }
0x49a: {  	v36 =	vld [tilespmem:s25+$0xFFFFFE10]  }
0x49b: {  	v37 =	vld [tilespmem:s25+$0xFFFFFE20]  }
0x49c: {  	v38 =	vld [tilespmem:s8+$0xFFFFFE30]  }
0x49d: {  	v39 =	vld [tilespmem:s26+$0xFFFFFE30]  }
0x49e: {  	v40 =	vld [tilespmem:s25+$0xFFFFFE90]  }
0x49f: {  	v41 =	vld [tilespmem:s25+$0xFFFFFEA0]  }
0x4a0: {  	v42 =	vld [tilespmem:s8+$0xFFFFFEB0]  }
0x4a1: {  	v43 =	vld [tilespmem:s26+$0xFFFFFEB0]  }
0x4a2: {  	v44 =	vld [tilespmem:s25+$0xFFFFFF10]  }
0x4a3: {  	v45 =	vld [tilespmem:s25+$0xFFFFFF20]  }
0x4a4: {  	v46 =	vld [tilespmem:s8+$0xFFFFFF30]  }
0x4a5: {  	v54 =	vld [tilespmem:s25+$0xFFFFFF30]  }
0x4a6: {  	v55 =	vld [tilespmem:s25+$0xFFFFFEC0]  }
0x4a7: {  	v58 =	vld [tilespmem:s8+$0xFFFFFF50]  }
0x4a8: {  	v60 =	vld [tilespmem:s25+$0xFFFFFE50]  }
0x4a9: {  	v63 =	vld [tilespmem:s8+$0xFFFFFE60]  }
0x4aa: {  	v48 =	vld [tilespmem:s8+$0xFFFFFEE0]  }
0x4ab: {  	v49 =	vld [tilespmem:s26+$0xFFFFFEE0];
	v7 =	vadd.f32 v8, v7;
	v8 =	vadd.f32 v10, v9  }
0x4ac: {  	v50 =	vld [tilespmem:s25+$0xFFFFFF50];
	v6 =	vadd.f32 v11, v6;
	v4 =	vadd.f32 v13, v4  }
0x4ad: {  	v52 =	vld [tilespmem:s8+$0xFFFFFF60];
	v3 =	vadd.f32 v15, v3;
	v2 =	vadd.f32 v17, v2  }
0x4ae: {  	v53 =	vld [tilespmem:s26+$0xFFFFFF60];
	v1 =	vadd.f32 v19, v1;
	v0 =	vadd.f32 v21, v0  }
0x4af: {  	v9 =	vld [tilespmem:s26+$0xFFFFFF30];
	v56 =	vadd.f32 v26, v25;
	v57 =	vadd.f32 v23, v35  }
0x4b0: {  	v10 =	vld [tilespmem:s25+$0xFFFFFE30];
	v5 =	vsub.f32 v7, v5;
	v7 =	vsub.f32 v8, v12  }
0x4b1: {  	v11 =	vld [tilespmem:s26+$0xFFFFFE40];
	v59 =	vadd.f32 v28, v27;
	v61 =	vadd.f32 v30, v29  }
0x4b2: {  	v13 =	vld [tilespmem:s8+$0xFFFFFEC0];
	v6 =	vsub.f32 v6, v14;
	v5 =	vmul.f32 v5, v5;
	v7 =	vmul.f32 v7, v7  }
0x4b3: {  	v15 =	vld [tilespmem:s26+$0xFFFFFF40];
	v62 =	vadd.f32 v32, v31;
	v39 =	vadd.f32 v39, v38  }
0x4b4: {  	v8 =	vld [tilespmem:s8+$0xFFFFFE40];
	v4 =	vsub.f32 v4, v16;
	v6 =	vmul.f32 v6, v6;
	v5 =	vadd.f32 v7, v5  }
0x4b5: {  	v51 =	vadd.f32 v43, v42;
	v12 =	vld [tilespmem:s25+$0xFFFFFEB0];
	v3 =	vsub.f32 v3, v18  }
0x4b6: {  	v2 =	vsub.f32 v2, v20;
	v16 =	vld [tilespmem:s8+$0xFFFFFE50];
	v4 =	vmul.f32 v4, v4;
	v5 =	vadd.f32 v6, v5  }
0x4b7: {  	v1 =	vsub.f32 v1, v22;
	v0 =	vsub.f32 v0, v24;
	v18 =	vld [tilespmem:s26+$0xFFFFFED0]  }
0x4b8: {  	v19 =	vsub.f32 v56, v37;
	v37 =	vld [tilespmem:s26+$0xFFFFFE60];
	v3 =	vmul.f32 v3, v3;
	v4 =	vadd.f32 v4, v5  }
0x4b9: {  	v22 =	vsub.f32 v59, v40;
	v47 =	vsub.f32 v61, v41;
	v7 =	vld [tilespmem:s26+$0xFFFFFEC0]  }
0x4ba: {  	v25 =	vsub.f32 v62, v44;
	v2 =	vmul.f32 v2, v2;
	v6 =	vld [tilespmem:s8+$0xFFFFFF40];
	v3 =	vadd.f32 v3, v4  }
0x4bb: {  	v61 =	vadd.f32 v53, v52;
	v10 =	vsub.f32 v39, v10;
	v4 =	vld [tilespmem:s26+$0xFFFFFE50]  }
0x4bc: {  	v40 =	vld [tilespmem:s25+$0xFFFFFED0];
	v1 =	vmul.f32 v1, v1;
	v9 =	vadd.f32 v9, v46;
	v2 =	vadd.f32 v2, v3  }
0x4bd: {  	v8 =	vadd.f32 v11, v8;
	v12 =	vsub.f32 v51, v12;
	v5 =	vld [tilespmem:s25+$0xFFFFFE40]  }
0x4be: {  	v0 =	vmul.f32 v0, v0;
	v9 =	vsub.f32 v9, v54;
	v3 =	vld [tilespmem:s8+$0xFFFFFED0];
	v1 =	vadd.f32 v1, v2  }
0x4bf: {  	v7 =	vadd.f32 v7, v13;
	v6 =	vadd.f32 v15, v6;
	v2 =	vld [tilespmem:s25+$0xFFFFFF40]  }
0x4c0: {  	v56 =	vld [tilespmem:s25+$0xFFFFFF60];
	v19 =	vmul.f32 v19, v19;
	v4 =	vadd.f32 v4, v16;
	v23 =	vadd.f32 v0, v1  }
0x4c1: {  	v22 =	vmul.f32 v22, v22;
	v0 =	vld [tilespmem:s26+$0xFFFFFF50];
	v1 =	vsub.f32 v57, v36;
	v36 =	vadd.f32 v34, v33  }
0x4c2: {  	v59 =	vld [tilespmem:s8+$0xFFFFFE80];
	v25 =	vmul.f32 v25, v25;
	v7 =	vsub.f32 v7, v55;
	v5 =	vsub.f32 v8, v5  }
0x4c3: {  	v62 =	vld [tilespmem:s26+$0xFFFFFF00];
	v4 =	vsub.f32 v4, v60;
	v1 =	vmul.f32 v1, v1;
	v27 =	vsub.f32 v36, v45  }
0x4c4: {  	v10 =	vmul.f32 v10, v10;
	v55 =	vld [tilespmem:s8+$0xFFFFFEF0];
	v3 =	vadd.f32 v18, v3;
	v2 =	vsub.f32 v6, v2  }
0x4c5: {  	v6 =	vld [tilespmem:s26+$0xFFFFFEF0];
	v1 =	vadd.f32 v19, v1;
	v19 =	vmul.f32 v47, v47;
	v27 =	vmul.f32 v27, v27  }
0x4c6: {  	v11 =	vld [tilespmem:s25+$0xFFFFFE60];
	v12 =	vmul.f32 v12, v12;
	v3 =	vsub.f32 v3, v40;
	v0 =	vadd.f32 v0, v58  }
0x4c7: {  	v54 =	vld [tilespmem:s26+$0xFFFFFE70];
	v9 =	vmul.f32 v9, v9;
	v19 =	vadd.f32 v19, v22;
	v25 =	vadd.f32 v27, v25  }
0x4c8: {  	v8 =	vld [tilespmem:s25+$0xFFFFFEE0];
	v5 =	vmul.f32 v5, v5;
	v1 =	vadd.f32 v10, v1;
	v0 =	vsub.f32 v0, v50  }
0x4c9: {  	v2 =	vmul.f32 v2, v2;
	v10 =	vld [tilespmem:s8+$0xFFFFFE70];
	v12 =	vadd.f32 v12, v19;
	v9 =	vadd.f32 v9, v25  }
0x4ca: {  	v57 =	vld [tilespmem:s26+$0xFFFFFF70];
	v4 =	vmul.f32 v4, v4;
	v1 =	vadd.f32 v5, v1;
	v6 =	vadd.f32 v6, v55  }
0x4cb: {  	v7 =	vmul.f32 v7, v7;
	v58 =	vld [tilespmem:s25+$0xFFFFFE70];
	v2 =	vadd.f32 v2, v9;
	v9 =	vadd.f32 v37, v63  }
0x4cc: {  	v60 =	vld [tilespmem:s26+$0xFFFFFE80];
	v1 =	vadd.f32 v4, v1;
	v4 =	vadd.f32 v49, v48  }
0x4cd: {  	v3 =	vmul.f32 v3, v3;
	v7 =	vadd.f32 v7, v12;
	v9 =	vsub.f32 v9, v11;
	v11 =	vld [tilespmem:s25+$0xFFFFFEF0]  }
0x4ce: {  	v5 =	vld [tilespmem:s8+$0xFFFFFF70];
	v0 =	vmul.f32 v0, v0;
	v10 =	vadd.f32 v54, v10;
	v4 =	vsub.f32 v4, v8  }
0x4cf: {  	v63 =	vld [tilespmem:s25+$0xFFFFFF70];
	v7 =	vadd.f32 v3, v7;
	v3 =	vmul.f32 v9, v9;
	v9 =	vsub.f32 v61, v56  }
0x4d0: {  	v8 =	vld [tilespmem:s8+$0xFFFFFF00];
	v2 =	vadd.f32 v0, v2;
	v0 =	vmul.f32 v4, v4;
	v4 =	vsub.f32 v10, v58  }
0x4d1: {  	v10 =	vadd.f32 v3, v1;
	v1 =	vmul.f32 v9, v9;
	v3 =	vld [tilespmem:s8+$0xFFFFFF80]  }
0x4d2: {  	s10 =	simm.s32 $0x0;
	v0 =	vadd.f32 v0, v7;
	v7 =	vmul.f32 v4, v4;
	v4 =	vld [tilespmem:s26+$0xFFFFFF80];
	v9 =	vsub.f32 v6, v11  }
0x4d3: {  	s28 =	simm.s32 $0x1430;
	s2 =	simm.s32 $0x0;
	s5 =	sand.u32 $0x3C0, s10;
	v12 =	vadd.f32 v57, v5;
	v5 =	vadd.f32 v60, v59;
	v6 =	vld [tilespmem:s25+$0xFFFFFE80]  }
0x4d4: {  	s11 =	simm.s32 $0x1420;
	s6 =	simm.s32 $0x1410;
	s7 =	sand.u32 $0x17F0, s28;
	v1 =	vadd.f32 v1, v2;
	v2 =	vadd.f32 v7, v10;
	v7 =	vld [tilespmem:s25+$0xFFFFFF00];
	v10 =	vmul.f32 v9, v9  }
0x4d5: {  	s11 =	sand.u32 $0x17E0, s11;
	s1 =	simm.s32 $0x29F0;
	s10 =	sand.u32 $0x17D0, s6;
	[tilespmem:s7+$0xC600] =	vst v23;
	v11 =	vsub.f32 v12, v63;
	v9 =	vadd.f32 v62, v8;
	v8 =	vld [tilespmem:s25+$0xFFFFFF80]  }
.LBB2_12:
0x4d6: {  	v12 =	vld [tilespmem:s1+$0x0];
	v0 =	vadd.f32 v10, v0  }
0x4d7: {  	v10 =	vld [tilespmem:s1+$0xFFFFFFF0];
	v11 =	vmul.f32 v11, v11;
	v3 =	vadd.f32 v4, v3  }
0x4d8: {  	v4 =	vld [tilespmem:s1+$0xFFFFFFE0];
	v5 =	vsub.f32 v5, v6  }
0x4d9: {  	v6 =	vld [tilespmem:s1+$0xFFFFFFD0];
	v7 =	vsub.f32 v9, v7;
	v1 =	vadd.f32 v11, v1  }
0x4da: {  	s25 =	sadd.s32 $0x200, s25;
	v9 =	vld [tilespmem:s1+$0xFFFFFFC0];
	v5 =	vmul.f32 v5, v5;
	v3 =	vsub.f32 v3, v8  }
0x4db: {  	v8 =	vld [tilespmem:s25+$0xFFFFFF90];
	v7 =	vmul.f32 v7, v7  }
0x4dc: {  	v11 =	vld [tilespmem:s1+$0xFFFFFFB0];
	v2 =	vadd.f32 v5, v2;
	v3 =	vmul.f32 v3, v3  }
0x4dd: {  	s26 =	sadd.s32 $0x200, s26;
	v5 =	vld [tilespmem:s1+$0xFFFFFF90];
	v0 =	vadd.f32 v7, v0  }
0x4de: {  	v7 =	vld [tilespmem:s26+$0xFFFFFF90];
	[tilespmem:s5+$0xDA00] =	vst v2;
	v1 =	vadd.f32 v3, v1  }
0x4df: {  	v2 =	vld [tilespmem:s1+$0xFFFFFFA0];
	[tilespmem:s10+$0xC600] =	vst v0  }
0x4e0: {  	s2 =	sadd.s32 $0x4, s2;
	v0 =	vld [tilespmem:s26+$0xFFFFFFA0];
	[tilespmem:s11+$0xC600] =	vst v1  }
0x4e1: {  	p1 =	slt.u32 s2, $0x3C;
	v1 =	vld [tilespmem:s26+$0xFFFFFFB0]  }
0x4e2: {  	v3 =	vld [tilespmem:s25+$0xFFFFFFA0]  }
0x4e3: {  	v13 =	vld [tilespmem:s26+$0xFFFFFFC0]  }
0x4e4: {  	v14 =	vld [tilespmem:s25+$0xFFFFFFB0]  }
0x4e5: {  	v5 =	vadd.f32 v7, v5;
	v0 =	vadd.f32 v0, v2;
	v2 =	vld [tilespmem:s26+$0xFFFFFFD0]  }
0x4e6: {  	v1 =	vadd.f32 v1, v11;
	v7 =	vld [tilespmem:s25+$0xFFFFFFC0]  }
0x4e7: {  	v5 =	vsub.f32 v5, v8;
	v0 =	vsub.f32 v0, v3;
	v3 =	vld [tilespmem:s26+$0xFFFFFFE0]  }
0x4e8: {  	v8 =	vadd.f32 v13, v9;
	v9 =	vld [tilespmem:s25+$0xFFFFFFD0]  }
0x4e9: {  	v5 =	vmul.f32 v5, v5;
	v0 =	vmul.f32 v0, v0;
	v1 =	vsub.f32 v1, v14;
	v11 =	vld [tilespmem:s26+$0xFFFFFFF0]  }
0x4ea: {  	v2 =	vadd.f32 v2, v6;
	v6 =	vld [tilespmem:s25+$0xFFFFFFE0]  }
0x4eb: {  	v0 =	vadd.f32 v0, v5;
	v1 =	vmul.f32 v1, v1;
	v5 =	vsub.f32 v8, v7;
	v7 =	vld [tilespmem:s26+$0x0]  }
0x4ec: {  	v3 =	vadd.f32 v3, v4;
	v4 =	vld [tilespmem:s25+$0xFFFFFFF0]  }
0x4ed: {  	v8 =	vld [tilespmem:s26+$0xFFFFFE10];
	v0 =	vadd.f32 v1, v0;
	v1 =	vmul.f32 v5, v5;
	v2 =	vsub.f32 v2, v9  }
0x4ee: {  	v5 =	vadd.f32 v11, v10;
	v9 =	vld [tilespmem:s25+$0x0]  }
0x4ef: {  	v10 =	vld [tilespmem:s1+$0xFFFFFE20];
	v0 =	vadd.f32 v1, v0;
	v1 =	vmul.f32 v2, v2;
	v2 =	vsub.f32 v3, v6  }
0x4f0: {  	v3 =	vld [tilespmem:s26+$0xFFFFFE20];
	v6 =	vadd.f32 v7, v12  }
0x4f1: {  	v7 =	vld [tilespmem:s1+$0xFFFFFE90];
	v0 =	vadd.f32 v1, v0;
	v1 =	vmul.f32 v2, v2;
	v2 =	vsub.f32 v5, v4  }
0x4f2: {  	v4 =	vld [tilespmem:s26+$0xFFFFFE90]  }
0x4f3: {  	v5 =	vld [tilespmem:s1+$0xFFFFFEA0];
	v0 =	vadd.f32 v1, v0;
	v1 =	vmul.f32 v2, v2;
	v2 =	vsub.f32 v6, v9  }
0x4f4: {  	v6 =	vld [tilespmem:s26+$0xFFFFFEA0]  }
0x4f5: {  	v3 =	vadd.f32 v3, v10;
	v9 =	vld [tilespmem:s1+$0xFFFFFF10];
	v0 =	vadd.f32 v1, v0;
	v1 =	vmul.f32 v2, v2  }
0x4f6: {  	v2 =	vld [tilespmem:s26+$0xFFFFFF10]  }
0x4f7: {  	s28 =	sadd.s32 $0x40, s28;
	v4 =	vadd.f32 v4, v7;
	v7 =	vld [tilespmem:s1+$0xFFFFFF20];
	v0 =	vadd.f32 v1, v0  }
0x4f8: {  	s6 =	sadd.s32 $0xFFFFFFE0, s28;
	s7 =	sand.u32 $0x17F0, s28;
	s5 =	sadd.s32 $0xFFFFEBD0, s28;
	v1 =	vld [tilespmem:s26+$0xFFFFFF20]  }
0x4f9: {  	s5 =	sand.u32 $0x3C0, s5;
	s10 =	sand.u32 $0x17D0, s6;
	s6 =	sadd.s32 $0xFFFFFFF0, s28;
	v10 =	vld [tilespmem:s1+$0xFFFFFE10];
	v5 =	vadd.f32 v6, v5;
	[tilespmem:s7+$0xC600] =	vst v0  }
0x4fa: {  	s11 =	sand.u32 $0x17E0, s6;
	v0 =	vld [tilespmem:s25+$0xFFFFFE10]  }
0x4fb: {  	v6 =	vld [tilespmem:s25+$0xFFFFFE20];
	v2 =	vadd.f32 v2, v9  }
0x4fc: {  	v9 =	vld [tilespmem:s1+$0xFFFFFE30]  }
0x4fd: {  	v11 =	vld [tilespmem:s26+$0xFFFFFE30];
	v1 =	vadd.f32 v1, v7  }
0x4fe: {  	v7 =	vadd.f32 v8, v10;
	v8 =	vld [tilespmem:s25+$0xFFFFFE90]  }
0x4ff: {  	v10 =	vld [tilespmem:s25+$0xFFFFFEA0]  }
0x500: {  	v0 =	vsub.f32 v7, v0;
	v3 =	vsub.f32 v3, v6;
	v6 =	vld [tilespmem:s1+$0xFFFFFEB0]  }
0x501: {  	v7 =	vld [tilespmem:s26+$0xFFFFFEB0]  }
0x502: {  	v0 =	vmul.f32 v0, v0;
	v3 =	vmul.f32 v3, v3;
	v9 =	vadd.f32 v11, v9;
	v11 =	vld [tilespmem:s25+$0xFFFFFF10]  }
0x503: {  	v4 =	vsub.f32 v4, v8;
	v8 =	vld [tilespmem:s25+$0xFFFFFF20]  }
0x504: {  	v0 =	vadd.f32 v3, v0;
	v3 =	vsub.f32 v5, v10;
	v5 =	vld [tilespmem:s1+$0xFFFFFF30]  }
0x505: {  	v4 =	vmul.f32 v4, v4;
	v10 =	vld [tilespmem:s26+$0xFFFFFF30]  }
0x506: {  	v12 =	vld [tilespmem:s25+$0xFFFFFE30];
	v3 =	vmul.f32 v3, v3;
	v6 =	vadd.f32 v7, v6  }
0x507: {  	v7 =	vld [tilespmem:s1+$0xFFFFFE40];
	v2 =	vsub.f32 v2, v11  }
0x508: {  	v11 =	vld [tilespmem:s26+$0xFFFFFE40];
	v3 =	vadd.f32 v3, v4;
	v1 =	vsub.f32 v1, v8  }
0x509: {  	v4 =	vld [tilespmem:s25+$0xFFFFFEB0];
	v2 =	vmul.f32 v2, v2  }
0x50a: {  	v8 =	vld [tilespmem:s1+$0xFFFFFEC0];
	v1 =	vmul.f32 v1, v1;
	v5 =	vadd.f32 v10, v5  }
0x50b: {  	v9 =	vsub.f32 v9, v12;
	v10 =	vld [tilespmem:s26+$0xFFFFFEC0]  }
0x50c: {  	v1 =	vadd.f32 v1, v2;
	v2 =	vld [tilespmem:s25+$0xFFFFFF30]  }
0x50d: {  	v9 =	vmul.f32 v9, v9;
	v7 =	vadd.f32 v11, v7;
	v11 =	vld [tilespmem:s1+$0xFFFFFF40]  }
0x50e: {  	v4 =	vsub.f32 v6, v4;
	v6 =	vld [tilespmem:s26+$0xFFFFFF40]  }
0x50f: {  	v0 =	vadd.f32 v9, v0;
	v9 =	vld [tilespmem:s25+$0xFFFFFE40]  }
0x510: {  	v12 =	vld [tilespmem:s1+$0xFFFFFE50];
	v4 =	vmul.f32 v4, v4;
	v8 =	vadd.f32 v10, v8  }
0x511: {  	v10 =	vld [tilespmem:s26+$0xFFFFFE50];
	v2 =	vsub.f32 v5, v2  }
0x512: {  	v3 =	vadd.f32 v4, v3;
	v4 =	vld [tilespmem:s25+$0xFFFFFEC0]  }
0x513: {  	v5 =	vld [tilespmem:s1+$0xFFFFFED0];
	v2 =	vmul.f32 v2, v2;
	v6 =	vadd.f32 v6, v11  }
0x514: {  	v7 =	vsub.f32 v7, v9;
	v9 =	vld [tilespmem:s26+$0xFFFFFED0]  }
0x515: {  	v1 =	vadd.f32 v2, v1;
	v2 =	vld [tilespmem:s25+$0xFFFFFF40]  }
0x516: {  	v7 =	vmul.f32 v7, v7;
	v10 =	vadd.f32 v10, v12;
	v11 =	vld [tilespmem:s1+$0xFFFFFF50]  }
0x517: {  	v4 =	vsub.f32 v8, v4;
	v8 =	vld [tilespmem:s26+$0xFFFFFF50]  }
0x518: {  	v0 =	vadd.f32 v7, v0;
	v7 =	vld [tilespmem:s25+$0xFFFFFE50]  }
0x519: {  	v12 =	vld [tilespmem:s1+$0xFFFFFE60];
	v4 =	vmul.f32 v4, v4;
	v5 =	vadd.f32 v9, v5  }
0x51a: {  	v9 =	vld [tilespmem:s26+$0xFFFFFE60];
	v2 =	vsub.f32 v6, v2  }
0x51b: {  	v3 =	vadd.f32 v4, v3;
	v4 =	vld [tilespmem:s25+$0xFFFFFED0]  }
0x51c: {  	v6 =	vld [tilespmem:s1+$0xFFFFFEE0];
	v2 =	vmul.f32 v2, v2;
	v8 =	vadd.f32 v8, v11  }
0x51d: {  	v7 =	vsub.f32 v10, v7;
	v10 =	vld [tilespmem:s26+$0xFFFFFEE0]  }
0x51e: {  	v1 =	vadd.f32 v2, v1;
	v2 =	vld [tilespmem:s25+$0xFFFFFF50]  }
0x51f: {  	v7 =	vmul.f32 v7, v7;
	v9 =	vadd.f32 v9, v12;
	v11 =	vld [tilespmem:s1+$0xFFFFFF60]  }
0x520: {  	v4 =	vsub.f32 v5, v4;
	v5 =	vld [tilespmem:s26+$0xFFFFFF60]  }
0x521: {  	v0 =	vadd.f32 v7, v0;
	v7 =	vld [tilespmem:s25+$0xFFFFFE60]  }
0x522: {  	v12 =	vld [tilespmem:s1+$0xFFFFFE70];
	v4 =	vmul.f32 v4, v4;
	v6 =	vadd.f32 v10, v6  }
0x523: {  	v10 =	vld [tilespmem:s26+$0xFFFFFE70];
	v2 =	vsub.f32 v8, v2  }
0x524: {  	v3 =	vadd.f32 v4, v3;
	v4 =	vld [tilespmem:s25+$0xFFFFFEE0]  }
0x525: {  	v8 =	vld [tilespmem:s1+$0xFFFFFEF0];
	v2 =	vmul.f32 v2, v2;
	v5 =	vadd.f32 v5, v11  }
0x526: {  	v7 =	vsub.f32 v9, v7;
	v9 =	vld [tilespmem:s26+$0xFFFFFEF0]  }
0x527: {  	v1 =	vadd.f32 v2, v1;
	v2 =	vld [tilespmem:s25+$0xFFFFFF60]  }
0x528: {  	v7 =	vmul.f32 v7, v7;
	v10 =	vadd.f32 v10, v12;
	v11 =	vld [tilespmem:s1+$0xFFFFFF70]  }
0x529: {  	v4 =	vsub.f32 v6, v4;
	v6 =	vld [tilespmem:s26+$0xFFFFFF70]  }
0x52a: {  	v7 =	vadd.f32 v7, v0;
	v12 =	vld [tilespmem:s25+$0xFFFFFE70]  }
0x52b: {  	v13 =	vld [tilespmem:s1+$0xFFFFFE80];
	v0 =	vmul.f32 v4, v4;
	v4 =	vadd.f32 v9, v8  }
0x52c: {  	v8 =	vld [tilespmem:s26+$0xFFFFFE80];
	v2 =	vsub.f32 v5, v2  }
0x52d: {  	v0 =	vadd.f32 v0, v3;
	v9 =	vld [tilespmem:s25+$0xFFFFFEF0]  }
0x52e: {  	v14 =	vld [tilespmem:s1+$0xFFFFFF00];
	v2 =	vmul.f32 v2, v2;
	v11 =	vadd.f32 v6, v11  }
0x52f: {  	v3 =	vsub.f32 v10, v12;
	v12 =	vld [tilespmem:s26+$0xFFFFFF00]  }
0x530: {  	v1 =	vadd.f32 v2, v1;
	v15 =	vld [tilespmem:s25+$0xFFFFFF70]  }
.Ltmp5:
0x531: {  	v2 =	vmul.f32 v3, v3;
	v5 =	vadd.f32 v8, v13;
	v3 =	vld [tilespmem:s1+$0xFFFFFF80];
	(pc) =	sbr.rel @p1 .LBB2_12-.Ltmp5, $4  }
0x532: {  	v8 =	vsub.f32 v4, v9;
	v4 =	vld [tilespmem:s26+$0xFFFFFF80]  }
0x533: {  	v2 =	vadd.f32 v2, v7;
	v6 =	vld [tilespmem:s25+$0xFFFFFE80]  }
0x534: {  	v10 =	vmul.f32 v8, v8;
	v9 =	vadd.f32 v12, v14;
	v7 =	vld [tilespmem:s25+$0xFFFFFF00]  }
0x535: {  	s1 =	sadd.s32 $0x200, s1;
	v11 =	vsub.f32 v11, v15;
	v8 =	vld [tilespmem:s25+$0xFFFFFF80]  }
0x536: {  	_ =	sdelay $0x1  }
0x537: {  	v3 =	vadd.f32 v4, v3;
	v4 =	vsub.f32 v5, v6  }
0x538: {  	v5 =	vsub.f32 v9, v7  }
0x539: {  	v6 =	vmul.f32 v11, v11;
	v4 =	vmul.f32 v4, v4;
	v3 =	vsub.f32 v3, v8  }
0x53a: {  	v0 =	vadd.f32 v10, v0;
	v5 =	vmul.f32 v5, v5  }
0x53b: {  	v1 =	vadd.f32 v6, v1;
	v2 =	vadd.f32 v4, v2;
	v3 =	vmul.f32 v3, v3  }
0x53c: {  	v0 =	vadd.f32 v5, v0  }
0x53d: {  	[tilespmem:s5+$0xDA00] =	vst v2;
	v1 =	vadd.f32 v3, v1  }
0x53e: {  	[tilespmem:s10+$0xC600] =	vst v0  }
0x53f: {  	s1 =	simm.s32 $0x1C0;
	[tilespmem:s11+$0xC600] =	vst v1  }
0x540: {  	[tilespmem:s20], [sflag:$0x4] =	stream.indirect.gather [hbm4b:s0+s16], $0x80, s1, s16, $0xb8;
	[tilespmem:$0x10540] =	vst v63  }
0x541: {  	s6 =	simm.s32 $0x5C0  }
0x542: {  	[tilespmem:s22], [sflag:$0x6] =	stream.indirect.gather [hbm4b:s0+s16], $0x80, s6, s16, $0xb8;
	[tilespmem:$0x10540] =	vst v63  }
0x543: {  	s7 =	simm.s32 $0x3C0  }
0x544: {  	[tilespmem:s24], [sflag:$0x5] =	stream.indirect.gather [spmem:s3], $0x80, s7, s16, $0xb8;
	[tilespmem:$0x10540] =	vst v63  }
0x545: {  	_ =	swait.ge [sflag:s13], $0x2000  }
0x546: {  	[sflag:s13] =	ssyncset.done $0x0  }
0x547: {  	[sflag:s13] =	ssyncadd.s32 $0xFFFFE000  }
0x548: {  	_ =	swait.ge [sflag:s15], $0x2000  }
0x549: {  	[sflag:s15] =	ssyncset.done $0x0  }
0x54a: {  	[sflag:s15] =	ssyncadd.s32 $0xFFFFE000  }
0x54b: {  	_ =	swait.ge [sflag:s14], $0x2000  }
0x54c: {  	[sflag:s14] =	ssyncset.done $0x0  }
0x54d: {  	s8 =	simm.s32 $0x700;
	[sflag:s14] =	ssyncadd.s32 $0xFFFFE000  }
0x54e: {  	v0 =	vld [tilespmem:s8+$0xF0]  }
0x54f: {  	v1 =	vld [tilespmem:s8+$0xE0]  }
0x550: {  	v2 =	vld [tilespmem:s8+$0xD0]  }
0x551: {  	v3 =	vld [tilespmem:s8+$0xC0]  }
0x552: {  	s25 =	simm.s32 $0x8700;
	v4 =	vld [tilespmem:s8+$0xB0]  }
0x553: {  	v5 =	vld [tilespmem:s25+$0x80]  }
0x554: {  	v6 =	vld [tilespmem:s8+$0xA0]  }
0x555: {  	s26 =	simm.s32 $0x4700;
	v7 =	vld [tilespmem:s8+$0x80]  }
0x556: {  	v8 =	vld [tilespmem:s26+$0x80]  }
0x557: {  	v9 =	vld [tilespmem:s8+$0x90]  }
0x558: {  	v10 =	vld [tilespmem:s26+$0x90]  }
0x559: {  	v11 =	vld [tilespmem:s26+$0xA0]  }
0x55a: {  	v12 =	vld [tilespmem:s25+$0x90]  }
0x55b: {  	v13 =	vld [tilespmem:s26+$0xB0]  }
0x55c: {  	v14 =	vld [tilespmem:s25+$0xA0]  }
0x55d: {  	v15 =	vld [tilespmem:s26+$0xC0]  }
0x55e: {  	v16 =	vld [tilespmem:s25+$0xB0]  }
0x55f: {  	v17 =	vld [tilespmem:s26+$0xD0]  }
0x560: {  	v18 =	vld [tilespmem:s25+$0xC0]  }
0x561: {  	v19 =	vld [tilespmem:s26+$0xE0]  }
0x562: {  	v20 =	vld [tilespmem:s25+$0xD0]  }
0x563: {  	v21 =	vld [tilespmem:s26+$0xF0]  }
0x564: {  	v22 =	vld [tilespmem:s25+$0xE0]  }
0x565: {  	v23 =	vld [tilespmem:s26+$0xFFFFFF00]  }
0x566: {  	v24 =	vld [tilespmem:s25+$0xF0]  }
0x567: {  	v25 =	vld [tilespmem:s8+$0xFFFFFF10]  }
0x568: {  	v26 =	vld [tilespmem:s26+$0xFFFFFF10]  }
0x569: {  	v27 =	vld [tilespmem:s8+$0xFFFFFF80]  }
0x56a: {  	v28 =	vld [tilespmem:s26+$0xFFFFFF80]  }
0x56b: {  	v29 =	vld [tilespmem:s8+$0xFFFFFF90]  }
0x56c: {  	v30 =	vld [tilespmem:s26+$0xFFFFFF90]  }
0x56d: {  	v31 =	vld [tilespmem:s8+$0x0]  }
0x56e: {  	v32 =	vld [tilespmem:s26+$0x0]  }
0x56f: {  	v33 =	vld [tilespmem:s8+$0x10]  }
0x570: {  	v34 =	vld [tilespmem:s26+$0x10]  }
0x571: {  	v35 =	vld [tilespmem:s8+$0xFFFFFF00]  }
0x572: {  	v36 =	vld [tilespmem:s25+$0xFFFFFF00]  }
0x573: {  	v37 =	vld [tilespmem:s25+$0xFFFFFF10]  }
0x574: {  	v38 =	vld [tilespmem:s8+$0xFFFFFF20]  }
0x575: {  	v39 =	vld [tilespmem:s26+$0xFFFFFF20]  }
0x576: {  	v40 =	vld [tilespmem:s25+$0xFFFFFF80]  }
0x577: {  	v41 =	vld [tilespmem:s25+$0xFFFFFF90]  }
0x578: {  	v42 =	vld [tilespmem:s8+$0xFFFFFFA0]  }
0x579: {  	v43 =	vld [tilespmem:s26+$0xFFFFFFA0]  }
0x57a: {  	v44 =	vld [tilespmem:s25+$0x0]  }
0x57b: {  	v45 =	vld [tilespmem:s25+$0x10]  }
0x57c: {  	v46 =	vld [tilespmem:s8+$0x20]  }
0x57d: {  	v54 =	vld [tilespmem:s25+$0x20]  }
0x57e: {  	v55 =	vld [tilespmem:s25+$0xFFFFFFB0]  }
0x57f: {  	v58 =	vld [tilespmem:s8+$0x40]  }
0x580: {  	v60 =	vld [tilespmem:s25+$0xFFFFFF40]  }
0x581: {  	v63 =	vld [tilespmem:s8+$0xFFFFFF50]  }
0x582: {  	v48 =	vld [tilespmem:s8+$0xFFFFFFD0]  }
0x583: {  	v49 =	vld [tilespmem:s26+$0xFFFFFFD0];
	v7 =	vadd.f32 v8, v7;
	v8 =	vadd.f32 v10, v9  }
0x584: {  	v50 =	vld [tilespmem:s25+$0x40];
	v6 =	vadd.f32 v11, v6;
	v4 =	vadd.f32 v13, v4  }
0x585: {  	v52 =	vld [tilespmem:s8+$0x50];
	v3 =	vadd.f32 v15, v3;
	v2 =	vadd.f32 v17, v2  }
0x586: {  	v53 =	vld [tilespmem:s26+$0x50];
	v1 =	vadd.f32 v19, v1;
	v0 =	vadd.f32 v21, v0  }
0x587: {  	v9 =	vld [tilespmem:s26+$0x20];
	v56 =	vadd.f32 v26, v25;
	v57 =	vadd.f32 v23, v35  }
0x588: {  	v10 =	vld [tilespmem:s25+$0xFFFFFF20];
	v5 =	vsub.f32 v7, v5;
	v7 =	vsub.f32 v8, v12  }
0x589: {  	v11 =	vld [tilespmem:s26+$0xFFFFFF30];
	v59 =	vadd.f32 v28, v27;
	v61 =	vadd.f32 v30, v29  }
0x58a: {  	v13 =	vld [tilespmem:s8+$0xFFFFFFB0];
	v6 =	vsub.f32 v6, v14;
	v5 =	vmul.f32 v5, v5;
	v7 =	vmul.f32 v7, v7  }
0x58b: {  	v15 =	vld [tilespmem:s26+$0x30];
	v62 =	vadd.f32 v32, v31;
	v39 =	vadd.f32 v39, v38  }
0x58c: {  	v8 =	vld [tilespmem:s8+$0xFFFFFF30];
	v4 =	vsub.f32 v4, v16;
	v6 =	vmul.f32 v6, v6;
	v5 =	vadd.f32 v7, v5  }
0x58d: {  	v51 =	vadd.f32 v43, v42;
	v12 =	vld [tilespmem:s25+$0xFFFFFFA0];
	v3 =	vsub.f32 v3, v18  }
0x58e: {  	v2 =	vsub.f32 v2, v20;
	v16 =	vld [tilespmem:s8+$0xFFFFFF40];
	v4 =	vmul.f32 v4, v4;
	v5 =	vadd.f32 v6, v5  }
0x58f: {  	v1 =	vsub.f32 v1, v22;
	v0 =	vsub.f32 v0, v24;
	v18 =	vld [tilespmem:s26+$0xFFFFFFC0]  }
0x590: {  	v19 =	vsub.f32 v56, v37;
	v37 =	vld [tilespmem:s26+$0xFFFFFF50];
	v3 =	vmul.f32 v3, v3;
	v4 =	vadd.f32 v4, v5  }
0x591: {  	v22 =	vsub.f32 v59, v40;
	v47 =	vsub.f32 v61, v41;
	v7 =	vld [tilespmem:s26+$0xFFFFFFB0]  }
0x592: {  	v25 =	vsub.f32 v62, v44;
	v2 =	vmul.f32 v2, v2;
	v6 =	vld [tilespmem:s8+$0x30];
	v3 =	vadd.f32 v3, v4  }
0x593: {  	v61 =	vadd.f32 v53, v52;
	v10 =	vsub.f32 v39, v10;
	v4 =	vld [tilespmem:s26+$0xFFFFFF40]  }
0x594: {  	v40 =	vld [tilespmem:s25+$0xFFFFFFC0];
	v1 =	vmul.f32 v1, v1;
	v9 =	vadd.f32 v9, v46;
	v2 =	vadd.f32 v2, v3  }
0x595: {  	v8 =	vadd.f32 v11, v8;
	v12 =	vsub.f32 v51, v12;
	v5 =	vld [tilespmem:s25+$0xFFFFFF30]  }
0x596: {  	v0 =	vmul.f32 v0, v0;
	v9 =	vsub.f32 v9, v54;
	v3 =	vld [tilespmem:s8+$0xFFFFFFC0];
	v1 =	vadd.f32 v1, v2  }
0x597: {  	v7 =	vadd.f32 v7, v13;
	v6 =	vadd.f32 v15, v6;
	v2 =	vld [tilespmem:s25+$0x30]  }
0x598: {  	v56 =	vld [tilespmem:s25+$0x50];
	v19 =	vmul.f32 v19, v19;
	v4 =	vadd.f32 v4, v16;
	v23 =	vadd.f32 v0, v1  }
0x599: {  	v22 =	vmul.f32 v22, v22;
	v0 =	vld [tilespmem:s26+$0x40];
	v1 =	vsub.f32 v57, v36;
	v36 =	vadd.f32 v34, v33  }
0x59a: {  	v59 =	vld [tilespmem:s8+$0xFFFFFF70];
	v25 =	vmul.f32 v25, v25;
	v7 =	vsub.f32 v7, v55;
	v5 =	vsub.f32 v8, v5  }
0x59b: {  	v62 =	vld [tilespmem:s26+$0xFFFFFFF0];
	v4 =	vsub.f32 v4, v60;
	v1 =	vmul.f32 v1, v1;
	v27 =	vsub.f32 v36, v45  }
0x59c: {  	v10 =	vmul.f32 v10, v10;
	v55 =	vld [tilespmem:s8+$0xFFFFFFE0];
	v3 =	vadd.f32 v18, v3;
	v2 =	vsub.f32 v6, v2  }
0x59d: {  	v6 =	vld [tilespmem:s26+$0xFFFFFFE0];
	v1 =	vadd.f32 v19, v1;
	v19 =	vmul.f32 v47, v47;
	v27 =	vmul.f32 v27, v27  }
0x59e: {  	v11 =	vld [tilespmem:s25+$0xFFFFFF50];
	v12 =	vmul.f32 v12, v12;
	v3 =	vsub.f32 v3, v40;
	v0 =	vadd.f32 v0, v58  }
0x59f: {  	v54 =	vld [tilespmem:s26+$0xFFFFFF60];
	v9 =	vmul.f32 v9, v9;
	v19 =	vadd.f32 v19, v22;
	v25 =	vadd.f32 v27, v25  }
0x5a0: {  	v8 =	vld [tilespmem:s25+$0xFFFFFFD0];
	v5 =	vmul.f32 v5, v5;
	v1 =	vadd.f32 v10, v1;
	v0 =	vsub.f32 v0, v50  }
0x5a1: {  	v2 =	vmul.f32 v2, v2;
	v10 =	vld [tilespmem:s8+$0xFFFFFF60];
	v12 =	vadd.f32 v12, v19;
	v9 =	vadd.f32 v9, v25  }
0x5a2: {  	v57 =	vld [tilespmem:s26+$0x60];
	v4 =	vmul.f32 v4, v4;
	v1 =	vadd.f32 v5, v1;
	v6 =	vadd.f32 v6, v55  }
0x5a3: {  	v7 =	vmul.f32 v7, v7;
	v58 =	vld [tilespmem:s25+$0xFFFFFF60];
	v2 =	vadd.f32 v2, v9;
	v9 =	vadd.f32 v37, v63  }
0x5a4: {  	v60 =	vld [tilespmem:s26+$0xFFFFFF70];
	v1 =	vadd.f32 v4, v1;
	v4 =	vadd.f32 v49, v48  }
0x5a5: {  	v3 =	vmul.f32 v3, v3;
	v7 =	vadd.f32 v7, v12;
	v9 =	vsub.f32 v9, v11;
	v11 =	vld [tilespmem:s25+$0xFFFFFFE0]  }
0x5a6: {  	v5 =	vld [tilespmem:s8+$0x60];
	v0 =	vmul.f32 v0, v0;
	v10 =	vadd.f32 v54, v10;
	v4 =	vsub.f32 v4, v8  }
0x5a7: {  	v63 =	vld [tilespmem:s25+$0x60];
	v7 =	vadd.f32 v3, v7;
	v3 =	vmul.f32 v9, v9;
	v9 =	vsub.f32 v61, v56  }
0x5a8: {  	v8 =	vld [tilespmem:s8+$0xFFFFFFF0];
	v2 =	vadd.f32 v0, v2;
	v0 =	vmul.f32 v4, v4;
	v4 =	vsub.f32 v10, v58  }
0x5a9: {  	v10 =	vadd.f32 v3, v1;
	v1 =	vmul.f32 v9, v9;
	v3 =	vld [tilespmem:s8+$0x70]  }
0x5aa: {  	s10 =	simm.s32 $0x0;
	v0 =	vadd.f32 v0, v7;
	v7 =	vmul.f32 v4, v4;
	v4 =	vld [tilespmem:s26+$0x70];
	v9 =	vsub.f32 v6, v11  }
0x5ab: {  	s28 =	simm.s32 $0x1830;
	s2 =	simm.s32 $0x0;
	s5 =	sand.u32 $0x3C0, s10;
	v12 =	vadd.f32 v57, v5;
	v5 =	vadd.f32 v60, v59;
	v6 =	vld [tilespmem:s25+$0xFFFFFF70]  }
0x5ac: {  	s11 =	simm.s32 $0x1820;
	s6 =	simm.s32 $0x1810;
	s7 =	sand.u32 $0x1BF0, s28;
	v1 =	vadd.f32 v1, v2;
	v2 =	vadd.f32 v7, v10;
	v7 =	vld [tilespmem:s25+$0xFFFFFFF0];
	v10 =	vmul.f32 v9, v9  }
0x5ad: {  	s11 =	sand.u32 $0x1BE0, s11;
	s1 =	simm.s32 $0x900;
	s10 =	sand.u32 $0x1BD0, s6;
	[tilespmem:s7+$0xC600] =	vst v23;
	v11 =	vsub.f32 v12, v63;
	v9 =	vadd.f32 v62, v8;
	v8 =	vld [tilespmem:s25+$0x70]  }
.LBB2_14:
0x5ae: {  	v12 =	vld [tilespmem:s1+$0xF0];
	v0 =	vadd.f32 v10, v0  }
0x5af: {  	v10 =	vld [tilespmem:s1+$0xE0];
	v11 =	vmul.f32 v11, v11;
	v3 =	vadd.f32 v4, v3  }
0x5b0: {  	v4 =	vld [tilespmem:s1+$0xD0];
	v5 =	vsub.f32 v5, v6  }
0x5b1: {  	v6 =	vld [tilespmem:s1+$0xC0];
	v7 =	vsub.f32 v9, v7;
	v1 =	vadd.f32 v11, v1  }
0x5b2: {  	s25 =	sadd.s32 $0x200, s25;
	v9 =	vld [tilespmem:s1+$0xB0];
	v5 =	vmul.f32 v5, v5;
	v3 =	vsub.f32 v3, v8  }
0x5b3: {  	v8 =	vld [tilespmem:s25+$0x80];
	v7 =	vmul.f32 v7, v7  }
0x5b4: {  	v11 =	vld [tilespmem:s1+$0xA0];
	v2 =	vadd.f32 v5, v2;
	v3 =	vmul.f32 v3, v3  }
0x5b5: {  	s26 =	sadd.s32 $0x200, s26;
	v5 =	vld [tilespmem:s1+$0x80];
	v0 =	vadd.f32 v7, v0  }
0x5b6: {  	v7 =	vld [tilespmem:s26+$0x80];
	[tilespmem:s5+$0xDE00] =	vst v2;
	v1 =	vadd.f32 v3, v1  }
0x5b7: {  	v2 =	vld [tilespmem:s1+$0x90];
	[tilespmem:s10+$0xC600] =	vst v0  }
0x5b8: {  	s2 =	sadd.s32 $0x4, s2;
	v0 =	vld [tilespmem:s26+$0x90];
	[tilespmem:s11+$0xC600] =	vst v1  }
0x5b9: {  	p1 =	slt.u32 s2, $0x3C;
	v1 =	vld [tilespmem:s26+$0xA0]  }
0x5ba: {  	v3 =	vld [tilespmem:s25+$0x90]  }
0x5bb: {  	v13 =	vld [tilespmem:s26+$0xB0]  }
0x5bc: {  	v14 =	vld [tilespmem:s25+$0xA0]  }
0x5bd: {  	v5 =	vadd.f32 v7, v5;
	v0 =	vadd.f32 v0, v2;
	v2 =	vld [tilespmem:s26+$0xC0]  }
0x5be: {  	v1 =	vadd.f32 v1, v11;
	v7 =	vld [tilespmem:s25+$0xB0]  }
0x5bf: {  	v5 =	vsub.f32 v5, v8;
	v0 =	vsub.f32 v0, v3;
	v3 =	vld [tilespmem:s26+$0xD0]  }
0x5c0: {  	v8 =	vadd.f32 v13, v9;
	v9 =	vld [tilespmem:s25+$0xC0]  }
0x5c1: {  	v5 =	vmul.f32 v5, v5;
	v0 =	vmul.f32 v0, v0;
	v1 =	vsub.f32 v1, v14;
	v11 =	vld [tilespmem:s26+$0xE0]  }
0x5c2: {  	v2 =	vadd.f32 v2, v6;
	v6 =	vld [tilespmem:s25+$0xD0]  }
0x5c3: {  	v0 =	vadd.f32 v0, v5;
	v1 =	vmul.f32 v1, v1;
	v5 =	vsub.f32 v8, v7;
	v7 =	vld [tilespmem:s26+$0xF0]  }
0x5c4: {  	v3 =	vadd.f32 v3, v4;
	v4 =	vld [tilespmem:s25+$0xE0]  }
0x5c5: {  	v8 =	vld [tilespmem:s26+$0xFFFFFF00];
	v0 =	vadd.f32 v1, v0;
	v1 =	vmul.f32 v5, v5;
	v2 =	vsub.f32 v2, v9  }
0x5c6: {  	v5 =	vadd.f32 v11, v10;
	v9 =	vld [tilespmem:s25+$0xF0]  }
0x5c7: {  	v10 =	vld [tilespmem:s1+$0xFFFFFF10];
	v0 =	vadd.f32 v1, v0;
	v1 =	vmul.f32 v2, v2;
	v2 =	vsub.f32 v3, v6  }
0x5c8: {  	v3 =	vld [tilespmem:s26+$0xFFFFFF10];
	v6 =	vadd.f32 v7, v12  }
0x5c9: {  	v7 =	vld [tilespmem:s1+$0xFFFFFF80];
	v0 =	vadd.f32 v1, v0;
	v1 =	vmul.f32 v2, v2;
	v2 =	vsub.f32 v5, v4  }
0x5ca: {  	v4 =	vld [tilespmem:s26+$0xFFFFFF80]  }
0x5cb: {  	v5 =	vld [tilespmem:s1+$0xFFFFFF90];
	v0 =	vadd.f32 v1, v0;
	v1 =	vmul.f32 v2, v2;
	v2 =	vsub.f32 v6, v9  }
0x5cc: {  	v6 =	vld [tilespmem:s26+$0xFFFFFF90]  }
0x5cd: {  	v3 =	vadd.f32 v3, v10;
	v9 =	vld [tilespmem:s1+$0x0];
	v0 =	vadd.f32 v1, v0;
	v1 =	vmul.f32 v2, v2  }
0x5ce: {  	v2 =	vld [tilespmem:s26+$0x0]  }
0x5cf: {  	s28 =	sadd.s32 $0x40, s28;
	v4 =	vadd.f32 v4, v7;
	v7 =	vld [tilespmem:s1+$0x10];
	v0 =	vadd.f32 v1, v0  }
0x5d0: {  	s6 =	sadd.s32 $0xFFFFFFE0, s28;
	s7 =	sand.u32 $0x1BF0, s28;
	s5 =	sadd.s32 $0xFFFFE7D0, s28;
	v1 =	vld [tilespmem:s26+$0x10]  }
0x5d1: {  	s5 =	sand.u32 $0x3C0, s5;
	s10 =	sand.u32 $0x1BD0, s6;
	s6 =	sadd.s32 $0xFFFFFFF0, s28;
	v10 =	vld [tilespmem:s1+$0xFFFFFF00];
	v5 =	vadd.f32 v6, v5;
	[tilespmem:s7+$0xC600] =	vst v0  }
0x5d2: {  	s11 =	sand.u32 $0x1BE0, s6;
	v0 =	vld [tilespmem:s25+$0xFFFFFF00]  }
0x5d3: {  	v6 =	vld [tilespmem:s25+$0xFFFFFF10];
	v2 =	vadd.f32 v2, v9  }
0x5d4: {  	v9 =	vld [tilespmem:s1+$0xFFFFFF20]  }
0x5d5: {  	v11 =	vld [tilespmem:s26+$0xFFFFFF20];
	v1 =	vadd.f32 v1, v7  }
0x5d6: {  	v7 =	vadd.f32 v8, v10;
	v8 =	vld [tilespmem:s25+$0xFFFFFF80]  }
0x5d7: {  	v10 =	vld [tilespmem:s25+$0xFFFFFF90]  }
0x5d8: {  	v0 =	vsub.f32 v7, v0;
	v3 =	vsub.f32 v3, v6;
	v6 =	vld [tilespmem:s1+$0xFFFFFFA0]  }
0x5d9: {  	v7 =	vld [tilespmem:s26+$0xFFFFFFA0]  }
0x5da: {  	v0 =	vmul.f32 v0, v0;
	v3 =	vmul.f32 v3, v3;
	v9 =	vadd.f32 v11, v9;
	v11 =	vld [tilespmem:s25+$0x0]  }
0x5db: {  	v4 =	vsub.f32 v4, v8;
	v8 =	vld [tilespmem:s25+$0x10]  }
0x5dc: {  	v0 =	vadd.f32 v3, v0;
	v3 =	vsub.f32 v5, v10;
	v5 =	vld [tilespmem:s1+$0x20]  }
0x5dd: {  	v4 =	vmul.f32 v4, v4;
	v10 =	vld [tilespmem:s26+$0x20]  }
0x5de: {  	v12 =	vld [tilespmem:s25+$0xFFFFFF20];
	v3 =	vmul.f32 v3, v3;
	v6 =	vadd.f32 v7, v6  }
0x5df: {  	v7 =	vld [tilespmem:s1+$0xFFFFFF30];
	v2 =	vsub.f32 v2, v11  }
0x5e0: {  	v11 =	vld [tilespmem:s26+$0xFFFFFF30];
	v3 =	vadd.f32 v3, v4;
	v1 =	vsub.f32 v1, v8  }
0x5e1: {  	v4 =	vld [tilespmem:s25+$0xFFFFFFA0];
	v2 =	vmul.f32 v2, v2  }
0x5e2: {  	v8 =	vld [tilespmem:s1+$0xFFFFFFB0];
	v1 =	vmul.f32 v1, v1;
	v5 =	vadd.f32 v10, v5  }
0x5e3: {  	v9 =	vsub.f32 v9, v12;
	v10 =	vld [tilespmem:s26+$0xFFFFFFB0]  }
0x5e4: {  	v1 =	vadd.f32 v1, v2;
	v2 =	vld [tilespmem:s25+$0x20]  }
0x5e5: {  	v9 =	vmul.f32 v9, v9;
	v7 =	vadd.f32 v11, v7;
	v11 =	vld [tilespmem:s1+$0x30]  }
0x5e6: {  	v4 =	vsub.f32 v6, v4;
	v6 =	vld [tilespmem:s26+$0x30]  }
0x5e7: {  	v0 =	vadd.f32 v9, v0;
	v9 =	vld [tilespmem:s25+$0xFFFFFF30]  }
0x5e8: {  	v12 =	vld [tilespmem:s1+$0xFFFFFF40];
	v4 =	vmul.f32 v4, v4;
	v8 =	vadd.f32 v10, v8  }
0x5e9: {  	v10 =	vld [tilespmem:s26+$0xFFFFFF40];
	v2 =	vsub.f32 v5, v2  }
0x5ea: {  	v3 =	vadd.f32 v4, v3;
	v4 =	vld [tilespmem:s25+$0xFFFFFFB0]  }
0x5eb: {  	v5 =	vld [tilespmem:s1+$0xFFFFFFC0];
	v2 =	vmul.f32 v2, v2;
	v6 =	vadd.f32 v6, v11  }
0x5ec: {  	v7 =	vsub.f32 v7, v9;
	v9 =	vld [tilespmem:s26+$0xFFFFFFC0]  }
0x5ed: {  	v1 =	vadd.f32 v2, v1;
	v2 =	vld [tilespmem:s25+$0x30]  }
0x5ee: {  	v7 =	vmul.f32 v7, v7;
	v10 =	vadd.f32 v10, v12;
	v11 =	vld [tilespmem:s1+$0x40]  }
0x5ef: {  	v4 =	vsub.f32 v8, v4;
	v8 =	vld [tilespmem:s26+$0x40]  }
0x5f0: {  	v0 =	vadd.f32 v7, v0;
	v7 =	vld [tilespmem:s25+$0xFFFFFF40]  }
0x5f1: {  	v12 =	vld [tilespmem:s1+$0xFFFFFF50];
	v4 =	vmul.f32 v4, v4;
	v5 =	vadd.f32 v9, v5  }
0x5f2: {  	v9 =	vld [tilespmem:s26+$0xFFFFFF50];
	v2 =	vsub.f32 v6, v2  }
0x5f3: {  	v3 =	vadd.f32 v4, v3;
	v4 =	vld [tilespmem:s25+$0xFFFFFFC0]  }
0x5f4: {  	v6 =	vld [tilespmem:s1+$0xFFFFFFD0];
	v2 =	vmul.f32 v2, v2;
	v8 =	vadd.f32 v8, v11  }
0x5f5: {  	v7 =	vsub.f32 v10, v7;
	v10 =	vld [tilespmem:s26+$0xFFFFFFD0]  }
0x5f6: {  	v1 =	vadd.f32 v2, v1;
	v2 =	vld [tilespmem:s25+$0x40]  }
0x5f7: {  	v7 =	vmul.f32 v7, v7;
	v9 =	vadd.f32 v9, v12;
	v11 =	vld [tilespmem:s1+$0x50]  }
0x5f8: {  	v4 =	vsub.f32 v5, v4;
	v5 =	vld [tilespmem:s26+$0x50]  }
0x5f9: {  	v0 =	vadd.f32 v7, v0;
	v7 =	vld [tilespmem:s25+$0xFFFFFF50]  }
0x5fa: {  	v12 =	vld [tilespmem:s1+$0xFFFFFF60];
	v4 =	vmul.f32 v4, v4;
	v6 =	vadd.f32 v10, v6  }
0x5fb: {  	v10 =	vld [tilespmem:s26+$0xFFFFFF60];
	v2 =	vsub.f32 v8, v2  }
0x5fc: {  	v3 =	vadd.f32 v4, v3;
	v4 =	vld [tilespmem:s25+$0xFFFFFFD0]  }
0x5fd: {  	v8 =	vld [tilespmem:s1+$0xFFFFFFE0];
	v2 =	vmul.f32 v2, v2;
	v5 =	vadd.f32 v5, v11  }
0x5fe: {  	v7 =	vsub.f32 v9, v7;
	v9 =	vld [tilespmem:s26+$0xFFFFFFE0]  }
0x5ff: {  	v1 =	vadd.f32 v2, v1;
	v2 =	vld [tilespmem:s25+$0x50]  }
0x600: {  	v7 =	vmul.f32 v7, v7;
	v10 =	vadd.f32 v10, v12;
	v11 =	vld [tilespmem:s1+$0x60]  }
0x601: {  	v4 =	vsub.f32 v6, v4;
	v6 =	vld [tilespmem:s26+$0x60]  }
0x602: {  	v7 =	vadd.f32 v7, v0;
	v12 =	vld [tilespmem:s25+$0xFFFFFF60]  }
0x603: {  	v13 =	vld [tilespmem:s1+$0xFFFFFF70];
	v0 =	vmul.f32 v4, v4;
	v4 =	vadd.f32 v9, v8  }
0x604: {  	v8 =	vld [tilespmem:s26+$0xFFFFFF70];
	v2 =	vsub.f32 v5, v2  }
0x605: {  	v0 =	vadd.f32 v0, v3;
	v9 =	vld [tilespmem:s25+$0xFFFFFFE0]  }
0x606: {  	v14 =	vld [tilespmem:s1+$0xFFFFFFF0];
	v2 =	vmul.f32 v2, v2;
	v11 =	vadd.f32 v6, v11  }
0x607: {  	v3 =	vsub.f32 v10, v12;
	v12 =	vld [tilespmem:s26+$0xFFFFFFF0]  }
0x608: {  	v1 =	vadd.f32 v2, v1;
	v15 =	vld [tilespmem:s25+$0x60]  }
.Ltmp6:
0x609: {  	v2 =	vmul.f32 v3, v3;
	v5 =	vadd.f32 v8, v13;
	v3 =	vld [tilespmem:s1+$0x70];
	(pc) =	sbr.rel @p1 .LBB2_14-.Ltmp6, $4  }
0x60a: {  	v8 =	vsub.f32 v4, v9;
	v4 =	vld [tilespmem:s26+$0x70]  }
0x60b: {  	v2 =	vadd.f32 v2, v7;
	v6 =	vld [tilespmem:s25+$0xFFFFFF70]  }
0x60c: {  	v10 =	vmul.f32 v8, v8;
	v9 =	vadd.f32 v12, v14;
	v7 =	vld [tilespmem:s25+$0xFFFFFFF0]  }
0x60d: {  	s1 =	sadd.s32 $0x200, s1;
	v11 =	vsub.f32 v11, v15;
	v8 =	vld [tilespmem:s25+$0x70]  }
0x60e: {  	_ =	sdelay $0x1  }
0x60f: {  	v3 =	vadd.f32 v4, v3;
	v4 =	vsub.f32 v5, v6  }
0x610: {  	v5 =	vsub.f32 v9, v7  }
0x611: {  	v6 =	vmul.f32 v11, v11;
	v4 =	vmul.f32 v4, v4;
	v3 =	vsub.f32 v3, v8  }
0x612: {  	v0 =	vadd.f32 v10, v0;
	v5 =	vmul.f32 v5, v5  }
0x613: {  	v1 =	vadd.f32 v6, v1;
	v2 =	vadd.f32 v4, v2;
	v3 =	vmul.f32 v3, v3  }
0x614: {  	v0 =	vadd.f32 v5, v0  }
0x615: {  	[tilespmem:s5+$0xDE00] =	vst v2;
	v1 =	vadd.f32 v3, v1  }
0x616: {  	[tilespmem:s10+$0xC600] =	vst v0  }
0x617: {  	[tilespmem:s11+$0xC600] =	vst v1  }
0x618: {  	_ =	swait.ge [sflag:s29], $0x2000  }
0x619: {  	[sflag:s29] =	ssyncset.done $0x0  }
0x61a: {  	[sflag:s29] =	ssyncadd.s32 $0xFFFFE000  }
0x61b: {  	_ =	swait.ge [sflag:s30], $0x2000  }
0x61c: {  	[sflag:s30] =	ssyncset.done $0x0  }
0x61d: {  	[sflag:s30] =	ssyncadd.s32 $0xFFFFE000  }
0x61e: {  	_ =	swait.ge [sflag:s31], $0x2000  }
0x61f: {  	[sflag:s31] =	ssyncset.done $0x0  }
0x620: {  	s1 =	simm.s32 $0x27F0;
	[sflag:s31] =	ssyncadd.s32 $0xFFFFE000  }
0x621: {  	v0 =	vld [tilespmem:s1+$0x0]  }
0x622: {  	v1 =	vld [tilespmem:s1+$0xFFFFFFF0]  }
0x623: {  	v2 =	vld [tilespmem:s1+$0xFFFFFFE0]  }
0x624: {  	v3 =	vld [tilespmem:s1+$0xFFFFFFD0]  }
0x625: {  	s25 =	simm.s32 $0xA7F0;
	v4 =	vld [tilespmem:s1+$0xFFFFFFC0]  }
0x626: {  	v5 =	vld [tilespmem:s25+$0xFFFFFF90]  }
0x627: {  	v6 =	vld [tilespmem:s1+$0xFFFFFFB0]  }
0x628: {  	s26 =	simm.s32 $0x67F0;
	v7 =	vld [tilespmem:s1+$0xFFFFFF90]  }
0x629: {  	v8 =	vld [tilespmem:s26+$0xFFFFFF90]  }
0x62a: {  	v9 =	vld [tilespmem:s1+$0xFFFFFFA0]  }
0x62b: {  	v10 =	vld [tilespmem:s26+$0xFFFFFFA0]  }
0x62c: {  	v11 =	vld [tilespmem:s26+$0xFFFFFFB0]  }
0x62d: {  	v12 =	vld [tilespmem:s25+$0xFFFFFFA0]  }
0x62e: {  	v13 =	vld [tilespmem:s26+$0xFFFFFFC0]  }
0x62f: {  	v14 =	vld [tilespmem:s25+$0xFFFFFFB0]  }
0x630: {  	v15 =	vld [tilespmem:s26+$0xFFFFFFD0]  }
0x631: {  	v16 =	vld [tilespmem:s25+$0xFFFFFFC0]  }
0x632: {  	v17 =	vld [tilespmem:s26+$0xFFFFFFE0]  }
0x633: {  	v18 =	vld [tilespmem:s25+$0xFFFFFFD0]  }
0x634: {  	v19 =	vld [tilespmem:s26+$0xFFFFFFF0]  }
0x635: {  	v20 =	vld [tilespmem:s25+$0xFFFFFFE0]  }
0x636: {  	v21 =	vld [tilespmem:s26+$0x0]  }
0x637: {  	v22 =	vld [tilespmem:s25+$0xFFFFFFF0]  }
0x638: {  	v23 =	vld [tilespmem:s26+$0xFFFFFE10]  }
0x639: {  	v24 =	vld [tilespmem:s25+$0x0]  }
0x63a: {  	v25 =	vld [tilespmem:s1+$0xFFFFFE20]  }
0x63b: {  	v26 =	vld [tilespmem:s26+$0xFFFFFE20]  }
0x63c: {  	v27 =	vld [tilespmem:s1+$0xFFFFFE90]  }
0x63d: {  	v28 =	vld [tilespmem:s26+$0xFFFFFE90]  }
0x63e: {  	v29 =	vld [tilespmem:s1+$0xFFFFFEA0]  }
0x63f: {  	v30 =	vld [tilespmem:s26+$0xFFFFFEA0]  }
0x640: {  	v31 =	vld [tilespmem:s1+$0xFFFFFF10]  }
0x641: {  	v32 =	vld [tilespmem:s26+$0xFFFFFF10]  }
0x642: {  	v33 =	vld [tilespmem:s1+$0xFFFFFF20]  }
0x643: {  	v34 =	vld [tilespmem:s26+$0xFFFFFF20]  }
0x644: {  	v35 =	vld [tilespmem:s1+$0xFFFFFE10]  }
0x645: {  	v36 =	vld [tilespmem:s25+$0xFFFFFE10]  }
0x646: {  	v37 =	vld [tilespmem:s25+$0xFFFFFE20]  }
0x647: {  	v38 =	vld [tilespmem:s1+$0xFFFFFE30]  }
0x648: {  	v39 =	vld [tilespmem:s26+$0xFFFFFE30]  }
0x649: {  	v40 =	vld [tilespmem:s25+$0xFFFFFE90]  }
0x64a: {  	v41 =	vld [tilespmem:s25+$0xFFFFFEA0]  }
0x64b: {  	v42 =	vld [tilespmem:s1+$0xFFFFFEB0]  }
0x64c: {  	v43 =	vld [tilespmem:s26+$0xFFFFFEB0]  }
0x64d: {  	v44 =	vld [tilespmem:s25+$0xFFFFFF10]  }
0x64e: {  	v45 =	vld [tilespmem:s25+$0xFFFFFF20]  }
0x64f: {  	v46 =	vld [tilespmem:s1+$0xFFFFFF30]  }
0x650: {  	v54 =	vld [tilespmem:s25+$0xFFFFFF30]  }
0x651: {  	v55 =	vld [tilespmem:s25+$0xFFFFFEC0]  }
0x652: {  	v58 =	vld [tilespmem:s1+$0xFFFFFF50]  }
0x653: {  	v60 =	vld [tilespmem:s25+$0xFFFFFE50]  }
0x654: {  	v63 =	vld [tilespmem:s1+$0xFFFFFE60]  }
0x655: {  	v48 =	vld [tilespmem:s1+$0xFFFFFEE0]  }
0x656: {  	v49 =	vld [tilespmem:s26+$0xFFFFFEE0];
	v7 =	vadd.f32 v8, v7;
	v8 =	vadd.f32 v10, v9  }
0x657: {  	v50 =	vld [tilespmem:s25+$0xFFFFFF50];
	v6 =	vadd.f32 v11, v6;
	v4 =	vadd.f32 v13, v4  }
0x658: {  	v52 =	vld [tilespmem:s1+$0xFFFFFF60];
	v3 =	vadd.f32 v15, v3;
	v2 =	vadd.f32 v17, v2  }
0x659: {  	v53 =	vld [tilespmem:s26+$0xFFFFFF60];
	v1 =	vadd.f32 v19, v1;
	v0 =	vadd.f32 v21, v0  }
0x65a: {  	v9 =	vld [tilespmem:s26+$0xFFFFFF30];
	v56 =	vadd.f32 v26, v25;
	v57 =	vadd.f32 v23, v35  }
0x65b: {  	v10 =	vld [tilespmem:s25+$0xFFFFFE30];
	v5 =	vsub.f32 v7, v5;
	v7 =	vsub.f32 v8, v12  }
0x65c: {  	v11 =	vld [tilespmem:s26+$0xFFFFFE40];
	v59 =	vadd.f32 v28, v27;
	v61 =	vadd.f32 v30, v29  }
0x65d: {  	v13 =	vld [tilespmem:s1+$0xFFFFFEC0];
	v6 =	vsub.f32 v6, v14;
	v5 =	vmul.f32 v5, v5;
	v7 =	vmul.f32 v7, v7  }
0x65e: {  	v15 =	vld [tilespmem:s26+$0xFFFFFF40];
	v62 =	vadd.f32 v32, v31;
	v39 =	vadd.f32 v39, v38  }
0x65f: {  	v8 =	vld [tilespmem:s1+$0xFFFFFE40];
	v4 =	vsub.f32 v4, v16;
	v6 =	vmul.f32 v6, v6;
	v5 =	vadd.f32 v7, v5  }
0x660: {  	v51 =	vadd.f32 v43, v42;
	v12 =	vld [tilespmem:s25+$0xFFFFFEB0];
	v3 =	vsub.f32 v3, v18  }
0x661: {  	v2 =	vsub.f32 v2, v20;
	v16 =	vld [tilespmem:s1+$0xFFFFFE50];
	v4 =	vmul.f32 v4, v4;
	v5 =	vadd.f32 v6, v5  }
0x662: {  	v1 =	vsub.f32 v1, v22;
	v0 =	vsub.f32 v0, v24;
	v18 =	vld [tilespmem:s26+$0xFFFFFED0]  }
0x663: {  	v19 =	vsub.f32 v56, v37;
	v37 =	vld [tilespmem:s26+$0xFFFFFE60];
	v3 =	vmul.f32 v3, v3;
	v4 =	vadd.f32 v4, v5  }
0x664: {  	v22 =	vsub.f32 v59, v40;
	v47 =	vsub.f32 v61, v41;
	v7 =	vld [tilespmem:s26+$0xFFFFFEC0]  }
0x665: {  	v25 =	vsub.f32 v62, v44;
	v2 =	vmul.f32 v2, v2;
	v6 =	vld [tilespmem:s1+$0xFFFFFF40];
	v3 =	vadd.f32 v3, v4  }
0x666: {  	v61 =	vadd.f32 v53, v52;
	v10 =	vsub.f32 v39, v10;
	v4 =	vld [tilespmem:s26+$0xFFFFFE50]  }
0x667: {  	v40 =	vld [tilespmem:s25+$0xFFFFFED0];
	v1 =	vmul.f32 v1, v1;
	v9 =	vadd.f32 v9, v46;
	v2 =	vadd.f32 v2, v3  }
0x668: {  	v8 =	vadd.f32 v11, v8;
	v12 =	vsub.f32 v51, v12;
	v5 =	vld [tilespmem:s25+$0xFFFFFE40]  }
0x669: {  	v0 =	vmul.f32 v0, v0;
	v9 =	vsub.f32 v9, v54;
	v3 =	vld [tilespmem:s1+$0xFFFFFED0];
	v1 =	vadd.f32 v1, v2  }
0x66a: {  	v7 =	vadd.f32 v7, v13;
	v6 =	vadd.f32 v15, v6;
	v2 =	vld [tilespmem:s25+$0xFFFFFF40]  }
0x66b: {  	v56 =	vld [tilespmem:s25+$0xFFFFFF60];
	v19 =	vmul.f32 v19, v19;
	v4 =	vadd.f32 v4, v16;
	v23 =	vadd.f32 v0, v1  }
0x66c: {  	v22 =	vmul.f32 v22, v22;
	v0 =	vld [tilespmem:s26+$0xFFFFFF50];
	v1 =	vsub.f32 v57, v36;
	v36 =	vadd.f32 v34, v33  }
0x66d: {  	v59 =	vld [tilespmem:s1+$0xFFFFFE80];
	v25 =	vmul.f32 v25, v25;
	v7 =	vsub.f32 v7, v55;
	v5 =	vsub.f32 v8, v5  }
0x66e: {  	v62 =	vld [tilespmem:s26+$0xFFFFFF00];
	v4 =	vsub.f32 v4, v60;
	v1 =	vmul.f32 v1, v1;
	v27 =	vsub.f32 v36, v45  }
0x66f: {  	v10 =	vmul.f32 v10, v10;
	v55 =	vld [tilespmem:s1+$0xFFFFFEF0];
	v3 =	vadd.f32 v18, v3;
	v2 =	vsub.f32 v6, v2  }
0x670: {  	v6 =	vld [tilespmem:s26+$0xFFFFFEF0];
	v1 =	vadd.f32 v19, v1;
	v19 =	vmul.f32 v47, v47;
	v27 =	vmul.f32 v27, v27  }
0x671: {  	v11 =	vld [tilespmem:s25+$0xFFFFFE60];
	v12 =	vmul.f32 v12, v12;
	v3 =	vsub.f32 v3, v40;
	v0 =	vadd.f32 v0, v58  }
0x672: {  	v54 =	vld [tilespmem:s26+$0xFFFFFE70];
	v9 =	vmul.f32 v9, v9;
	v19 =	vadd.f32 v19, v22;
	v25 =	vadd.f32 v27, v25  }
0x673: {  	v8 =	vld [tilespmem:s25+$0xFFFFFEE0];
	v5 =	vmul.f32 v5, v5;
	v1 =	vadd.f32 v10, v1;
	v0 =	vsub.f32 v0, v50  }
0x674: {  	v2 =	vmul.f32 v2, v2;
	v10 =	vld [tilespmem:s1+$0xFFFFFE70];
	v12 =	vadd.f32 v12, v19;
	v9 =	vadd.f32 v9, v25  }
0x675: {  	v57 =	vld [tilespmem:s26+$0xFFFFFF70];
	v4 =	vmul.f32 v4, v4;
	v1 =	vadd.f32 v5, v1;
	v6 =	vadd.f32 v6, v55  }
0x676: {  	v7 =	vmul.f32 v7, v7;
	v58 =	vld [tilespmem:s25+$0xFFFFFE70];
	v2 =	vadd.f32 v2, v9;
	v9 =	vadd.f32 v37, v63  }
0x677: {  	v60 =	vld [tilespmem:s26+$0xFFFFFE80];
	v1 =	vadd.f32 v4, v1;
	v4 =	vadd.f32 v49, v48  }
0x678: {  	v3 =	vmul.f32 v3, v3;
	v7 =	vadd.f32 v7, v12;
	v9 =	vsub.f32 v9, v11;
	v11 =	vld [tilespmem:s25+$0xFFFFFEF0]  }
0x679: {  	v5 =	vld [tilespmem:s1+$0xFFFFFF70];
	v0 =	vmul.f32 v0, v0;
	v10 =	vadd.f32 v54, v10;
	v4 =	vsub.f32 v4, v8  }
0x67a: {  	v63 =	vld [tilespmem:s25+$0xFFFFFF70];
	v7 =	vadd.f32 v3, v7;
	v3 =	vmul.f32 v9, v9;
	v9 =	vsub.f32 v61, v56  }
0x67b: {  	v8 =	vld [tilespmem:s1+$0xFFFFFF00];
	v2 =	vadd.f32 v0, v2;
	v0 =	vmul.f32 v4, v4;
	v4 =	vsub.f32 v10, v58  }
0x67c: {  	v10 =	vadd.f32 v3, v1;
	v1 =	vmul.f32 v9, v9;
	v3 =	vld [tilespmem:s1+$0xFFFFFF80]  }
0x67d: {  	s28 =	simm.s32 $0x1C30;
	v0 =	vadd.f32 v0, v7;
	v7 =	vmul.f32 v4, v4;
	v4 =	vld [tilespmem:s26+$0xFFFFFF80];
	v9 =	vsub.f32 v6, v11  }
0x67e: {  	s2 =	simm.s32 $0x0;
	s6 =	simm.s32 $0x1C10;
	s10 =	simm.s32 $0x0;
	v12 =	vadd.f32 v57, v5;
	v5 =	vadd.f32 v60, v59;
	v6 =	vld [tilespmem:s25+$0xFFFFFE80]  }
0x67f: {  	s7 =	sand.u32 $0x1FF0, s28;
	s5 =	sand.u32 $0x3C0, s10;
	s11 =	simm.s32 $0x1C20;
	v1 =	vadd.f32 v1, v2;
	v2 =	vadd.f32 v7, v10;
	v7 =	vld [tilespmem:s25+$0xFFFFFF00];
	v10 =	vmul.f32 v9, v9  }
0x680: {  	s10 =	sand.u32 $0x1FD0, s6;
	s11 =	sand.u32 $0x1FE0, s11;
	[tilespmem:s7+$0xC600] =	vst v23;
	s1 =	simm.s32 $0x29F0;
	v11 =	vsub.f32 v12, v63;
	v9 =	vadd.f32 v62, v8;
	v8 =	vld [tilespmem:s25+$0xFFFFFF80]  }
.LBB2_16:
0x681: {  	v12 =	vld [tilespmem:s1+$0x0];
	v0 =	vadd.f32 v10, v0  }
0x682: {  	v10 =	vld [tilespmem:s1+$0xFFFFFFF0];
	v11 =	vmul.f32 v11, v11;
	v3 =	vadd.f32 v4, v3  }
0x683: {  	v4 =	vld [tilespmem:s1+$0xFFFFFFE0];
	v5 =	vsub.f32 v5, v6  }
0x684: {  	v6 =	vld [tilespmem:s1+$0xFFFFFFD0];
	v7 =	vsub.f32 v9, v7;
	v1 =	vadd.f32 v11, v1  }
0x685: {  	s25 =	sadd.s32 $0x200, s25;
	v9 =	vld [tilespmem:s1+$0xFFFFFFC0];
	v5 =	vmul.f32 v5, v5;
	v3 =	vsub.f32 v3, v8  }
0x686: {  	v8 =	vld [tilespmem:s25+$0xFFFFFF90];
	v7 =	vmul.f32 v7, v7  }
0x687: {  	v11 =	vld [tilespmem:s1+$0xFFFFFFB0];
	v2 =	vadd.f32 v5, v2;
	v3 =	vmul.f32 v3, v3  }
0x688: {  	s26 =	sadd.s32 $0x200, s26;
	v5 =	vld [tilespmem:s1+$0xFFFFFF90];
	v0 =	vadd.f32 v7, v0  }
0x689: {  	v7 =	vld [tilespmem:s26+$0xFFFFFF90];
	[tilespmem:s5+$0xE200] =	vst v2;
	v1 =	vadd.f32 v3, v1  }
0x68a: {  	v2 =	vld [tilespmem:s1+$0xFFFFFFA0];
	[tilespmem:s10+$0xC600] =	vst v0  }
0x68b: {  	s2 =	sadd.s32 $0x4, s2;
	v0 =	vld [tilespmem:s26+$0xFFFFFFA0];
	[tilespmem:s11+$0xC600] =	vst v1  }
0x68c: {  	p1 =	slt.u32 s2, $0x3C;
	v1 =	vld [tilespmem:s26+$0xFFFFFFB0]  }
0x68d: {  	v3 =	vld [tilespmem:s25+$0xFFFFFFA0]  }
0x68e: {  	v13 =	vld [tilespmem:s26+$0xFFFFFFC0]  }
0x68f: {  	v14 =	vld [tilespmem:s25+$0xFFFFFFB0]  }
0x690: {  	v5 =	vadd.f32 v7, v5;
	v0 =	vadd.f32 v0, v2;
	v2 =	vld [tilespmem:s26+$0xFFFFFFD0]  }
0x691: {  	v1 =	vadd.f32 v1, v11;
	v7 =	vld [tilespmem:s25+$0xFFFFFFC0]  }
0x692: {  	v5 =	vsub.f32 v5, v8;
	v0 =	vsub.f32 v0, v3;
	v3 =	vld [tilespmem:s26+$0xFFFFFFE0]  }
0x693: {  	v8 =	vadd.f32 v13, v9;
	v9 =	vld [tilespmem:s25+$0xFFFFFFD0]  }
0x694: {  	v5 =	vmul.f32 v5, v5;
	v0 =	vmul.f32 v0, v0;
	v1 =	vsub.f32 v1, v14;
	v11 =	vld [tilespmem:s26+$0xFFFFFFF0]  }
0x695: {  	v2 =	vadd.f32 v2, v6;
	v6 =	vld [tilespmem:s25+$0xFFFFFFE0]  }
0x696: {  	v0 =	vadd.f32 v0, v5;
	v1 =	vmul.f32 v1, v1;
	v5 =	vsub.f32 v8, v7;
	v7 =	vld [tilespmem:s26+$0x0]  }
0x697: {  	v3 =	vadd.f32 v3, v4;
	v4 =	vld [tilespmem:s25+$0xFFFFFFF0]  }
0x698: {  	v8 =	vld [tilespmem:s26+$0xFFFFFE10];
	v0 =	vadd.f32 v1, v0;
	v1 =	vmul.f32 v5, v5;
	v2 =	vsub.f32 v2, v9  }
0x699: {  	v5 =	vadd.f32 v11, v10;
	v9 =	vld [tilespmem:s25+$0x0]  }
0x69a: {  	v10 =	vld [tilespmem:s1+$0xFFFFFE20];
	v0 =	vadd.f32 v1, v0;
	v1 =	vmul.f32 v2, v2;
	v2 =	vsub.f32 v3, v6  }
0x69b: {  	v3 =	vld [tilespmem:s26+$0xFFFFFE20];
	v6 =	vadd.f32 v7, v12  }
0x69c: {  	v7 =	vld [tilespmem:s1+$0xFFFFFE90];
	v0 =	vadd.f32 v1, v0;
	v1 =	vmul.f32 v2, v2;
	v2 =	vsub.f32 v5, v4  }
0x69d: {  	v4 =	vld [tilespmem:s26+$0xFFFFFE90]  }
0x69e: {  	v5 =	vld [tilespmem:s1+$0xFFFFFEA0];
	v0 =	vadd.f32 v1, v0;
	v1 =	vmul.f32 v2, v2;
	v2 =	vsub.f32 v6, v9  }
0x69f: {  	v6 =	vld [tilespmem:s26+$0xFFFFFEA0]  }
0x6a0: {  	v3 =	vadd.f32 v3, v10;
	v9 =	vld [tilespmem:s1+$0xFFFFFF10];
	v0 =	vadd.f32 v1, v0;
	v1 =	vmul.f32 v2, v2  }
0x6a1: {  	v2 =	vld [tilespmem:s26+$0xFFFFFF10]  }
0x6a2: {  	s28 =	sadd.s32 $0x40, s28;
	v4 =	vadd.f32 v4, v7;
	v7 =	vld [tilespmem:s1+$0xFFFFFF20];
	v0 =	vadd.f32 v1, v0  }
0x6a3: {  	s6 =	sadd.s32 $0xFFFFFFE0, s28;
	s7 =	sand.u32 $0x1FF0, s28;
	s5 =	sadd.s32 $0xFFFFE3D0, s28;
	v1 =	vld [tilespmem:s26+$0xFFFFFF20]  }
0x6a4: {  	s5 =	sand.u32 $0x3C0, s5;
	s10 =	sand.u32 $0x1FD0, s6;
	s6 =	sadd.s32 $0xFFFFFFF0, s28;
	v10 =	vld [tilespmem:s1+$0xFFFFFE10];
	v5 =	vadd.f32 v6, v5;
	[tilespmem:s7+$0xC600] =	vst v0  }
0x6a5: {  	s11 =	sand.u32 $0x1FE0, s6;
	v0 =	vld [tilespmem:s25+$0xFFFFFE10]  }
0x6a6: {  	v6 =	vld [tilespmem:s25+$0xFFFFFE20];
	v2 =	vadd.f32 v2, v9  }
0x6a7: {  	v9 =	vld [tilespmem:s1+$0xFFFFFE30]  }
0x6a8: {  	v11 =	vld [tilespmem:s26+$0xFFFFFE30];
	v1 =	vadd.f32 v1, v7  }
0x6a9: {  	v7 =	vadd.f32 v8, v10;
	v8 =	vld [tilespmem:s25+$0xFFFFFE90]  }
0x6aa: {  	v10 =	vld [tilespmem:s25+$0xFFFFFEA0]  }
0x6ab: {  	v0 =	vsub.f32 v7, v0;
	v3 =	vsub.f32 v3, v6;
	v6 =	vld [tilespmem:s1+$0xFFFFFEB0]  }
0x6ac: {  	v7 =	vld [tilespmem:s26+$0xFFFFFEB0]  }
0x6ad: {  	v0 =	vmul.f32 v0, v0;
	v3 =	vmul.f32 v3, v3;
	v9 =	vadd.f32 v11, v9;
	v11 =	vld [tilespmem:s25+$0xFFFFFF10]  }
0x6ae: {  	v4 =	vsub.f32 v4, v8;
	v8 =	vld [tilespmem:s25+$0xFFFFFF20]  }
0x6af: {  	v0 =	vadd.f32 v3, v0;
	v3 =	vsub.f32 v5, v10;
	v5 =	vld [tilespmem:s1+$0xFFFFFF30]  }
0x6b0: {  	v4 =	vmul.f32 v4, v4;
	v10 =	vld [tilespmem:s26+$0xFFFFFF30]  }
0x6b1: {  	v12 =	vld [tilespmem:s25+$0xFFFFFE30];
	v3 =	vmul.f32 v3, v3;
	v6 =	vadd.f32 v7, v6  }
0x6b2: {  	v7 =	vld [tilespmem:s1+$0xFFFFFE40];
	v2 =	vsub.f32 v2, v11  }
0x6b3: {  	v11 =	vld [tilespmem:s26+$0xFFFFFE40];
	v3 =	vadd.f32 v3, v4;
	v1 =	vsub.f32 v1, v8  }
0x6b4: {  	v4 =	vld [tilespmem:s25+$0xFFFFFEB0];
	v2 =	vmul.f32 v2, v2  }
0x6b5: {  	v8 =	vld [tilespmem:s1+$0xFFFFFEC0];
	v1 =	vmul.f32 v1, v1;
	v5 =	vadd.f32 v10, v5  }
0x6b6: {  	v9 =	vsub.f32 v9, v12;
	v10 =	vld [tilespmem:s26+$0xFFFFFEC0]  }
0x6b7: {  	v1 =	vadd.f32 v1, v2;
	v2 =	vld [tilespmem:s25+$0xFFFFFF30]  }
0x6b8: {  	v9 =	vmul.f32 v9, v9;
	v7 =	vadd.f32 v11, v7;
	v11 =	vld [tilespmem:s1+$0xFFFFFF40]  }
0x6b9: {  	v4 =	vsub.f32 v6, v4;
	v6 =	vld [tilespmem:s26+$0xFFFFFF40]  }
0x6ba: {  	v0 =	vadd.f32 v9, v0;
	v9 =	vld [tilespmem:s25+$0xFFFFFE40]  }
0x6bb: {  	v12 =	vld [tilespmem:s1+$0xFFFFFE50];
	v4 =	vmul.f32 v4, v4;
	v8 =	vadd.f32 v10, v8  }
0x6bc: {  	v10 =	vld [tilespmem:s26+$0xFFFFFE50];
	v2 =	vsub.f32 v5, v2  }
0x6bd: {  	v3 =	vadd.f32 v4, v3;
	v4 =	vld [tilespmem:s25+$0xFFFFFEC0]  }
0x6be: {  	v5 =	vld [tilespmem:s1+$0xFFFFFED0];
	v2 =	vmul.f32 v2, v2;
	v6 =	vadd.f32 v6, v11  }
0x6bf: {  	v7 =	vsub.f32 v7, v9;
	v9 =	vld [tilespmem:s26+$0xFFFFFED0]  }
0x6c0: {  	v1 =	vadd.f32 v2, v1;
	v2 =	vld [tilespmem:s25+$0xFFFFFF40]  }
0x6c1: {  	v7 =	vmul.f32 v7, v7;
	v10 =	vadd.f32 v10, v12;
	v11 =	vld [tilespmem:s1+$0xFFFFFF50]  }
0x6c2: {  	v4 =	vsub.f32 v8, v4;
	v8 =	vld [tilespmem:s26+$0xFFFFFF50]  }
0x6c3: {  	v0 =	vadd.f32 v7, v0;
	v7 =	vld [tilespmem:s25+$0xFFFFFE50]  }
0x6c4: {  	v12 =	vld [tilespmem:s1+$0xFFFFFE60];
	v4 =	vmul.f32 v4, v4;
	v5 =	vadd.f32 v9, v5  }
0x6c5: {  	v9 =	vld [tilespmem:s26+$0xFFFFFE60];
	v2 =	vsub.f32 v6, v2  }
0x6c6: {  	v3 =	vadd.f32 v4, v3;
	v4 =	vld [tilespmem:s25+$0xFFFFFED0]  }
0x6c7: {  	v6 =	vld [tilespmem:s1+$0xFFFFFEE0];
	v2 =	vmul.f32 v2, v2;
	v8 =	vadd.f32 v8, v11  }
0x6c8: {  	v7 =	vsub.f32 v10, v7;
	v10 =	vld [tilespmem:s26+$0xFFFFFEE0]  }
0x6c9: {  	v1 =	vadd.f32 v2, v1;
	v2 =	vld [tilespmem:s25+$0xFFFFFF50]  }
0x6ca: {  	v7 =	vmul.f32 v7, v7;
	v9 =	vadd.f32 v9, v12;
	v11 =	vld [tilespmem:s1+$0xFFFFFF60]  }
0x6cb: {  	v4 =	vsub.f32 v5, v4;
	v5 =	vld [tilespmem:s26+$0xFFFFFF60]  }
0x6cc: {  	v0 =	vadd.f32 v7, v0;
	v7 =	vld [tilespmem:s25+$0xFFFFFE60]  }
0x6cd: {  	v12 =	vld [tilespmem:s1+$0xFFFFFE70];
	v4 =	vmul.f32 v4, v4;
	v6 =	vadd.f32 v10, v6  }
0x6ce: {  	v10 =	vld [tilespmem:s26+$0xFFFFFE70];
	v2 =	vsub.f32 v8, v2  }
0x6cf: {  	v3 =	vadd.f32 v4, v3;
	v4 =	vld [tilespmem:s25+$0xFFFFFEE0]  }
0x6d0: {  	v8 =	vld [tilespmem:s1+$0xFFFFFEF0];
	v2 =	vmul.f32 v2, v2;
	v5 =	vadd.f32 v5, v11  }
0x6d1: {  	v7 =	vsub.f32 v9, v7;
	v9 =	vld [tilespmem:s26+$0xFFFFFEF0]  }
0x6d2: {  	v1 =	vadd.f32 v2, v1;
	v2 =	vld [tilespmem:s25+$0xFFFFFF60]  }
0x6d3: {  	v7 =	vmul.f32 v7, v7;
	v10 =	vadd.f32 v10, v12;
	v11 =	vld [tilespmem:s1+$0xFFFFFF70]  }
0x6d4: {  	v4 =	vsub.f32 v6, v4;
	v6 =	vld [tilespmem:s26+$0xFFFFFF70]  }
0x6d5: {  	v7 =	vadd.f32 v7, v0;
	v12 =	vld [tilespmem:s25+$0xFFFFFE70]  }
0x6d6: {  	v13 =	vld [tilespmem:s1+$0xFFFFFE80];
	v0 =	vmul.f32 v4, v4;
	v4 =	vadd.f32 v9, v8  }
0x6d7: {  	v8 =	vld [tilespmem:s26+$0xFFFFFE80];
	v2 =	vsub.f32 v5, v2  }
0x6d8: {  	v0 =	vadd.f32 v0, v3;
	v9 =	vld [tilespmem:s25+$0xFFFFFEF0]  }
0x6d9: {  	v14 =	vld [tilespmem:s1+$0xFFFFFF00];
	v2 =	vmul.f32 v2, v2;
	v11 =	vadd.f32 v6, v11  }
0x6da: {  	v3 =	vsub.f32 v10, v12;
	v12 =	vld [tilespmem:s26+$0xFFFFFF00]  }
0x6db: {  	v1 =	vadd.f32 v2, v1;
	v15 =	vld [tilespmem:s25+$0xFFFFFF70]  }
.Ltmp7:
0x6dc: {  	v2 =	vmul.f32 v3, v3;
	v5 =	vadd.f32 v8, v13;
	v3 =	vld [tilespmem:s1+$0xFFFFFF80];
	(pc) =	sbr.rel @p1 .LBB2_16-.Ltmp7, $4  }
0x6dd: {  	v8 =	vsub.f32 v4, v9;
	v4 =	vld [tilespmem:s26+$0xFFFFFF80]  }
0x6de: {  	v2 =	vadd.f32 v2, v7;
	v6 =	vld [tilespmem:s25+$0xFFFFFE80]  }
0x6df: {  	v10 =	vmul.f32 v8, v8;
	v9 =	vadd.f32 v12, v14;
	v7 =	vld [tilespmem:s25+$0xFFFFFF00]  }
0x6e0: {  	s1 =	sadd.s32 $0x200, s1;
	v11 =	vsub.f32 v11, v15;
	v8 =	vld [tilespmem:s25+$0xFFFFFF80]  }
0x6e1: {  	_ =	sdelay $0x1  }
0x6e2: {  	v3 =	vadd.f32 v4, v3;
	v61 =	vsub.f32 v5, v6  }
0x6e3: {  	v62 =	vsub.f32 v9, v7  }
0x6e4: {  	v63 =	vmul.f32 v11, v11;
	v4 =	vmul.f32 v61, v61;
	v3 =	vsub.f32 v3, v8  }
0x6e5: {  	v0 =	vadd.f32 v10, v0;
	v5 =	vmul.f32 v62, v62  }
0x6e6: {  	v1 =	vadd.f32 v63, v1;
	v2 =	vadd.f32 v4, v2;
	v3 =	vmul.f32 v3, v3  }
0x6e7: {  	v0 =	vadd.f32 v5, v0  }
0x6e8: {  	[tilespmem:s5+$0xE200] =	vst v2;
	v1 =	vadd.f32 v3, v1  }
0x6e9: {  	s23 =	sadd.s32 $0x1, s23;
	[tilespmem:s10+$0xC600] =	vst v0  }
0x6ea: {  	p1 =	sne.s32 s23, s9;
	[tilespmem:s11+$0xC600] =	vst v1  }
.Ltmp8:
0x6eb: {  	s2 =	simm.s32 $0xC600;
	s1 =	rddreg [dreg:$0xb];
	(pc) =	sbr.rel @p1 .LBB2_1-.Ltmp8, $4  }
0x6ec: {  	[hbm4b:s1+s4] =	stream.linear.scatter [tilespmem:s2], [sflag:$0x7], $0x2000, $0x38;
	[tilespmem:$0x10540] =	vst v63  }
0x6ed: {  	_ =	swait.ge [sflag:s21], $0x2000  }
0x6ee: {  	[sflag:s21] =	ssyncset.done $0x0  }
0x6ef: {  	[sflag:s21] =	ssyncadd.s32 $0xFFFFE000  }
0x6f0: {  	_ =	sfence.sel $0x180000  }
0x6f1: {  	[bflag:$0x0] =	sbarrier.arrive $0xFFFF  }
0x6f2: {  	_ =	strace $0x90000047  }
0x6f3: {  	[bflag:$0x2] =	sbarrier.arrive $0xFFFF  }
0x6f4: {  	s0 =	rddreg [dreg:$0x7]  }
0x6f5: {  	s0 =	sadd.s32 @!p0 $0x100000, s0  }
0x6f6: {  	[sflag:s0] =	ssyncadd.tile.s32 @!p0 $0x1;
	_ =	shalt  }
.Lfunc_end2:
_tile_overlayer_lowered:
.L_overlay_start_2:
0x6f7: {  	(tag) =	ssettag $0x2  }
0x6f8: {  	s0 =	rddreg [dreg:$0x0];
	s2 =	stileid.u32  }
0x6f9: {  	s1 =	rddreg [dreg:$0x1];
	p0 =	sne.s32 s2, $0x0  }
0x6fa: {  	s3 =	rddreg [dreg:$0x2];
	[bflag:$0x3] =	sbarrier.arrive $0xFFFF;
	s2 =	simm.s32 @!p0 $0x1C07  }
0x6fb: {  	[timem:s3], [sflag:s2] =	dma.local @!p0 [hbm:s0], s1  }
0x6fc: {  	s0 =	simm.s32 @!p0 $0x7  }
0x6fd: {  	_ =	swait.ge @!p0 [sflag:s0], s1  }
0x6fe: {  	s1 =	ssub.s32 @!p0 $0x0, s1;
	[sflag:s0] =	ssyncset.done @!p0 $0x0  }
0x6ff: {  	[sflag:s0] =	ssyncadd.s32 @!p0 s1  }
0x700: {  	[bflag:$0x3] =	sbarrier.arrive $0xFFFF  }
0x701: {  	_ =	shalt  }

</sc_bundles>
